<compile_context>
chip_gen: v7x
topology: tpu7x:2x2x1
jax: 0.10.2.dev20260603
libtpu: 0.0.44.dev20260713+nightly
codegen_flags: <defaults>
</compile_context>

<pallas_src>
import functools

import jax
import jax.numpy as jnp
from jax import lax
from jax.experimental import pallas as pl
from jax.experimental.pallas import tpu as pltpu
from jax.experimental.pallas import tpu_sc as plsc

_NC, _NS, _L = 2, 16, 16
_NW = _NC * _NS
_CH = 128


def _sqrt16(x):
    i = plsc.bitcast(x, jnp.int32)
    i = (i >> 1) + jnp.int32(0x1FBD1DF5)
    y = plsc.bitcast(i, jnp.float32)
    for _ in range(3):
        y = 0.5 * (y + x / y)
    return y


def _transe_sc(head_idx, tail_idx, table, rel_f32):
    B = head_idx.shape[0]
    W = table.shape[1]
    D = W
    bpw = B // _NW
    nch = bpw // _CH
    gpc = _CH // _L

    mesh = plsc.VectorSubcoreMesh(core_axis_name="c", subcore_axis_name="s")

    @functools.partial(
        pl.kernel,
        out_type=jax.ShapeDtypeStruct((B,), jnp.float32),
        mesh=mesh,
        compiler_params=pltpu.CompilerParams(needs_layout_passes=False,
                                             use_tc_tiling_on_sc=True),
        scratch_types=[
            pltpu.VMEM((bpw,), jnp.int32),
            pltpu.VMEM((bpw,), jnp.int32),
            pltpu.VMEM((2, _CH, W), jnp.float32),
            pltpu.VMEM((2, _CH, W), jnp.float32),
            pltpu.VMEM((D,), jnp.float32),
            pltpu.VMEM((bpw,), jnp.float32),
            pltpu.SemaphoreType.DMA,
        ],
    )
    def k(hidx_hbm, tidx_hbm, table_hbm, rel_hbm, out_hbm,
          hidx_v, tidx_v, hbuf, tbuf, rel_v, out_v, sem):
        wid = lax.axis_index("s") * _NC + lax.axis_index("c")
        base = wid * bpw
        pltpu.sync_copy(hidx_hbm.at[pl.ds(base, bpw)], hidx_v)
        pltpu.sync_copy(tidx_hbm.at[pl.ds(base, bpw)], tidx_v)
        pltpu.sync_copy(rel_hbm, rel_v)

        def fire(c):
            buf = c % 2

            def fire_group(g, _):
                hv = hidx_v[pl.ds(c * _CH + g * _L, _L)]
                tv = tidx_v[pl.ds(c * _CH + g * _L, _L)]
                for l in range(_L):
                    row = g * _L + l
                    pltpu.async_copy(table_hbm.at[hv[l]],
                                     hbuf.at[buf, row], sem)
                    pltpu.async_copy(table_hbm.at[tv[l]],
                                     tbuf.at[buf, row], sem)
                return 0

            lax.fori_loop(0, gpc, fire_group, 0)

        def drain(c):
            buf = c % 2
            pltpu.make_async_copy(table_hbm.at[pl.ds(0, _CH)],
                                  hbuf.at[buf], sem).wait()
            pltpu.make_async_copy(table_hbm.at[pl.ds(0, _CH)],
                                  tbuf.at[buf], sem).wait()

        lane = lax.iota(jnp.int32, _L)
        fire(0)
        fire(1)

        for c in range(nch):
            drain(c)
            bidx = jnp.full((_L,), c % 2, jnp.int32)

            def group_body(g, _, c=c, bidx=bidx):
                row0 = c * _CH + g * _L
                ridx = lane + g * _L
                def dim_body(d, acc):
                    didx = jnp.full((_L,), d, jnp.int32)
                    h = plsc.load_gather(hbuf, [bidx, ridx, didx])
                    t = plsc.load_gather(tbuf, [bidx, ridx, didx])
                    r = plsc.load_gather(rel_v, [didx])
                    diff = h - t + r
                    return acc + diff * diff

                acc = lax.fori_loop(0, D, dim_body,
                                    jnp.zeros((_L,), jnp.float32))
                s = _sqrt16(acc)
                out_v[pl.ds(row0, _L)] = 1.0 / (1.0 + jnp.exp(s))
                return 0

            lax.fori_loop(0, gpc, group_body, 0)
            if c + 2 < nch:
                fire(c + 2)

        pltpu.sync_copy(out_v, out_hbm.at[pl.ds(base, bpw)])

    return k(head_idx, tail_idx, table, rel_f32)


def kernel(edge_index, entity_emb, relation_emb):
    return _transe_sc(edge_index[0], edge_index[1], entity_emb,
                      relation_emb.reshape(-1))

# --- scband reference (transcript-rebuilt; emitter-appended) ---
"""Pipeline reference for scband-trans-e-90271622627873 (READ-ONLY COPY).

The authoritative reference and input builder live on the scoring server;
editing this copy changes nothing except your own understanding.
"""

import jax, jax.numpy as jnp
import numpy as np

NUM_ENTITIES = 1000000
EMBED_DIM = 64
NUM_RELATIONS = 1
BATCH = 16384

def setup_inputs(seed: int = 0) -> dict:
    key = jax.random.key(seed)
    k1, k2, k3 = jax.random.split(key, 3)
    edge_index = jax.random.randint(k1, (2, BATCH), 0, NUM_ENTITIES, dtype=jnp.int64 if jax.config.jax_enable_x64 else jnp.int32).astype(jnp.int32)
    # xavier uniform init for entity embeddings
    limit_e = np.sqrt(6.0 / (NUM_ENTITIES + EMBED_DIM))
    entity_emb = jax.random.uniform(k2, (NUM_ENTITIES, EMBED_DIM), minval=-limit_e, maxval=limit_e, dtype=jnp.float32)
    # xavier uniform + L2-normalize for relation embeddings (as in reset_parameters)
    limit_r = np.sqrt(6.0 / (NUM_RELATIONS + EMBED_DIM))
    relation_emb = jax.random.uniform(k3, (NUM_RELATIONS, EMBED_DIM), minval=-limit_r, maxval=limit_r, dtype=jnp.float32)
    relation_emb = relation_emb / jnp.linalg.norm(relation_emb, axis=-1, keepdims=True)
    return {"edge_index": edge_index, "entity_emb": entity_emb, "relation_emb": relation_emb}

def reference(edge_index, entity_emb, relation_emb):
    # TransE forward (inference mode: dropout is identity)
    head_idx = edge_index[0]
    tail_idx = edge_index[1]
    e_h = jnp.take(entity_emb, head_idx, axis=0)
    e_t = jnp.take(entity_emb, tail_idx, axis=0)
    rel_expand = jnp.zeros((head_idx.shape[0],), dtype=jnp.int32)  # rel_idx = 0 broadcast
    w_r = jnp.take(relation_emb, rel_expand, axis=0)
    diff = e_h + w_r - e_t
    score = -jnp.sqrt(jnp.sum(diff * diff, axis=-1))  # L2 norm (norm=2)
    return jax.nn.sigmoid(score)

if __name__ == "__main__":
    import jax
    _d = setup_inputs()
    print(jax.jit(kernel)(*tuple(_d.values())))

</pallas_src>

<mosaic_0001>
#map = affine_map<(d0, d1) -> (0)>
#map1 = affine_map<(d0, d1) -> (0, 0)>
module attributes {stable_mosaic.version = 14 : i64} {
  func.func @k(%arg0: i32, %arg1: i32, %arg2: memref<16384xi32, #tpu.memory_space<hbm>>, %arg3: memref<16384xi32, #tpu.memory_space<hbm>>, %arg4: memref<1000000x64xf32, #tpu.memory_space<hbm>>, %arg5: memref<64xf32, #tpu.memory_space<hbm>>, %arg6: memref<16384xf32, #tpu.memory_space<hbm>>, %arg7: memref<512xi32, #tpu.memory_space<vmem>>, %arg8: memref<512xi32, #tpu.memory_space<vmem>>, %arg9: memref<2x128x64xf32, #tpu.memory_space<vmem>>, %arg10: memref<2x128x64xf32, #tpu.memory_space<vmem>>, %arg11: memref<64xf32, #tpu.memory_space<vmem>>, %arg12: memref<512xf32, #tpu.memory_space<vmem>>, %arg13: memref<!tpu.dma_semaphore, #tpu.memory_space<semaphore_mem>>) attributes {dimension_semantics = [#tpu.dimension_semantics<core_parallel>, #tpu.dimension_semantics<subcore_parallel>], iteration_bounds = array<i64: 2, 16>, scalar_prefetch = 0 : i64, scratch_operands = 7 : i64, tpu.core_type = #tpu.core_type<sc_vector_subcore>, window_params = [{transform_indices = #map}, {transform_indices = #map}, {transform_indices = #map1}, {transform_indices = #map}, {transform_indices = #map}]} {
    %mul3A = arith.constant 2 : i32
    %mul3A_0 = arith.muli %arg1, %mul3A : i32
    %add3A = arith.addi %mul3A_0, %arg0 : i32
    %mul3A_1 = arith.constant 512 : i32
    %mul3A_2 = arith.muli %add3A, %mul3A_1 : i32
    "tpu.region"() ({
      %run_scoped3A = tpu.sem_alloc : memref<!tpu.dma_semaphore, #tpu.memory_space<semaphore_mem>>
      %dma_start3A = tpu.memref_slice %arg2[%mul3A_2] : memref<16384xi32, #tpu.memory_space<hbm>> -> memref<512xi32, #tpu.memory_space<hbm>>
      %dma_start3A_184 = tpu.memref_slice %arg2[%mul3A_2] : memref<16384xi32, #tpu.memory_space<hbm>> -> memref<512xi32, #tpu.memory_space<hbm>>
      tpu.enqueue_dma source(%dma_start3A_184 : memref<512xi32, #tpu.memory_space<hbm>>) target(%arg7 : memref<512xi32, #tpu.memory_space<vmem>>) target_semaphore(%run_scoped3A : memref<!tpu.dma_semaphore, #tpu.memory_space<semaphore_mem>>)
      %dma_wait3A_185 = tpu.memref_slice %arg2[%mul3A_2] : memref<16384xi32, #tpu.memory_space<hbm>> -> memref<512xi32, #tpu.memory_space<hbm>>
      %dma_wait3A_186 = tpu.memref_slice %arg2[%mul3A_2] : memref<16384xi32, #tpu.memory_space<hbm>> -> memref<512xi32, #tpu.memory_space<hbm>>
      tpu.wait_dma2 semaphore(%run_scoped3A : memref<!tpu.dma_semaphore, #tpu.memory_space<semaphore_mem>>) src(%dma_wait3A_186 : memref<512xi32, #tpu.memory_space<hbm>>) dst(%arg7 : memref<512xi32, #tpu.memory_space<vmem>>)
      tpu.yield
    }) : () -> ()
    "tpu.region"() ({
      %run_scoped3A = tpu.sem_alloc : memref<!tpu.dma_semaphore, #tpu.memory_space<semaphore_mem>>
      %dma_start3A = tpu.memref_slice %arg3[%mul3A_2] : memref<16384xi32, #tpu.memory_space<hbm>> -> memref<512xi32, #tpu.memory_space<hbm>>
      %dma_start3A_184 = tpu.memref_slice %arg3[%mul3A_2] : memref<16384xi32, #tpu.memory_space<hbm>> -> memref<512xi32, #tpu.memory_space<hbm>>
      tpu.enqueue_dma source(%dma_start3A_184 : memref<512xi32, #tpu.memory_space<hbm>>) target(%arg8 : memref<512xi32, #tpu.memory_space<vmem>>) target_semaphore(%run_scoped3A : memref<!tpu.dma_semaphore, #tpu.memory_space<semaphore_mem>>)
      %dma_wait3A_185 = tpu.memref_slice %arg3[%mul3A_2] : memref<16384xi32, #tpu.memory_space<hbm>> -> memref<512xi32, #tpu.memory_space<hbm>>
      %dma_wait3A_186 = tpu.memref_slice %arg3[%mul3A_2] : memref<16384xi32, #tpu.memory_space<hbm>> -> memref<512xi32, #tpu.memory_space<hbm>>
      tpu.wait_dma2 semaphore(%run_scoped3A : memref<!tpu.dma_semaphore, #tpu.memory_space<semaphore_mem>>) src(%dma_wait3A_186 : memref<512xi32, #tpu.memory_space<hbm>>) dst(%arg8 : memref<512xi32, #tpu.memory_space<vmem>>)
      tpu.yield
    }) : () -> ()
    "tpu.region"() ({
      %run_scoped3A = tpu.sem_alloc : memref<!tpu.dma_semaphore, #tpu.memory_space<semaphore_mem>>
      tpu.enqueue_dma source(%arg5 : memref<64xf32, #tpu.memory_space<hbm>>) target(%arg11 : memref<64xf32, #tpu.memory_space<vmem>>) target_semaphore(%run_scoped3A : memref<!tpu.dma_semaphore, #tpu.memory_space<semaphore_mem>>)
      tpu.wait_dma2 semaphore(%run_scoped3A : memref<!tpu.dma_semaphore, #tpu.memory_space<semaphore_mem>>) src(%arg5 : memref<64xf32, #tpu.memory_space<hbm>>) dst(%arg11 : memref<64xf32, #tpu.memory_space<vmem>>)
      tpu.yield
    }) : () -> ()
    %iota3A = tpu.iota {dimensions = array<i32: 0>} : vector<16xi32>
    %scan3A = arith.constant 0 : i32
    %scan3A_3 = arith.constant 0 : i32
    %scan3A_4 = arith.constant 8 : i32
    %scan3A_5 = arith.addi %scan3A_3, %scan3A_4 : i32
    %scan3A_6 = arith.constant 1 : i32
    %scan3A_7 = scf.for %scan3A_184 = %scan3A_3 to %scan3A_5 step %scan3A_6 iter_args(%scan3A_185 = %scan3A) -> (i32)  : i32 {
      %mul3A_186 = arith.constant 16 : i32
      %mul3A_187 = arith.muli %scan3A_184, %mul3A_186 : i32
      %add3A_188 = arith.constant 0 : i32
      %add3A_189 = arith.addi %add3A_188, %mul3A_187 : i32
      %get3A = arith.index_cast %add3A_189 : i32 to index
      %get3A_190 = tpu.vector_load %arg7[%get3A] {strides = array<i32>} : memref<512xi32, #tpu.memory_space<vmem>>, vector<16xi32>,
      %mul3A_191 = arith.constant 16 : i32
      %mul3A_192 = arith.muli %scan3A_184, %mul3A_191 : i32
      %add3A_193 = arith.constant 0 : i32
      %add3A_194 = arith.addi %add3A_193, %mul3A_192 : i32
      %get3A_195 = arith.index_cast %add3A_194 : i32 to index
      %get3A_196 = tpu.vector_load %arg8[%get3A_195] {strides = array<i32>} : memref<512xi32, #tpu.memory_space<vmem>>, vector<16xi32>,
      %mul3A_197 = arith.constant 16 : i32
      %mul3A_198 = arith.muli %scan3A_184, %mul3A_197 : i32
      %add3A_199 = arith.constant 0 : i32
      %add3A_200 = arith.addi %mul3A_198, %add3A_199 : i32
      %slice3A = vector.extract_strided_slice %get3A_190 {offsets = [0], sizes = [1], strides = [1]} : vector<16xi32> to vector<1xi32>
      %squeeze3A = vector.extract %slice3A[0] : i32 from vector<1xi32>
      %dma_start3A = arith.constant 0 : i32
      %dma_start3A_201 = arith.constant 0 : i32
      %dma_start3A_202 = tpu.memref_slice %arg9[%dma_start3A, %add3A_200, %dma_start3A_201] : memref<2x128x64xf32, #tpu.memory_space<vmem>> -> memref<1x1x64xf32, #tpu.memory_space<vmem>>
      %dma_start3A_203 = tpu.memref_squeeze %dma_start3A_202 : memref<1x1x64xf32, #tpu.memory_space<vmem>> -> memref<64xf32, #tpu.memory_space<vmem>>
      %dma_start3A_204 = arith.constant 0 : i32
      %dma_start3A_205 = tpu.memref_slice %arg4[%squeeze3A, %dma_start3A_204] : memref<1000000x64xf32, #tpu.memory_space<hbm>> -> memref<1x64xf32, #tpu.memory_space<hbm>>
      %dma_start3A_206 = tpu.memref_squeeze %dma_start3A_205 : memref<1x64xf32, #tpu.memory_space<hbm>> -> memref<64xf32, #tpu.memory_space<hbm>>
      %dma_start3A_207 = arith.constant 0 : i32
      %dma_start3A_208 = tpu.memref_slice %arg9[%dma_start3A, %add3A_200, %dma_start3A_207] : memref<2x128x64xf32, #tpu.memory_space<vmem>> -> memref<1x1x64xf32, #tpu.memory_space<vmem>>
      %dma_start3A_209 = tpu.memref_squeeze %dma_start3A_208 : memref<1x1x64xf32, #tpu.memory_space<vmem>> -> memref<64xf32, #tpu.memory_space<vmem>>
      %dma_start3A_210 = arith.constant 0 : i32
      %dma_start3A_211 = tpu.memref_slice %arg4[%squeeze3A, %dma_start3A_210] : memref<1000000x64xf32, #tpu.memory_space<hbm>> -> memref<1x64xf32, #tpu.memory_space<hbm>>
      %dma_start3A_212 = tpu.memref_squeeze %dma_start3A_211 : memref<1x64xf32, #tpu.memory_space<hbm>> -> memref<64xf32, #tpu.memory_space<hbm>>
      tpu.enqueue_dma source(%dma_start3A_212 : memref<64xf32, #tpu.memory_space<hbm>>) target(%dma_start3A_209 : memref<64xf32, #tpu.memory_space<vmem>>) target_semaphore(%arg13 : memref<!tpu.dma_semaphore, #tpu.memory_space<semaphore_mem>>)
      %slice3A_213 = vector.extract_strided_slice %get3A_196 {offsets = [0], sizes = [1], strides = [1]} : vector<16xi32> to vector<1xi32>
      %squeeze3A_214 = vector.extract %slice3A_213[0] : i32 from vector<1xi32>
      %dma_start3A_215 = arith.constant 0 : i32
      %dma_start3A_216 = arith.constant 0 : i32
      %dma_start3A_217 = tpu.memref_slice %arg10[%dma_start3A_215, %add3A_200, %dma_start3A_216] : memref<2x128x64xf32, #tpu.memory_space<vmem>> -> memref<1x1x64xf32, #tpu.memory_space<vmem>>
      %dma_start3A_218 = tpu.memref_squeeze %dma_start3A_217 : memref<1x1x64xf32, #tpu.memory_space<vmem>> -> memref<64xf32, #tpu.memory_space<vmem>>
      %dma_start3A_219 = arith.constant 0 : i32
      %dma_start3A_220 = tpu.memref_slice %arg4[%squeeze3A_214, %dma_start3A_219] : memref<1000000x64xf32, #tpu.memory_space<hbm>> -> memref<1x64xf32, #tpu.memory_space<hbm>>
      %dma_start3A_221 = tpu.memref_squeeze %dma_start3A_220 : memref<1x64xf32, #tpu.memory_space<hbm>> -> memref<64xf32, #tpu.memory_space<hbm>>
      %dma_start3A_222 = arith.constant 0 : i32
      %dma_start3A_223 = tpu.memref_slice %arg10[%dma_start3A_215, %add3A_200, %dma_start3A_222] : memref<2x128x64xf32, #tpu.memory_space<vmem>> -> memref<1x1x64xf32, #tpu.memory_space<vmem>>
      %dma_start3A_224 = tpu.memref_squeeze %dma_start3A_223 : memref<1x1x64xf32, #tpu.memory_space<vmem>> -> memref<64xf32, #tpu.memory_space<vmem>>
      %dma_start3A_225 = arith.constant 0 : i32
      %dma_start3A_226 = tpu.memref_slice %arg4[%squeeze3A_214, %dma_start3A_225] : memref<1000000x64xf32, #tpu.memory_space<hbm>> -> memref<1x64xf32, #tpu.memory_space<hbm>>
      %dma_start3A_227 = tpu.memref_squeeze %dma_start3A_226 : memref<1x64xf32, #tpu.memory_space<hbm>> -> memref<64xf32, #tpu.memory_space<hbm>>
      tpu.enqueue_dma source(%dma_start3A_227 : memref<64xf32, #tpu.memory_space<hbm>>) target(%dma_start3A_224 : memref<64xf32, #tpu.memory_space<vmem>>) target_semaphore(%arg13 : memref<!tpu.dma_semaphore, #tpu.memory_space<semaphore_mem>>)
      %mul3A_228 = arith.constant 16 : i32
      %mul3A_229 = arith.muli %scan3A_184, %mul3A_228 : i32
      %add3A_230 = arith.constant 1 : i32
      %add3A_231 = arith.addi %mul3A_229, %add3A_230 : i32
      %slice3A_232 = vector.extract_strided_slice %get3A_190 {offsets = [1], sizes = [1], strides = [1]} : vector<16xi32> to vector<1xi32>
      %squeeze3A_233 = vector.extract %slice3A_232[0] : i32 from vector<1xi32>
      %dma_start3A_234 = arith.constant 0 : i32
      %dma_start3A_235 = arith.constant 0 : i32
      %dma_start3A_236 = tpu.memref_slice %arg9[%dma_start3A_234, %add3A_231, %dma_start3A_235] : memref<2x128x64xf32, #tpu.memory_space<vmem>> -> memref<1x1x64xf32, #tpu.memory_space<vmem>>
      %dma_start3A_237 = tpu.memref_squeeze %dma_start3A_236 : memref<1x1x64xf32, #tpu.memory_space<vmem>> -> memref<64xf32, #tpu.memory_space<vmem>>
      %dma_start3A_238 = arith.constant 0 : i32
      %dma_start3A_239 = tpu.memref_slice %arg4[%squeeze3A_233, %dma_start3A_238] : memref<1000000x64xf32, #tpu.memory_space<hbm>> -> memref<1x64xf32, #tpu.memory_space<hbm>>
      %dma_start3A_240 = tpu.memref_squeeze %dma_start3A_239 : memref<1x64xf32, #tpu.memory_space<hbm>> -> memref<64xf32, #tpu.memory_space<hbm>>
      %dma_start3A_241 = arith.constant 0 : i32
      %dma_start3A_242 = tpu.memref_slice %arg9[%dma_start3A_234, %add3A_231, %dma_start3A_241] : memref<2x128x64xf32, #tpu.memory_space<vmem>> -> memref<1x1x64xf32, #tpu.memory_space<vmem>>
      %dma_start3A_243 = tpu.memref_squeeze %dma_start3A_242 : memref<1x1x64xf32, #tpu.memory_space<vmem>> -> memref<64xf32, #tpu.memory_space<vmem>>
      %dma_start3A_244 = arith.constant 0 : i32
      %dma_start3A_245 = tpu.memref_slice %arg4[%squeeze3A_233, %dma_start3A_244] : memref<1000000x64xf32, #tpu.memory_space<hbm>> -> memref<1x64xf32, #tpu.memory_space<hbm>>
      %dma_start3A_246 = tpu.memref_squeeze %dma_start3A_245 : memref<1x64xf32, #tpu.memory_space<hbm>> -> memref<64xf32, #tpu.memory_space<hbm>>
      tpu.enqueue_dma source(%dma_start3A_246 : memref<64xf32, #tpu.memory_space<hbm>>) target(%dma_start3A_243 : memref<64xf32, #tpu.memory_space<vmem>>) target_semaphore(%arg13 : memref<!tpu.dma_semaphore, #tpu.memory_space<semaphore_mem>>)
      %slice3A_247 = vector.extract_strided_slice %get3A_196 {offsets = [1], sizes = [1], strides = [1]} : vector<16xi32> to vector<1xi32>
      %squeeze3A_248 = vector.extract %slice3A_247[0] : i32 from vector<1xi32>
      %dma_start3A_249 = arith.constant 0 : i32
      %dma_start3A_250 = arith.constant 0 : i32
      %dma_start3A_251 = tpu.memref_slice %arg10[%dma_start3A_249, %add3A_231, %dma_start3A_250] : memref<2x128x64xf32, #tpu.memory_space<vmem>> -> memref<1x1x64xf32, #tpu.memory_space<vmem>>
      %dma_start3A_252 = tpu.memref_squeeze %dma_start3A_251 : memref<1x1x64xf32, #tpu.memory_space<vmem>> -> memref<64xf32, #tpu.memory_space<vmem>>
      %dma_start3A_253 = arith.constant 0 : i32
      %dma_start3A_254 = tpu.memref_slice %arg4[%squeeze3A_248, %dma_start3A_253] : memref<1000000x64xf32, #tpu.memory_space<hbm>> -> memref<1x64xf32, #tpu.memory_space<hbm>>
      %dma_start3A_255 = tpu.memref_squeeze %dma_start3A_254 : memref<1x64xf32, #tpu.memory_space<hbm>> -> memref<64xf32, #tpu.memory_space<hbm>>
      %dma_start3A_256 = arith.constant 0 : i32
      %dma_start3A_257 = tpu.memref_slice %arg10[%dma_start3A_249, %add3A_231, %dma_start3A_256] : memref<2x128x64xf32, #tpu.memory_space<vmem>> -> memref<1x1x64xf32, #tpu.memory_space<vmem>>
      %dma_start3A_258 = tpu.memref_squeeze %dma_start3A_257 : memref<1x1x64xf32, #tpu.memory_space<vmem>> -> memref<64xf32, #tpu.memory_space<vmem>>
      %dma_start3A_259 = arith.constant 0 : i32
      %dma_start3A_260 = tpu.memref_slice %arg4[%squeeze3A_248, %dma_start3A_259] : memref<1000000x64xf32, #tpu.memory_space<hbm>> -> memref<1x64xf32, #tpu.memory_space<hbm>>
      %dma_start3A_261 = tpu.memref_squeeze %dma_start3A_260 : memref<1x64xf32, #tpu.memory_space<hbm>> -> memref<64xf32, #tpu.memory_space<hbm>>
      tpu.enqueue_dma source(%dma_start3A_261 : memref<64xf32, #tpu.memory_space<hbm>>) target(%dma_start3A_258 : memref<64xf32, #tpu.memory_space<vmem>>) target_semaphore(%arg13 : memref<!tpu.dma_semaphore, #tpu.memory_space<semaphore_mem>>)
      %mul3A_262 = arith.constant 16 : i32
      %mul3A_263 = arith.muli %scan3A_184, %mul3A_262 : i32
      %add3A_264 = arith.constant 2 : i32
      %add3A_265 = arith.addi %mul3A_263, %add3A_264 : i32
      %slice3A_266 = vector.extract_strided_slice %get3A_190 {offsets = [2], sizes = [1], strides = [1]} : vector<16xi32> to vector<1xi32>
      %squeeze3A_267 = vector.extract %slice3A_266[0] : i32 from vector<1xi32>
      %dma_start3A_268 = arith.constant 0 : i32
      %dma_start3A_269 = arith.constant 0 : i32
      %dma_start3A_270 = tpu.memref_slice %arg9[%dma_start3A_268, %add3A_265, %dma_start3A_269] : memref<2x128x64xf32, #tpu.memory_space<vmem>> -> memref<1x1x64xf32, #tpu.memory_space<vmem>>
      %dma_start3A_271 = tpu.memref_squeeze %dma_start3A_270 : memref<1x1x64xf32, #tpu.memory_space<vmem>> -> memref<64xf32, #tpu.memory_space<vmem>>
      %dma_start3A_272 = arith.constant 0 : i32
      %dma_start3A_273 = tpu.memref_slice %arg4[%squeeze3A_267, %dma_start3A_272] : memref<1000000x64xf32, #tpu.memory_space<hbm>> -> memref<1x64xf32, #tpu.memory_space<hbm>>
      %dma_start3A_274 = tpu.memref_squeeze %dma_start3A_273 : memref<1x64xf32, #tpu.memory_space<hbm>> -> memref<64xf32, #tpu.memory_space<hbm>>
      %dma_start3A_275 = arith.constant 0 : i32
      %dma_start3A_276 = tpu.memref_slice %arg9[%dma_start3A_268, %add3A_265, %dma_start3A_275] : memref<2x128x64xf32, #tpu.memory_space<vmem>> -> memref<1x1x64xf32, #tpu.memory_space<vmem>>
      %dma_start3A_277 = tpu.memref_squeeze %dma_start3A_276 : memref<1x1x64xf32, #tpu.memory_space<vmem>> -> memref<64xf32, #tpu.memory_space<vmem>>
      %dma_start3A_278 = arith.constant 0 : i32
      %dma_start3A_279 = tpu.memref_slice %arg4[%squeeze3A_267, %dma_start3A_278] : memref<1000000x64xf32, #tpu.memory_space<hbm>> -> memref<1x64xf32, #tpu.memory_space<hbm>>
      %dma_start3A_280 = tpu.memref_squeeze %dma_start3A_279 : memref<1x64xf32, #tpu.memory_space<hbm>> -> memref<64xf32, #tpu.memory_space<hbm>>
      tpu.enqueue_dma source(%dma_start3A_280 : memref<64xf32, #tpu.memory_space<hbm>>) target(%dma_start3A_277 : memref<64xf32, #tpu.memory_space<vmem>>) target_semaphore(%arg13 : memref<!tpu.dma_semaphore, #tpu.memory_space<semaphore_mem>>)
      %slice3A_281 = vector.extract_strided_slice %get3A_196 {offsets = [2], sizes = [1], strides = [1]} : vector<16xi32> to vector<1xi32>
      %squeeze3A_282 = vector.extract %slice3A_281[0] : i32 from vector<1xi32>
      %dma_start3A_283 = arith.constant 0 : i32
      %dma_start3A_284 = arith.constant 0 : i32
      %dma_start3A_285 = tpu.memref_slice %arg10[%dma_start3A_283, %add3A_265, %dma_start3A_284] : memref<2x128x64xf32, #tpu.memory_space<vmem>> -> memref<1x1x64xf32, #tpu.memory_space<vmem>>
      %dma_start3A_286 = tpu.memref_squeeze %dma_start3A_285 : memref<1x1x64xf32, #tpu.memory_space<vmem>> -> memref<64xf32, #tpu.memory_space<vmem>>
      %dma_start3A_287 = arith.constant 0 : i32
      %dma_start3A_288 = tpu.memref_slice %arg4[%squeeze3A_282, %dma_start3A_287] : memref<1000000x64xf32, #tpu.memory_space<hbm>> -> memref<1x64xf32, #tpu.memory_space<hbm>>
      %dma_start3A_289 = tpu.memref_squeeze %dma_start3A_288 : memref<1x64xf32, #tpu.memory_space<hbm>> -> memref<64xf32, #tpu.memory_space<hbm>>
      %dma_start3A_290 = arith.constant 0 : i32
      %dma_start3A_291 = tpu.memref_slice %arg10[%dma_start3A_283, %add3A_265, %dma_start3A_290] : memref<2x128x64xf32, #tpu.memory_space<vmem>> -> memref<1x1x64xf32, #tpu.memory_space<vmem>>
      %dma_start3A_292 = tpu.memref_squeeze %dma_start3A_291 : memref<1x1x64xf32, #tpu.memory_space<vmem>> -> memref<64xf32, #tpu.memory_space<vmem>>
      %dma_start3A_293 = arith.constant 0 : i32
      %dma_start3A_294 = tpu.memref_slice %arg4[%squeeze3A_282, %dma_start3A_293] : memref<1000000x64xf32, #tpu.memory_space<hbm>> -> memref<1x64xf32, #tpu.memory_space<hbm>>
      %dma_start3A_295 = tpu.memref_squeeze %dma_start3A_294 : memref<1x64xf32, #tpu.memory_space<hbm>> -> memref<64xf32, #tpu.memory_space<hbm>>
      tpu.enqueue_dma source(%dma_start3A_295 : memref<64xf32, #tpu.memory_space<hbm>>) target(%dma_start3A_292 : memref<64xf32, #tpu.memory_space<vmem>>) target_semaphore(%arg13 : memref<!tpu.dma_semaphore, #tpu.memory_space<semaphore_mem>>)
      %mul3A_296 = arith.constant 16 : i32
      %mul3A_297 = arith.muli %scan3A_184, %mul3A_296 : i32
      %add3A_298 = arith.constant 3 : i32
      %add3A_299 = arith.addi %mul3A_297, %add3A_298 : i32
      %slice3A_300 = vector.extract_strided_slice %get3A_190 {offsets = [3], sizes = [1], strides = [1]} : vector<16xi32> to vector<1xi32>
      %squeeze3A_301 = vector.extract %slice3A_300[0] : i32 from vector<1xi32>
      %dma_start3A_302 = arith.constant 0 : i32
      %dma_start3A_303 = arith.constant 0 : i32
      %dma_start3A_304 = tpu.memref_slice %arg9[%dma_start3A_302, %add3A_299, %dma_start3A_303] : memref<2x128x64xf32, #tpu.memory_space<vmem>> -> memref<1x1x64xf32, #tpu.memory_space<vmem>>
      %dma_start3A_305 = tpu.memref_squeeze %dma_start3A_304 : memref<1x1x64xf32, #tpu.memory_space<vmem>> -> memref<64xf32, #tpu.memory_space<vmem>>
      %dma_start3A_306 = arith.constant 0 : i32
      %dma_start3A_307 = tpu.memref_slice %arg4[%squeeze3A_301, %dma_start3A_306] : memref<1000000x64xf32, #tpu.memory_space<hbm>> -> memref<1x64xf32, #tpu.memory_space<hbm>>
      %dma_start3A_308 = tpu.memref_squeeze %dma_start3A_307 : memref<1x64xf32, #tpu.memory_space<hbm>> -> memref<64xf32, #tpu.memory_space<hbm>>
      %dma_start3A_309 = arith.constant 0 : i32
      %dma_start3A_310 = tpu.memref_slice %arg9[%dma_start3A_302, %add3A_299, %dma_start3A_309] : memref<2x128x64xf32, #tpu.memory_space<vmem>> -> memref<1x1x64xf32, #tpu.memory_space<vmem>>
      %dma_start3A_311 = tpu.memref_squeeze %dma_start3A_310 : memref<1x1x64xf32, #tpu.memory_space<vmem>> -> memref<64xf32, #tpu.memory_space<vmem>>
      %dma_start3A_312 = arith.constant 0 : i32
      %dma_start3A_313 = tpu.memref_slice %arg4[%squeeze3A_301, %dma_start3A_312] : memref<1000000x64xf32, #tpu.memory_space<hbm>> -> memref<1x64xf32, #tpu.memory_space<hbm>>
      %dma_start3A_314 = tpu.memref_squeeze %dma_start3A_313 : memref<1x64xf32, #tpu.memory_space<hbm>> -> memref<64xf32, #tpu.memory_space<hbm>>
      tpu.enqueue_dma source(%dma_start3A_314 : memref<64xf32, #tpu.memory_space<hbm>>) target(%dma_start3A_311 : memref<64xf32, #tpu.memory_space<vmem>>) target_semaphore(%arg13 : memref<!tpu.dma_semaphore, #tpu.memory_space<semaphore_mem>>)
      %slice3A_315 = vector.extract_strided_slice %get3A_196 {offsets = [3], sizes = [1], strides = [1]} : vector<16xi32> to vector<1xi32>
      %squeeze3A_316 = vector.extract %slice3A_315[0] : i32 from vector<1xi32>
      %dma_start3A_317 = arith.constant 0 : i32
      %dma_start3A_318 = arith.constant 0 : i32
      %dma_start3A_319 = tpu.memref_slice %arg10[%dma_start3A_317, %add3A_299, %dma_start3A_318] : memref<2x128x64xf32, #tpu.memory_space<vmem>> -> memref<1x1x64xf32, #tpu.memory_space<vmem>>
      %dma_start3A_320 = tpu.memref_squeeze %dma_start3A_319 : memref<1x1x64xf32, #tpu.memory_space<vmem>> -> memref<64xf32, #tpu.memory_space<vmem>>
      %dma_start3A_321 = arith.constant 0 : i32
      %dma_start3A_322 = tpu.memref_slice %arg4[%squeeze3A_316, %dma_start3A_321] : memref<1000000x64xf32, #tpu.memory_space<hbm>> -> memref<1x64xf32, #tpu.memory_space<hbm>>
      %dma_start3A_323 = tpu.memref_squeeze %dma_start3A_322 : memref<1x64xf32, #tpu.memory_space<hbm>> -> memref<64xf32, #tpu.memory_space<hbm>>
      %dma_start3A_324 = arith.constant 0 : i32
      %dma_start3A_325 = tpu.memref_slice %arg10[%dma_start3A_317, %add3A_299, %dma_start3A_324] : memref<2x128x64xf32, #tpu.memory_space<vmem>> -> memref<1x1x64xf32, #tpu.memory_space<vmem>>
      %dma_start3A_326 = tpu.memref_squeeze %dma_start3A_325 : memref<1x1x64xf32, #tpu.memory_space<vmem>> -> memref<64xf32, #tpu.memory_space<vmem>>
      %dma_start3A_327 = arith.constant 0 : i32
      %dma_start3A_328 = tpu.memref_slice %arg4[%squeeze3A_316, %dma_start3A_327] : memref<1000000x64xf32, #tpu.memory_space<hbm>> -> memref<1x64xf32, #tpu.memory_space<hbm>>
      %dma_start3A_329 = tpu.memref_squeeze %dma_start3A_328 : memref<1x64xf32, #tpu.memory_space<hbm>> -> memref<64xf32, #tpu.memory_space<hbm>>
      tpu.enqueue_dma source(%dma_start3A_329 : memref<64xf32, #tpu.memory_space<hbm>>) target(%dma_start3A_326 : memref<64xf32, #tpu.memory_space<vmem>>) target_semaphore(%arg13 : memref<!tpu.dma_semaphore, #tpu.memory_space<semaphore_mem>>)
      %mul3A_330 = arith.constant 16 : i32
      %mul3A_331 = arith.muli %scan3A_184, %mul3A_330 : i32
      %add3A_332 = arith.constant 4 : i32
      %add3A_333 = arith.addi %mul3A_331, %add3A_332 : i32
      %slice3A_334 = vector.extract_strided_slice %get3A_190 {offsets = [4], sizes = [1], strides = [1]} : vector<16xi32> to vector<1xi32>
      %squeeze3A_335 = vector.extract %slice3A_334[0] : i32 from vector<1xi32>
      %dma_start3A_336 = arith.constant 0 : i32
      %dma_start3A_337 = arith.constant 0 : i32
      %dma_start3A_338 = tpu.memref_slice %arg9[%dma_start3A_336, %add3A_333, %dma_start3A_337] : memref<2x128x64xf32, #tpu.memory_space<vmem>> -> memref<1x1x64xf32, #tpu.memory_space<vmem>>
      %dma_start3A_339 = tpu.memref_squeeze %dma_start3A_338 : memref<1x1x64xf32, #tpu.memory_space<vmem>> -> memref<64xf32, #tpu.memory_space<vmem>>
      %dma_start3A_340 = arith.constant 0 : i32
      %dma_start3A_341 = tpu.memref_slice %arg4[%squeeze3A_335, %dma_start3A_340] : memref<1000000x64xf32, #tpu.memory_space<hbm>> -> memref<1x64xf32, #tpu.memory_space<hbm>>
      %dma_start3A_342 = tpu.memref_squeeze %dma_start3A_341 : memref<1x64xf32, #tpu.memory_space<hbm>> -> memref<64xf32, #tpu.memory_space<hbm>>
      %dma_start3A_343 = arith.constant 0 : i32
      %dma_start3A_344 = tpu.memref_slice %arg9[%dma_start3A_336, %add3A_333, %dma_start3A_343] : memref<2x128x64xf32, #tpu.memory_space<vmem>> -> memref<1x1x64xf32, #tpu.memory_space<vmem>>
      %dma_start3A_345 = tpu.memref_squeeze %dma_start3A_344 : memref<1x1x64xf32, #tpu.memory_space<vmem>> -> memref<64xf32, #tpu.memory_space<vmem>>
      %dma_start3A_346 = arith.constant 0 : i32
      %dma_start3A_347 = tpu.memref_slice %arg4[%squeeze3A_335, %dma_start3A_346] : memref<1000000x64xf32, #tpu.memory_space<hbm>> -> memref<1x64xf32, #tpu.memory_space<hbm>>
      %dma_start3A_348 = tpu.memref_squeeze %dma_start3A_347 : memref<1x64xf32, #tpu.memory_space<hbm>> -> memref<64xf32, #tpu.memory_space<hbm>>
      tpu.enqueue_dma source(%dma_start3A_348 : memref<64xf32, #tpu.memory_space<hbm>>) target(%dma_start3A_345 : memref<64xf32, #tpu.memory_space<vmem>>) target_semaphore(%arg13 : memref<!tpu.dma_semaphore, #tpu.memory_space<semaphore_mem>>)
      %slice3A_349 = vector.extract_strided_slice %get3A_196 {offsets = [4], sizes = [1], strides = [1]} : vector<16xi32> to vector<1xi32>
      %squeeze3A_350 = vector.extract %slice3A_349[0] : i32 from vector<1xi32>
      %dma_start3A_351 = arith.constant 0 : i32
      %dma_start3A_352 = arith.constant 0 : i32
      %dma_start3A_353 = tpu.memref_slice %arg10[%dma_start3A_351, %add3A_333, %dma_start3A_352] : memref<2x128x64xf32, #tpu.memory_space<vmem>> -> memref<1x1x64xf32, #tpu.memory_space<vmem>>
      %dma_start3A_354 = tpu.memref_squeeze %dma_start3A_353 : memref<1x1x64xf32, #tpu.memory_space<vmem>> -> memref<64xf32, #tpu.memory_space<vmem>>
      %dma_start3A_355 = arith.constant 0 : i32
      %dma_start3A_356 = tpu.memref_slice %arg4[%squeeze3A_350, %dma_start3A_355] : memref<1000000x64xf32, #tpu.memory_space<hbm>> -> memref<1x64xf32, #tpu.memory_space<hbm>>
      %dma_start3A_357 = tpu.memref_squeeze %dma_start3A_356 : memref<1x64xf32, #tpu.memory_space<hbm>> -> memref<64xf32, #tpu.memory_space<hbm>>
      %dma_start3A_358 = arith.constant 0 : i32
      %dma_start3A_359 = tpu.memref_slice %arg10[%dma_start3A_351, %add3A_333, %dma_start3A_358] : memref<2x128x64xf32, #tpu.memory_space<vmem>> -> memref<1x1x64xf32, #tpu.memory_space<vmem>>
      %dma_start3A_360 = tpu.memref_squeeze %dma_start3A_359 : memref<1x1x64xf32, #tpu.memory_space<vmem>> -> memref<64xf32, #tpu.memory_space<vmem>>
      %dma_start3A_361 = arith.constant 0 : i32
      %dma_start3A_362 = tpu.memref_slice %arg4[%squeeze3A_350, %dma_start3A_361] : memref<1000000x64xf32, #tpu.memory_space<hbm>> -> memref<1x64xf32, #tpu.memory_space<hbm>>
      %dma_start3A_363 = tpu.memref_squeeze %dma_start3A_362 : memref<1x64xf32, #tpu.memory_space<hbm>> -> memref<64xf32, #tpu.memory_space<hbm>>
      tpu.enqueue_dma source(%dma_start3A_363 : memref<64xf32, #tpu.memory_space<hbm>>) target(%dma_start3A_360 : memref<64xf32, #tpu.memory_space<vmem>>) target_semaphore(%arg13 : memref<!tpu.dma_semaphore, #tpu.memory_space<semaphore_mem>>)
      %mul3A_364 = arith.constant 16 : i32
      %mul3A_365 = arith.muli %scan3A_184, %mul3A_364 : i32
      %add3A_366 = arith.constant 5 : i32
      %add3A_367 = arith.addi %mul3A_365, %add3A_366 : i32
      %slice3A_368 = vector.extract_strided_slice %get3A_190 {offsets = [5], sizes = [1], strides = [1]} : vector<16xi32> to vector<1xi32>
      %squeeze3A_369 = vector.extract %slice3A_368[0] : i32 from vector<1xi32>
      %dma_start3A_370 = arith.constant 0 : i32
      %dma_start3A_371 = arith.constant 0 : i32
      %dma_start3A_372 = tpu.memref_slice %arg9[%dma_start3A_370, %add3A_367, %dma_start3A_371] : memref<2x128x64xf32, #tpu.memory_space<vmem>> -> memref<1x1x64xf32, #tpu.memory_space<vmem>>
      %dma_start3A_373 = tpu.memref_squeeze %dma_start3A_372 : memref<1x1x64xf32, #tpu.memory_space<vmem>> -> memref<64xf32, #tpu.memory_space<vmem>>
      %dma_start3A_374 = arith.constant 0 : i32
      %dma_start3A_375 = tpu.memref_slice %arg4[%squeeze3A_369, %dma_start3A_374] : memref<1000000x64xf32, #tpu.memory_space<hbm>> -> memref<1x64xf32, #tpu.memory_space<hbm>>
      %dma_start3A_376 = tpu.memref_squeeze %dma_start3A_375 : memref<1x64xf32, #tpu.memory_space<hbm>> -> memref<64xf32, #tpu.memory_space<hbm>>
      %dma_start3A_377 = arith.constant 0 : i32
      %dma_start3A_378 = tpu.memref_slice %arg9[%dma_start3A_370, %add3A_367, %dma_start3A_377] : memref<2x128x64xf32, #tpu.memory_space<vmem>> -> memref<1x1x64xf32, #tpu.memory_space<vmem>>
      %dma_start3A_379 = tpu.memref_squeeze %dma_start3A_378 : memref<1x1x64xf32, #tpu.memory_space<vmem>> -> memref<64xf32, #tpu.memory_space<vmem>>
      %dma_start3A_380 = arith.constant 0 : i32
      %dma_start3A_381 = tpu.memref_slice %arg4[%squeeze3A_369, %dma_start3A_380] : memref<1000000x64xf32, #tpu.memory_space<hbm>> -> memref<1x64xf32, #tpu.memory_space<hbm>>
      %dma_start3A_382 = tpu.memref_squeeze %dma_start3A_381 : memref<1x64xf32, #tpu.memory_space<hbm>> -> memref<64xf32, #tpu.memory_space<hbm>>
      tpu.enqueue_dma source(%dma_start3A_382 : memref<64xf32, #tpu.memory_space<hbm>>) target(%dma_start3A_379 : memref<64xf32, #tpu.memory_space<vmem>>) target_semaphore(%arg13 : memref<!tpu.dma_semaphore, #tpu.memory_space<semaphore_mem>>)
      %slice3A_383 = vector.extract_strided_slice %get3A_196 {offsets = [5], sizes = [1], strides = [1]} : vector<16xi32> to vector<1xi32>
      %squeeze3A_384 = vector.extract %slice3A_383[0] : i32 from vector<1xi32>
      %dma_start3A_385 = arith.constant 0 : i32
      %dma_start3A_386 = arith.constant 0 : i32
      %dma_start3A_387 = tpu.memref_slice %arg10[%dma_start3A_385, %add3A_367, %dma_start3A_386] : memref<2x128x64xf32, #tpu.memory_space<vmem>> -> memref<1x1x64xf32, #tpu.memory_space<vmem>>
      %dma_start3A_388 = tpu.memref_squeeze %dma_start3A_387 : memref<1x1x64xf32, #tpu.memory_space<vmem>> -> memref<64xf32, #tpu.memory_space<vmem>>
      %dma_start3A_389 = arith.constant 0 : i32
      %dma_start3A_390 = tpu.memref_slice %arg4[%squeeze3A_384, %dma_start3A_389] : memref<1000000x64xf32, #tpu.memory_space<hbm>> -> memref<1x64xf32, #tpu.memory_space<hbm>>
      %dma_start3A_391 = tpu.memref_squeeze %dma_start3A_390 : memref<1x64xf32, #tpu.memory_space<hbm>> -> memref<64xf32, #tpu.memory_space<hbm>>
      %dma_start3A_392 = arith.constant 0 : i32
      %dma_start3A_393 = tpu.memref_slice %arg10[%dma_start3A_385, %add3A_367, %dma_start3A_392] : memref<2x128x64xf32, #tpu.memory_space<vmem>> -> memref<1x1x64xf32, #tpu.memory_space<vmem>>
      %dma_start3A_394 = tpu.memref_squeeze %dma_start3A_393 : memref<1x1x64xf32, #tpu.memory_space<vmem>> -> memref<64xf32, #tpu.memory_space<vmem>>
      %dma_start3A_395 = arith.constant 0 : i32
      %dma_start3A_396 = tpu.memref_slice %arg4[%squeeze3A_384, %dma_start3A_395] : memref<1000000x64xf32, #tpu.memory_space<hbm>> -> memref<1x64xf32, #tpu.memory_space<hbm>>
      %dma_start3A_397 = tpu.memref_squeeze %dma_start3A_396 : memref<1x64xf32, #tpu.memory_space<hbm>> -> memref<64xf32, #tpu.memory_space<hbm>>
      tpu.enqueue_dma source(%dma_start3A_397 : memref<64xf32, #tpu.memory_space<hbm>>) target(%dma_start3A_394 : memref<64xf32, #tpu.memory_space<vmem>>) target_semaphore(%arg13 : memref<!tpu.dma_semaphore, #tpu.memory_space<semaphore_mem>>)
      %mul3A_398 = arith.constant 16 : i32
      %mul3A_399 = arith.muli %scan3A_184, %mul3A_398 : i32
      %add3A_400 = arith.constant 6 : i32
      %add3A_401 = arith.addi %mul3A_399, %add3A_400 : i32
      %slice3A_402 = vector.extract_strided_slice %get3A_190 {offsets = [6], sizes = [1], strides = [1]} : vector<16xi32> to vector<1xi32>
      %squeeze3A_403 = vector.extract %slice3A_402[0] : i32 from vector<1xi32>
      %dma_start3A_404 = arith.constant 0 : i32
      %dma_start3A_405 = arith.constant 0 : i32
      %dma_start3A_406 = tpu.memref_slice %arg9[%dma_start3A_404, %add3A_401, %dma_start3A_405] : memref<2x128x64xf32, #tpu.memory_space<vmem>> -> memref<1x1x64xf32, #tpu.memory_space<vmem>>
      %dma_start3A_407 = tpu.memref_squeeze %dma_start3A_406 : memref<1x1x64xf32, #tpu.memory_space<vmem>> -> memref<64xf32, #tpu.memory_space<vmem>>
      %dma_start3A_408 = arith.constant 0 : i32
      %dma_start3A_409 = tpu.memref_slice %arg4[%squeeze3A_403, %dma_start3A_408] : memref<1000000x64xf32, #tpu.memory_space<hbm>> -> memref<1x64xf32, #tpu.memory_space<hbm>>
      %dma_start3A_410 = tpu.memref_squeeze %dma_start3A_409 : memref<1x64xf32, #tpu.memory_space<hbm>> -> memref<64xf32, #tpu.memory_space<hbm>>
      %dma_start3A_411 = arith.constant 0 : i32
      %dma_start3A_412 = tpu.memref_slice %arg9[%dma_start3A_404, %add3A_401, %dma_start3A_411] : memref<2x128x64xf32, #tpu.memory_space<vmem>> -> memref<1x1x64xf32, #tpu.memory_space<vmem>>
      %dma_start3A_413 = tpu.memref_squeeze %dma_start3A_412 : memref<1x1x64xf32, #tpu.memory_space<vmem>> -> memref<64xf32, #tpu.memory_space<vmem>>
      %dma_start3A_414 = arith.constant 0 : i32
      %dma_start3A_415 = tpu.memref_slice %arg4[%squeeze3A_403, %dma_start3A_414] : memref<1000000x64xf32, #tpu.memory_space<hbm>> -> memref<1x64xf32, #tpu.memory_space<hbm>>
      %dma_start3A_416 = tpu.memref_squeeze %dma_start3A_415 : memref<1x64xf32, #tpu.memory_space<hbm>> -> memref<64xf32, #tpu.memory_space<hbm>>
      tpu.enqueue_dma source(%dma_start3A_416 : memref<64xf32, #tpu.memory_space<hbm>>) target(%dma_start3A_413 : memref<64xf32, #tpu.memory_space<vmem>>) target_semaphore(%arg13 : memref<!tpu.dma_semaphore, #tpu.memory_space<semaphore_mem>>)
      %slice3A_417 = vector.extract_strided_slice %get3A_196 {offsets = [6], sizes = [1], strides = [1]} : vector<16xi32> to vector<1xi32>
      %squeeze3A_418 = vector.extract %slice3A_417[0] : i32 from vector<1xi32>
      %dma_start3A_419 = arith.constant 0 : i32
      %dma_start3A_420 = arith.constant 0 : i32
      %dma_start3A_421 = tpu.memref_slice %arg10[%dma_start3A_419, %add3A_401, %dma_start3A_420] : memref<2x128x64xf32, #tpu.memory_space<vmem>> -> memref<1x1x64xf32, #tpu.memory_space<vmem>>
      %dma_start3A_422 = tpu.memref_squeeze %dma_start3A_421 : memref<1x1x64xf32, #tpu.memory_space<vmem>> -> memref<64xf32, #tpu.memory_space<vmem>>
      %dma_start3A_423 = arith.constant 0 : i32
      %dma_start3A_424 = tpu.memref_slice %arg4[%squeeze3A_418, %dma_start3A_423] : memref<1000000x64xf32, #tpu.memory_space<hbm>> -> memref<1x64xf32, #tpu.memory_space<hbm>>
      %dma_start3A_425 = tpu.memref_squeeze %dma_start3A_424 : memref<1x64xf32, #tpu.memory_space<hbm>> -> memref<64xf32, #tpu.memory_space<hbm>>
      %dma_start3A_426 = arith.constant 0 : i32
      %dma_start3A_427 = tpu.memref_slice %arg10[%dma_start3A_419, %add3A_401, %dma_start3A_426] : memref<2x128x64xf32, #tpu.memory_space<vmem>> -> memref<1x1x64xf32, #tpu.memory_space<vmem>>
      %dma_start3A_428 = tpu.memref_squeeze %dma_start3A_427 : memref<1x1x64xf32, #tpu.memory_space<vmem>> -> memref<64xf32, #tpu.memory_space<vmem>>
      %dma_start3A_429 = arith.constant 0 : i32
      %dma_start3A_430 = tpu.memref_slice %arg4[%squeeze3A_418, %dma_start3A_429] : memref<1000000x64xf32, #tpu.memory_space<hbm>> -> memref<1x64xf32, #tpu.memory_space<hbm>>
      %dma_start3A_431 = tpu.memref_squeeze %dma_start3A_430 : memref<1x64xf32, #tpu.memory_space<hbm>> -> memref<64xf32, #tpu.memory_space<hbm>>
      tpu.enqueue_dma source(%dma_start3A_431 : memref<64xf32, #tpu.memory_space<hbm>>) target(%dma_start3A_428 : memref<64xf32, #tpu.memory_space<vmem>>) target_semaphore(%arg13 : memref<!tpu.dma_semaphore, #tpu.memory_space<semaphore_mem>>)
      %mul3A_432 = arith.constant 16 : i32
      %mul3A_433 = arith.muli %scan3A_184, %mul3A_432 : i32
      %add3A_434 = arith.constant 7 : i32
      %add3A_435 = arith.addi %mul3A_433, %add3A_434 : i32
      %slice3A_436 = vector.extract_strided_slice %get3A_190 {offsets = [7], sizes = [1], strides = [1]} : vector<16xi32> to vector<1xi32>
      %squeeze3A_437 = vector.extract %slice3A_436[0] : i32 from vector<1xi32>
      %dma_start3A_438 = arith.constant 0 : i32
      %dma_start3A_439 = arith.constant 0 : i32
      %dma_start3A_440 = tpu.memref_slice %arg9[%dma_start3A_438, %add3A_435, %dma_start3A_439] : memref<2x128x64xf32, #tpu.memory_space<vmem>> -> memref<1x1x64xf32, #tpu.memory_space<vmem>>
      %dma_start3A_441 = tpu.memref_squeeze %dma_start3A_440 : memref<1x1x64xf32, #tpu.memory_space<vmem>> -> memref<64xf32, #tpu.memory_space<vmem>>
      %dma_start3A_442 = arith.constant 0 : i32
      %dma_start3A_443 = tpu.memref_slice %arg4[%squeeze3A_437, %dma_start3A_442] : memref<1000000x64xf32, #tpu.memory_space<hbm>> -> memref<1x64xf32, #tpu.memory_space<hbm>>
      %dma_start3A_444 = tpu.memref_squeeze %dma_start3A_443 : memref<1x64xf32, #tpu.memory_space<hbm>> -> memref<64xf32, #tpu.memory_space<hbm>>
      %dma_start3A_445 = arith.constant 0 : i32
      %dma_start3A_446 = tpu.memref_slice %arg9[%dma_start3A_438, %add3A_435, %dma_start3A_445] : memref<2x128x64xf32, #tpu.memory_space<vmem>> -> memref<1x1x64xf32, #tpu.memory_space<vmem>>
      %dma_start3A_447 = tpu.memref_squeeze %dma_start3A_446 : memref<1x1x64xf32, #tpu.memory_space<vmem>> -> memref<64xf32, #tpu.memory_space<vmem>>
      %dma_start3A_448 = arith.constant 0 : i32
      %dma_start3A_449 = tpu.memref_slice %arg4[%squeeze3A_437, %dma_start3A_448] : memref<1000000x64xf32, #tpu.memory_space<hbm>> -> memref<1x64xf32, #tpu.memory_space<hbm>>
      %dma_start3A_450 = tpu.memref_squeeze %dma_start3A_449 : memref<1x64xf32, #tpu.memory_space<hbm>> -> memref<64xf32, #tpu.memory_space<hbm>>
      tpu.enqueue_dma source(%dma_start3A_450 : memref<64xf32, #tpu.memory_space<hbm>>) target(%dma_start3A_447 : memref<64xf32, #tpu.memory_space<vmem>>) target_semaphore(%arg13 : memref<!tpu.dma_semaphore, #tpu.memory_space<semaphore_mem>>)
      %slice3A_451 = vector.extract_strided_slice %get3A_196 {offsets = [7], sizes = [1], strides = [1]} : vector<16xi32> to vector<1xi32>
      %squeeze3A_452 = vector.extract %slice3A_451[0] : i32 from vector<1xi32>
      %dma_start3A_453 = arith.constant 0 : i32
      %dma_start3A_454 = arith.constant 0 : i32
      %dma_start3A_455 = tpu.memref_slice %arg10[%dma_start3A_453, %add3A_435, %dma_start3A_454] : memref<2x128x64xf32, #tpu.memory_space<vmem>> -> memref<1x1x64xf32, #tpu.memory_space<vmem>>
      %dma_start3A_456 = tpu.memref_squeeze %dma_start3A_455 : memref<1x1x64xf32, #tpu.memory_space<vmem>> -> memref<64xf32, #tpu.memory_space<vmem>>
      %dma_start3A_457 = arith.constant 0 : i32
      %dma_start3A_458 = tpu.memref_slice %arg4[%squeeze3A_452, %dma_start3A_457] : memref<1000000x64xf32, #tpu.memory_space<hbm>> -> memref<1x64xf32, #tpu.memory_space<hbm>>
      %dma_start3A_459 = tpu.memref_squeeze %dma_start3A_458 : memref<1x64xf32, #tpu.memory_space<hbm>> -> memref<64xf32, #tpu.memory_space<hbm>>
      %dma_start3A_460 = arith.constant 0 : i32
      %dma_start3A_461 = tpu.memref_slice %arg10[%dma_start3A_453, %add3A_435, %dma_start3A_460] : memref<2x128x64xf32, #tpu.memory_space<vmem>> -> memref<1x1x64xf32, #tpu.memory_space<vmem>>
      %dma_start3A_462 = tpu.memref_squeeze %dma_start3A_461 : memref<1x1x64xf32, #tpu.memory_space<vmem>> -> memref<64xf32, #tpu.memory_space<vmem>>
      %dma_start3A_463 = arith.constant 0 : i32
      %dma_start3A_464 = tpu.memref_slice %arg4[%squeeze3A_452, %dma_start3A_463] : memref<1000000x64xf32, #tpu.memory_space<hbm>> -> memref<1x64xf32, #tpu.memory_space<hbm>>
      %dma_start3A_465 = tpu.memref_squeeze %dma_start3A_464 : memref<1x64xf32, #tpu.memory_space<hbm>> -> memref<64xf32, #tpu.memory_space<hbm>>
      tpu.enqueue_dma source(%dma_start3A_465 : memref<64xf32, #tpu.memory_space<hbm>>) target(%dma_start3A_462 : memref<64xf32, #tpu.memory_space<vmem>>) target_semaphore(%arg13 : memref<!tpu.dma_semaphore, #tpu.memory_space<semaphore_mem>>)
      %mul3A_466 = arith.constant 16 : i32
      %mul3A_467 = arith.muli %scan3A_184, %mul3A_466 : i32
      %add3A_468 = arith.constant 8 : i32
      %add3A_469 = arith.addi %mul3A_467, %add3A_468 : i32
      %slice3A_470 = vector.extract_strided_slice %get3A_190 {offsets = [8], sizes = [1], strides = [1]} : vector<16xi32> to vector<1xi32>
      %squeeze3A_471 = vector.extract %slice3A_470[0] : i32 from vector<1xi32>
      %dma_start3A_472 = arith.constant 0 : i32
      %dma_start3A_473 = arith.constant 0 : i32
      %dma_start3A_474 = tpu.memref_slice %arg9[%dma_start3A_472, %add3A_469, %dma_start3A_473] : memref<2x128x64xf32, #tpu.memory_space<vmem>> -> memref<1x1x64xf32, #tpu.memory_space<vmem>>
      %dma_start3A_475 = tpu.memref_squeeze %dma_start3A_474 : memref<1x1x64xf32, #tpu.memory_space<vmem>> -> memref<64xf32, #tpu.memory_space<vmem>>
      %dma_start3A_476 = arith.constant 0 : i32
      %dma_start3A_477 = tpu.memref_slice %arg4[%squeeze3A_471, %dma_start3A_476] : memref<1000000x64xf32, #tpu.memory_space<hbm>> -> memref<1x64xf32, #tpu.memory_space<hbm>>
      %dma_start3A_478 = tpu.memref_squeeze %dma_start3A_477 : memref<1x64xf32, #tpu.memory_space<hbm>> -> memref<64xf32, #tpu.memory_space<hbm>>
      %dma_start3A_479 = arith.constant 0 : i32
      %dma_start3A_480 = tpu.memref_slice %arg9[%dma_start3A_472, %add3A_469, %dma_start3A_479] : memref<2x128x64xf32, #tpu.memory_space<vmem>> -> memref<1x1x64xf32, #tpu.memory_space<vmem>>
      %dma_start3A_481 = tpu.memref_squeeze %dma_start3A_480 : memref<1x1x64xf32, #tpu.memory_space<vmem>> -> memref<64xf32, #tpu.memory_space<vmem>>
      %dma_start3A_482 = arith.constant 0 : i32
      %dma_start3A_483 = tpu.memref_slice %arg4[%squeeze3A_471, %dma_start3A_482] : memref<1000000x64xf32, #tpu.memory_space<hbm>> -> memref<1x64xf32, #tpu.memory_space<hbm>>
      %dma_start3A_484 = tpu.memref_squeeze %dma_start3A_483 : memref<1x64xf32, #tpu.memory_space<hbm>> -> memref<64xf32, #tpu.memory_space<hbm>>
      tpu.enqueue_dma source(%dma_start3A_484 : memref<64xf32, #tpu.memory_space<hbm>>) target(%dma_start3A_481 : memref<64xf32, #tpu.memory_space<vmem>>) target_semaphore(%arg13 : memref<!tpu.dma_semaphore, #tpu.memory_space<semaphore_mem>>)
      %slice3A_485 = vector.extract_strided_slice %get3A_196 {offsets = [8], sizes = [1], strides = [1]} : vector<16xi32> to vector<1xi32>
      %squeeze3A_486 = vector.extract %slice3A_485[0] : i32 from vector<1xi32>
      %dma_start3A_487 = arith.constant 0 : i32
      %dma_start3A_488 = arith.constant 0 : i32
      %dma_start3A_489 = tpu.memref_slice %arg10[%dma_start3A_487, %add3A_469, %dma_start3A_488] : memref<2x128x64xf32, #tpu.memory_space<vmem>> -> memref<1x1x64xf32, #tpu.memory_space<vmem>>
      %dma_start3A_490 = tpu.memref_squeeze %dma_start3A_489 : memref<1x1x64xf32, #tpu.memory_space<vmem>> -> memref<64xf32, #tpu.memory_space<vmem>>
      %dma_start3A_491 = arith.constant 0 : i32
      %dma_start3A_492 = tpu.memref_slice %arg4[%squeeze3A_486, %dma_start3A_491] : memref<1000000x64xf32, #tpu.memory_space<hbm>> -> memref<1x64xf32, #tpu.memory_space<hbm>>
      %dma_start3A_493 = tpu.memref_squeeze %dma_start3A_492 : memref<1x64xf32, #tpu.memory_space<hbm>> -> memref<64xf32, #tpu.memory_space<hbm>>
      %dma_start3A_494 = arith.constant 0 : i32
      %dma_start3A_495 = tpu.memref_slice %arg10[%dma_start3A_487, %add3A_469, %dma_start3A_494] : memref<2x128x64xf32, #tpu.memory_space<vmem>> -> memref<1x1x64xf32, #tpu.memory_space<vmem>>
      %dma_start3A_496 = tpu.memref_squeeze %dma_start3A_495 : memref<1x1x64xf32, #tpu.memory_space<vmem>> -> memref<64xf32, #tpu.memory_space<vmem>>
      %dma_start3A_497 = arith.constant 0 : i32
      %dma_start3A_498 = tpu.memref_slice %arg4[%squeeze3A_486, %dma_start3A_497] : memref<1000000x64xf32, #tpu.memory_space<hbm>> -> memref<1x64xf32, #tpu.memory_space<hbm>>
      %dma_start3A_499 = tpu.memref_squeeze %dma_start3A_498 : memref<1x64xf32, #tpu.memory_space<hbm>> -> memref<64xf32, #tpu.memory_space<hbm>>
      tpu.enqueue_dma source(%dma_start3A_499 : memref<64xf32, #tpu.memory_space<hbm>>) target(%dma_start3A_496 : memref<64xf32, #tpu.memory_space<vmem>>) target_semaphore(%arg13 : memref<!tpu.dma_semaphore, #tpu.memory_space<semaphore_mem>>)
      %mul3A_500 = arith.constant 16 : i32
      %mul3A_501 = arith.muli %scan3A_184, %mul3A_500 : i32
      %add3A_502 = arith.constant 9 : i32
      %add3A_503 = arith.addi %mul3A_501, %add3A_502 : i32
      %slice3A_504 = vector.extract_strided_slice %get3A_190 {offsets = [9], sizes = [1], strides = [1]} : vector<16xi32> to vector<1xi32>
      %squeeze3A_505 = vector.extract %slice3A_504[0] : i32 from vector<1xi32>
      %dma_start3A_506 = arith.constant 0 : i32
      %dma_start3A_507 = arith.constant 0 : i32
      %dma_start3A_508 = tpu.memref_slice %arg9[%dma_start3A_506, %add3A_503, %dma_start3A_507] : memref<2x128x64xf32, #tpu.memory_space<vmem>> -> memref<1x1x64xf32, #tpu.memory_space<vmem>>
      %dma_start3A_509 = tpu.memref_squeeze %dma_start3A_508 : memref<1x1x64xf32, #tpu.memory_space<vmem>> -> memref<64xf32, #tpu.memory_space<vmem>>
      %dma_start3A_510 = arith.constant 0 : i32
      %dma_start3A_511 = tpu.memref_slice %arg4[%squeeze3A_505, %dma_start3A_510] : memref<1000000x64xf32, #tpu.memory_space<hbm>> -> memref<1x64xf32, #tpu.memory_space<hbm>>
      %dma_start3A_512 = tpu.memref_squeeze %dma_start3A_511 : memref<1x64xf32, #tpu.memory_space<hbm>> -> memref<64xf32, #tpu.memory_space<hbm>>
      %dma_start3A_513 = arith.constant 0 : i32
      %dma_start3A_514 = tpu.memref_slice %arg9[%dma_start3A_506, %add3A_503, %dma_start3A_513] : memref<2x128x64xf32, #tpu.memory_space<vmem>> -> memref<1x1x64xf32, #tpu.memory_space<vmem>>
      %dma_start3A_515 = tpu.memref_squeeze %dma_start3A_514 : memref<1x1x64xf32, #tpu.memory_space<vmem>> -> memref<64xf32, #tpu.memory_space<vmem>>
      %dma_start3A_516 = arith.constant 0 : i32
      %dma_start3A_517 = tpu.memref_slice %arg4[%squeeze3A_505, %dma_start3A_516] : memref<1000000x64xf32, #tpu.memory_space<hbm>> -> memref<1x64xf32, #tpu.memory_space<hbm>>
      %dma_start3A_518 = tpu.memref_squeeze %dma_start3A_517 : memref<1x64xf32, #tpu.memory_space<hbm>> -> memref<64xf32, #tpu.memory_space<hbm>>
      tpu.enqueue_dma source(%dma_start3A_518 : memref<64xf32, #tpu.memory_space<hbm>>) target(%dma_start3A_515 : memref<64xf32, #tpu.memory_space<vmem>>) target_semaphore(%arg13 : memref<!tpu.dma_semaphore, #tpu.memory_space<semaphore_mem>>)
      %slice3A_519 = vector.extract_strided_slice %get3A_196 {offsets = [9], sizes = [1], strides = [1]} : vector<16xi32> to vector<1xi32>
      %squeeze3A_520 = vector.extract %slice3A_519[0] : i32 from vector<1xi32>
      %dma_start3A_521 = arith.constant 0 : i32
      %dma_start3A_522 = arith.constant 0 : i32
      %dma_start3A_523 = tpu.memref_slice %arg10[%dma_start3A_521, %add3A_503, %dma_start3A_522] : memref<2x128x64xf32, #tpu.memory_space<vmem>> -> memref<1x1x64xf32, #tpu.memory_space<vmem>>
      %dma_start3A_524 = tpu.memref_squeeze %dma_start3A_523 : memref<1x1x64xf32, #tpu.memory_space<vmem>> -> memref<64xf32, #tpu.memory_space<vmem>>
      %dma_start3A_525 = arith.constant 0 : i32
      %dma_start3A_526 = tpu.memref_slice %arg4[%squeeze3A_520, %dma_start3A_525] : memref<1000000x64xf32, #tpu.memory_space<hbm>> -> memref<1x64xf32, #tpu.memory_space<hbm>>
      %dma_start3A_527 = tpu.memref_squeeze %dma_start3A_526 : memref<1x64xf32, #tpu.memory_space<hbm>> -> memref<64xf32, #tpu.memory_space<hbm>>
      %dma_start3A_528 = arith.constant 0 : i32
      %dma_start3A_529 = tpu.memref_slice %arg10[%dma_start3A_521, %add3A_503, %dma_start3A_528] : memref<2x128x64xf32, #tpu.memory_space<vmem>> -> memref<1x1x64xf32, #tpu.memory_space<vmem>>
      %dma_start3A_530 = tpu.memref_squeeze %dma_start3A_529 : memref<1x1x64xf32, #tpu.memory_space<vmem>> -> memref<64xf32, #tpu.memory_space<vmem>>
      %dma_start3A_531 = arith.constant 0 : i32
      %dma_start3A_532 = tpu.memref_slice %arg4[%squeeze3A_520, %dma_start3A_531] : memref<1000000x64xf32, #tpu.memory_space<hbm>> -> memref<1x64xf32, #tpu.memory_space<hbm>>
      %dma_start3A_533 = tpu.memref_squeeze %dma_start3A_532 : memref<1x64xf32, #tpu.memory_space<hbm>> -> memref<64xf32, #tpu.memory_space<hbm>>
      tpu.enqueue_dma source(%dma_start3A_533 : memref<64xf32, #tpu.memory_space<hbm>>) target(%dma_start3A_530 : memref<64xf32, #tpu.memory_space<vmem>>) target_semaphore(%arg13 : memref<!tpu.dma_semaphore, #tpu.memory_space<semaphore_mem>>)
      %mul3A_534 = arith.constant 16 : i32
      %mul3A_535 = arith.muli %scan3A_184, %mul3A_534 : i32
      %add3A_536 = arith.constant 10 : i32
      %add3A_537 = arith.addi %mul3A_535, %add3A_536 : i32
      %slice3A_538 = vector.extract_strided_slice %get3A_190 {offsets = [10], sizes = [1], strides = [1]} : vector<16xi32> to vector<1xi32>
      %squeeze3A_539 = vector.extract %slice3A_538[0] : i32 from vector<1xi32>
      %dma_start3A_540 = arith.constant 0 : i32
      %dma_start3A_541 = arith.constant 0 : i32
      %dma_start3A_542 = tpu.memref_slice %arg9[%dma_start3A_540, %add3A_537, %dma_start3A_541] : memref<2x128x64xf32, #tpu.memory_space<vmem>> -> memref<1x1x64xf32, #tpu.memory_space<vmem>>
      %dma_start3A_543 = tpu.memref_squeeze %dma_start3A_542 : memref<1x1x64xf32, #tpu.memory_space<vmem>> -> memref<64xf32, #tpu.memory_space<vmem>>
      %dma_start3A_544 = arith.constant 0 : i32
      %dma_start3A_545 = tpu.memref_slice %arg4[%squeeze3A_539, %dma_start3A_544] : memref<1000000x64xf32, #tpu.memory_space<hbm>> -> memref<1x64xf32, #tpu.memory_space<hbm>>
      %dma_start3A_546 = tpu.memref_squeeze %dma_start3A_545 : memref<1x64xf32, #tpu.memory_space<hbm>> -> memref<64xf32, #tpu.memory_space<hbm>>
      %dma_start3A_547 = arith.constant 0 : i32
      %dma_start3A_548 = tpu.memref_slice %arg9[%dma_start3A_540, %add3A_537, %dma_start3A_547] : memref<2x128x64xf32, #tpu.memory_space<vmem>> -> memref<1x1x64xf32, #tpu.memory_space<vmem>>
      %dma_start3A_549 = tpu.memref_squeeze %dma_start3A_548 : memref<1x1x64xf32, #tpu.memory_space<vmem>> -> memref<64xf32, #tpu.memory_space<vmem>>
      %dma_start3A_550 = arith.constant 0 : i32
      %dma_start3A_551 = tpu.memref_slice %arg4[%squeeze3A_539, %dma_start3A_550] : memref<1000000x64xf32, #tpu.memory_space<hbm>> -> memref<1x64xf32, #tpu.memory_space<hbm>>
      %dma_start3A_552 = tpu.memref_squeeze %dma_start3A_551 : memref<1x64xf32, #tpu.memory_space<hbm>> -> memref<64xf32, #tpu.memory_space<hbm>>
      tpu.enqueue_dma source(%dma_start3A_552 : memref<64xf32, #tpu.memory_space<hbm>>) target(%dma_start3A_549 : memref<64xf32, #tpu.memory_space<vmem>>) target_semaphore(%arg13 : memref<!tpu.dma_semaphore, #tpu.memory_space<semaphore_mem>>)
      %slice3A_553 = vector.extract_strided_slice %get3A_196 {offsets = [10], sizes = [1], strides = [1]} : vector<16xi32> to vector<1xi32>
      %squeeze3A_554 = vector.extract %slice3A_553[0] : i32 from vector<1xi32>
      %dma_start3A_555 = arith.constant 0 : i32
      %dma_start3A_556 = arith.constant 0 : i32
      %dma_start3A_557 = tpu.memref_slice %arg10[%dma_start3A_555, %add3A_537, %dma_start3A_556] : memref<2x128x64xf32, #tpu.memory_space<vmem>> -> memref<1x1x64xf32, #tpu.memory_space<vmem>>
      %dma_start3A_558 = tpu.memref_squeeze %dma_start3A_557 : memref<1x1x64xf32, #tpu.memory_space<vmem>> -> memref<64xf32, #tpu.memory_space<vmem>>
      %dma_start3A_559 = arith.constant 0 : i32
      %dma_start3A_560 = tpu.memref_slice %arg4[%squeeze3A_554, %dma_start3A_559] : memref<1000000x64xf32, #tpu.memory_space<hbm>> -> memref<1x64xf32, #tpu.memory_space<hbm>>
      %dma_start3A_561 = tpu.memref_squeeze %dma_start3A_560 : memref<1x64xf32, #tpu.memory_space<hbm>> -> memref<64xf32, #tpu.memory_space<hbm>>
      %dma_start3A_562 = arith.constant 0 : i32
      %dma_start3A_563 = tpu.memref_slice %arg10[%dma_start3A_555, %add3A_537, %dma_start3A_562] : memref<2x128x64xf32, #tpu.memory_space<vmem>> -> memref<1x1x64xf32, #tpu.memory_space<vmem>>
      %dma_start3A_564 = tpu.memref_squeeze %dma_start3A_563 : memref<1x1x64xf32, #tpu.memory_space<vmem>> -> memref<64xf32, #tpu.memory_space<vmem>>
      %dma_start3A_565 = arith.constant 0 : i32
      %dma_start3A_566 = tpu.memref_slice %arg4[%squeeze3A_554, %dma_start3A_565] : memref<1000000x64xf32, #tpu.memory_space<hbm>> -> memref<1x64xf32, #tpu.memory_space<hbm>>
      %dma_start3A_567 = tpu.memref_squeeze %dma_start3A_566 : memref<1x64xf32, #tpu.memory_space<hbm>> -> memref<64xf32, #tpu.memory_space<hbm>>
      tpu.enqueue_dma source(%dma_start3A_567 : memref<64xf32, #tpu.memory_space<hbm>>) target(%dma_start3A_564 : memref<64xf32, #tpu.memory_space<vmem>>) target_semaphore(%arg13 : memref<!tpu.dma_semaphore, #tpu.memory_space<semaphore_mem>>)
      %mul3A_568 = arith.constant 16 : i32
      %mul3A_569 = arith.muli %scan3A_184, %mul3A_568 : i32
      %add3A_570 = arith.constant 11 : i32
      %add3A_571 = arith.addi %mul3A_569, %add3A_570 : i32
      %slice3A_572 = vector.extract_strided_slice %get3A_190 {offsets = [11], sizes = [1], strides = [1]} : vector<16xi32> to vector<1xi32>
      %squeeze3A_573 = vector.extract %slice3A_572[0] : i32 from vector<1xi32>
      %dma_start3A_574 = arith.constant 0 : i32
      %dma_start3A_575 = arith.constant 0 : i32
      %dma_start3A_576 = tpu.memref_slice %arg9[%dma_start3A_574, %add3A_571, %dma_start3A_575] : memref<2x128x64xf32, #tpu.memory_space<vmem>> -> memref<1x1x64xf32, #tpu.memory_space<vmem>>
      %dma_start3A_577 = tpu.memref_squeeze %dma_start3A_576 : memref<1x1x64xf32, #tpu.memory_space<vmem>> -> memref<64xf32, #tpu.memory_space<vmem>>
      %dma_start3A_578 = arith.constant 0 : i32
      %dma_start3A_579 = tpu.memref_slice %arg4[%squeeze3A_573, %dma_start3A_578] : memref<1000000x64xf32, #tpu.memory_space<hbm>> -> memref<1x64xf32, #tpu.memory_space<hbm>>
      %dma_start3A_580 = tpu.memref_squeeze %dma_start3A_579 : memref<1x64xf32, #tpu.memory_space<hbm>> -> memref<64xf32, #tpu.memory_space<hbm>>
      %dma_start3A_581 = arith.constant 0 : i32
      %dma_start3A_582 = tpu.memref_slice %arg9[%dma_start3A_574, %add3A_571, %dma_start3A_581] : memref<2x128x64xf32, #tpu.memory_space<vmem>> -> memref<1x1x64xf32, #tpu.memory_space<vmem>>
      %dma_start3A_583 = tpu.memref_squeeze %dma_start3A_582 : memref<1x1x64xf32, #tpu.memory_space<vmem>> -> memref<64xf32, #tpu.memory_space<vmem>>
      %dma_start3A_584 = arith.constant 0 : i32
      %dma_start3A_585 = tpu.memref_slice %arg4[%squeeze3A_573, %dma_start3A_584] : memref<1000000x64xf32, #tpu.memory_space<hbm>> -> memref<1x64xf32, #tpu.memory_space<hbm>>
      %dma_start3A_586 = tpu.memref_squeeze %dma_start3A_585 : memref<1x64xf32, #tpu.memory_space<hbm>> -> memref<64xf32, #tpu.memory_space<hbm>>
      tpu.enqueue_dma source(%dma_start3A_586 : memref<64xf32, #tpu.memory_space<hbm>>) target(%dma_start3A_583 : memref<64xf32, #tpu.memory_space<vmem>>) target_semaphore(%arg13 : memref<!tpu.dma_semaphore, #tpu.memory_space<semaphore_mem>>)
      %slice3A_587 = vector.extract_strided_slice %get3A_196 {offsets = [11], sizes = [1], strides = [1]} : vector<16xi32> to vector<1xi32>
      %squeeze3A_588 = vector.extract %slice3A_587[0] : i32 from vector<1xi32>
      %dma_start3A_589 = arith.constant 0 : i32
      %dma_start3A_590 = arith.constant 0 : i32
      %dma_start3A_591 = tpu.memref_slice %arg10[%dma_start3A_589, %add3A_571, %dma_start3A_590] : memref<2x128x64xf32, #tpu.memory_space<vmem>> -> memref<1x1x64xf32, #tpu.memory_space<vmem>>
      %dma_start3A_592 = tpu.memref_squeeze %dma_start3A_591 : memref<1x1x64xf32, #tpu.memory_space<vmem>> -> memref<64xf32, #tpu.memory_space<vmem>>
      %dma_start3A_593 = arith.constant 0 : i32
      %dma_start3A_594 = tpu.memref_slice %arg4[%squeeze3A_588, %dma_start3A_593] : memref<1000000x64xf32, #tpu.memory_space<hbm>> -> memref<1x64xf32, #tpu.memory_space<hbm>>
      %dma_start3A_595 = tpu.memref_squeeze %dma_start3A_594 : memref<1x64xf32, #tpu.memory_space<hbm>> -> memref<64xf32, #tpu.memory_space<hbm>>
      %dma_start3A_596 = arith.constant 0 : i32
      %dma_start3A_597 = tpu.memref_slice %arg10[%dma_start3A_589, %add3A_571, %dma_start3A_596] : memref<2x128x64xf32, #tpu.memory_space<vmem>> -> memref<1x1x64xf32, #tpu.memory_space<vmem>>
      %dma_start3A_598 = tpu.memref_squeeze %dma_start3A_597 : memref<1x1x64xf32, #tpu.memory_space<vmem>> -> memref<64xf32, #tpu.memory_space<vmem>>
      %dma_start3A_599 = arith.constant 0 : i32
      %dma_start3A_600 = tpu.memref_slice %arg4[%squeeze3A_588, %dma_start3A_599] : memref<1000000x64xf32, #tpu.memory_space<hbm>> -> memref<1x64xf32, #tpu.memory_space<hbm>>
      %dma_start3A_601 = tpu.memref_squeeze %dma_start3A_600 : memref<1x64xf32, #tpu.memory_space<hbm>> -> memref<64xf32, #tpu.memory_space<hbm>>
      tpu.enqueue_dma source(%dma_start3A_601 : memref<64xf32, #tpu.memory_space<hbm>>) target(%dma_start3A_598 : memref<64xf32, #tpu.memory_space<vmem>>) target_semaphore(%arg13 : memref<!tpu.dma_semaphore, #tpu.memory_space<semaphore_mem>>)
      %mul3A_602 = arith.constant 16 : i32
      %mul3A_603 = arith.muli %scan3A_184, %mul3A_602 : i32
      %add3A_604 = arith.constant 12 : i32
      %add3A_605 = arith.addi %mul3A_603, %add3A_604 : i32
      %slice3A_606 = vector.extract_strided_slice %get3A_190 {offsets = [12], sizes = [1], strides = [1]} : vector<16xi32> to vector<1xi32>
      %squeeze3A_607 = vector.extract %slice3A_606[0] : i32 from vector<1xi32>
      %dma_start3A_608 = arith.constant 0 : i32
      %dma_start3A_609 = arith.constant 0 : i32
      %dma_start3A_610 = tpu.memref_slice %arg9[%dma_start3A_608, %add3A_605, %dma_start3A_609] : memref<2x128x64xf32, #tpu.memory_space<vmem>> -> memref<1x1x64xf32, #tpu.memory_space<vmem>>
      %dma_start3A_611 = tpu.memref_squeeze %dma_start3A_610 : memref<1x1x64xf32, #tpu.memory_space<vmem>> -> memref<64xf32, #tpu.memory_space<vmem>>
      %dma_start3A_612 = arith.constant 0 : i32
      %dma_start3A_613 = tpu.memref_slice %arg4[%squeeze3A_607, %dma_start3A_612] : memref<1000000x64xf32, #tpu.memory_space<hbm>> -> memref<1x64xf32, #tpu.memory_space<hbm>>
      %dma_start3A_614 = tpu.memref_squeeze %dma_start3A_613 : memref<1x64xf32, #tpu.memory_space<hbm>> -> memref<64xf32, #tpu.memory_space<hbm>>
      %dma_start3A_615 = arith.constant 0 : i32
      %dma_start3A_616 = tpu.memref_slice %arg9[%dma_start3A_608, %add3A_605, %dma_start3A_615] : memref<2x128x64xf32, #tpu.memory_space<vmem>> -> memref<1x1x64xf32, #tpu.memory_space<vmem>>
      %dma_start3A_617 = tpu.memref_squeeze %dma_start3A_616 : memref<1x1x64xf32, #tpu.memory_space<vmem>> -> memref<64xf32, #tpu.memory_space<vmem>>
      %dma_start3A_618 = arith.constant 0 : i32
      %dma_start3A_619 = tpu.memref_slice %arg4[%squeeze3A_607, %dma_start3A_618] : memref<1000000x64xf32, #tpu.memory_space<hbm>> -> memref<1x64xf32, #tpu.memory_space<hbm>>
      %dma_start3A_620 = tpu.memref_squeeze %dma_start3A_619 : memref<1x64xf32, #tpu.memory_space<hbm>> -> memref<64xf32, #tpu.memory_space<hbm>>
      tpu.enqueue_dma source(%dma_start3A_620 : memref<64xf32, #tpu.memory_space<hbm>>) target(%dma_start3A_617 : memref<64xf32, #tpu.memory_space<vmem>>) target_semaphore(%arg13 : memref<!tpu.dma_semaphore, #tpu.memory_space<semaphore_mem>>)
      %slice3A_621 = vector.extract_strided_slice %get3A_196 {offsets = [12], sizes = [1], strides = [1]} : vector<16xi32> to vector<1xi32>
      %squeeze3A_622 = vector.extract %slice3A_621[0] : i32 from vector<1xi32>
      %dma_start3A_623 = arith.constant 0 : i32
      %dma_start3A_624 = arith.constant 0 : i32
      %dma_start3A_625 = tpu.memref_slice %arg10[%dma_start3A_623, %add3A_605, %dma_start3A_624] : memref<2x128x64xf32, #tpu.memory_space<vmem>> -> memref<1x1x64xf32, #tpu.memory_space<vmem>>
      %dma_start3A_626 = tpu.memref_squeeze %dma_start3A_625 : memref<1x1x64xf32, #tpu.memory_space<vmem>> -> memref<64xf32, #tpu.memory_space<vmem>>
      %dma_start3A_627 = arith.constant 0 : i32
      %dma_start3A_628 = tpu.memref_slice %arg4[%squeeze3A_622, %dma_start3A_627] : memref<1000000x64xf32, #tpu.memory_space<hbm>> -> memref<1x64xf32, #tpu.memory_space<hbm>>
      %dma_start3A_629 = tpu.memref_squeeze %dma_start3A_628 : memref<1x64xf32, #tpu.memory_space<hbm>> -> memref<64xf32, #tpu.memory_space<hbm>>
      %dma_start3A_630 = arith.constant 0 : i32
      %dma_start3A_631 = tpu.memref_slice %arg10[%dma_start3A_623, %add3A_605, %dma_start3A_630] : memref<2x128x64xf32, #tpu.memory_space<vmem>> -> memref<1x1x64xf32, #tpu.memory_space<vmem>>
      %dma_start3A_632 = tpu.memref_squeeze %dma_start3A_631 : memref<1x1x64xf32, #tpu.memory_space<vmem>> -> memref<64xf32, #tpu.memory_space<vmem>>
      %dma_start3A_633 = arith.constant 0 : i32
      %dma_start3A_634 = tpu.memref_slice %arg4[%squeeze3A_622, %dma_start3A_633] : memref<1000000x64xf32, #tpu.memory_space<hbm>> -> memref<1x64xf32, #tpu.memory_space<hbm>>
      %dma_start3A_635 = tpu.memref_squeeze %dma_start3A_634 : memref<1x64xf32, #tpu.memory_space<hbm>> -> memref<64xf32, #tpu.memory_space<hbm>>
      tpu.enqueue_dma source(%dma_start3A_635 : memref<64xf32, #tpu.memory_space<hbm>>) target(%dma_start3A_632 : memref<64xf32, #tpu.memory_space<vmem>>) target_semaphore(%arg13 : memref<!tpu.dma_semaphore, #tpu.memory_space<semaphore_mem>>)
      %mul3A_636 = arith.constant 16 : i32
      %mul3A_637 = arith.muli %scan3A_184, %mul3A_636 : i32
      %add3A_638 = arith.constant 13 : i32
      %add3A_639 = arith.addi %mul3A_637, %add3A_638 : i32
      %slice3A_640 = vector.extract_strided_slice %get3A_190 {offsets = [13], sizes = [1], strides = [1]} : vector<16xi32> to vector<1xi32>
      %squeeze3A_641 = vector.extract %slice3A_640[0] : i32 from vector<1xi32>
      %dma_start3A_642 = arith.constant 0 : i32
      %dma_start3A_643 = arith.constant 0 : i32
      %dma_start3A_644 = tpu.memref_slice %arg9[%dma_start3A_642, %add3A_639, %dma_start3A_643] : memref<2x128x64xf32, #tpu.memory_space<vmem>> -> memref<1x1x64xf32, #tpu.memory_space<vmem>>
      %dma_start3A_645 = tpu.memref_squeeze %dma_start3A_644 : memref<1x1x64xf32, #tpu.memory_space<vmem>> -> memref<64xf32, #tpu.memory_space<vmem>>
      %dma_start3A_646 = arith.constant 0 : i32
      %dma_start3A_647 = tpu.memref_slice %arg4[%squeeze3A_641, %dma_start3A_646] : memref<1000000x64xf32, #tpu.memory_space<hbm>> -> memref<1x64xf32, #tpu.memory_space<hbm>>
      %dma_start3A_648 = tpu.memref_squeeze %dma_start3A_647 : memref<1x64xf32, #tpu.memory_space<hbm>> -> memref<64xf32, #tpu.memory_space<hbm>>
      %dma_start3A_649 = arith.constant 0 : i32
      %dma_start3A_650 = tpu.memref_slice %arg9[%dma_start3A_642, %add3A_639, %dma_start3A_649] : memref<2x128x64xf32, #tpu.memory_space<vmem>> -> memref<1x1x64xf32, #tpu.memory_space<vmem>>
      %dma_start3A_651 = tpu.memref_squeeze %dma_start3A_650 : memref<1x1x64xf32, #tpu.memory_space<vmem>> -> memref<64xf32, #tpu.memory_space<vmem>>
      %dma_start3A_652 = arith.constant 0 : i32
      %dma_start3A_653 = tpu.memref_slice %arg4[%squeeze3A_641, %dma_start3A_652] : memref<1000000x64xf32, #tpu.memory_space<hbm>> -> memref<1x64xf32, #tpu.memory_space<hbm>>
      %dma_start3A_654 = tpu.memref_squeeze %dma_start3A_653 : memref<1x64xf32, #tpu.memory_space<hbm>> -> memref<64xf32, #tpu.memory_space<hbm>>
      tpu.enqueue_dma source(%dma_start3A_654 : memref<64xf32, #tpu.memory_space<hbm>>) target(%dma_start3A_651 : memref<64xf32, #tpu.memory_space<vmem>>) target_semaphore(%arg13 : memref<!tpu.dma_semaphore, #tpu.memory_space<semaphore_mem>>)
      %slice3A_655 = vector.extract_strided_slice %get3A_196 {offsets = [13], sizes = [1], strides = [1]} : vector<16xi32> to vector<1xi32>
      %squeeze3A_656 = vector.extract %slice3A_655[0] : i32 from vector<1xi32>
      %dma_start3A_657 = arith.constant 0 : i32
      %dma_start3A_658 = arith.constant 0 : i32
      %dma_start3A_659 = tpu.memref_slice %arg10[%dma_start3A_657, %add3A_639, %dma_start3A_658] : memref<2x128x64xf32, #tpu.memory_space<vmem>> -> memref<1x1x64xf32, #tpu.memory_space<vmem>>
      %dma_start3A_660 = tpu.memref_squeeze %dma_start3A_659 : memref<1x1x64xf32, #tpu.memory_space<vmem>> -> memref<64xf32, #tpu.memory_space<vmem>>
      %dma_start3A_661 = arith.constant 0 : i32
      %dma_start3A_662 = tpu.memref_slice %arg4[%squeeze3A_656, %dma_start3A_661] : memref<1000000x64xf32, #tpu.memory_space<hbm>> -> memref<1x64xf32, #tpu.memory_space<hbm>>
      %dma_start3A_663 = tpu.memref_squeeze %dma_start3A_662 : memref<1x64xf32, #tpu.memory_space<hbm>> -> memref<64xf32, #tpu.memory_space<hbm>>
      %dma_start3A_664 = arith.constant 0 : i32
      %dma_start3A_665 = tpu.memref_slice %arg10[%dma_start3A_657, %add3A_639, %dma_start3A_664] : memref<2x128x64xf32, #tpu.memory_space<vmem>> -> memref<1x1x64xf32, #tpu.memory_space<vmem>>
      %dma_start3A_666 = tpu.memref_squeeze %dma_start3A_665 : memref<1x1x64xf32, #tpu.memory_space<vmem>> -> memref<64xf32, #tpu.memory_space<vmem>>
      %dma_start3A_667 = arith.constant 0 : i32
      %dma_start3A_668 = tpu.memref_slice %arg4[%squeeze3A_656, %dma_start3A_667] : memref<1000000x64xf32, #tpu.memory_space<hbm>> -> memref<1x64xf32, #tpu.memory_space<hbm>>
      %dma_start3A_669 = tpu.memref_squeeze %dma_start3A_668 : memref<1x64xf32, #tpu.memory_space<hbm>> -> memref<64xf32, #tpu.memory_space<hbm>>
      tpu.enqueue_dma source(%dma_start3A_669 : memref<64xf32, #tpu.memory_space<hbm>>) target(%dma_start3A_666 : memref<64xf32, #tpu.memory_space<vmem>>) target_semaphore(%arg13 : memref<!tpu.dma_semaphore, #tpu.memory_space<semaphore_mem>>)
      %mul3A_670 = arith.constant 16 : i32
      %mul3A_671 = arith.muli %scan3A_184, %mul3A_670 : i32
      %add3A_672 = arith.constant 14 : i32
      %add3A_673 = arith.addi %mul3A_671, %add3A_672 : i32
      %slice3A_674 = vector.extract_strided_slice %get3A_190 {offsets = [14], sizes = [1], strides = [1]} : vector<16xi32> to vector<1xi32>
      %squeeze3A_675 = vector.extract %slice3A_674[0] : i32 from vector<1xi32>
      %dma_start3A_676 = arith.constant 0 : i32
      %dma_start3A_677 = arith.constant 0 : i32
      %dma_start3A_678 = tpu.memref_slice %arg9[%dma_start3A_676, %add3A_673, %dma_start3A_677] : memref<2x128x64xf32, #tpu.memory_space<vmem>> -> memref<1x1x64xf32, #tpu.memory_space<vmem>>
      %dma_start3A_679 = tpu.memref_squeeze %dma_start3A_678 : memref<1x1x64xf32, #tpu.memory_space<vmem>> -> memref<64xf32, #tpu.memory_space<vmem>>
      %dma_start3A_680 = arith.constant 0 : i32
      %dma_start3A_681 = tpu.memref_slice %arg4[%squeeze3A_675, %dma_start3A_680] : memref<1000000x64xf32, #tpu.memory_space<hbm>> -> memref<1x64xf32, #tpu.memory_space<hbm>>
      %dma_start3A_682 = tpu.memref_squeeze %dma_start3A_681 : memref<1x64xf32, #tpu.memory_space<hbm>> -> memref<64xf32, #tpu.memory_space<hbm>>
      %dma_start3A_683 = arith.constant 0 : i32
      %dma_start3A_684 = tpu.memref_slice %arg9[%dma_start3A_676, %add3A_673, %dma_start3A_683] : memref<2x128x64xf32, #tpu.memory_space<vmem>> -> memref<1x1x64xf32, #tpu.memory_space<vmem>>
      %dma_start3A_685 = tpu.memref_squeeze %dma_start3A_684 : memref<1x1x64xf32, #tpu.memory_space<vmem>> -> memref<64xf32, #tpu.memory_space<vmem>>
      %dma_start3A_686 = arith.constant 0 : i32
      %dma_start3A_687 = tpu.memref_slice %arg4[%squeeze3A_675, %dma_start3A_686] : memref<1000000x64xf32, #tpu.memory_space<hbm>> -> memref<1x64xf32, #tpu.memory_space<hbm>>
      %dma_start3A_688 = tpu.memref_squeeze %dma_start3A_687 : memref<1x64xf32, #tpu.memory_space<hbm>> -> memref<64xf32, #tpu.memory_space<hbm>>
      tpu.enqueue_dma source(%dma_start3A_688 : memref<64xf32, #tpu.memory_space<hbm>>) target(%dma_start3A_685 : memref<64xf32, #tpu.memory_space<vmem>>) target_semaphore(%arg13 : memref<!tpu.dma_semaphore, #tpu.memory_space<semaphore_mem>>)
      %slice3A_689 = vector.extract_strided_slice %get3A_196 {offsets = [14], sizes = [1], strides = [1]} : vector<16xi32> to vector<1xi32>
      %squeeze3A_690 = vector.extract %slice3A_689[0] : i32 from vector<1xi32>
      %dma_start3A_691 = arith.constant 0 : i32
      %dma_start3A_692 = arith.constant 0 : i32
      %dma_start3A_693 = tpu.memref_slice %arg10[%dma_start3A_691, %add3A_673, %dma_start3A_692] : memref<2x128x64xf32, #tpu.memory_space<vmem>> -> memref<1x1x64xf32, #tpu.memory_space<vmem>>
      %dma_start3A_694 = tpu.memref_squeeze %dma_start3A_693 : memref<1x1x64xf32, #tpu.memory_space<vmem>> -> memref<64xf32, #tpu.memory_space<vmem>>
      %dma_start3A_695 = arith.constant 0 : i32
      %dma_start3A_696 = tpu.memref_slice %arg4[%squeeze3A_690, %dma_start3A_695] : memref<1000000x64xf32, #tpu.memory_space<hbm>> -> memref<1x64xf32, #tpu.memory_space<hbm>>
      %dma_start3A_697 = tpu.memref_squeeze %dma_start3A_696 : memref<1x64xf32, #tpu.memory_space<hbm>> -> memref<64xf32, #tpu.memory_space<hbm>>
      %dma_start3A_698 = arith.constant 0 : i32
      %dma_start3A_699 = tpu.memref_slice %arg10[%dma_start3A_691, %add3A_673, %dma_start3A_698] : memref<2x128x64xf32, #tpu.memory_space<vmem>> -> memref<1x1x64xf32, #tpu.memory_space<vmem>>
      %dma_start3A_700 = tpu.memref_squeeze %dma_start3A_699 : memref<1x1x64xf32, #tpu.memory_space<vmem>> -> memref<64xf32, #tpu.memory_space<vmem>>
      %dma_start3A_701 = arith.constant 0 : i32
      %dma_start3A_702 = tpu.memref_slice %arg4[%squeeze3A_690, %dma_start3A_701] : memref<1000000x64xf32, #tpu.memory_space<hbm>> -> memref<1x64xf32, #tpu.memory_space<hbm>>
      %dma_start3A_703 = tpu.memref_squeeze %dma_start3A_702 : memref<1x64xf32, #tpu.memory_space<hbm>> -> memref<64xf32, #tpu.memory_space<hbm>>
      tpu.enqueue_dma source(%dma_start3A_703 : memref<64xf32, #tpu.memory_space<hbm>>) target(%dma_start3A_700 : memref<64xf32, #tpu.memory_space<vmem>>) target_semaphore(%arg13 : memref<!tpu.dma_semaphore, #tpu.memory_space<semaphore_mem>>)
      %mul3A_704 = arith.constant 16 : i32
      %mul3A_705 = arith.muli %scan3A_184, %mul3A_704 : i32
      %add3A_706 = arith.constant 15 : i32
      %add3A_707 = arith.addi %mul3A_705, %add3A_706 : i32
      %slice3A_708 = vector.extract_strided_slice %get3A_190 {offsets = [15], sizes = [1], strides = [1]} : vector<16xi32> to vector<1xi32>
      %squeeze3A_709 = vector.extract %slice3A_708[0] : i32 from vector<1xi32>
      %dma_start3A_710 = arith.constant 0 : i32
      %dma_start3A_711 = arith.constant 0 : i32
      %dma_start3A_712 = tpu.memref_slice %arg9[%dma_start3A_710, %add3A_707, %dma_start3A_711] : memref<2x128x64xf32, #tpu.memory_space<vmem>> -> memref<1x1x64xf32, #tpu.memory_space<vmem>>
      %dma_start3A_713 = tpu.memref_squeeze %dma_start3A_712 : memref<1x1x64xf32, #tpu.memory_space<vmem>> -> memref<64xf32, #tpu.memory_space<vmem>>
      %dma_start3A_714 = arith.constant 0 : i32
      %dma_start3A_715 = tpu.memref_slice %arg4[%squeeze3A_709, %dma_start3A_714] : memref<1000000x64xf32, #tpu.memory_space<hbm>> -> memref<1x64xf32, #tpu.memory_space<hbm>>
      %dma_start3A_716 = tpu.memref_squeeze %dma_start3A_715 : memref<1x64xf32, #tpu.memory_space<hbm>> -> memref<64xf32, #tpu.memory_space<hbm>>
      %dma_start3A_717 = arith.constant 0 : i32
      %dma_start3A_718 = tpu.memref_slice %arg9[%dma_start3A_710, %add3A_707, %dma_start3A_717] : memref<2x128x64xf32, #tpu.memory_space<vmem>> -> memref<1x1x64xf32, #tpu.memory_space<vmem>>
      %dma_start3A_719 = tpu.memref_squeeze %dma_start3A_718 : memref<1x1x64xf32, #tpu.memory_space<vmem>> -> memref<64xf32, #tpu.memory_space<vmem>>
      %dma_start3A_720 = arith.constant 0 : i32
      %dma_start3A_721 = tpu.memref_slice %arg4[%squeeze3A_709, %dma_start3A_720] : memref<1000000x64xf32, #tpu.memory_space<hbm>> -> memref<1x64xf32, #tpu.memory_space<hbm>>
      %dma_start3A_722 = tpu.memref_squeeze %dma_start3A_721 : memref<1x64xf32, #tpu.memory_space<hbm>> -> memref<64xf32, #tpu.memory_space<hbm>>
      tpu.enqueue_dma source(%dma_start3A_722 : memref<64xf32, #tpu.memory_space<hbm>>) target(%dma_start3A_719 : memref<64xf32, #tpu.memory_space<vmem>>) target_semaphore(%arg13 : memref<!tpu.dma_semaphore, #tpu.memory_space<semaphore_mem>>)
      %slice3A_723 = vector.extract_strided_slice %get3A_196 {offsets = [15], sizes = [1], strides = [1]} : vector<16xi32> to vector<1xi32>
      %squeeze3A_724 = vector.extract %slice3A_723[0] : i32 from vector<1xi32>
      %dma_start3A_725 = arith.constant 0 : i32
      %dma_start3A_726 = arith.constant 0 : i32
      %dma_start3A_727 = tpu.memref_slice %arg10[%dma_start3A_725, %add3A_707, %dma_start3A_726] : memref<2x128x64xf32, #tpu.memory_space<vmem>> -> memref<1x1x64xf32, #tpu.memory_space<vmem>>
      %dma_start3A_728 = tpu.memref_squeeze %dma_start3A_727 : memref<1x1x64xf32, #tpu.memory_space<vmem>> -> memref<64xf32, #tpu.memory_space<vmem>>
      %dma_start3A_729 = arith.constant 0 : i32
      %dma_start3A_730 = tpu.memref_slice %arg4[%squeeze3A_724, %dma_start3A_729] : memref<1000000x64xf32, #tpu.memory_space<hbm>> -> memref<1x64xf32, #tpu.memory_space<hbm>>
      %dma_start3A_731 = tpu.memref_squeeze %dma_start3A_730 : memref<1x64xf32, #tpu.memory_space<hbm>> -> memref<64xf32, #tpu.memory_space<hbm>>
      %dma_start3A_732 = arith.constant 0 : i32
      %dma_start3A_733 = tpu.memref_slice %arg10[%dma_start3A_725, %add3A_707, %dma_start3A_732] : memref<2x128x64xf32, #tpu.memory_space<vmem>> -> memref<1x1x64xf32, #tpu.memory_space<vmem>>
      %dma_start3A_734 = tpu.memref_squeeze %dma_start3A_733 : memref<1x1x64xf32, #tpu.memory_space<vmem>> -> memref<64xf32, #tpu.memory_space<vmem>>
      %dma_start3A_735 = arith.constant 0 : i32
      %dma_start3A_736 = tpu.memref_slice %arg4[%squeeze3A_724, %dma_start3A_735] : memref<1000000x64xf32, #tpu.memory_space<hbm>> -> memref<1x64xf32, #tpu.memory_space<hbm>>
      %dma_start3A_737 = tpu.memref_squeeze %dma_start3A_736 : memref<1x64xf32, #tpu.memory_space<hbm>> -> memref<64xf32, #tpu.memory_space<hbm>>
      tpu.enqueue_dma source(%dma_start3A_737 : memref<64xf32, #tpu.memory_space<hbm>>) target(%dma_start3A_734 : memref<64xf32, #tpu.memory_space<vmem>>) target_semaphore(%arg13 : memref<!tpu.dma_semaphore, #tpu.memory_space<semaphore_mem>>)
      %scan3A_738 = arith.constant 0 : i32
      scf.yield %scan3A_738 : i32
    }
    %scan3A_8 = arith.constant 8 : i32
    %scan3A_9 = arith.constant 0 : i32
    %scan3A_10 = arith.constant 0 : i32
    %scan3A_11 = arith.constant 8 : i32
    %scan3A_12 = arith.addi %scan3A_10, %scan3A_11 : i32
    %scan3A_13 = arith.constant 1 : i32
    %scan3A_14 = scf.for %scan3A_184 = %scan3A_10 to %scan3A_12 step %scan3A_13 iter_args(%scan3A_185 = %scan3A_9) -> (i32)  : i32 {
      %mul3A_186 = arith.constant 16 : i32
      %mul3A_187 = arith.muli %scan3A_184, %mul3A_186 : i32
      %add3A_188 = arith.constant 128 : i32
      %add3A_189 = arith.addi %add3A_188, %mul3A_187 : i32
      %get3A = arith.index_cast %add3A_189 : i32 to index
      %get3A_190 = tpu.vector_load %arg7[%get3A] {strides = array<i32>} : memref<512xi32, #tpu.memory_space<vmem>>, vector<16xi32>,
      %mul3A_191 = arith.constant 16 : i32
      %mul3A_192 = arith.muli %scan3A_184, %mul3A_191 : i32
      %add3A_193 = arith.constant 128 : i32
      %add3A_194 = arith.addi %add3A_193, %mul3A_192 : i32
      %get3A_195 = arith.index_cast %add3A_194 : i32 to index
      %get3A_196 = tpu.vector_load %arg8[%get3A_195] {strides = array<i32>} : memref<512xi32, #tpu.memory_space<vmem>>, vector<16xi32>,
      %mul3A_197 = arith.constant 16 : i32
      %mul3A_198 = arith.muli %scan3A_184, %mul3A_197 : i32
      %add3A_199 = arith.constant 0 : i32
      %add3A_200 = arith.addi %mul3A_198, %add3A_199 : i32
      %slice3A = vector.extract_strided_slice %get3A_190 {offsets = [0], sizes = [1], strides = [1]} : vector<16xi32> to vector<1xi32>
      %squeeze3A = vector.extract %slice3A[0] : i32 from vector<1xi32>
      %dma_start3A = arith.constant 1 : i32
      %dma_start3A_201 = arith.constant 0 : i32
      %dma_start3A_202 = tpu.memref_slice %arg9[%dma_start3A, %add3A_200, %dma_start3A_201] : memref<2x128x64xf32, #tpu.memory_space<vmem>> -> memref<1x1x64xf32, #tpu.memory_space<vmem>>
      %dma_start3A_203 = tpu.memref_squeeze %dma_start3A_202 : memref<1x1x64xf32, #tpu.memory_space<vmem>> -> memref<64xf32, #tpu.memory_space<vmem>>
      %dma_start3A_204 = arith.constant 0 : i32
      %dma_start3A_205 = tpu.memref_slice %arg4[%squeeze3A, %dma_start3A_204] : memref<1000000x64xf32, #tpu.memory_space<hbm>> -> memref<1x64xf32, #tpu.memory_space<hbm>>
      %dma_start3A_206 = tpu.memref_squeeze %dma_start3A_205 : memref<1x64xf32, #tpu.memory_space<hbm>> -> memref<64xf32, #tpu.memory_space<hbm>>
      %dma_start3A_207 = arith.constant 0 : i32
      %dma_start3A_208 = tpu.memref_slice %arg9[%dma_start3A, %add3A_200, %dma_start3A_207] : memref<2x128x64xf32, #tpu.memory_space<vmem>> -> memref<1x1x64xf32, #tpu.memory_space<vmem>>
      %dma_start3A_209 = tpu.memref_squeeze %dma_start3A_208 : memref<1x1x64xf32, #tpu.memory_space<vmem>> -> memref<64xf32, #tpu.memory_space<vmem>>
      %dma_start3A_210 = arith.constant 0 : i32
      %dma_start3A_211 = tpu.memref_slice %arg4[%squeeze3A, %dma_start3A_210] : memref<1000000x64xf32, #tpu.memory_space<hbm>> -> memref<1x64xf32, #tpu.memory_space<hbm>>
      %dma_start3A_212 = tpu.memref_squeeze %dma_start3A_211 : memref<1x64xf32, #tpu.memory_space<hbm>> -> memref<64xf32, #tpu.memory_space<hbm>>
      tpu.enqueue_dma source(%dma_start3A_212 : memref<64xf32, #tpu.memory_space<hbm>>) target(%dma_start3A_209 : memref<64xf32, #tpu.memory_space<vmem>>) target_semaphore(%arg13 : memref<!tpu.dma_semaphore, #tpu.memory_space<semaphore_mem>>)
      %slice3A_213 = vector.extract_strided_slice %get3A_196 {offsets = [0], sizes = [1], strides = [1]} : vector<16xi32> to vector<1xi32>
      %squeeze3A_214 = vector.extract %slice3A_213[0] : i32 from vector<1xi32>
      %dma_start3A_215 = arith.constant 1 : i32
      %dma_start3A_216 = arith.constant 0 : i32
      %dma_start3A_217 = tpu.memref_slice %arg10[%dma_start3A_215, %add3A_200, %dma_start3A_216] : memref<2x128x64xf32, #tpu.memory_space<vmem>> -> memref<1x1x64xf32, #tpu.memory_space<vmem>>
      %dma_start3A_218 = tpu.memref_squeeze %dma_start3A_217 : memref<1x1x64xf32, #tpu.memory_space<vmem>> -> memref<64xf32, #tpu.memory_space<vmem>>
      %dma_start3A_219 = arith.constant 0 : i32
      %dma_start3A_220 = tpu.memref_slice %arg4[%squeeze3A_214, %dma_start3A_219] : memref<1000000x64xf32, #tpu.memory_space<hbm>> -> memref<1x64xf32, #tpu.memory_space<hbm>>
      %dma_start3A_221 = tpu.memref_squeeze %dma_start3A_220 : memref<1x64xf32, #tpu.memory_space<hbm>> -> memref<64xf32, #tpu.memory_space<hbm>>
      %dma_start3A_222 = arith.constant 0 : i32
      %dma_start3A_223 = tpu.memref_slice %arg10[%dma_start3A_215, %add3A_200, %dma_start3A_222] : memref<2x128x64xf32, #tpu.memory_space<vmem>> -> memref<1x1x64xf32, #tpu.memory_space<vmem>>
      %dma_start3A_224 = tpu.memref_squeeze %dma_start3A_223 : memref<1x1x64xf32, #tpu.memory_space<vmem>> -> memref<64xf32, #tpu.memory_space<vmem>>
      %dma_start3A_225 = arith.constant 0 : i32
      %dma_start3A_226 = tpu.memref_slice %arg4[%squeeze3A_214, %dma_start3A_225] : memref<1000000x64xf32, #tpu.memory_space<hbm>> -> memref<1x64xf32, #tpu.memory_space<hbm>>
      %dma_start3A_227 = tpu.memref_squeeze %dma_start3A_226 : memref<1x64xf32, #tpu.memory_space<hbm>> -> memref<64xf32, #tpu.memory_space<hbm>>
      tpu.enqueue_dma source(%dma_start3A_227 : memref<64xf32, #tpu.memory_space<hbm>>) target(%dma_start3A_224 : memref<64xf32, #tpu.memory_space<vmem>>) target_semaphore(%arg13 : memref<!tpu.dma_semaphore, #tpu.memory_space<semaphore_mem>>)
      %mul3A_228 = arith.constant 16 : i32
      %mul3A_229 = arith.muli %scan3A_184, %mul3A_228 : i32
      %add3A_230 = arith.constant 1 : i32
      %add3A_231 = arith.addi %mul3A_229, %add3A_230 : i32
      %slice3A_232 = vector.extract_strided_slice %get3A_190 {offsets = [1], sizes = [1], strides = [1]} : vector<16xi32> to vector<1xi32>
      %squeeze3A_233 = vector.extract %slice3A_232[0] : i32 from vector<1xi32>
      %dma_start3A_234 = arith.constant 1 : i32
      %dma_start3A_235 = arith.constant 0 : i32
      %dma_start3A_236 = tpu.memref_slice %arg9[%dma_start3A_234, %add3A_231, %dma_start3A_235] : memref<2x128x64xf32, #tpu.memory_space<vmem>> -> memref<1x1x64xf32, #tpu.memory_space<vmem>>
      %dma_start3A_237 = tpu.memref_squeeze %dma_start3A_236 : memref<1x1x64xf32, #tpu.memory_space<vmem>> -> memref<64xf32, #tpu.memory_space<vmem>>
      %dma_start3A_238 = arith.constant 0 : i32
      %dma_start3A_239 = tpu.memref_slice %arg4[%squeeze3A_233, %dma_start3A_238] : memref<1000000x64xf32, #tpu.memory_space<hbm>> -> memref<1x64xf32, #tpu.memory_space<hbm>>
      %dma_start3A_240 = tpu.memref_squeeze %dma_start3A_239 : memref<1x64xf32, #tpu.memory_space<hbm>> -> memref<64xf32, #tpu.memory_space<hbm>>
      %dma_start3A_241 = arith.constant 0 : i32
      %dma_start3A_242 = tpu.memref_slice %arg9[%dma_start3A_234, %add3A_231, %dma_start3A_241] : memref<2x128x64xf32, #tpu.memory_space<vmem>> -> memref<1x1x64xf32, #tpu.memory_space<vmem>>
      %dma_start3A_243 = tpu.memref_squeeze %dma_start3A_242 : memref<1x1x64xf32, #tpu.memory_space<vmem>> -> memref<64xf32, #tpu.memory_space<vmem>>
      %dma_start3A_244 = arith.constant 0 : i32
      %dma_start3A_245 = tpu.memref_slice %arg4[%squeeze3A_233, %dma_start3A_244] : memref<1000000x64xf32, #tpu.memory_space<hbm>> -> memref<1x64xf32, #tpu.memory_space<hbm>>
      %dma_start3A_246 = tpu.memref_squeeze %dma_start3A_245 : memref<1x64xf32, #tpu.memory_space<hbm>> -> memref<64xf32, #tpu.memory_space<hbm>>
      tpu.enqueue_dma source(%dma_start3A_246 : memref<64xf32, #tpu.memory_space<hbm>>) target(%dma_start3A_243 : memref<64xf32, #tpu.memory_space<vmem>>) target_semaphore(%arg13 : memref<!tpu.dma_semaphore, #tpu.memory_space<semaphore_mem>>)
      %slice3A_247 = vector.extract_strided_slice %get3A_196 {offsets = [1], sizes = [1], strides = [1]} : vector<16xi32> to vector<1xi32>
      %squeeze3A_248 = vector.extract %slice3A_247[0] : i32 from vector<1xi32>
      %dma_start3A_249 = arith.constant 1 : i32
      %dma_start3A_250 = arith.constant 0 : i32
      %dma_start3A_251 = tpu.memref_slice %arg10[%dma_start3A_249, %add3A_231, %dma_start3A_250] : memref<2x128x64xf32, #tpu.memory_space<vmem>> -> memref<1x1x64xf32, #tpu.memory_space<vmem>>
      %dma_start3A_252 = tpu.memref_squeeze %dma_start3A_251 : memref<1x1x64xf32, #tpu.memory_space<vmem>> -> memref<64xf32, #tpu.memory_space<vmem>>
      %dma_start3A_253 = arith.constant 0 : i32
      %dma_start3A_254 = tpu.memref_slice %arg4[%squeeze3A_248, %dma_start3A_253] : memref<1000000x64xf32, #tpu.memory_space<hbm>> -> memref<1x64xf32, #tpu.memory_space<hbm>>
      %dma_start3A_255 = tpu.memref_squeeze %dma_start3A_254 : memref<1x64xf32, #tpu.memory_space<hbm>> -> memref<64xf32, #tpu.memory_space<hbm>>
      %dma_start3A_256 = arith.constant 0 : i32
      %dma_start3A_257 = tpu.memref_slice %arg10[%dma_start3A_249, %add3A_231, %dma_start3A_256] : memref<2x128x64xf32, #tpu.memory_space<vmem>> -> memref<1x1x64xf32, #tpu.memory_space<vmem>>
      %dma_start3A_258 = tpu.memref_squeeze %dma_start3A_257 : memref<1x1x64xf32, #tpu.memory_space<vmem>> -> memref<64xf32, #tpu.memory_space<vmem>>
      %dma_start3A_259 = arith.constant 0 : i32
      %dma_start3A_260 = tpu.memref_slice %arg4[%squeeze3A_248, %dma_start3A_259] : memref<1000000x64xf32, #tpu.memory_space<hbm>> -> memref<1x64xf32, #tpu.memory_space<hbm>>
      %dma_start3A_261 = tpu.memref_squeeze %dma_start3A_260 : memref<1x64xf32, #tpu.memory_space<hbm>> -> memref<64xf32, #tpu.memory_space<hbm>>
      tpu.enqueue_dma source(%dma_start3A_261 : memref<64xf32, #tpu.memory_space<hbm>>) target(%dma_start3A_258 : memref<64xf32, #tpu.memory_space<vmem>>) target_semaphore(%arg13 : memref<!tpu.dma_semaphore, #tpu.memory_space<semaphore_mem>>)
      %mul3A_262 = arith.constant 16 : i32
      %mul3A_263 = arith.muli %scan3A_184, %mul3A_262 : i32
      %add3A_264 = arith.constant 2 : i32
      %add3A_265 = arith.addi %mul3A_263, %add3A_264 : i32
      %slice3A_266 = vector.extract_strided_slice %get3A_190 {offsets = [2], sizes = [1], strides = [1]} : vector<16xi32> to vector<1xi32>
      %squeeze3A_267 = vector.extract %slice3A_266[0] : i32 from vector<1xi32>
      %dma_start3A_268 = arith.constant 1 : i32
      %dma_start3A_269 = arith.constant 0 : i32
      %dma_start3A_270 = tpu.memref_slice %arg9[%dma_start3A_268, %add3A_265, %dma_start3A_269] : memref<2x128x64xf32, #tpu.memory_space<vmem>> -> memref<1x1x64xf32, #tpu.memory_space<vmem>>
      %dma_start3A_271 = tpu.memref_squeeze %dma_start3A_270 : memref<1x1x64xf32, #tpu.memory_space<vmem>> -> memref<64xf32, #tpu.memory_space<vmem>>
      %dma_start3A_272 = arith.constant 0 : i32
      %dma_start3A_273 = tpu.memref_slice %arg4[%squeeze3A_267, %dma_start3A_272] : memref<1000000x64xf32, #tpu.memory_space<hbm>> -> memref<1x64xf32, #tpu.memory_space<hbm>>
      %dma_start3A_274 = tpu.memref_squeeze %dma_start3A_273 : memref<1x64xf32, #tpu.memory_space<hbm>> -> memref<64xf32, #tpu.memory_space<hbm>>
      %dma_start3A_275 = arith.constant 0 : i32
      %dma_start3A_276 = tpu.memref_slice %arg9[%dma_start3A_268, %add3A_265, %dma_start3A_275] : memref<2x128x64xf32, #tpu.memory_space<vmem>> -> memref<1x1x64xf32, #tpu.memory_space<vmem>>
      %dma_start3A_277 = tpu.memref_squeeze %dma_start3A_276 : memref<1x1x64xf32, #tpu.memory_space<vmem>> -> memref<64xf32, #tpu.memory_space<vmem>>
      %dma_start3A_278 = arith.constant 0 : i32
      %dma_start3A_279 = tpu.memref_slice %arg4[%squeeze3A_267, %dma_start3A_278] : memref<1000000x64xf32, #tpu.memory_space<hbm>> -> memref<1x64xf32, #tpu.memory_space<hbm>>
      %dma_start3A_280 = tpu.memref_squeeze %dma_start3A_279 : memref<1x64xf32, #tpu.memory_space<hbm>> -> memref<64xf32, #tpu.memory_space<hbm>>
      tpu.enqueue_dma source(%dma_start3A_280 : memref<64xf32, #tpu.memory_space<hbm>>) target(%dma_start3A_277 : memref<64xf32, #tpu.memory_space<vmem>>) target_semaphore(%arg13 : memref<!tpu.dma_semaphore, #tpu.memory_space<semaphore_mem>>)
      %slice3A_281 = vector.extract_strided_slice %get3A_196 {offsets = [2], sizes = [1], strides = [1]} : vector<16xi32> to vector<1xi32>
      %squeeze3A_282 = vector.extract %slice3A_281[0] : i32 from vector<1xi32>
      %dma_start3A_283 = arith.constant 1 : i32
      %dma_start3A_284 = arith.constant 0 : i32
      %dma_start3A_285 = tpu.memref_slice %arg10[%dma_start3A_283, %add3A_265, %dma_start3A_284] : memref<2x128x64xf32, #tpu.memory_space<vmem>> -> memref<1x1x64xf32, #tpu.memory_space<vmem>>
      %dma_start3A_286 = tpu.memref_squeeze %dma_start3A_285 : memref<1x1x64xf32, #tpu.memory_space<vmem>> -> memref<64xf32, #tpu.memory_space<vmem>>
      %dma_start3A_287 = arith.constant 0 : i32
      %dma_start3A_288 = tpu.memref_slice %arg4[%squeeze3A_282, %dma_start3A_287] : memref<1000000x64xf32, #tpu.memory_space<hbm>> -> memref<1x64xf32, #tpu.memory_space<hbm>>
      %dma_start3A_289 = tpu.memref_squeeze %dma_start3A_288 : memref<1x64xf32, #tpu.memory_space<hbm>> -> memref<64xf32, #tpu.memory_space<hbm>>
      %dma_start3A_290 = arith.constant 0 : i32
      %dma_start3A_291 = tpu.memref_slice %arg10[%dma_start3A_283, %add3A_265, %dma_start3A_290] : memref<2x128x64xf32, #tpu.memory_space<vmem>> -> memref<1x1x64xf32, #tpu.memory_space<vmem>>
      %dma_start3A_292 = tpu.memref_squeeze %dma_start3A_291 : memref<1x1x64xf32, #tpu.memory_space<vmem>> -> memref<64xf32, #tpu.memory_space<vmem>>
      %dma_start3A_293 = arith.constant 0 : i32
      %dma_start3A_294 = tpu.memref_slice %arg4[%squeeze3A_282, %dma_start3A_293] : memref<1000000x64xf32, #tpu.memory_space<hbm>> -> memref<1x64xf32, #tpu.memory_space<hbm>>
      %dma_start3A_295 = tpu.memref_squeeze %dma_start3A_294 : memref<1x64xf32, #tpu.memory_space<hbm>> -> memref<64xf32, #tpu.memory_space<hbm>>
      tpu.enqueue_dma source(%dma_start3A_295 : memref<64xf32, #tpu.memory_space<hbm>>) target(%dma_start3A_292 : memref<64xf32, #tpu.memory_space<vmem>>) target_semaphore(%arg13 : memref<!tpu.dma_semaphore, #tpu.memory_space<semaphore_mem>>)
      %mul3A_296 = arith.constant 16 : i32
      %mul3A_297 = arith.muli %scan3A_184, %mul3A_296 : i32
      %add3A_298 = arith.constant 3 : i32
      %add3A_299 = arith.addi %mul3A_297, %add3A_298 : i32
      %slice3A_300 = vector.extract_strided_slice %get3A_190 {offsets = [3], sizes = [1], strides = [1]} : vector<16xi32> to vector<1xi32>
      %squeeze3A_301 = vector.extract %slice3A_300[0] : i32 from vector<1xi32>
      %dma_start3A_302 = arith.constant 1 : i32
      %dma_start3A_303 = arith.constant 0 : i32
      %dma_start3A_304 = tpu.memref_slice %arg9[%dma_start3A_302, %add3A_299, %dma_start3A_303] : memref<2x128x64xf32, #tpu.memory_space<vmem>> -> memref<1x1x64xf32, #tpu.memory_space<vmem>>
      %dma_start3A_305 = tpu.memref_squeeze %dma_start3A_304 : memref<1x1x64xf32, #tpu.memory_space<vmem>> -> memref<64xf32, #tpu.memory_space<vmem>>
      %dma_start3A_306 = arith.constant 0 : i32
      %dma_start3A_307 = tpu.memref_slice %arg4[%squeeze3A_301, %dma_start3A_306] : memref<1000000x64xf32, #tpu.memory_space<hbm>> -> memref<1x64xf32, #tpu.memory_space<hbm>>
      %dma_start3A_308 = tpu.memref_squeeze %dma_start3A_307 : memref<1x64xf32, #tpu.memory_space<hbm>> -> memref<64xf32, #tpu.memory_space<hbm>>
      %dma_start3A_309 = arith.constant 0 : i32
      %dma_start3A_310 = tpu.memref_slice %arg9[%dma_start3A_302, %add3A_299, %dma_start3A_309] : memref<2x128x64xf32, #tpu.memory_space<vmem>> -> memref<1x1x64xf32, #tpu.memory_space<vmem>>
      %dma_start3A_311 = tpu.memref_squeeze %dma_start3A_310 : memref<1x1x64xf32, #tpu.memory_space<vmem>> -> memref<64xf32, #tpu.memory_space<vmem>>
      %dma_start3A_312 = arith.constant 0 : i32
      %dma_start3A_313 = tpu.memref_slice %arg4[%squeeze3A_301, %dma_start3A_312] : memref<1000000x64xf32, #tpu.memory_space<hbm>> -> memref<1x64xf32, #tpu.memory_space<hbm>>
      %dma_start3A_314 = tpu.memref_squeeze %dma_start3A_313 : memref<1x64xf32, #tpu.memory_space<hbm>> -> memref<64xf32, #tpu.memory_space<hbm>>
      tpu.enqueue_dma source(%dma_start3A_314 : memref<64xf32, #tpu.memory_space<hbm>>) target(%dma_start3A_311 : memref<64xf32, #tpu.memory_space<vmem>>) target_semaphore(%arg13 : memref<!tpu.dma_semaphore, #tpu.memory_space<semaphore_mem>>)
      %slice3A_315 = vector.extract_strided_slice %get3A_196 {offsets = [3], sizes = [1], strides = [1]} : vector<16xi32> to vector<1xi32>
      %squeeze3A_316 = vector.extract %slice3A_315[0] : i32 from vector<1xi32>
      %dma_start3A_317 = arith.constant 1 : i32
      %dma_start3A_318 = arith.constant 0 : i32
      %dma_start3A_319 = tpu.memref_slice %arg10[%dma_start3A_317, %add3A_299, %dma_start3A_318] : memref<2x128x64xf32, #tpu.memory_space<vmem>> -> memref<1x1x64xf32, #tpu.memory_space<vmem>>
      %dma_start3A_320 = tpu.memref_squeeze %dma_start3A_319 : memref<1x1x64xf32, #tpu.memory_space<vmem>> -> memref<64xf32, #tpu.memory_space<vmem>>
      %dma_start3A_321 = arith.constant 0 : i32
      %dma_start3A_322 = tpu.memref_slice %arg4[%squeeze3A_316, %dma_start3A_321] : memref<1000000x64xf32, #tpu.memory_space<hbm>> -> memref<1x64xf32, #tpu.memory_space<hbm>>
      %dma_start3A_323 = tpu.memref_squeeze %dma_start3A_322 : memref<1x64xf32, #tpu.memory_space<hbm>> -> memref<64xf32, #tpu.memory_space<hbm>>
      %dma_start3A_324 = arith.constant 0 : i32
      %dma_start3A_325 = tpu.memref_slice %arg10[%dma_start3A_317, %add3A_299, %dma_start3A_324] : memref<2x128x64xf32, #tpu.memory_space<vmem>> -> memref<1x1x64xf32, #tpu.memory_space<vmem>>
      %dma_start3A_326 = tpu.memref_squeeze %dma_start3A_325 : memref<1x1x64xf32, #tpu.memory_space<vmem>> -> memref<64xf32, #tpu.memory_space<vmem>>
      %dma_start3A_327 = arith.constant 0 : i32
      %dma_start3A_328 = tpu.memref_slice %arg4[%squeeze3A_316, %dma_start3A_327] : memref<1000000x64xf32, #tpu.memory_space<hbm>> -> memref<1x64xf32, #tpu.memory_space<hbm>>
      %dma_start3A_329 = tpu.memref_squeeze %dma_start3A_328 : memref<1x64xf32, #tpu.memory_space<hbm>> -> memref<64xf32, #tpu.memory_space<hbm>>
      tpu.enqueue_dma source(%dma_start3A_329 : memref<64xf32, #tpu.memory_space<hbm>>) target(%dma_start3A_326 : memref<64xf32, #tpu.memory_space<vmem>>) target_semaphore(%arg13 : memref<!tpu.dma_semaphore, #tpu.memory_space<semaphore_mem>>)
      %mul3A_330 = arith.constant 16 : i32
      %mul3A_331 = arith.muli %scan3A_184, %mul3A_330 : i32
      %add3A_332 = arith.constant 4 : i32
      %add3A_333 = arith.addi %mul3A_331, %add3A_332 : i32
      %slice3A_334 = vector.extract_strided_slice %get3A_190 {offsets = [4], sizes = [1], strides = [1]} : vector<16xi32> to vector<1xi32>
      %squeeze3A_335 = vector.extract %slice3A_334[0] : i32 from vector<1xi32>
      %dma_start3A_336 = arith.constant 1 : i32
      %dma_start3A_337 = arith.constant 0 : i32
      %dma_start3A_338 = tpu.memref_slice %arg9[%dma_start3A_336, %add3A_333, %dma_start3A_337] : memref<2x128x64xf32, #tpu.memory_space<vmem>> -> memref<1x1x64xf32, #tpu.memory_space<vmem>>
      %dma_start3A_339 = tpu.memref_squeeze %dma_start3A_338 : memref<1x1x64xf32, #tpu.memory_space<vmem>> -> memref<64xf32, #tpu.memory_space<vmem>>
      %dma_start3A_340 = arith.constant 0 : i32
      %dma_start3A_341 = tpu.memref_slice %arg4[%squeeze3A_335, %dma_start3A_340] : memref<1000000x64xf32, #tpu.memory_space<hbm>> -> memref<1x64xf32, #tpu.memory_space<hbm>>
      %dma_start3A_342 = tpu.memref_squeeze %dma_start3A_341 : memref<1x64xf32, #tpu.memory_space<hbm>> -> memref<64xf32, #tpu.memory_space<hbm>>
      %dma_start3A_343 = arith.constant 0 : i32
      %dma_start3A_344 = tpu.memref_slice %arg9[%dma_start3A_336, %add3A_333, %dma_start3A_343] : memref<2x128x64xf32, #tpu.memory_space<vmem>> -> memref<1x1x64xf32, #tpu.memory_space<vmem>>
      %dma_start3A_345 = tpu.memref_squeeze %dma_start3A_344 : memref<1x1x64xf32, #tpu.memory_space<vmem>> -> memref<64xf32, #tpu.memory_space<vmem>>
      %dma_start3A_346 = arith.constant 0 : i32
      %dma_start3A_347 = tpu.memref_slice %arg4[%squeeze3A_335, %dma_start3A_346] : memref<1000000x64xf32, #tpu.memory_space<hbm>> -> memref<1x64xf32, #tpu.memory_space<hbm>>
      %dma_start3A_348 = tpu.memref_squeeze %dma_start3A_347 : memref<1x64xf32, #tpu.memory_space<hbm>> -> memref<64xf32, #tpu.memory_space<hbm>>
      tpu.enqueue_dma source(%dma_start3A_348 : memref<64xf32, #tpu.memory_space<hbm>>) target(%dma_start3A_345 : memref<64xf32, #tpu.memory_space<vmem>>) target_semaphore(%arg13 : memref<!tpu.dma_semaphore, #tpu.memory_space<semaphore_mem>>)
      %slice3A_349 = vector.extract_strided_slice %get3A_196 {offsets = [4], sizes = [1], strides = [1]} : vector<16xi32> to vector<1xi32>
      %squeeze3A_350 = vector.extract %slice3A_349[0] : i32 from vector<1xi32>
      %dma_start3A_351 = arith.constant 1 : i32
      %dma_start3A_352 = arith.constant 0 : i32
      %dma_start3A_353 = tpu.memref_slice %arg10[%dma_start3A_351, %add3A_333, %dma_start3A_352] : memref<2x128x64xf32, #tpu.memory_space<vmem>> -> memref<1x1x64xf32, #tpu.memory_space<vmem>>
      %dma_start3A_354 = tpu.memref_squeeze %dma_start3A_353 : memref<1x1x64xf32, #tpu.memory_space<vmem>> -> memref<64xf32, #tpu.memory_space<vmem>>
      %dma_start3A_355 = arith.constant 0 : i32
      %dma_start3A_356 = tpu.memref_slice %arg4[%squeeze3A_350, %dma_start3A_355] : memref<1000000x64xf32, #tpu.memory_space<hbm>> -> memref<1x64xf32, #tpu.memory_space<hbm>>
      %dma_start3A_357 = tpu.memref_squeeze %dma_start3A_356 : memref<1x64xf32, #tpu.memory_space<hbm>> -> memref<64xf32, #tpu.memory_space<hbm>>
      %dma_start3A_358 = arith.constant 0 : i32
      %dma_start3A_359 = tpu.memref_slice %arg10[%dma_start3A_351, %add3A_333, %dma_start3A_358] : memref<2x128x64xf32, #tpu.memory_space<vmem>> -> memref<1x1x64xf32, #tpu.memory_space<vmem>>
      %dma_start3A_360 = tpu.memref_squeeze %dma_start3A_359 : memref<1x1x64xf32, #tpu.memory_space<vmem>> -> memref<64xf32, #tpu.memory_space<vmem>>
      %dma_start3A_361 = arith.constant 0 : i32
      %dma_start3A_362 = tpu.memref_slice %arg4[%squeeze3A_350, %dma_start3A_361] : memref<1000000x64xf32, #tpu.memory_space<hbm>> -> memref<1x64xf32, #tpu.memory_space<hbm>>
      %dma_start3A_363 = tpu.memref_squeeze %dma_start3A_362 : memref<1x64xf32, #tpu.memory_space<hbm>> -> memref<64xf32, #tpu.memory_space<hbm>>
      tpu.enqueue_dma source(%dma_start3A_363 : memref<64xf32, #tpu.memory_space<hbm>>) target(%dma_start3A_360 : memref<64xf32, #tpu.memory_space<vmem>>) target_semaphore(%arg13 : memref<!tpu.dma_semaphore, #tpu.memory_space<semaphore_mem>>)
      %mul3A_364 = arith.constant 16 : i32
      %mul3A_365 = arith.muli %scan3A_184, %mul3A_364 : i32
      %add3A_366 = arith.constant 5 : i32
      %add3A_367 = arith.addi %mul3A_365, %add3A_366 : i32
      %slice3A_368 = vector.extract_strided_slice %get3A_190 {offsets = [5], sizes = [1], strides = [1]} : vector<16xi32> to vector<1xi32>
      %squeeze3A_369 = vector.extract %slice3A_368[0] : i32 from vector<1xi32>
      %dma_start3A_370 = arith.constant 1 : i32
      %dma_start3A_371 = arith.constant 0 : i32
      %dma_start3A_372 = tpu.memref_slice %arg9[%dma_start3A_370, %add3A_367, %dma_start3A_371] : memref<2x128x64xf32, #tpu.memory_space<vmem>> -> memref<1x1x64xf32, #tpu.memory_space<vmem>>
      %dma_start3A_373 = tpu.memref_squeeze %dma_start3A_372 : memref<1x1x64xf32, #tpu.memory_space<vmem>> -> memref<64xf32, #tpu.memory_space<vmem>>
      %dma_start3A_374 = arith.constant 0 : i32
      %dma_start3A_375 = tpu.memref_slice %arg4[%squeeze3A_369, %dma_start3A_374] : memref<1000000x64xf32, #tpu.memory_space<hbm>> -> memref<1x64xf32, #tpu.memory_space<hbm>>
      %dma_start3A_376 = tpu.memref_squeeze %dma_start3A_375 : memref<1x64xf32, #tpu.memory_space<hbm>> -> memref<64xf32, #tpu.memory_space<hbm>>
      %dma_start3A_377 = arith.constant 0 : i32
      %dma_start3A_378 = tpu.memref_slice %arg9[%dma_start3A_370, %add3A_367, %dma_start3A_377] : memref<2x128x64xf32, #tpu.memory_space<vmem>> -> memref<1x1x64xf32, #tpu.memory_space<vmem>>
      %dma_start3A_379 = tpu.memref_squeeze %dma_start3A_378 : memref<1x1x64xf32, #tpu.memory_space<vmem>> -> memref<64xf32, #tpu.memory_space<vmem>>
      %dma_start3A_380 = arith.constant 0 : i32
      %dma_start3A_381 = tpu.memref_slice %arg4[%squeeze3A_369, %dma_start3A_380] : memref<1000000x64xf32, #tpu.memory_space<hbm>> -> memref<1x64xf32, #tpu.memory_space<hbm>>
      %dma_start3A_382 = tpu.memref_squeeze %dma_start3A_381 : memref<1x64xf32, #tpu.memory_space<hbm>> -> memref<64xf32, #tpu.memory_space<hbm>>
      tpu.enqueue_dma source(%dma_start3A_382 : memref<64xf32, #tpu.memory_space<hbm>>) target(%dma_start3A_379 : memref<64xf32, #tpu.memory_space<vmem>>) target_semaphore(%arg13 : memref<!tpu.dma_semaphore, #tpu.memory_space<semaphore_mem>>)
      %slice3A_383 = vector.extract_strided_slice %get3A_196 {offsets = [5], sizes = [1], strides = [1]} : vector<16xi32> to vector<1xi32>
      %squeeze3A_384 = vector.extract %slice3A_383[0] : i32 from vector<1xi32>
      %dma_start3A_385 = arith.constant 1 : i32
      %dma_start3A_386 = arith.constant 0 : i32
      %dma_start3A_387 = tpu.memref_slice %arg10[%dma_start3A_385, %add3A_367, %dma_start3A_386] : memref<2x128x64xf32, #tpu.memory_space<vmem>> -> memref<1x1x64xf32, #tpu.memory_space<vmem>>
      %dma_start3A_388 = tpu.memref_squeeze %dma_start3A_387 : memref<1x1x64xf32, #tpu.memory_space<vmem>> -> memref<64xf32, #tpu.memory_space<vmem>>
      %dma_start3A_389 = arith.constant 0 : i32
      %dma_start3A_390 = tpu.memref_slice %arg4[%squeeze3A_384, %dma_start3A_389] : memref<1000000x64xf32, #tpu.memory_space<hbm>> -> memref<1x64xf32, #tpu.memory_space<hbm>>
      %dma_start3A_391 = tpu.memref_squeeze %dma_start3A_390 : memref<1x64xf32, #tpu.memory_space<hbm>> -> memref<64xf32, #tpu.memory_space<hbm>>
      %dma_start3A_392 = arith.constant 0 : i32
      %dma_start3A_393 = tpu.memref_slice %arg10[%dma_start3A_385, %add3A_367, %dma_start3A_392] : memref<2x128x64xf32, #tpu.memory_space<vmem>> -> memref<1x1x64xf32, #tpu.memory_space<vmem>>
      %dma_start3A_394 = tpu.memref_squeeze %dma_start3A_393 : memref<1x1x64xf32, #tpu.memory_space<vmem>> -> memref<64xf32, #tpu.memory_space<vmem>>
      %dma_start3A_395 = arith.constant 0 : i32
      %dma_start3A_396 = tpu.memref_slice %arg4[%squeeze3A_384, %dma_start3A_395] : memref<1000000x64xf32, #tpu.memory_space<hbm>> -> memref<1x64xf32, #tpu.memory_space<hbm>>
      %dma_start3A_397 = tpu.memref_squeeze %dma_start3A_396 : memref<1x64xf32, #tpu.memory_space<hbm>> -> memref<64xf32, #tpu.memory_space<hbm>>
      tpu.enqueue_dma source(%dma_start3A_397 : memref<64xf32, #tpu.memory_space<hbm>>) target(%dma_start3A_394 : memref<64xf32, #tpu.memory_space<vmem>>) target_semaphore(%arg13 : memref<!tpu.dma_semaphore, #tpu.memory_space<semaphore_mem>>)
      %mul3A_398 = arith.constant 16 : i32
      %mul3A_399 = arith.muli %scan3A_184, %mul3A_398 : i32
      %add3A_400 = arith.constant 6 : i32
      %add3A_401 = arith.addi %mul3A_399, %add3A_400 : i32
      %slice3A_402 = vector.extract_strided_slice %get3A_190 {offsets = [6], sizes = [1], strides = [1]} : vector<16xi32> to vector<1xi32>
      %squeeze3A_403 = vector.extract %slice3A_402[0] : i32 from vector<1xi32>
      %dma_start3A_404 = arith.constant 1 : i32
      %dma_start3A_405 = arith.constant 0 : i32
      %dma_start3A_406 = tpu.memref_slice %arg9[%dma_start3A_404, %add3A_401, %dma_start3A_405] : memref<2x128x64xf32, #tpu.memory_space<vmem>> -> memref<1x1x64xf32, #tpu.memory_space<vmem>>
      %dma_start3A_407 = tpu.memref_squeeze %dma_start3A_406 : memref<1x1x64xf32, #tpu.memory_space<vmem>> -> memref<64xf32, #tpu.memory_space<vmem>>
      %dma_start3A_408 = arith.constant 0 : i32
      %dma_start3A_409 = tpu.memref_slice %arg4[%squeeze3A_403, %dma_start3A_408] : memref<1000000x64xf32, #tpu.memory_space<hbm>> -> memref<1x64xf32, #tpu.memory_space<hbm>>
      %dma_start3A_410 = tpu.memref_squeeze %dma_start3A_409 : memref<1x64xf32, #tpu.memory_space<hbm>> -> memref<64xf32, #tpu.memory_space<hbm>>
      %dma_start3A_411 = arith.constant 0 : i32
      %dma_start3A_412 = tpu.memref_slice %arg9[%dma_start3A_404, %add3A_401, %dma_start3A_411] : memref<2x128x64xf32, #tpu.memory_space<vmem>> -> memref<1x1x64xf32, #tpu.memory_space<vmem>>
      %dma_start3A_413 = tpu.memref_squeeze %dma_start3A_412 : memref<1x1x64xf32, #tpu.memory_space<vmem>> -> memref<64xf32, #tpu.memory_space<vmem>>
      %dma_start3A_414 = arith.constant 0 : i32
      %dma_start3A_415 = tpu.memref_slice %arg4[%squeeze3A_403, %dma_start3A_414] : memref<1000000x64xf32, #tpu.memory_space<hbm>> -> memref<1x64xf32, #tpu.memory_space<hbm>>
      %dma_start3A_416 = tpu.memref_squeeze %dma_start3A_415 : memref<1x64xf32, #tpu.memory_space<hbm>> -> memref<64xf32, #tpu.memory_space<hbm>>
      tpu.enqueue_dma source(%dma_start3A_416 : memref<64xf32, #tpu.memory_space<hbm>>) target(%dma_start3A_413 : memref<64xf32, #tpu.memory_space<vmem>>) target_semaphore(%arg13 : memref<!tpu.dma_semaphore, #tpu.memory_space<semaphore_mem>>)
      %slice3A_417 = vector.extract_strided_slice %get3A_196 {offsets = [6], sizes = [1], strides = [1]} : vector<16xi32> to vector<1xi32>
      %squeeze3A_418 = vector.extract %slice3A_417[0] : i32 from vector<1xi32>
      %dma_start3A_419 = arith.constant 1 : i32
      %dma_start3A_420 = arith.constant 0 : i32
      %dma_start3A_421 = tpu.memref_slice %arg10[%dma_start3A_419, %add3A_401, %dma_start3A_420] : memref<2x128x64xf32, #tpu.memory_space<vmem>> -> memref<1x1x64xf32, #tpu.memory_space<vmem>>
      %dma_start3A_422 = tpu.memref_squeeze %dma_start3A_421 : memref<1x1x64xf32, #tpu.memory_space<vmem>> -> memref<64xf32, #tpu.memory_space<vmem>>
      %dma_start3A_423 = arith.constant 0 : i32
      %dma_start3A_424 = tpu.memref_slice %arg4[%squeeze3A_418, %dma_start3A_423] : memref<1000000x64xf32, #tpu.memory_space<hbm>> -> memref<1x64xf32, #tpu.memory_space<hbm>>
      %dma_start3A_425 = tpu.memref_squeeze %dma_start3A_424 : memref<1x64xf32, #tpu.memory_space<hbm>> -> memref<64xf32, #tpu.memory_space<hbm>>
      %dma_start3A_426 = arith.constant 0 : i32
      %dma_start3A_427 = tpu.memref_slice %arg10[%dma_start3A_419, %add3A_401, %dma_start3A_426] : memref<2x128x64xf32, #tpu.memory_space<vmem>> -> memref<1x1x64xf32, #tpu.memory_space<vmem>>
      %dma_start3A_428 = tpu.memref_squeeze %dma_start3A_427 : memref<1x1x64xf32, #tpu.memory_space<vmem>> -> memref<64xf32, #tpu.memory_space<vmem>>
      %dma_start3A_429 = arith.constant 0 : i32
      %dma_start3A_430 = tpu.memref_slice %arg4[%squeeze3A_418, %dma_start3A_429] : memref<1000000x64xf32, #tpu.memory_space<hbm>> -> memref<1x64xf32, #tpu.memory_space<hbm>>
      %dma_start3A_431 = tpu.memref_squeeze %dma_start3A_430 : memref<1x64xf32, #tpu.memory_space<hbm>> -> memref<64xf32, #tpu.memory_space<hbm>>
      tpu.enqueue_dma source(%dma_start3A_431 : memref<64xf32, #tpu.memory_space<hbm>>) target(%dma_start3A_428 : memref<64xf32, #tpu.memory_space<vmem>>) target_semaphore(%arg13 : memref<!tpu.dma_semaphore, #tpu.memory_space<semaphore_mem>>)
      %mul3A_432 = arith.constant 16 : i32
      %mul3A_433 = arith.muli %scan3A_184, %mul3A_432 : i32
      %add3A_434 = arith.constant 7 : i32
      %add3A_435 = arith.addi %mul3A_433, %add3A_434 : i32
      %slice3A_436 = vector.extract_strided_slice %get3A_190 {offsets = [7], sizes = [1], strides = [1]} : vector<16xi32> to vector<1xi32>
      %squeeze3A_437 = vector.extract %slice3A_436[0] : i32 from vector<1xi32>
      %dma_start3A_438 = arith.constant 1 : i32
      %dma_start3A_439 = arith.constant 0 : i32
      %dma_start3A_440 = tpu.memref_slice %arg9[%dma_start3A_438, %add3A_435, %dma_start3A_439] : memref<2x128x64xf32, #tpu.memory_space<vmem>> -> memref<1x1x64xf32, #tpu.memory_space<vmem>>
      %dma_start3A_441 = tpu.memref_squeeze %dma_start3A_440 : memref<1x1x64xf32, #tpu.memory_space<vmem>> -> memref<64xf32, #tpu.memory_space<vmem>>
      %dma_start3A_442 = arith.constant 0 : i32
      %dma_start3A_443 = tpu.memref_slice %arg4[%squeeze3A_437, %dma_start3A_442] : memref<1000000x64xf32, #tpu.memory_space<hbm>> -> memref<1x64xf32, #tpu.memory_space<hbm>>
      %dma_start3A_444 = tpu.memref_squeeze %dma_start3A_443 : memref<1x64xf32, #tpu.memory_space<hbm>> -> memref<64xf32, #tpu.memory_space<hbm>>
      %dma_start3A_445 = arith.constant 0 : i32
      %dma_start3A_446 = tpu.memref_slice %arg9[%dma_start3A_438, %add3A_435, %dma_start3A_445] : memref<2x128x64xf32, #tpu.memory_space<vmem>> -> memref<1x1x64xf32, #tpu.memory_space<vmem>>
      %dma_start3A_447 = tpu.memref_squeeze %dma_start3A_446 : memref<1x1x64xf32, #tpu.memory_space<vmem>> -> memref<64xf32, #tpu.memory_space<vmem>>
      %dma_start3A_448 = arith.constant 0 : i32
      %dma_start3A_449 = tpu.memref_slice %arg4[%squeeze3A_437, %dma_start3A_448] : memref<1000000x64xf32, #tpu.memory_space<hbm>> -> memref<1x64xf32, #tpu.memory_space<hbm>>
      %dma_start3A_450 = tpu.memref_squeeze %dma_start3A_449 : memref<1x64xf32, #tpu.memory_space<hbm>> -> memref<64xf32, #tpu.memory_space<hbm>>
      tpu.enqueue_dma source(%dma_start3A_450 : memref<64xf32, #tpu.memory_space<hbm>>) target(%dma_start3A_447 : memref<64xf32, #tpu.memory_space<vmem>>) target_semaphore(%arg13 : memref<!tpu.dma_semaphore, #tpu.memory_space<semaphore_mem>>)
      %slice3A_451 = vector.extract_strided_slice %get3A_196 {offsets = [7], sizes = [1], strides = [1]} : vector<16xi32> to vector<1xi32>
      %squeeze3A_452 = vector.extract %slice3A_451[0] : i32 from vector<1xi32>
      %dma_start3A_453 = arith.constant 1 : i32
      %dma_start3A_454 = arith.constant 0 : i32
      %dma_start3A_455 = tpu.memref_slice %arg10[%dma_start3A_453, %add3A_435, %dma_start3A_454] : memref<2x128x64xf32, #tpu.memory_space<vmem>> -> memref<1x1x64xf32, #tpu.memory_space<vmem>>
      %dma_start3A_456 = tpu.memref_squeeze %dma_start3A_455 : memref<1x1x64xf32, #tpu.memory_space<vmem>> -> memref<64xf32, #tpu.memory_space<vmem>>
      %dma_start3A_457 = arith.constant 0 : i32
      %dma_start3A_458 = tpu.memref_slice %arg4[%squeeze3A_452, %dma_start3A_457] : memref<1000000x64xf32, #tpu.memory_space<hbm>> -> memref<1x64xf32, #tpu.memory_space<hbm>>
      %dma_start3A_459 = tpu.memref_squeeze %dma_start3A_458 : memref<1x64xf32, #tpu.memory_space<hbm>> -> memref<64xf32, #tpu.memory_space<hbm>>
      %dma_start3A_460 = arith.constant 0 : i32
      %dma_start3A_461 = tpu.memref_slice %arg10[%dma_start3A_453, %add3A_435, %dma_start3A_460] : memref<2x128x64xf32, #tpu.memory_space<vmem>> -> memref<1x1x64xf32, #tpu.memory_space<vmem>>
      %dma_start3A_462 = tpu.memref_squeeze %dma_start3A_461 : memref<1x1x64xf32, #tpu.memory_space<vmem>> -> memref<64xf32, #tpu.memory_space<vmem>>
      %dma_start3A_463 = arith.constant 0 : i32
      %dma_start3A_464 = tpu.memref_slice %arg4[%squeeze3A_452, %dma_start3A_463] : memref<1000000x64xf32, #tpu.memory_space<hbm>> -> memref<1x64xf32, #tpu.memory_space<hbm>>
      %dma_start3A_465 = tpu.memref_squeeze %dma_start3A_464 : memref<1x64xf32, #tpu.memory_space<hbm>> -> memref<64xf32, #tpu.memory_space<hbm>>
      tpu.enqueue_dma source(%dma_start3A_465 : memref<64xf32, #tpu.memory_space<hbm>>) target(%dma_start3A_462 : memref<64xf32, #tpu.memory_space<vmem>>) target_semaphore(%arg13 : memref<!tpu.dma_semaphore, #tpu.memory_space<semaphore_mem>>)
      %mul3A_466 = arith.constant 16 : i32
      %mul3A_467 = arith.muli %scan3A_184, %mul3A_466 : i32
      %add3A_468 = arith.constant 8 : i32
      %add3A_469 = arith.addi %mul3A_467, %add3A_468 : i32
      %slice3A_470 = vector.extract_strided_slice %get3A_190 {offsets = [8], sizes = [1], strides = [1]} : vector<16xi32> to vector<1xi32>
      %squeeze3A_471 = vector.extract %slice3A_470[0] : i32 from vector<1xi32>
      %dma_start3A_472 = arith.constant 1 : i32
      %dma_start3A_473 = arith.constant 0 : i32
      %dma_start3A_474 = tpu.memref_slice %arg9[%dma_start3A_472, %add3A_469, %dma_start3A_473] : memref<2x128x64xf32, #tpu.memory_space<vmem>> -> memref<1x1x64xf32, #tpu.memory_space<vmem>>
      %dma_start3A_475 = tpu.memref_squeeze %dma_start3A_474 : memref<1x1x64xf32, #tpu.memory_space<vmem>> -> memref<64xf32, #tpu.memory_space<vmem>>
      %dma_start3A_476 = arith.constant 0 : i32
      %dma_start3A_477 = tpu.memref_slice %arg4[%squeeze3A_471, %dma_start3A_476] : memref<1000000x64xf32, #tpu.memory_space<hbm>> -> memref<1x64xf32, #tpu.memory_space<hbm>>
      %dma_start3A_478 = tpu.memref_squeeze %dma_start3A_477 : memref<1x64xf32, #tpu.memory_space<hbm>> -> memref<64xf32, #tpu.memory_space<hbm>>
      %dma_start3A_479 = arith.constant 0 : i32
      %dma_start3A_480 = tpu.memref_slice %arg9[%dma_start3A_472, %add3A_469, %dma_start3A_479] : memref<2x128x64xf32, #tpu.memory_space<vmem>> -> memref<1x1x64xf32, #tpu.memory_space<vmem>>
      %dma_start3A_481 = tpu.memref_squeeze %dma_start3A_480 : memref<1x1x64xf32, #tpu.memory_space<vmem>> -> memref<64xf32, #tpu.memory_space<vmem>>
      %dma_start3A_482 = arith.constant 0 : i32
      %dma_start3A_483 = tpu.memref_slice %arg4[%squeeze3A_471, %dma_start3A_482] : memref<1000000x64xf32, #tpu.memory_space<hbm>> -> memref<1x64xf32, #tpu.memory_space<hbm>>
      %dma_start3A_484 = tpu.memref_squeeze %dma_start3A_483 : memref<1x64xf32, #tpu.memory_space<hbm>> -> memref<64xf32, #tpu.memory_space<hbm>>
      tpu.enqueue_dma source(%dma_start3A_484 : memref<64xf32, #tpu.memory_space<hbm>>) target(%dma_start3A_481 : memref<64xf32, #tpu.memory_space<vmem>>) target_semaphore(%arg13 : memref<!tpu.dma_semaphore, #tpu.memory_space<semaphore_mem>>)
      %slice3A_485 = vector.extract_strided_slice %get3A_196 {offsets = [8], sizes = [1], strides = [1]} : vector<16xi32> to vector<1xi32>
      %squeeze3A_486 = vector.extract %slice3A_485[0] : i32 from vector<1xi32>
      %dma_start3A_487 = arith.constant 1 : i32
      %dma_start3A_488 = arith.constant 0 : i32
      %dma_start3A_489 = tpu.memref_slice %arg10[%dma_start3A_487, %add3A_469, %dma_start3A_488] : memref<2x128x64xf32, #tpu.memory_space<vmem>> -> memref<1x1x64xf32, #tpu.memory_space<vmem>>
      %dma_start3A_490 = tpu.memref_squeeze %dma_start3A_489 : memref<1x1x64xf32, #tpu.memory_space<vmem>> -> memref<64xf32, #tpu.memory_space<vmem>>
      %dma_start3A_491 = arith.constant 0 : i32
      %dma_start3A_492 = tpu.memref_slice %arg4[%squeeze3A_486, %dma_start3A_491] : memref<1000000x64xf32, #tpu.memory_space<hbm>> -> memref<1x64xf32, #tpu.memory_space<hbm>>
      %dma_start3A_493 = tpu.memref_squeeze %dma_start3A_492 : memref<1x64xf32, #tpu.memory_space<hbm>> -> memref<64xf32, #tpu.memory_space<hbm>>
      %dma_start3A_494 = arith.constant 0 : i32
      %dma_start3A_495 = tpu.memref_slice %arg10[%dma_start3A_487, %add3A_469, %dma_start3A_494] : memref<2x128x64xf32, #tpu.memory_space<vmem>> -> memref<1x1x64xf32, #tpu.memory_space<vmem>>
      %dma_start3A_496 = tpu.memref_squeeze %dma_start3A_495 : memref<1x1x64xf32, #tpu.memory_space<vmem>> -> memref<64xf32, #tpu.memory_space<vmem>>
      %dma_start3A_497 = arith.constant 0 : i32
      %dma_start3A_498 = tpu.memref_slice %arg4[%squeeze3A_486, %dma_start3A_497] : memref<1000000x64xf32, #tpu.memory_space<hbm>> -> memref<1x64xf32, #tpu.memory_space<hbm>>
      %dma_start3A_499 = tpu.memref_squeeze %dma_start3A_498 : memref<1x64xf32, #tpu.memory_space<hbm>> -> memref<64xf32, #tpu.memory_space<hbm>>
      tpu.enqueue_dma source(%dma_start3A_499 : memref<64xf32, #tpu.memory_space<hbm>>) target(%dma_start3A_496 : memref<64xf32, #tpu.memory_space<vmem>>) target_semaphore(%arg13 : memref<!tpu.dma_semaphore, #tpu.memory_space<semaphore_mem>>)
      %mul3A_500 = arith.constant 16 : i32
      %mul3A_501 = arith.muli %scan3A_184, %mul3A_500 : i32
      %add3A_502 = arith.constant 9 : i32
      %add3A_503 = arith.addi %mul3A_501, %add3A_502 : i32
      %slice3A_504 = vector.extract_strided_slice %get3A_190 {offsets = [9], sizes = [1], strides = [1]} : vector<16xi32> to vector<1xi32>
      %squeeze3A_505 = vector.extract %slice3A_504[0] : i32 from vector<1xi32>
      %dma_start3A_506 = arith.constant 1 : i32
      %dma_start3A_507 = arith.constant 0 : i32
      %dma_start3A_508 = tpu.memref_slice %arg9[%dma_start3A_506, %add3A_503, %dma_start3A_507] : memref<2x128x64xf32, #tpu.memory_space<vmem>> -> memref<1x1x64xf32, #tpu.memory_space<vmem>>
      %dma_start3A_509 = tpu.memref_squeeze %dma_start3A_508 : memref<1x1x64xf32, #tpu.memory_space<vmem>> -> memref<64xf32, #tpu.memory_space<vmem>>
      %dma_start3A_510 = arith.constant 0 : i32
      %dma_start3A_511 = tpu.memref_slice %arg4[%squeeze3A_505, %dma_start3A_510] : memref<1000000x64xf32, #tpu.memory_space<hbm>> -> memref<1x64xf32, #tpu.memory_space<hbm>>
      %dma_start3A_512 = tpu.memref_squeeze %dma_start3A_511 : memref<1x64xf32, #tpu.memory_space<hbm>> -> memref<64xf32, #tpu.memory_space<hbm>>
      %dma_start3A_513 = arith.constant 0 : i32
      %dma_start3A_514 = tpu.memref_slice %arg9[%dma_start3A_506, %add3A_503, %dma_start3A_513] : memref<2x128x64xf32, #tpu.memory_space<vmem>> -> memref<1x1x64xf32, #tpu.memory_space<vmem>>
      %dma_start3A_515 = tpu.memref_squeeze %dma_start3A_514 : memref<1x1x64xf32, #tpu.memory_space<vmem>> -> memref<64xf32, #tpu.memory_space<vmem>>
      %dma_start3A_516 = arith.constant 0 : i32
      %dma_start3A_517 = tpu.memref_slice %arg4[%squeeze3A_505, %dma_start3A_516] : memref<1000000x64xf32, #tpu.memory_space<hbm>> -> memref<1x64xf32, #tpu.memory_space<hbm>>
      %dma_start3A_518 = tpu.memref_squeeze %dma_start3A_517 : memref<1x64xf32, #tpu.memory_space<hbm>> -> memref<64xf32, #tpu.memory_space<hbm>>
      tpu.enqueue_dma source(%dma_start3A_518 : memref<64xf32, #tpu.memory_space<hbm>>) target(%dma_start3A_515 : memref<64xf32, #tpu.memory_space<vmem>>) target_semaphore(%arg13 : memref<!tpu.dma_semaphore, #tpu.memory_space<semaphore_mem>>)
      %slice3A_519 = vector.extract_strided_slice %get3A_196 {offsets = [9], sizes = [1], strides = [1]} : vector<16xi32> to vector<1xi32>
      %squeeze3A_520 = vector.extract %slice3A_519[0] : i32 from vector<1xi32>
      %dma_start3A_521 = arith.constant 1 : i32
      %dma_start3A_522 = arith.constant 0 : i32
      %dma_start3A_523 = tpu.memref_slice %arg10[%dma_start3A_521, %add3A_503, %dma_start3A_522] : memref<2x128x64xf32, #tpu.memory_space<vmem>> -> memref<1x1x64xf32, #tpu.memory_space<vmem>>
      %dma_start3A_524 = tpu.memref_squeeze %dma_start3A_523 : memref<1x1x64xf32, #tpu.memory_space<vmem>> -> memref<64xf32, #tpu.memory_space<vmem>>
      %dma_start3A_525 = arith.constant 0 : i32
      %dma_start3A_526 = tpu.memref_slice %arg4[%squeeze3A_520, %dma_start3A_525] : memref<1000000x64xf32, #tpu.memory_space<hbm>> -> memref<1x64xf32, #tpu.memory_space<hbm>>
      %dma_start3A_527 = tpu.memref_squeeze %dma_start3A_526 : memref<1x64xf32, #tpu.memory_space<hbm>> -> memref<64xf32, #tpu.memory_space<hbm>>
      %dma_start3A_528 = arith.constant 0 : i32
      %dma_start3A_529 = tpu.memref_slice %arg10[%dma_start3A_521, %add3A_503, %dma_start3A_528] : memref<2x128x64xf32, #tpu.memory_space<vmem>> -> memref<1x1x64xf32, #tpu.memory_space<vmem>>
      %dma_start3A_530 = tpu.memref_squeeze %dma_start3A_529 : memref<1x1x64xf32, #tpu.memory_space<vmem>> -> memref<64xf32, #tpu.memory_space<vmem>>
      %dma_start3A_531 = arith.constant 0 : i32
      %dma_start3A_532 = tpu.memref_slice %arg4[%squeeze3A_520, %dma_start3A_531] : memref<1000000x64xf32, #tpu.memory_space<hbm>> -> memref<1x64xf32, #tpu.memory_space<hbm>>
      %dma_start3A_533 = tpu.memref_squeeze %dma_start3A_532 : memref<1x64xf32, #tpu.memory_space<hbm>> -> memref<64xf32, #tpu.memory_space<hbm>>
      tpu.enqueue_dma source(%dma_start3A_533 : memref<64xf32, #tpu.memory_space<hbm>>) target(%dma_start3A_530 : memref<64xf32, #tpu.memory_space<vmem>>) target_semaphore(%arg13 : memref<!tpu.dma_semaphore, #tpu.memory_space<semaphore_mem>>)
      %mul3A_534 = arith.constant 16 : i32
      %mul3A_535 = arith.muli %scan3A_184, %mul3A_534 : i32
      %add3A_536 = arith.constant 10 : i32
      %add3A_537 = arith.addi %mul3A_535, %add3A_536 : i32
      %slice3A_538 = vector.extract_strided_slice %get3A_190 {offsets = [10], sizes = [1], strides = [1]} : vector<16xi32> to vector<1xi32>
      %squeeze3A_539 = vector.extract %slice3A_538[0] : i32 from vector<1xi32>
      %dma_start3A_540 = arith.constant 1 : i32
      %dma_start3A_541 = arith.constant 0 : i32
      %dma_start3A_542 = tpu.memref_slice %arg9[%dma_start3A_540, %add3A_537, %dma_start3A_541] : memref<2x128x64xf32, #tpu.memory_space<vmem>> -> memref<1x1x64xf32, #tpu.memory_space<vmem>>
      %dma_start3A_543 = tpu.memref_squeeze %dma_start3A_542 : memref<1x1x64xf32, #tpu.memory_space<vmem>> -> memref<64xf32, #tpu.memory_space<vmem>>
      %dma_start3A_544 = arith.constant 0 : i32
      %dma_start3A_545 = tpu.memref_slice %arg4[%squeeze3A_539, %dma_start3A_544] : memref<1000000x64xf32, #tpu.memory_space<hbm>> -> memref<1x64xf32, #tpu.memory_space<hbm>>
      %dma_start3A_546 = tpu.memref_squeeze %dma_start3A_545 : memref<1x64xf32, #tpu.memory_space<hbm>> -> memref<64xf32, #tpu.memory_space<hbm>>
      %dma_start3A_547 = arith.constant 0 : i32
      %dma_start3A_548 = tpu.memref_slice %arg9[%dma_start3A_540, %add3A_537, %dma_start3A_547] : memref<2x128x64xf32, #tpu.memory_space<vmem>> -> memref<1x1x64xf32, #tpu.memory_space<vmem>>
      %dma_start3A_549 = tpu.memref_squeeze %dma_start3A_548 : memref<1x1x64xf32, #tpu.memory_space<vmem>> -> memref<64xf32, #tpu.memory_space<vmem>>
      %dma_start3A_550 = arith.constant 0 : i32
      %dma_start3A_551 = tpu.memref_slice %arg4[%squeeze3A_539, %dma_start3A_550] : memref<1000000x64xf32, #tpu.memory_space<hbm>> -> memref<1x64xf32, #tpu.memory_space<hbm>>
      %dma_start3A_552 = tpu.memref_squeeze %dma_start3A_551 : memref<1x64xf32, #tpu.memory_space<hbm>> -> memref<64xf32, #tpu.memory_space<hbm>>
      tpu.enqueue_dma source(%dma_start3A_552 : memref<64xf32, #tpu.memory_space<hbm>>) target(%dma_start3A_549 : memref<64xf32, #tpu.memory_space<vmem>>) target_semaphore(%arg13 : memref<!tpu.dma_semaphore, #tpu.memory_space<semaphore_mem>>)
      %slice3A_553 = vector.extract_strided_slice %get3A_196 {offsets = [10], sizes = [1], strides = [1]} : vector<16xi32> to vector<1xi32>
      %squeeze3A_554 = vector.extract %slice3A_553[0] : i32 from vector<1xi32>
      %dma_start3A_555 = arith.constant 1 : i32
      %dma_start3A_556 = arith.constant 0 : i32
      %dma_start3A_557 = tpu.memref_slice %arg10[%dma_start3A_555, %add3A_537, %dma_start3A_556] : memref<2x128x64xf32, #tpu.memory_space<vmem>> -> memref<1x1x64xf32, #tpu.memory_space<vmem>>
      %dma_start3A_558 = tpu.memref_squeeze %dma_start3A_557 : memref<1x1x64xf32, #tpu.memory_space<vmem>> -> memref<64xf32, #tpu.memory_space<vmem>>
      %dma_start3A_559 = arith.constant 0 : i32
      %dma_start3A_560 = tpu.memref_slice %arg4[%squeeze3A_554, %dma_start3A_559] : memref<1000000x64xf32, #tpu.memory_space<hbm>> -> memref<1x64xf32, #tpu.memory_space<hbm>>
      %dma_start3A_561 = tpu.memref_squeeze %dma_start3A_560 : memref<1x64xf32, #tpu.memory_space<hbm>> -> memref<64xf32, #tpu.memory_space<hbm>>
      %dma_start3A_562 = arith.constant 0 : i32
      %dma_start3A_563 = tpu.memref_slice %arg10[%dma_start3A_555, %add3A_537, %dma_start3A_562] : memref<2x128x64xf32, #tpu.memory_space<vmem>> -> memref<1x1x64xf32, #tpu.memory_space<vmem>>
      %dma_start3A_564 = tpu.memref_squeeze %dma_start3A_563 : memref<1x1x64xf32, #tpu.memory_space<vmem>> -> memref<64xf32, #tpu.memory_space<vmem>>
      %dma_start3A_565 = arith.constant 0 : i32
      %dma_start3A_566 = tpu.memref_slice %arg4[%squeeze3A_554, %dma_start3A_565] : memref<1000000x64xf32, #tpu.memory_space<hbm>> -> memref<1x64xf32, #tpu.memory_space<hbm>>
      %dma_start3A_567 = tpu.memref_squeeze %dma_start3A_566 : memref<1x64xf32, #tpu.memory_space<hbm>> -> memref<64xf32, #tpu.memory_space<hbm>>
      tpu.enqueue_dma source(%dma_start3A_567 : memref<64xf32, #tpu.memory_space<hbm>>) target(%dma_start3A_564 : memref<64xf32, #tpu.memory_space<vmem>>) target_semaphore(%arg13 : memref<!tpu.dma_semaphore, #tpu.memory_space<semaphore_mem>>)
      %mul3A_568 = arith.constant 16 : i32
      %mul3A_569 = arith.muli %scan3A_184, %mul3A_568 : i32
      %add3A_570 = arith.constant 11 : i32
      %add3A_571 = arith.addi %mul3A_569, %add3A_570 : i32
      %slice3A_572 = vector.extract_strided_slice %get3A_190 {offsets = [11], sizes = [1], strides = [1]} : vector<16xi32> to vector<1xi32>
      %squeeze3A_573 = vector.extract %slice3A_572[0] : i32 from vector<1xi32>
      %dma_start3A_574 = arith.constant 1 : i32
      %dma_start3A_575 = arith.constant 0 : i32
      %dma_start3A_576 = tpu.memref_slice %arg9[%dma_start3A_574, %add3A_571, %dma_start3A_575] : memref<2x128x64xf32, #tpu.memory_space<vmem>> -> memref<1x1x64xf32, #tpu.memory_space<vmem>>
      %dma_start3A_577 = tpu.memref_squeeze %dma_start3A_576 : memref<1x1x64xf32, #tpu.memory_space<vmem>> -> memref<64xf32, #tpu.memory_space<vmem>>
      %dma_start3A_578 = arith.constant 0 : i32
      %dma_start3A_579 = tpu.memref_slice %arg4[%squeeze3A_573, %dma_start3A_578] : memref<1000000x64xf32, #tpu.memory_space<hbm>> -> memref<1x64xf32, #tpu.memory_space<hbm>>
      %dma_start3A_580 = tpu.memref_squeeze %dma_start3A_579 : memref<1x64xf32, #tpu.memory_space<hbm>> -> memref<64xf32, #tpu.memory_space<hbm>>
      %dma_start3A_581 = arith.constant 0 : i32
      %dma_start3A_582 = tpu.memref_slice %arg9[%dma_start3A_574, %add3A_571, %dma_start3A_581] : memref<2x128x64xf32, #tpu.memory_space<vmem>> -> memref<1x1x64xf32, #tpu.memory_space<vmem>>
      %dma_start3A_583 = tpu.memref_squeeze %dma_start3A_582 : memref<1x1x64xf32, #tpu.memory_space<vmem>> -> memref<64xf32, #tpu.memory_space<vmem>>
      %dma_start3A_584 = arith.constant 0 : i32
      %dma_start3A_585 = tpu.memref_slice %arg4[%squeeze3A_573, %dma_start3A_584] : memref<1000000x64xf32, #tpu.memory_space<hbm>> -> memref<1x64xf32, #tpu.memory_space<hbm>>
      %dma_start3A_586 = tpu.memref_squeeze %dma_start3A_585 : memref<1x64xf32, #tpu.memory_space<hbm>> -> memref<64xf32, #tpu.memory_space<hbm>>
      tpu.enqueue_dma source(%dma_start3A_586 : memref<64xf32, #tpu.memory_space<hbm>>) target(%dma_start3A_583 : memref<64xf32, #tpu.memory_space<vmem>>) target_semaphore(%arg13 : memref<!tpu.dma_semaphore, #tpu.memory_space<semaphore_mem>>)
      %slice3A_587 = vector.extract_strided_slice %get3A_196 {offsets = [11], sizes = [1], strides = [1]} : vector<16xi32> to vector<1xi32>
      %squeeze3A_588 = vector.extract %slice3A_587[0] : i32 from vector<1xi32>
      %dma_start3A_589 = arith.constant 1 : i32
      %dma_start3A_590 = arith.constant 0 : i32
      %dma_start3A_591 = tpu.memref_slice %arg10[%dma_start3A_589, %add3A_571, %dma_start3A_590] : memref<2x128x64xf32, #tpu.memory_space<vmem>> -> memref<1x1x64xf32, #tpu.memory_space<vmem>>
      %dma_start3A_592 = tpu.memref_squeeze %dma_start3A_591 : memref<1x1x64xf32, #tpu.memory_space<vmem>> -> memref<64xf32, #tpu.memory_space<vmem>>
      %dma_start3A_593 = arith.constant 0 : i32
      %dma_start3A_594 = tpu.memref_slice %arg4[%squeeze3A_588, %dma_start3A_593] : memref<1000000x64xf32, #tpu.memory_space<hbm>> -> memref<1x64xf32, #tpu.memory_space<hbm>>
      %dma_start3A_595 = tpu.memref_squeeze %dma_start3A_594 : memref<1x64xf32, #tpu.memory_space<hbm>> -> memref<64xf32, #tpu.memory_space<hbm>>
      %dma_start3A_596 = arith.constant 0 : i32
      %dma_start3A_597 = tpu.memref_slice %arg10[%dma_start3A_589, %add3A_571, %dma_start3A_596] : memref<2x128x64xf32, #tpu.memory_space<vmem>> -> memref<1x1x64xf32, #tpu.memory_space<vmem>>
      %dma_start3A_598 = tpu.memref_squeeze %dma_start3A_597 : memref<1x1x64xf32, #tpu.memory_space<vmem>> -> memref<64xf32, #tpu.memory_space<vmem>>
      %dma_start3A_599 = arith.constant 0 : i32
      %dma_start3A_600 = tpu.memref_slice %arg4[%squeeze3A_588, %dma_start3A_599] : memref<1000000x64xf32, #tpu.memory_space<hbm>> -> memref<1x64xf32, #tpu.memory_space<hbm>>
      %dma_start3A_601 = tpu.memref_squeeze %dma_start3A_600 : memref<1x64xf32, #tpu.memory_space<hbm>> -> memref<64xf32, #tpu.memory_space<hbm>>
      tpu.enqueue_dma source(%dma_start3A_601 : memref<64xf32, #tpu.memory_space<hbm>>) target(%dma_start3A_598 : memref<64xf32, #tpu.memory_space<vmem>>) target_semaphore(%arg13 : memref<!tpu.dma_semaphore, #tpu.memory_space<semaphore_mem>>)
      %mul3A_602 = arith.constant 16 : i32
      %mul3A_603 = arith.muli %scan3A_184, %mul3A_602 : i32
      %add3A_604 = arith.constant 12 : i32
      %add3A_605 = arith.addi %mul3A_603, %add3A_604 : i32
      %slice3A_606 = vector.extract_strided_slice %get3A_190 {offsets = [12], sizes = [1], strides = [1]} : vector<16xi32> to vector<1xi32>
      %squeeze3A_607 = vector.extract %slice3A_606[0] : i32 from vector<1xi32>
      %dma_start3A_608 = arith.constant 1 : i32
      %dma_start3A_609 = arith.constant 0 : i32
      %dma_start3A_610 = tpu.memref_slice %arg9[%dma_start3A_608, %add3A_605, %dma_start3A_609] : memref<2x128x64xf32, #tpu.memory_space<vmem>> -> memref<1x1x64xf32, #tpu.memory_space<vmem>>
      %dma_start3A_611 = tpu.memref_squeeze %dma_start3A_610 : memref<1x1x64xf32, #tpu.memory_space<vmem>> -> memref<64xf32, #tpu.memory_space<vmem>>
      %dma_start3A_612 = arith.constant 0 : i32
      %dma_start3A_613 = tpu.memref_slice %arg4[%squeeze3A_607, %dma_start3A_612] : memref<1000000x64xf32, #tpu.memory_space<hbm>> -> memref<1x64xf32, #tpu.memory_space<hbm>>
      %dma_start3A_614 = tpu.memref_squeeze %dma_start3A_613 : memref<1x64xf32, #tpu.memory_space<hbm>> -> memref<64xf32, #tpu.memory_space<hbm>>
      %dma_start3A_615 = arith.constant 0 : i32
      %dma_start3A_616 = tpu.memref_slice %arg9[%dma_start3A_608, %add3A_605, %dma_start3A_615] : memref<2x128x64xf32, #tpu.memory_space<vmem>> -> memref<1x1x64xf32, #tpu.memory_space<vmem>>
      %dma_start3A_617 = tpu.memref_squeeze %dma_start3A_616 : memref<1x1x64xf32, #tpu.memory_space<vmem>> -> memref<64xf32, #tpu.memory_space<vmem>>
      %dma_start3A_618 = arith.constant 0 : i32
      %dma_start3A_619 = tpu.memref_slice %arg4[%squeeze3A_607, %dma_start3A_618] : memref<1000000x64xf32, #tpu.memory_space<hbm>> -> memref<1x64xf32, #tpu.memory_space<hbm>>
      %dma_start3A_620 = tpu.memref_squeeze %dma_start3A_619 : memref<1x64xf32, #tpu.memory_space<hbm>> -> memref<64xf32, #tpu.memory_space<hbm>>
      tpu.enqueue_dma source(%dma_start3A_620 : memref<64xf32, #tpu.memory_space<hbm>>) target(%dma_start3A_617 : memref<64xf32, #tpu.memory_space<vmem>>) target_semaphore(%arg13 : memref<!tpu.dma_semaphore, #tpu.memory_space<semaphore_mem>>)
      %slice3A_621 = vector.extract_strided_slice %get3A_196 {offsets = [12], sizes = [1], strides = [1]} : vector<16xi32> to vector<1xi32>
      %squeeze3A_622 = vector.extract %slice3A_621[0] : i32 from vector<1xi32>
      %dma_start3A_623 = arith.constant 1 : i32
      %dma_start3A_624 = arith.constant 0 : i32
      %dma_start3A_625 = tpu.memref_slice %arg10[%dma_start3A_623, %add3A_605, %dma_start3A_624] : memref<2x128x64xf32, #tpu.memory_space<vmem>> -> memref<1x1x64xf32, #tpu.memory_space<vmem>>
      %dma_start3A_626 = tpu.memref_squeeze %dma_start3A_625 : memref<1x1x64xf32, #tpu.memory_space<vmem>> -> memref<64xf32, #tpu.memory_space<vmem>>
      %dma_start3A_627 = arith.constant 0 : i32
      %dma_start3A_628 = tpu.memref_slice %arg4[%squeeze3A_622, %dma_start3A_627] : memref<1000000x64xf32, #tpu.memory_space<hbm>> -> memref<1x64xf32, #tpu.memory_space<hbm>>
      %dma_start3A_629 = tpu.memref_squeeze %dma_start3A_628 : memref<1x64xf32, #tpu.memory_space<hbm>> -> memref<64xf32, #tpu.memory_space<hbm>>
      %dma_start3A_630 = arith.constant 0 : i32
      %dma_start3A_631 = tpu.memref_slice %arg10[%dma_start3A_623, %add3A_605, %dma_start3A_630] : memref<2x128x64xf32, #tpu.memory_space<vmem>> -> memref<1x1x64xf32, #tpu.memory_space<vmem>>
      %dma_start3A_632 = tpu.memref_squeeze %dma_start3A_631 : memref<1x1x64xf32, #tpu.memory_space<vmem>> -> memref<64xf32, #tpu.memory_space<vmem>>
      %dma_start3A_633 = arith.constant 0 : i32
      %dma_start3A_634 = tpu.memref_slice %arg4[%squeeze3A_622, %dma_start3A_633] : memref<1000000x64xf32, #tpu.memory_space<hbm>> -> memref<1x64xf32, #tpu.memory_space<hbm>>
      %dma_start3A_635 = tpu.memref_squeeze %dma_start3A_634 : memref<1x64xf32, #tpu.memory_space<hbm>> -> memref<64xf32, #tpu.memory_space<hbm>>
      tpu.enqueue_dma source(%dma_start3A_635 : memref<64xf32, #tpu.memory_space<hbm>>) target(%dma_start3A_632 : memref<64xf32, #tpu.memory_space<vmem>>) target_semaphore(%arg13 : memref<!tpu.dma_semaphore, #tpu.memory_space<semaphore_mem>>)
      %mul3A_636 = arith.constant 16 : i32
      %mul3A_637 = arith.muli %scan3A_184, %mul3A_636 : i32
      %add3A_638 = arith.constant 13 : i32
      %add3A_639 = arith.addi %mul3A_637, %add3A_638 : i32
      %slice3A_640 = vector.extract_strided_slice %get3A_190 {offsets = [13], sizes = [1], strides = [1]} : vector<16xi32> to vector<1xi32>
      %squeeze3A_641 = vector.extract %slice3A_640[0] : i32 from vector<1xi32>
      %dma_start3A_642 = arith.constant 1 : i32
      %dma_start3A_643 = arith.constant 0 : i32
      %dma_start3A_644 = tpu.memref_slice %arg9[%dma_start3A_642, %add3A_639, %dma_start3A_643] : memref<2x128x64xf32, #tpu.memory_space<vmem>> -> memref<1x1x64xf32, #tpu.memory_space<vmem>>
      %dma_start3A_645 = tpu.memref_squeeze %dma_start3A_644 : memref<1x1x64xf32, #tpu.memory_space<vmem>> -> memref<64xf32, #tpu.memory_space<vmem>>
      %dma_start3A_646 = arith.constant 0 : i32
      %dma_start3A_647 = tpu.memref_slice %arg4[%squeeze3A_641, %dma_start3A_646] : memref<1000000x64xf32, #tpu.memory_space<hbm>> -> memref<1x64xf32, #tpu.memory_space<hbm>>
      %dma_start3A_648 = tpu.memref_squeeze %dma_start3A_647 : memref<1x64xf32, #tpu.memory_space<hbm>> -> memref<64xf32, #tpu.memory_space<hbm>>
      %dma_start3A_649 = arith.constant 0 : i32
      %dma_start3A_650 = tpu.memref_slice %arg9[%dma_start3A_642, %add3A_639, %dma_start3A_649] : memref<2x128x64xf32, #tpu.memory_space<vmem>> -> memref<1x1x64xf32, #tpu.memory_space<vmem>>
      %dma_start3A_651 = tpu.memref_squeeze %dma_start3A_650 : memref<1x1x64xf32, #tpu.memory_space<vmem>> -> memref<64xf32, #tpu.memory_space<vmem>>
      %dma_start3A_652 = arith.constant 0 : i32
      %dma_start3A_653 = tpu.memref_slice %arg4[%squeeze3A_641, %dma_start3A_652] : memref<1000000x64xf32, #tpu.memory_space<hbm>> -> memref<1x64xf32, #tpu.memory_space<hbm>>
      %dma_start3A_654 = tpu.memref_squeeze %dma_start3A_653 : memref<1x64xf32, #tpu.memory_space<hbm>> -> memref<64xf32, #tpu.memory_space<hbm>>
      tpu.enqueue_dma source(%dma_start3A_654 : memref<64xf32, #tpu.memory_space<hbm>>) target(%dma_start3A_651 : memref<64xf32, #tpu.memory_space<vmem>>) target_semaphore(%arg13 : memref<!tpu.dma_semaphore, #tpu.memory_space<semaphore_mem>>)
      %slice3A_655 = vector.extract_strided_slice %get3A_196 {offsets = [13], sizes = [1], strides = [1]} : vector<16xi32> to vector<1xi32>
      %squeeze3A_656 = vector.extract %slice3A_655[0] : i32 from vector<1xi32>
      %dma_start3A_657 = arith.constant 1 : i32
      %dma_start3A_658 = arith.constant 0 : i32
      %dma_start3A_659 = tpu.memref_slice %arg10[%dma_start3A_657, %add3A_639, %dma_start3A_658] : memref<2x128x64xf32, #tpu.memory_space<vmem>> -> memref<1x1x64xf32, #tpu.memory_space<vmem>>
      %dma_start3A_660 = tpu.memref_squeeze %dma_start3A_659 : memref<1x1x64xf32, #tpu.memory_space<vmem>> -> memref<64xf32, #tpu.memory_space<vmem>>
      %dma_start3A_661 = arith.constant 0 : i32
      %dma_start3A_662 = tpu.memref_slice %arg4[%squeeze3A_656, %dma_start3A_661] : memref<1000000x64xf32, #tpu.memory_space<hbm>> -> memref<1x64xf32, #tpu.memory_space<hbm>>
      %dma_start3A_663 = tpu.memref_squeeze %dma_start3A_662 : memref<1x64xf32, #tpu.memory_space<hbm>> -> memref<64xf32, #tpu.memory_space<hbm>>
      %dma_start3A_664 = arith.constant 0 : i32
      %dma_start3A_665 = tpu.memref_slice %arg10[%dma_start3A_657, %add3A_639, %dma_start3A_664] : memref<2x128x64xf32, #tpu.memory_space<vmem>> -> memref<1x1x64xf32, #tpu.memory_space<vmem>>
      %dma_start3A_666 = tpu.memref_squeeze %dma_start3A_665 : memref<1x1x64xf32, #tpu.memory_space<vmem>> -> memref<64xf32, #tpu.memory_space<vmem>>
      %dma_start3A_667 = arith.constant 0 : i32
      %dma_start3A_668 = tpu.memref_slice %arg4[%squeeze3A_656, %dma_start3A_667] : memref<1000000x64xf32, #tpu.memory_space<hbm>> -> memref<1x64xf32, #tpu.memory_space<hbm>>
      %dma_start3A_669 = tpu.memref_squeeze %dma_start3A_668 : memref<1x64xf32, #tpu.memory_space<hbm>> -> memref<64xf32, #tpu.memory_space<hbm>>
      tpu.enqueue_dma source(%dma_start3A_669 : memref<64xf32, #tpu.memory_space<hbm>>) target(%dma_start3A_666 : memref<64xf32, #tpu.memory_space<vmem>>) target_semaphore(%arg13 : memref<!tpu.dma_semaphore, #tpu.memory_space<semaphore_mem>>)
      %mul3A_670 = arith.constant 16 : i32
      %mul3A_671 = arith.muli %scan3A_184, %mul3A_670 : i32
      %add3A_672 = arith.constant 14 : i32
      %add3A_673 = arith.addi %mul3A_671, %add3A_672 : i32
      %slice3A_674 = vector.extract_strided_slice %get3A_190 {offsets = [14], sizes = [1], strides = [1]} : vector<16xi32> to vector<1xi32>
      %squeeze3A_675 = vector.extract %slice3A_674[0] : i32 from vector<1xi32>
      %dma_start3A_676 = arith.constant 1 : i32
      %dma_start3A_677 = arith.constant 0 : i32
      %dma_start3A_678 = tpu.memref_slice %arg9[%dma_start3A_676, %add3A_673, %dma_start3A_677] : memref<2x128x64xf32, #tpu.memory_space<vmem>> -> memref<1x1x64xf32, #tpu.memory_space<vmem>>
      %dma_start3A_679 = tpu.memref_squeeze %dma_start3A_678 : memref<1x1x64xf32, #tpu.memory_space<vmem>> -> memref<64xf32, #tpu.memory_space<vmem>>
      %dma_start3A_680 = arith.constant 0 : i32
      %dma_start3A_681 = tpu.memref_slice %arg4[%squeeze3A_675, %dma_start3A_680] : memref<1000000x64xf32, #tpu.memory_space<hbm>> -> memref<1x64xf32, #tpu.memory_space<hbm>>
      %dma_start3A_682 = tpu.memref_squeeze %dma_start3A_681 : memref<1x64xf32, #tpu.memory_space<hbm>> -> memref<64xf32, #tpu.memory_space<hbm>>
      %dma_start3A_683 = arith.constant 0 : i32
      %dma_start3A_684 = tpu.memref_slice %arg9[%dma_start3A_676, %add3A_673, %dma_start3A_683] : memref<2x128x64xf32, #tpu.memory_space<vmem>> -> memref<1x1x64xf32, #tpu.memory_space<vmem>>
      %dma_start3A_685 = tpu.memref_squeeze %dma_start3A_684 : memref<1x1x64xf32, #tpu.memory_space<vmem>> -> memref<64xf32, #tpu.memory_space<vmem>>
      %dma_start3A_686 = arith.constant 0 : i32
      %dma_start3A_687 = tpu.memref_slice %arg4[%squeeze3A_675, %dma_start3A_686] : memref<1000000x64xf32, #tpu.memory_space<hbm>> -> memref<1x64xf32, #tpu.memory_space<hbm>>
      %dma_start3A_688 = tpu.memref_squeeze %dma_start3A_687 : memref<1x64xf32, #tpu.memory_space<hbm>> -> memref<64xf32, #tpu.memory_space<hbm>>
      tpu.enqueue_dma source(%dma_start3A_688 : memref<64xf32, #tpu.memory_space<hbm>>) target(%dma_start3A_685 : memref<64xf32, #tpu.memory_space<vmem>>) target_semaphore(%arg13 : memref<!tpu.dma_semaphore, #tpu.memory_space<semaphore_mem>>)
      %slice3A_689 = vector.extract_strided_slice %get3A_196 {offsets = [14], sizes = [1], strides = [1]} : vector<16xi32> to vector<1xi32>
      %squeeze3A_690 = vector.extract %slice3A_689[0] : i32 from vector<1xi32>
      %dma_start3A_691 = arith.constant 1 : i32
      %dma_start3A_692 = arith.constant 0 : i32
      %dma_start3A_693 = tpu.memref_slice %arg10[%dma_start3A_691, %add3A_673, %dma_start3A_692] : memref<2x128x64xf32, #tpu.memory_space<vmem>> -> memref<1x1x64xf32, #tpu.memory_space<vmem>>
      %dma_start3A_694 = tpu.memref_squeeze %dma_start3A_693 : memref<1x1x64xf32, #tpu.memory_space<vmem>> -> memref<64xf32, #tpu.memory_space<vmem>>
      %dma_start3A_695 = arith.constant 0 : i32
      %dma_start3A_696 = tpu.memref_slice %arg4[%squeeze3A_690, %dma_start3A_695] : memref<1000000x64xf32, #tpu.memory_space<hbm>> -> memref<1x64xf32, #tpu.memory_space<hbm>>
      %dma_start3A_697 = tpu.memref_squeeze %dma_start3A_696 : memref<1x64xf32, #tpu.memory_space<hbm>> -> memref<64xf32, #tpu.memory_space<hbm>>
      %dma_start3A_698 = arith.constant 0 : i32
      %dma_start3A_699 = tpu.memref_slice %arg10[%dma_start3A_691, %add3A_673, %dma_start3A_698] : memref<2x128x64xf32, #tpu.memory_space<vmem>> -> memref<1x1x64xf32, #tpu.memory_space<vmem>>
      %dma_start3A_700 = tpu.memref_squeeze %dma_start3A_699 : memref<1x1x64xf32, #tpu.memory_space<vmem>> -> memref<64xf32, #tpu.memory_space<vmem>>
      %dma_start3A_701 = arith.constant 0 : i32
      %dma_start3A_702 = tpu.memref_slice %arg4[%squeeze3A_690, %dma_start3A_701] : memref<1000000x64xf32, #tpu.memory_space<hbm>> -> memref<1x64xf32, #tpu.memory_space<hbm>>
      %dma_start3A_703 = tpu.memref_squeeze %dma_start3A_702 : memref<1x64xf32, #tpu.memory_space<hbm>> -> memref<64xf32, #tpu.memory_space<hbm>>
      tpu.enqueue_dma source(%dma_start3A_703 : memref<64xf32, #tpu.memory_space<hbm>>) target(%dma_start3A_700 : memref<64xf32, #tpu.memory_space<vmem>>) target_semaphore(%arg13 : memref<!tpu.dma_semaphore, #tpu.memory_space<semaphore_mem>>)
      %mul3A_704 = arith.constant 16 : i32
      %mul3A_705 = arith.muli %scan3A_184, %mul3A_704 : i32
      %add3A_706 = arith.constant 15 : i32
      %add3A_707 = arith.addi %mul3A_705, %add3A_706 : i32
      %slice3A_708 = vector.extract_strided_slice %get3A_190 {offsets = [15], sizes = [1], strides = [1]} : vector<16xi32> to vector<1xi32>
      %squeeze3A_709 = vector.extract %slice3A_708[0] : i32 from vector<1xi32>
      %dma_start3A_710 = arith.constant 1 : i32
      %dma_start3A_711 = arith.constant 0 : i32
      %dma_start3A_712 = tpu.memref_slice %arg9[%dma_start3A_710, %add3A_707, %dma_start3A_711] : memref<2x128x64xf32, #tpu.memory_space<vmem>> -> memref<1x1x64xf32, #tpu.memory_space<vmem>>
      %dma_start3A_713 = tpu.memref_squeeze %dma_start3A_712 : memref<1x1x64xf32, #tpu.memory_space<vmem>> -> memref<64xf32, #tpu.memory_space<vmem>>
      %dma_start3A_714 = arith.constant 0 : i32
      %dma_start3A_715 = tpu.memref_slice %arg4[%squeeze3A_709, %dma_start3A_714] : memref<1000000x64xf32, #tpu.memory_space<hbm>> -> memref<1x64xf32, #tpu.memory_space<hbm>>
      %dma_start3A_716 = tpu.memref_squeeze %dma_start3A_715 : memref<1x64xf32, #tpu.memory_space<hbm>> -> memref<64xf32, #tpu.memory_space<hbm>>
      %dma_start3A_717 = arith.constant 0 : i32
      %dma_start3A_718 = tpu.memref_slice %arg9[%dma_start3A_710, %add3A_707, %dma_start3A_717] : memref<2x128x64xf32, #tpu.memory_space<vmem>> -> memref<1x1x64xf32, #tpu.memory_space<vmem>>
      %dma_start3A_719 = tpu.memref_squeeze %dma_start3A_718 : memref<1x1x64xf32, #tpu.memory_space<vmem>> -> memref<64xf32, #tpu.memory_space<vmem>>
      %dma_start3A_720 = arith.constant 0 : i32
      %dma_start3A_721 = tpu.memref_slice %arg4[%squeeze3A_709, %dma_start3A_720] : memref<1000000x64xf32, #tpu.memory_space<hbm>> -> memref<1x64xf32, #tpu.memory_space<hbm>>
      %dma_start3A_722 = tpu.memref_squeeze %dma_start3A_721 : memref<1x64xf32, #tpu.memory_space<hbm>> -> memref<64xf32, #tpu.memory_space<hbm>>
      tpu.enqueue_dma source(%dma_start3A_722 : memref<64xf32, #tpu.memory_space<hbm>>) target(%dma_start3A_719 : memref<64xf32, #tpu.memory_space<vmem>>) target_semaphore(%arg13 : memref<!tpu.dma_semaphore, #tpu.memory_space<semaphore_mem>>)
      %slice3A_723 = vector.extract_strided_slice %get3A_196 {offsets = [15], sizes = [1], strides = [1]} : vector<16xi32> to vector<1xi32>
      %squeeze3A_724 = vector.extract %slice3A_723[0] : i32 from vector<1xi32>
      %dma_start3A_725 = arith.constant 1 : i32
      %dma_start3A_726 = arith.constant 0 : i32
      %dma_start3A_727 = tpu.memref_slice %arg10[%dma_start3A_725, %add3A_707, %dma_start3A_726] : memref<2x128x64xf32, #tpu.memory_space<vmem>> -> memref<1x1x64xf32, #tpu.memory_space<vmem>>
      %dma_start3A_728 = tpu.memref_squeeze %dma_start3A_727 : memref<1x1x64xf32, #tpu.memory_space<vmem>> -> memref<64xf32, #tpu.memory_space<vmem>>
      %dma_start3A_729 = arith.constant 0 : i32
      %dma_start3A_730 = tpu.memref_slice %arg4[%squeeze3A_724, %dma_start3A_729] : memref<1000000x64xf32, #tpu.memory_space<hbm>> -> memref<1x64xf32, #tpu.memory_space<hbm>>
      %dma_start3A_731 = tpu.memref_squeeze %dma_start3A_730 : memref<1x64xf32, #tpu.memory_space<hbm>> -> memref<64xf32, #tpu.memory_space<hbm>>
      %dma_start3A_732 = arith.constant 0 : i32
      %dma_start3A_733 = tpu.memref_slice %arg10[%dma_start3A_725, %add3A_707, %dma_start3A_732] : memref<2x128x64xf32, #tpu.memory_space<vmem>> -> memref<1x1x64xf32, #tpu.memory_space<vmem>>
      %dma_start3A_734 = tpu.memref_squeeze %dma_start3A_733 : memref<1x1x64xf32, #tpu.memory_space<vmem>> -> memref<64xf32, #tpu.memory_space<vmem>>
      %dma_start3A_735 = arith.constant 0 : i32
      %dma_start3A_736 = tpu.memref_slice %arg4[%squeeze3A_724, %dma_start3A_735] : memref<1000000x64xf32, #tpu.memory_space<hbm>> -> memref<1x64xf32, #tpu.memory_space<hbm>>
      %dma_start3A_737 = tpu.memref_squeeze %dma_start3A_736 : memref<1x64xf32, #tpu.memory_space<hbm>> -> memref<64xf32, #tpu.memory_space<hbm>>
      tpu.enqueue_dma source(%dma_start3A_737 : memref<64xf32, #tpu.memory_space<hbm>>) target(%dma_start3A_734 : memref<64xf32, #tpu.memory_space<vmem>>) target_semaphore(%arg13 : memref<!tpu.dma_semaphore, #tpu.memory_space<semaphore_mem>>)
      %scan3A_738 = arith.constant 0 : i32
      scf.yield %scan3A_738 : i32
    }
    %scan3A_15 = arith.constant 8 : i32
    %dma_wait3A = arith.constant 0 : i32
    %dma_wait3A_16 = arith.constant 0 : i32
    %dma_wait3A_17 = arith.constant 0 : i32
    %dma_wait3A_18 = tpu.memref_slice %arg9[%dma_wait3A, %dma_wait3A_16, %dma_wait3A_17] : memref<2x128x64xf32, #tpu.memory_space<vmem>> -> memref<1x128x64xf32, #tpu.memory_space<vmem>>
    %dma_wait3A_19 = tpu.memref_squeeze %dma_wait3A_18 : memref<1x128x64xf32, #tpu.memory_space<vmem>> -> memref<128x64xf32, #tpu.memory_space<vmem>>
    %dma_wait3A_20 = arith.constant 0 : i32
    %dma_wait3A_21 = arith.constant 0 : i32
    %dma_wait3A_22 = tpu.memref_slice %arg4[%dma_wait3A_20, %dma_wait3A_21] : memref<1000000x64xf32, #tpu.memory_space<hbm>> -> memref<128x64xf32, #tpu.memory_space<hbm>>
    %dma_wait3A_23 = arith.constant 0 : i32
    %dma_wait3A_24 = arith.constant 0 : i32
    %dma_wait3A_25 = tpu.memref_slice %arg9[%dma_wait3A, %dma_wait3A_23, %dma_wait3A_24] : memref<2x128x64xf32, #tpu.memory_space<vmem>> -> memref<1x128x64xf32, #tpu.memory_space<vmem>>
    %dma_wait3A_26 = tpu.memref_squeeze %dma_wait3A_25 : memref<1x128x64xf32, #tpu.memory_space<vmem>> -> memref<128x64xf32, #tpu.memory_space<vmem>>
    %dma_wait3A_27 = arith.constant 0 : i32
    %dma_wait3A_28 = arith.constant 0 : i32
    %dma_wait3A_29 = tpu.memref_slice %arg4[%dma_wait3A_27, %dma_wait3A_28] : memref<1000000x64xf32, #tpu.memory_space<hbm>> -> memref<128x64xf32, #tpu.memory_space<hbm>>
    tpu.wait_dma2 semaphore(%arg13 : memref<!tpu.dma_semaphore, #tpu.memory_space<semaphore_mem>>) src(%dma_wait3A_29 : memref<128x64xf32, #tpu.memory_space<hbm>>) dst(%dma_wait3A_26 : memref<128x64xf32, #tpu.memory_space<vmem>>)
    %dma_wait3A_30 = arith.constant 0 : i32
    %dma_wait3A_31 = arith.constant 0 : i32
    %dma_wait3A_32 = arith.constant 0 : i32
    %dma_wait3A_33 = tpu.memref_slice %arg10[%dma_wait3A_30, %dma_wait3A_31, %dma_wait3A_32] : memref<2x128x64xf32, #tpu.memory_space<vmem>> -> memref<1x128x64xf32, #tpu.memory_space<vmem>>
    %dma_wait3A_34 = tpu.memref_squeeze %dma_wait3A_33 : memref<1x128x64xf32, #tpu.memory_space<vmem>> -> memref<128x64xf32, #tpu.memory_space<vmem>>
    %dma_wait3A_35 = arith.constant 0 : i32
    %dma_wait3A_36 = arith.constant 0 : i32
    %dma_wait3A_37 = tpu.memref_slice %arg4[%dma_wait3A_35, %dma_wait3A_36] : memref<1000000x64xf32, #tpu.memory_space<hbm>> -> memref<128x64xf32, #tpu.memory_space<hbm>>
    %dma_wait3A_38 = arith.constant 0 : i32
    %dma_wait3A_39 = arith.constant 0 : i32
    %dma_wait3A_40 = tpu.memref_slice %arg10[%dma_wait3A_30, %dma_wait3A_38, %dma_wait3A_39] : memref<2x128x64xf32, #tpu.memory_space<vmem>> -> memref<1x128x64xf32, #tpu.memory_space<vmem>>
    %dma_wait3A_41 = tpu.memref_squeeze %dma_wait3A_40 : memref<1x128x64xf32, #tpu.memory_space<vmem>> -> memref<128x64xf32, #tpu.memory_space<vmem>>
    %dma_wait3A_42 = arith.constant 0 : i32
    %dma_wait3A_43 = arith.constant 0 : i32
    %dma_wait3A_44 = tpu.memref_slice %arg4[%dma_wait3A_42, %dma_wait3A_43] : memref<1000000x64xf32, #tpu.memory_space<hbm>> -> memref<128x64xf32, #tpu.memory_space<hbm>>
    tpu.wait_dma2 semaphore(%arg13 : memref<!tpu.dma_semaphore, #tpu.memory_space<semaphore_mem>>) src(%dma_wait3A_44 : memref<128x64xf32, #tpu.memory_space<hbm>>) dst(%dma_wait3A_41 : memref<128x64xf32, #tpu.memory_space<vmem>>)
    %broadcast_in_dim3A = arith.constant 0 : i32
    %broadcast_in_dim3A_45 = vector.broadcast %broadcast_in_dim3A : i32 to vector<16xi32>
    %scan3A_46 = arith.constant 0 : i32
    %scan3A_47 = arith.constant 0 : i32
    %scan3A_48 = arith.constant 8 : i32
    %scan3A_49 = arith.addi %scan3A_47, %scan3A_48 : i32
    %scan3A_50 = arith.constant 1 : i32
    %scan3A_51 = scf.for %scan3A_184 = %scan3A_47 to %scan3A_49 step %scan3A_50 iter_args(%scan3A_185 = %scan3A_46) -> (i32)  : i32 {
      %mul3A_186 = arith.constant 16 : i32
      %mul3A_187 = arith.muli %scan3A_184, %mul3A_186 : i32
      %add3A_188 = arith.constant 0 : i32
      %add3A_189 = arith.addi %add3A_188, %mul3A_187 : i32
      %mul3A_190 = arith.constant 16 : i32
      %mul3A_191 = arith.muli %scan3A_184, %mul3A_190 : i32
      %add3A_192 = vector.broadcast %mul3A_191 : i32 to vector<16xi32>
      %add3A_193 = arith.addi %iota3A, %add3A_192 : vector<16xi32>
      %broadcast_in_dim3A_194 = arith.constant 0.000000e+00 : f32
      %broadcast_in_dim3A_195 = vector.broadcast %broadcast_in_dim3A_194 : f32 to vector<16xf32>
      %scan3A_196 = arith.constant 0 : i32
      %scan3A_197 = arith.constant 64 : i32
      %scan3A_198 = arith.addi %scan3A_196, %scan3A_197 : i32
      %scan3A_199 = arith.constant 1 : i32
      %scan3A_200 = scf.for %scan3A_230 = %scan3A_196 to %scan3A_198 step %scan3A_199 iter_args(%scan3A_231 = %broadcast_in_dim3A_195) -> (vector<16xf32>)  : i32 {
        %broadcast_in_dim3A_232 = vector.broadcast %scan3A_230 : i32 to vector<16xi32>
        %gather3A = tpu.vector_load_idx %arg9[%broadcast_in_dim3A_45, %add3A_193, %broadcast_in_dim3A_232] : memref<2x128x64xf32, #tpu.memory_space<vmem>>[vector<16xi32>, vector<16xi32>, vector<16xi32>], vector<16xf32>,
        %gather3A_233 = tpu.vector_load_idx %arg10[%broadcast_in_dim3A_45, %add3A_193, %broadcast_in_dim3A_232] : memref<2x128x64xf32, #tpu.memory_space<vmem>>[vector<16xi32>, vector<16xi32>, vector<16xi32>], vector<16xf32>,
        %gather3A_234 = tpu.vector_load_idx %arg11[%broadcast_in_dim3A_232] : memref<64xf32, #tpu.memory_space<vmem>>[vector<16xi32>], vector<16xf32>,
        %sub3A = arith.subf %gather3A, %gather3A_233 : vector<16xf32>
        %add3A_235 = arith.addf %sub3A, %gather3A_234 : vector<16xf32>
        %mul3A_236 = arith.mulf %add3A_235, %add3A_235 : vector<16xf32>
        %add3A_237 = arith.addf %scan3A_231, %mul3A_236 : vector<16xf32>
        scf.yield %add3A_237 : vector<16xf32>
      }
      %scan3A_201 = arith.constant 64 : i32
      %bitcast3A = vector.bitcast %scan3A_200 : vector<16xf32> to vector<16xi32>
      %shift_right_arithmetic3A = arith.constant 1 : i32
      %shift_right_arithmetic3A_202 = vector.broadcast %shift_right_arithmetic3A : i32 to vector<16xi32>
      %shift_right_arithmetic3A_203 = arith.shrsi %bitcast3A, %shift_right_arithmetic3A_202 : vector<16xi32>
      %add3A_204 = arith.constant 532487669 : i32
      %add3A_205 = vector.broadcast %add3A_204 : i32 to vector<16xi32>
      %add3A_206 = arith.addi %shift_right_arithmetic3A_203, %add3A_205 : vector<16xi32>
      %bitcast3A_207 = vector.bitcast %add3A_206 : vector<16xi32> to vector<16xf32>
      %div3A = arith.divf %scan3A_200, %bitcast3A_207 : vector<16xf32>
      %add3A_208 = arith.addf %bitcast3A_207, %div3A : vector<16xf32>
      %mul3A_209 = arith.constant 5.000000e-01 : f32
      %mul3A_210 = vector.broadcast %mul3A_209 : f32 to vector<16xf32>
      %mul3A_211 = arith.mulf %mul3A_210, %add3A_208 : vector<16xf32>
      %div3A_212 = arith.divf %scan3A_200, %mul3A_211 : vector<16xf32>
      %add3A_213 = arith.addf %mul3A_211, %div3A_212 : vector<16xf32>
      %mul3A_214 = arith.constant 5.000000e-01 : f32
      %mul3A_215 = vector.broadcast %mul3A_214 : f32 to vector<16xf32>
      %mul3A_216 = arith.mulf %mul3A_215, %add3A_213 : vector<16xf32>
      %div3A_217 = arith.divf %scan3A_200, %mul3A_216 : vector<16xf32>
      %add3A_218 = arith.addf %mul3A_216, %div3A_217 : vector<16xf32>
      %mul3A_219 = arith.constant 5.000000e-01 : f32
      %mul3A_220 = vector.broadcast %mul3A_219 : f32 to vector<16xf32>
      %mul3A_221 = arith.mulf %mul3A_220, %add3A_218 : vector<16xf32>
      %exp3A = math.exp %mul3A_221 : vector<16xf32>
      %add3A_222 = arith.constant 1.000000e+00 : f32
      %add3A_223 = vector.broadcast %add3A_222 : f32 to vector<16xf32>
      %add3A_224 = arith.addf %add3A_223, %exp3A : vector<16xf32>
      %div3A_225 = arith.constant 1.000000e+00 : f32
      %div3A_226 = vector.broadcast %div3A_225 : f32 to vector<16xf32>
      %div3A_227 = arith.divf %div3A_226, %add3A_224 : vector<16xf32>
      %swap3A = arith.index_cast %add3A_189 : i32 to index
      %swap3A_228 = tpu.vector_load %arg12[%swap3A] {strides = array<i32>} : memref<512xf32, #tpu.memory_space<vmem>>, vector<16xf32>,
      tpu.vector_store %arg12[%swap3A], %div3A_227 {strides = array<i32>} : memref<512xf32, #tpu.memory_space<vmem>>, vector<16xf32>,
      %scan3A_229 = arith.constant 0 : i32
      scf.yield %scan3A_229 : i32
    }
    %scan3A_52 = arith.constant 8 : i32
    %scan3A_53 = arith.constant 0 : i32
    %scan3A_54 = arith.constant 0 : i32
    %scan3A_55 = arith.constant 8 : i32
    %scan3A_56 = arith.addi %scan3A_54, %scan3A_55 : i32
    %scan3A_57 = arith.constant 1 : i32
    %scan3A_58 = scf.for %scan3A_184 = %scan3A_54 to %scan3A_56 step %scan3A_57 iter_args(%scan3A_185 = %scan3A_53) -> (i32)  : i32 {
      %mul3A_186 = arith.constant 16 : i32
      %mul3A_187 = arith.muli %scan3A_184, %mul3A_186 : i32
      %add3A_188 = arith.constant 256 : i32
      %add3A_189 = arith.addi %add3A_188, %mul3A_187 : i32
      %get3A = arith.index_cast %add3A_189 : i32 to index
      %get3A_190 = tpu.vector_load %arg7[%get3A] {strides = array<i32>} : memref<512xi32, #tpu.memory_space<vmem>>, vector<16xi32>,
      %mul3A_191 = arith.constant 16 : i32
      %mul3A_192 = arith.muli %scan3A_184, %mul3A_191 : i32
      %add3A_193 = arith.constant 256 : i32
      %add3A_194 = arith.addi %add3A_193, %mul3A_192 : i32
      %get3A_195 = arith.index_cast %add3A_194 : i32 to index
      %get3A_196 = tpu.vector_load %arg8[%get3A_195] {strides = array<i32>} : memref<512xi32, #tpu.memory_space<vmem>>, vector<16xi32>,
      %mul3A_197 = arith.constant 16 : i32
      %mul3A_198 = arith.muli %scan3A_184, %mul3A_197 : i32
      %add3A_199 = arith.constant 0 : i32
      %add3A_200 = arith.addi %mul3A_198, %add3A_199 : i32
      %slice3A = vector.extract_strided_slice %get3A_190 {offsets = [0], sizes = [1], strides = [1]} : vector<16xi32> to vector<1xi32>
      %squeeze3A = vector.extract %slice3A[0] : i32 from vector<1xi32>
      %dma_start3A = arith.constant 0 : i32
      %dma_start3A_201 = arith.constant 0 : i32
      %dma_start3A_202 = tpu.memref_slice %arg9[%dma_start3A, %add3A_200, %dma_start3A_201] : memref<2x128x64xf32, #tpu.memory_space<vmem>> -> memref<1x1x64xf32, #tpu.memory_space<vmem>>
      %dma_start3A_203 = tpu.memref_squeeze %dma_start3A_202 : memref<1x1x64xf32, #tpu.memory_space<vmem>> -> memref<64xf32, #tpu.memory_space<vmem>>
      %dma_start3A_204 = arith.constant 0 : i32
      %dma_start3A_205 = tpu.memref_slice %arg4[%squeeze3A, %dma_start3A_204] : memref<1000000x64xf32, #tpu.memory_space<hbm>> -> memref<1x64xf32, #tpu.memory_space<hbm>>
      %dma_start3A_206 = tpu.memref_squeeze %dma_start3A_205 : memref<1x64xf32, #tpu.memory_space<hbm>> -> memref<64xf32, #tpu.memory_space<hbm>>
      %dma_start3A_207 = arith.constant 0 : i32
      %dma_start3A_208 = tpu.memref_slice %arg9[%dma_start3A, %add3A_200, %dma_start3A_207] : memref<2x128x64xf32, #tpu.memory_space<vmem>> -> memref<1x1x64xf32, #tpu.memory_space<vmem>>
      %dma_start3A_209 = tpu.memref_squeeze %dma_start3A_208 : memref<1x1x64xf32, #tpu.memory_space<vmem>> -> memref<64xf32, #tpu.memory_space<vmem>>
      %dma_start3A_210 = arith.constant 0 : i32
      %dma_start3A_211 = tpu.memref_slice %arg4[%squeeze3A, %dma_start3A_210] : memref<1000000x64xf32, #tpu.memory_space<hbm>> -> memref<1x64xf32, #tpu.memory_space<hbm>>
      %dma_start3A_212 = tpu.memref_squeeze %dma_start3A_211 : memref<1x64xf32, #tpu.memory_space<hbm>> -> memref<64xf32, #tpu.memory_space<hbm>>
      tpu.enqueue_dma source(%dma_start3A_212 : memref<64xf32, #tpu.memory_space<hbm>>) target(%dma_start3A_209 : memref<64xf32, #tpu.memory_space<vmem>>) target_semaphore(%arg13 : memref<!tpu.dma_semaphore, #tpu.memory_space<semaphore_mem>>)
      %slice3A_213 = vector.extract_strided_slice %get3A_196 {offsets = [0], sizes = [1], strides = [1]} : vector<16xi32> to vector<1xi32>
      %squeeze3A_214 = vector.extract %slice3A_213[0] : i32 from vector<1xi32>
      %dma_start3A_215 = arith.constant 0 : i32
      %dma_start3A_216 = arith.constant 0 : i32
      %dma_start3A_217 = tpu.memref_slice %arg10[%dma_start3A_215, %add3A_200, %dma_start3A_216] : memref<2x128x64xf32, #tpu.memory_space<vmem>> -> memref<1x1x64xf32, #tpu.memory_space<vmem>>
      %dma_start3A_218 = tpu.memref_squeeze %dma_start3A_217 : memref<1x1x64xf32, #tpu.memory_space<vmem>> -> memref<64xf32, #tpu.memory_space<vmem>>
      %dma_start3A_219 = arith.constant 0 : i32
      %dma_start3A_220 = tpu.memref_slice %arg4[%squeeze3A_214, %dma_start3A_219] : memref<1000000x64xf32, #tpu.memory_space<hbm>> -> memref<1x64xf32, #tpu.memory_space<hbm>>
      %dma_start3A_221 = tpu.memref_squeeze %dma_start3A_220 : memref<1x64xf32, #tpu.memory_space<hbm>> -> memref<64xf32, #tpu.memory_space<hbm>>
      %dma_start3A_222 = arith.constant 0 : i32
      %dma_start3A_223 = tpu.memref_slice %arg10[%dma_start3A_215, %add3A_200, %dma_start3A_222] : memref<2x128x64xf32, #tpu.memory_space<vmem>> -> memref<1x1x64xf32, #tpu.memory_space<vmem>>
      %dma_start3A_224 = tpu.memref_squeeze %dma_start3A_223 : memref<1x1x64xf32, #tpu.memory_space<vmem>> -> memref<64xf32, #tpu.memory_space<vmem>>
      %dma_start3A_225 = arith.constant 0 : i32
      %dma_start3A_226 = tpu.memref_slice %arg4[%squeeze3A_214, %dma_start3A_225] : memref<1000000x64xf32, #tpu.memory_space<hbm>> -> memref<1x64xf32, #tpu.memory_space<hbm>>
      %dma_start3A_227 = tpu.memref_squeeze %dma_start3A_226 : memref<1x64xf32, #tpu.memory_space<hbm>> -> memref<64xf32, #tpu.memory_space<hbm>>
      tpu.enqueue_dma source(%dma_start3A_227 : memref<64xf32, #tpu.memory_space<hbm>>) target(%dma_start3A_224 : memref<64xf32, #tpu.memory_space<vmem>>) target_semaphore(%arg13 : memref<!tpu.dma_semaphore, #tpu.memory_space<semaphore_mem>>)
      %mul3A_228 = arith.constant 16 : i32
      %mul3A_229 = arith.muli %scan3A_184, %mul3A_228 : i32
      %add3A_230 = arith.constant 1 : i32
      %add3A_231 = arith.addi %mul3A_229, %add3A_230 : i32
      %slice3A_232 = vector.extract_strided_slice %get3A_190 {offsets = [1], sizes = [1], strides = [1]} : vector<16xi32> to vector<1xi32>
      %squeeze3A_233 = vector.extract %slice3A_232[0] : i32 from vector<1xi32>
      %dma_start3A_234 = arith.constant 0 : i32
      %dma_start3A_235 = arith.constant 0 : i32
      %dma_start3A_236 = tpu.memref_slice %arg9[%dma_start3A_234, %add3A_231, %dma_start3A_235] : memref<2x128x64xf32, #tpu.memory_space<vmem>> -> memref<1x1x64xf32, #tpu.memory_space<vmem>>
      %dma_start3A_237 = tpu.memref_squeeze %dma_start3A_236 : memref<1x1x64xf32, #tpu.memory_space<vmem>> -> memref<64xf32, #tpu.memory_space<vmem>>
      %dma_start3A_238 = arith.constant 0 : i32
      %dma_start3A_239 = tpu.memref_slice %arg4[%squeeze3A_233, %dma_start3A_238] : memref<1000000x64xf32, #tpu.memory_space<hbm>> -> memref<1x64xf32, #tpu.memory_space<hbm>>
      %dma_start3A_240 = tpu.memref_squeeze %dma_start3A_239 : memref<1x64xf32, #tpu.memory_space<hbm>> -> memref<64xf32, #tpu.memory_space<hbm>>
      %dma_start3A_241 = arith.constant 0 : i32
      %dma_start3A_242 = tpu.memref_slice %arg9[%dma_start3A_234, %add3A_231, %dma_start3A_241] : memref<2x128x64xf32, #tpu.memory_space<vmem>> -> memref<1x1x64xf32, #tpu.memory_space<vmem>>
      %dma_start3A_243 = tpu.memref_squeeze %dma_start3A_242 : memref<1x1x64xf32, #tpu.memory_space<vmem>> -> memref<64xf32, #tpu.memory_space<vmem>>
      %dma_start3A_244 = arith.constant 0 : i32
      %dma_start3A_245 = tpu.memref_slice %arg4[%squeeze3A_233, %dma_start3A_244] : memref<1000000x64xf32, #tpu.memory_space<hbm>> -> memref<1x64xf32, #tpu.memory_space<hbm>>
      %dma_start3A_246 = tpu.memref_squeeze %dma_start3A_245 : memref<1x64xf32, #tpu.memory_space<hbm>> -> memref<64xf32, #tpu.memory_space<hbm>>
      tpu.enqueue_dma source(%dma_start3A_246 : memref<64xf32, #tpu.memory_space<hbm>>) target(%dma_start3A_243 : memref<64xf32, #tpu.memory_space<vmem>>) target_semaphore(%arg13 : memref<!tpu.dma_semaphore, #tpu.memory_space<semaphore_mem>>)
      %slice3A_247 = vector.extract_strided_slice %get3A_196 {offsets = [1], sizes = [1], strides = [1]} : vector<16xi32> to vector<1xi32>
      %squeeze3A_248 = vector.extract %slice3A_247[0] : i32 from vector<1xi32>
      %dma_start3A_249 = arith.constant 0 : i32
      %dma_start3A_250 = arith.constant 0 : i32
      %dma_start3A_251 = tpu.memref_slice %arg10[%dma_start3A_249, %add3A_231, %dma_start3A_250] : memref<2x128x64xf32, #tpu.memory_space<vmem>> -> memref<1x1x64xf32, #tpu.memory_space<vmem>>
      %dma_start3A_252 = tpu.memref_squeeze %dma_start3A_251 : memref<1x1x64xf32, #tpu.memory_space<vmem>> -> memref<64xf32, #tpu.memory_space<vmem>>
      %dma_start3A_253 = arith.constant 0 : i32
      %dma_start3A_254 = tpu.memref_slice %arg4[%squeeze3A_248, %dma_start3A_253] : memref<1000000x64xf32, #tpu.memory_space<hbm>> -> memref<1x64xf32, #tpu.memory_space<hbm>>
      %dma_start3A_255 = tpu.memref_squeeze %dma_start3A_254 : memref<1x64xf32, #tpu.memory_space<hbm>> -> memref<64xf32, #tpu.memory_space<hbm>>
      %dma_start3A_256 = arith.constant 0 : i32
      %dma_start3A_257 = tpu.memref_slice %arg10[%dma_start3A_249, %add3A_231, %dma_start3A_256] : memref<2x128x64xf32, #tpu.memory_space<vmem>> -> memref<1x1x64xf32, #tpu.memory_space<vmem>>
      %dma_start3A_258 = tpu.memref_squeeze %dma_start3A_257 : memref<1x1x64xf32, #tpu.memory_space<vmem>> -> memref<64xf32, #tpu.memory_space<vmem>>
      %dma_start3A_259 = arith.constant 0 : i32
      %dma_start3A_260 = tpu.memref_slice %arg4[%squeeze3A_248, %dma_start3A_259] : memref<1000000x64xf32, #tpu.memory_space<hbm>> -> memref<1x64xf32, #tpu.memory_space<hbm>>
      %dma_start3A_261 = tpu.memref_squeeze %dma_start3A_260 : memref<1x64xf32, #tpu.memory_space<hbm>> -> memref<64xf32, #tpu.memory_space<hbm>>
      tpu.enqueue_dma source(%dma_start3A_261 : memref<64xf32, #tpu.memory_space<hbm>>) target(%dma_start3A_258 : memref<64xf32, #tpu.memory_space<vmem>>) target_semaphore(%arg13 : memref<!tpu.dma_semaphore, #tpu.memory_space<semaphore_mem>>)
      %mul3A_262 = arith.constant 16 : i32
      %mul3A_263 = arith.muli %scan3A_184, %mul3A_262 : i32
      %add3A_264 = arith.constant 2 : i32
      %add3A_265 = arith.addi %mul3A_263, %add3A_264 : i32
      %slice3A_266 = vector.extract_strided_slice %get3A_190 {offsets = [2], sizes = [1], strides = [1]} : vector<16xi32> to vector<1xi32>
      %squeeze3A_267 = vector.extract %slice3A_266[0] : i32 from vector<1xi32>
      %dma_start3A_268 = arith.constant 0 : i32
      %dma_start3A_269 = arith.constant 0 : i32
      %dma_start3A_270 = tpu.memref_slice %arg9[%dma_start3A_268, %add3A_265, %dma_start3A_269] : memref<2x128x64xf32, #tpu.memory_space<vmem>> -> memref<1x1x64xf32, #tpu.memory_space<vmem>>
      %dma_start3A_271 = tpu.memref_squeeze %dma_start3A_270 : memref<1x1x64xf32, #tpu.memory_space<vmem>> -> memref<64xf32, #tpu.memory_space<vmem>>
      %dma_start3A_272 = arith.constant 0 : i32
      %dma_start3A_273 = tpu.memref_slice %arg4[%squeeze3A_267, %dma_start3A_272] : memref<1000000x64xf32, #tpu.memory_space<hbm>> -> memref<1x64xf32, #tpu.memory_space<hbm>>
      %dma_start3A_274 = tpu.memref_squeeze %dma_start3A_273 : memref<1x64xf32, #tpu.memory_space<hbm>> -> memref<64xf32, #tpu.memory_space<hbm>>
      %dma_start3A_275 = arith.constant 0 : i32
      %dma_start3A_276 = tpu.memref_slice %arg9[%dma_start3A_268, %add3A_265, %dma_start3A_275] : memref<2x128x64xf32, #tpu.memory_space<vmem>> -> memref<1x1x64xf32, #tpu.memory_space<vmem>>
      %dma_start3A_277 = tpu.memref_squeeze %dma_start3A_276 : memref<1x1x64xf32, #tpu.memory_space<vmem>> -> memref<64xf32, #tpu.memory_space<vmem>>
      %dma_start3A_278 = arith.constant 0 : i32
      %dma_start3A_279 = tpu.memref_slice %arg4[%squeeze3A_267, %dma_start3A_278] : memref<1000000x64xf32, #tpu.memory_space<hbm>> -> memref<1x64xf32, #tpu.memory_space<hbm>>
      %dma_start3A_280 = tpu.memref_squeeze %dma_start3A_279 : memref<1x64xf32, #tpu.memory_space<hbm>> -> memref<64xf32, #tpu.memory_space<hbm>>
      tpu.enqueue_dma source(%dma_start3A_280 : memref<64xf32, #tpu.memory_space<hbm>>) target(%dma_start3A_277 : memref<64xf32, #tpu.memory_space<vmem>>) target_semaphore(%arg13 : memref<!tpu.dma_semaphore, #tpu.memory_space<semaphore_mem>>)
      %slice3A_281 = vector.extract_strided_slice %get3A_196 {offsets = [2], sizes = [1], strides = [1]} : vector<16xi32> to vector<1xi32>
      %squeeze3A_282 = vector.extract %slice3A_281[0] : i32 from vector<1xi32>
      %dma_start3A_283 = arith.constant 0 : i32
      %dma_start3A_284 = arith.constant 0 : i32
      %dma_start3A_285 = tpu.memref_slice %arg10[%dma_start3A_283, %add3A_265, %dma_start3A_284] : memref<2x128x64xf32, #tpu.memory_space<vmem>> -> memref<1x1x64xf32, #tpu.memory_space<vmem>>
      %dma_start3A_286 = tpu.memref_squeeze %dma_start3A_285 : memref<1x1x64xf32, #tpu.memory_space<vmem>> -> memref<64xf32, #tpu.memory_space<vmem>>
      %dma_start3A_287 = arith.constant 0 : i32
      %dma_start3A_288 = tpu.memref_slice %arg4[%squeeze3A_282, %dma_start3A_287] : memref<1000000x64xf32, #tpu.memory_space<hbm>> -> memref<1x64xf32, #tpu.memory_space<hbm>>
      %dma_start3A_289 = tpu.memref_squeeze %dma_start3A_288 : memref<1x64xf32, #tpu.memory_space<hbm>> -> memref<64xf32, #tpu.memory_space<hbm>>
      %dma_start3A_290 = arith.constant 0 : i32
      %dma_start3A_291 = tpu.memref_slice %arg10[%dma_start3A_283, %add3A_265, %dma_start3A_290] : memref<2x128x64xf32, #tpu.memory_space<vmem>> -> memref<1x1x64xf32, #tpu.memory_space<vmem>>
      %dma_start3A_292 = tpu.memref_squeeze %dma_start3A_291 : memref<1x1x64xf32, #tpu.memory_space<vmem>> -> memref<64xf32, #tpu.memory_space<vmem>>
      %dma_start3A_293 = arith.constant 0 : i32
      %dma_start3A_294 = tpu.memref_slice %arg4[%squeeze3A_282, %dma_start3A_293] : memref<1000000x64xf32, #tpu.memory_space<hbm>> -> memref<1x64xf32, #tpu.memory_space<hbm>>
      %dma_start3A_295 = tpu.memref_squeeze %dma_start3A_294 : memref<1x64xf32, #tpu.memory_space<hbm>> -> memref<64xf32, #tpu.memory_space<hbm>>
      tpu.enqueue_dma source(%dma_start3A_295 : memref<64xf32, #tpu.memory_space<hbm>>) target(%dma_start3A_292 : memref<64xf32, #tpu.memory_space<vmem>>) target_semaphore(%arg13 : memref<!tpu.dma_semaphore, #tpu.memory_space<semaphore_mem>>)
      %mul3A_296 = arith.constant 16 : i32
      %mul3A_297 = arith.muli %scan3A_184, %mul3A_296 : i32
      %add3A_298 = arith.constant 3 : i32
      %add3A_299 = arith.addi %mul3A_297, %add3A_298 : i32
      %slice3A_300 = vector.extract_strided_slice %get3A_190 {offsets = [3], sizes = [1], strides = [1]} : vector<16xi32> to vector<1xi32>
      %squeeze3A_301 = vector.extract %slice3A_300[0] : i32 from vector<1xi32>
      %dma_start3A_302 = arith.constant 0 : i32
      %dma_start3A_303 = arith.constant 0 : i32
      %dma_start3A_304 = tpu.memref_slice %arg9[%dma_start3A_302, %add3A_299, %dma_start3A_303] : memref<2x128x64xf32, #tpu.memory_space<vmem>> -> memref<1x1x64xf32, #tpu.memory_space<vmem>>
      %dma_start3A_305 = tpu.memref_squeeze %dma_start3A_304 : memref<1x1x64xf32, #tpu.memory_space<vmem>> -> memref<64xf32, #tpu.memory_space<vmem>>
      %dma_start3A_306 = arith.constant 0 : i32
      %dma_start3A_307 = tpu.memref_slice %arg4[%squeeze3A_301, %dma_start3A_306] : memref<1000000x64xf32, #tpu.memory_space<hbm>> -> memref<1x64xf32, #tpu.memory_space<hbm>>
      %dma_start3A_308 = tpu.memref_squeeze %dma_start3A_307 : memref<1x64xf32, #tpu.memory_space<hbm>> -> memref<64xf32, #tpu.memory_space<hbm>>
      %dma_start3A_309 = arith.constant 0 : i32
      %dma_start3A_310 = tpu.memref_slice %arg9[%dma_start3A_302, %add3A_299, %dma_start3A_309] : memref<2x128x64xf32, #tpu.memory_space<vmem>> -> memref<1x1x64xf32, #tpu.memory_space<vmem>>
      %dma_start3A_311 = tpu.memref_squeeze %dma_start3A_310 : memref<1x1x64xf32, #tpu.memory_space<vmem>> -> memref<64xf32, #tpu.memory_space<vmem>>
      %dma_start3A_312 = arith.constant 0 : i32
      %dma_start3A_313 = tpu.memref_slice %arg4[%squeeze3A_301, %dma_start3A_312] : memref<1000000x64xf32, #tpu.memory_space<hbm>> -> memref<1x64xf32, #tpu.memory_space<hbm>>
      %dma_start3A_314 = tpu.memref_squeeze %dma_start3A_313 : memref<1x64xf32, #tpu.memory_space<hbm>> -> memref<64xf32, #tpu.memory_space<hbm>>
      tpu.enqueue_dma source(%dma_start3A_314 : memref<64xf32, #tpu.memory_space<hbm>>) target(%dma_start3A_311 : memref<64xf32, #tpu.memory_space<vmem>>) target_semaphore(%arg13 : memref<!tpu.dma_semaphore, #tpu.memory_space<semaphore_mem>>)
      %slice3A_315 = vector.extract_strided_slice %get3A_196 {offsets = [3], sizes = [1], strides = [1]} : vector<16xi32> to vector<1xi32>
      %squeeze3A_316 = vector.extract %slice3A_315[0] : i32 from vector<1xi32>
      %dma_start3A_317 = arith.constant 0 : i32
      %dma_start3A_318 = arith.constant 0 : i32
      %dma_start3A_319 = tpu.memref_slice %arg10[%dma_start3A_317, %add3A_299, %dma_start3A_318] : memref<2x128x64xf32, #tpu.memory_space<vmem>> -> memref<1x1x64xf32, #tpu.memory_space<vmem>>
      %dma_start3A_320 = tpu.memref_squeeze %dma_start3A_319 : memref<1x1x64xf32, #tpu.memory_space<vmem>> -> memref<64xf32, #tpu.memory_space<vmem>>
      %dma_start3A_321 = arith.constant 0 : i32
      %dma_start3A_322 = tpu.memref_slice %arg4[%squeeze3A_316, %dma_start3A_321] : memref<1000000x64xf32, #tpu.memory_space<hbm>> -> memref<1x64xf32, #tpu.memory_space<hbm>>
      %dma_start3A_323 = tpu.memref_squeeze %dma_start3A_322 : memref<1x64xf32, #tpu.memory_space<hbm>> -> memref<64xf32, #tpu.memory_space<hbm>>
      %dma_start3A_324 = arith.constant 0 : i32
      %dma_start3A_325 = tpu.memref_slice %arg10[%dma_start3A_317, %add3A_299, %dma_start3A_324] : memref<2x128x64xf32, #tpu.memory_space<vmem>> -> memref<1x1x64xf32, #tpu.memory_space<vmem>>
      %dma_start3A_326 = tpu.memref_squeeze %dma_start3A_325 : memref<1x1x64xf32, #tpu.memory_space<vmem>> -> memref<64xf32, #tpu.memory_space<vmem>>
      %dma_start3A_327 = arith.constant 0 : i32
      %dma_start3A_328 = tpu.memref_slice %arg4[%squeeze3A_316, %dma_start3A_327] : memref<1000000x64xf32, #tpu.memory_space<hbm>> -> memref<1x64xf32, #tpu.memory_space<hbm>>
      %dma_start3A_329 = tpu.memref_squeeze %dma_start3A_328 : memref<1x64xf32, #tpu.memory_space<hbm>> -> memref<64xf32, #tpu.memory_space<hbm>>
      tpu.enqueue_dma source(%dma_start3A_329 : memref<64xf32, #tpu.memory_space<hbm>>) target(%dma_start3A_326 : memref<64xf32, #tpu.memory_space<vmem>>) target_semaphore(%arg13 : memref<!tpu.dma_semaphore, #tpu.memory_space<semaphore_mem>>)
      %mul3A_330 = arith.constant 16 : i32
      %mul3A_331 = arith.muli %scan3A_184, %mul3A_330 : i32
      %add3A_332 = arith.constant 4 : i32
      %add3A_333 = arith.addi %mul3A_331, %add3A_332 : i32
      %slice3A_334 = vector.extract_strided_slice %get3A_190 {offsets = [4], sizes = [1], strides = [1]} : vector<16xi32> to vector<1xi32>
      %squeeze3A_335 = vector.extract %slice3A_334[0] : i32 from vector<1xi32>
      %dma_start3A_336 = arith.constant 0 : i32
      %dma_start3A_337 = arith.constant 0 : i32
      %dma_start3A_338 = tpu.memref_slice %arg9[%dma_start3A_336, %add3A_333, %dma_start3A_337] : memref<2x128x64xf32, #tpu.memory_space<vmem>> -> memref<1x1x64xf32, #tpu.memory_space<vmem>>
      %dma_start3A_339 = tpu.memref_squeeze %dma_start3A_338 : memref<1x1x64xf32, #tpu.memory_space<vmem>> -> memref<64xf32, #tpu.memory_space<vmem>>
      %dma_start3A_340 = arith.constant 0 : i32
      %dma_start3A_341 = tpu.memref_slice %arg4[%squeeze3A_335, %dma_start3A_340] : memref<1000000x64xf32, #tpu.memory_space<hbm>> -> memref<1x64xf32, #tpu.memory_space<hbm>>
      %dma_start3A_342 = tpu.memref_squeeze %dma_start3A_341 : memref<1x64xf32, #tpu.memory_space<hbm>> -> memref<64xf32, #tpu.memory_space<hbm>>
      %dma_start3A_343 = arith.constant 0 : i32
      %dma_start3A_344 = tpu.memref_slice %arg9[%dma_start3A_336, %add3A_333, %dma_start3A_343] : memref<2x128x64xf32, #tpu.memory_space<vmem>> -> memref<1x1x64xf32, #tpu.memory_space<vmem>>
      %dma_start3A_345 = tpu.memref_squeeze %dma_start3A_344 : memref<1x1x64xf32, #tpu.memory_space<vmem>> -> memref<64xf32, #tpu.memory_space<vmem>>
      %dma_start3A_346 = arith.constant 0 : i32
      %dma_start3A_347 = tpu.memref_slice %arg4[%squeeze3A_335, %dma_start3A_346] : memref<1000000x64xf32, #tpu.memory_space<hbm>> -> memref<1x64xf32, #tpu.memory_space<hbm>>
      %dma_start3A_348 = tpu.memref_squeeze %dma_start3A_347 : memref<1x64xf32, #tpu.memory_space<hbm>> -> memref<64xf32, #tpu.memory_space<hbm>>
      tpu.enqueue_dma source(%dma_start3A_348 : memref<64xf32, #tpu.memory_space<hbm>>) target(%dma_start3A_345 : memref<64xf32, #tpu.memory_space<vmem>>) target_semaphore(%arg13 : memref<!tpu.dma_semaphore, #tpu.memory_space<semaphore_mem>>)
      %slice3A_349 = vector.extract_strided_slice %get3A_196 {offsets = [4], sizes = [1], strides = [1]} : vector<16xi32> to vector<1xi32>
      %squeeze3A_350 = vector.extract %slice3A_349[0] : i32 from vector<1xi32>
      %dma_start3A_351 = arith.constant 0 : i32
      %dma_start3A_352 = arith.constant 0 : i32
      %dma_start3A_353 = tpu.memref_slice %arg10[%dma_start3A_351, %add3A_333, %dma_start3A_352] : memref<2x128x64xf32, #tpu.memory_space<vmem>> -> memref<1x1x64xf32, #tpu.memory_space<vmem>>
      %dma_start3A_354 = tpu.memref_squeeze %dma_start3A_353 : memref<1x1x64xf32, #tpu.memory_space<vmem>> -> memref<64xf32, #tpu.memory_space<vmem>>
      %dma_start3A_355 = arith.constant 0 : i32
      %dma_start3A_356 = tpu.memref_slice %arg4[%squeeze3A_350, %dma_start3A_355] : memref<1000000x64xf32, #tpu.memory_space<hbm>> -> memref<1x64xf32, #tpu.memory_space<hbm>>
      %dma_start3A_357 = tpu.memref_squeeze %dma_start3A_356 : memref<1x64xf32, #tpu.memory_space<hbm>> -> memref<64xf32, #tpu.memory_space<hbm>>
      %dma_start3A_358 = arith.constant 0 : i32
      %dma_start3A_359 = tpu.memref_slice %arg10[%dma_start3A_351, %add3A_333, %dma_start3A_358] : memref<2x128x64xf32, #tpu.memory_space<vmem>> -> memref<1x1x64xf32, #tpu.memory_space<vmem>>
      %dma_start3A_360 = tpu.memref_squeeze %dma_start3A_359 : memref<1x1x64xf32, #tpu.memory_space<vmem>> -> memref<64xf32, #tpu.memory_space<vmem>>
      %dma_start3A_361 = arith.constant 0 : i32
      %dma_start3A_362 = tpu.memref_slice %arg4[%squeeze3A_350, %dma_start3A_361] : memref<1000000x64xf32, #tpu.memory_space<hbm>> -> memref<1x64xf32, #tpu.memory_space<hbm>>
      %dma_start3A_363 = tpu.memref_squeeze %dma_start3A_362 : memref<1x64xf32, #tpu.memory_space<hbm>> -> memref<64xf32, #tpu.memory_space<hbm>>
      tpu.enqueue_dma source(%dma_start3A_363 : memref<64xf32, #tpu.memory_space<hbm>>) target(%dma_start3A_360 : memref<64xf32, #tpu.memory_space<vmem>>) target_semaphore(%arg13 : memref<!tpu.dma_semaphore, #tpu.memory_space<semaphore_mem>>)
      %mul3A_364 = arith.constant 16 : i32
      %mul3A_365 = arith.muli %scan3A_184, %mul3A_364 : i32
      %add3A_366 = arith.constant 5 : i32
      %add3A_367 = arith.addi %mul3A_365, %add3A_366 : i32
      %slice3A_368 = vector.extract_strided_slice %get3A_190 {offsets = [5], sizes = [1], strides = [1]} : vector<16xi32> to vector<1xi32>
      %squeeze3A_369 = vector.extract %slice3A_368[0] : i32 from vector<1xi32>
      %dma_start3A_370 = arith.constant 0 : i32
      %dma_start3A_371 = arith.constant 0 : i32
      %dma_start3A_372 = tpu.memref_slice %arg9[%dma_start3A_370, %add3A_367, %dma_start3A_371] : memref<2x128x64xf32, #tpu.memory_space<vmem>> -> memref<1x1x64xf32, #tpu.memory_space<vmem>>
      %dma_start3A_373 = tpu.memref_squeeze %dma_start3A_372 : memref<1x1x64xf32, #tpu.memory_space<vmem>> -> memref<64xf32, #tpu.memory_space<vmem>>
      %dma_start3A_374 = arith.constant 0 : i32
      %dma_start3A_375 = tpu.memref_slice %arg4[%squeeze3A_369, %dma_start3A_374] : memref<1000000x64xf32, #tpu.memory_space<hbm>> -> memref<1x64xf32, #tpu.memory_space<hbm>>
      %dma_start3A_376 = tpu.memref_squeeze %dma_start3A_375 : memref<1x64xf32, #tpu.memory_space<hbm>> -> memref<64xf32, #tpu.memory_space<hbm>>
      %dma_start3A_377 = arith.constant 0 : i32
      %dma_start3A_378 = tpu.memref_slice %arg9[%dma_start3A_370, %add3A_367, %dma_start3A_377] : memref<2x128x64xf32, #tpu.memory_space<vmem>> -> memref<1x1x64xf32, #tpu.memory_space<vmem>>
      %dma_start3A_379 = tpu.memref_squeeze %dma_start3A_378 : memref<1x1x64xf32, #tpu.memory_space<vmem>> -> memref<64xf32, #tpu.memory_space<vmem>>
      %dma_start3A_380 = arith.constant 0 : i32
      %dma_start3A_381 = tpu.memref_slice %arg4[%squeeze3A_369, %dma_start3A_380] : memref<1000000x64xf32, #tpu.memory_space<hbm>> -> memref<1x64xf32, #tpu.memory_space<hbm>>
      %dma_start3A_382 = tpu.memref_squeeze %dma_start3A_381 : memref<1x64xf32, #tpu.memory_space<hbm>> -> memref<64xf32, #tpu.memory_space<hbm>>
      tpu.enqueue_dma source(%dma_start3A_382 : memref<64xf32, #tpu.memory_space<hbm>>) target(%dma_start3A_379 : memref<64xf32, #tpu.memory_space<vmem>>) target_semaphore(%arg13 : memref<!tpu.dma_semaphore, #tpu.memory_space<semaphore_mem>>)
      %slice3A_383 = vector.extract_strided_slice %get3A_196 {offsets = [5], sizes = [1], strides = [1]} : vector<16xi32> to vector<1xi32>
      %squeeze3A_384 = vector.extract %slice3A_383[0] : i32 from vector<1xi32>
      %dma_start3A_385 = arith.constant 0 : i32
      %dma_start3A_386 = arith.constant 0 : i32
      %dma_start3A_387 = tpu.memref_slice %arg10[%dma_start3A_385, %add3A_367, %dma_start3A_386] : memref<2x128x64xf32, #tpu.memory_space<vmem>> -> memref<1x1x64xf32, #tpu.memory_space<vmem>>
      %dma_start3A_388 = tpu.memref_squeeze %dma_start3A_387 : memref<1x1x64xf32, #tpu.memory_space<vmem>> -> memref<64xf32, #tpu.memory_space<vmem>>
      %dma_start3A_389 = arith.constant 0 : i32
      %dma_start3A_390 = tpu.memref_slice %arg4[%squeeze3A_384, %dma_start3A_389] : memref<1000000x64xf32, #tpu.memory_space<hbm>> -> memref<1x64xf32, #tpu.memory_space<hbm>>
      %dma_start3A_391 = tpu.memref_squeeze %dma_start3A_390 : memref<1x64xf32, #tpu.memory_space<hbm>> -> memref<64xf32, #tpu.memory_space<hbm>>
      %dma_start3A_392 = arith.constant 0 : i32
      %dma_start3A_393 = tpu.memref_slice %arg10[%dma_start3A_385, %add3A_367, %dma_start3A_392] : memref<2x128x64xf32, #tpu.memory_space<vmem>> -> memref<1x1x64xf32, #tpu.memory_space<vmem>>
      %dma_start3A_394 = tpu.memref_squeeze %dma_start3A_393 : memref<1x1x64xf32, #tpu.memory_space<vmem>> -> memref<64xf32, #tpu.memory_space<vmem>>
      %dma_start3A_395 = arith.constant 0 : i32
      %dma_start3A_396 = tpu.memref_slice %arg4[%squeeze3A_384, %dma_start3A_395] : memref<1000000x64xf32, #tpu.memory_space<hbm>> -> memref<1x64xf32, #tpu.memory_space<hbm>>
      %dma_start3A_397 = tpu.memref_squeeze %dma_start3A_396 : memref<1x64xf32, #tpu.memory_space<hbm>> -> memref<64xf32, #tpu.memory_space<hbm>>
      tpu.enqueue_dma source(%dma_start3A_397 : memref<64xf32, #tpu.memory_space<hbm>>) target(%dma_start3A_394 : memref<64xf32, #tpu.memory_space<vmem>>) target_semaphore(%arg13 : memref<!tpu.dma_semaphore, #tpu.memory_space<semaphore_mem>>)
      %mul3A_398 = arith.constant 16 : i32
      %mul3A_399 = arith.muli %scan3A_184, %mul3A_398 : i32
      %add3A_400 = arith.constant 6 : i32
      %add3A_401 = arith.addi %mul3A_399, %add3A_400 : i32
      %slice3A_402 = vector.extract_strided_slice %get3A_190 {offsets = [6], sizes = [1], strides = [1]} : vector<16xi32> to vector<1xi32>
      %squeeze3A_403 = vector.extract %slice3A_402[0] : i32 from vector<1xi32>
      %dma_start3A_404 = arith.constant 0 : i32
      %dma_start3A_405 = arith.constant 0 : i32
      %dma_start3A_406 = tpu.memref_slice %arg9[%dma_start3A_404, %add3A_401, %dma_start3A_405] : memref<2x128x64xf32, #tpu.memory_space<vmem>> -> memref<1x1x64xf32, #tpu.memory_space<vmem>>
      %dma_start3A_407 = tpu.memref_squeeze %dma_start3A_406 : memref<1x1x64xf32, #tpu.memory_space<vmem>> -> memref<64xf32, #tpu.memory_space<vmem>>
      %dma_start3A_408 = arith.constant 0 : i32
      %dma_start3A_409 = tpu.memref_slice %arg4[%squeeze3A_403, %dma_start3A_408] : memref<1000000x64xf32, #tpu.memory_space<hbm>> -> memref<1x64xf32, #tpu.memory_space<hbm>>
      %dma_start3A_410 = tpu.memref_squeeze %dma_start3A_409 : memref<1x64xf32, #tpu.memory_space<hbm>> -> memref<64xf32, #tpu.memory_space<hbm>>
      %dma_start3A_411 = arith.constant 0 : i32
      %dma_start3A_412 = tpu.memref_slice %arg9[%dma_start3A_404, %add3A_401, %dma_start3A_411] : memref<2x128x64xf32, #tpu.memory_space<vmem>> -> memref<1x1x64xf32, #tpu.memory_space<vmem>>
      %dma_start3A_413 = tpu.memref_squeeze %dma_start3A_412 : memref<1x1x64xf32, #tpu.memory_space<vmem>> -> memref<64xf32, #tpu.memory_space<vmem>>
      %dma_start3A_414 = arith.constant 0 : i32
      %dma_start3A_415 = tpu.memref_slice %arg4[%squeeze3A_403, %dma_start3A_414] : memref<1000000x64xf32, #tpu.memory_space<hbm>> -> memref<1x64xf32, #tpu.memory_space<hbm>>
      %dma_start3A_416 = tpu.memref_squeeze %dma_start3A_415 : memref<1x64xf32, #tpu.memory_space<hbm>> -> memref<64xf32, #tpu.memory_space<hbm>>
      tpu.enqueue_dma source(%dma_start3A_416 : memref<64xf32, #tpu.memory_space<hbm>>) target(%dma_start3A_413 : memref<64xf32, #tpu.memory_space<vmem>>) target_semaphore(%arg13 : memref<!tpu.dma_semaphore, #tpu.memory_space<semaphore_mem>>)
      %slice3A_417 = vector.extract_strided_slice %get3A_196 {offsets = [6], sizes = [1], strides = [1]} : vector<16xi32> to vector<1xi32>
      %squeeze3A_418 = vector.extract %slice3A_417[0] : i32 from vector<1xi32>
      %dma_start3A_419 = arith.constant 0 : i32
      %dma_start3A_420 = arith.constant 0 : i32
      %dma_start3A_421 = tpu.memref_slice %arg10[%dma_start3A_419, %add3A_401, %dma_start3A_420] : memref<2x128x64xf32, #tpu.memory_space<vmem>> -> memref<1x1x64xf32, #tpu.memory_space<vmem>>
      %dma_start3A_422 = tpu.memref_squeeze %dma_start3A_421 : memref<1x1x64xf32, #tpu.memory_space<vmem>> -> memref<64xf32, #tpu.memory_space<vmem>>
      %dma_start3A_423 = arith.constant 0 : i32
      %dma_start3A_424 = tpu.memref_slice %arg4[%squeeze3A_418, %dma_start3A_423] : memref<1000000x64xf32, #tpu.memory_space<hbm>> -> memref<1x64xf32, #tpu.memory_space<hbm>>
      %dma_start3A_425 = tpu.memref_squeeze %dma_start3A_424 : memref<1x64xf32, #tpu.memory_space<hbm>> -> memref<64xf32, #tpu.memory_space<hbm>>
      %dma_start3A_426 = arith.constant 0 : i32
      %dma_start3A_427 = tpu.memref_slice %arg10[%dma_start3A_419, %add3A_401, %dma_start3A_426] : memref<2x128x64xf32, #tpu.memory_space<vmem>> -> memref<1x1x64xf32, #tpu.memory_space<vmem>>
      %dma_start3A_428 = tpu.memref_squeeze %dma_start3A_427 : memref<1x1x64xf32, #tpu.memory_space<vmem>> -> memref<64xf32, #tpu.memory_space<vmem>>
      %dma_start3A_429 = arith.constant 0 : i32
      %dma_start3A_430 = tpu.memref_slice %arg4[%squeeze3A_418, %dma_start3A_429] : memref<1000000x64xf32, #tpu.memory_space<hbm>> -> memref<1x64xf32, #tpu.memory_space<hbm>>
      %dma_start3A_431 = tpu.memref_squeeze %dma_start3A_430 : memref<1x64xf32, #tpu.memory_space<hbm>> -> memref<64xf32, #tpu.memory_space<hbm>>
      tpu.enqueue_dma source(%dma_start3A_431 : memref<64xf32, #tpu.memory_space<hbm>>) target(%dma_start3A_428 : memref<64xf32, #tpu.memory_space<vmem>>) target_semaphore(%arg13 : memref<!tpu.dma_semaphore, #tpu.memory_space<semaphore_mem>>)
      %mul3A_432 = arith.constant 16 : i32
      %mul3A_433 = arith.muli %scan3A_184, %mul3A_432 : i32
      %add3A_434 = arith.constant 7 : i32
      %add3A_435 = arith.addi %mul3A_433, %add3A_434 : i32
      %slice3A_436 = vector.extract_strided_slice %get3A_190 {offsets = [7], sizes = [1], strides = [1]} : vector<16xi32> to vector<1xi32>
      %squeeze3A_437 = vector.extract %slice3A_436[0] : i32 from vector<1xi32>
      %dma_start3A_438 = arith.constant 0 : i32
      %dma_start3A_439 = arith.constant 0 : i32
      %dma_start3A_440 = tpu.memref_slice %arg9[%dma_start3A_438, %add3A_435, %dma_start3A_439] : memref<2x128x64xf32, #tpu.memory_space<vmem>> -> memref<1x1x64xf32, #tpu.memory_space<vmem>>
      %dma_start3A_441 = tpu.memref_squeeze %dma_start3A_440 : memref<1x1x64xf32, #tpu.memory_space<vmem>> -> memref<64xf32, #tpu.memory_space<vmem>>
      %dma_start3A_442 = arith.constant 0 : i32
      %dma_start3A_443 = tpu.memref_slice %arg4[%squeeze3A_437, %dma_start3A_442] : memref<1000000x64xf32, #tpu.memory_space<hbm>> -> memref<1x64xf32, #tpu.memory_space<hbm>>
      %dma_start3A_444 = tpu.memref_squeeze %dma_start3A_443 : memref<1x64xf32, #tpu.memory_space<hbm>> -> memref<64xf32, #tpu.memory_space<hbm>>
      %dma_start3A_445 = arith.constant 0 : i32
      %dma_start3A_446 = tpu.memref_slice %arg9[%dma_start3A_438, %add3A_435, %dma_start3A_445] : memref<2x128x64xf32, #tpu.memory_space<vmem>> -> memref<1x1x64xf32, #tpu.memory_space<vmem>>
      %dma_start3A_447 = tpu.memref_squeeze %dma_start3A_446 : memref<1x1x64xf32, #tpu.memory_space<vmem>> -> memref<64xf32, #tpu.memory_space<vmem>>
      %dma_start3A_448 = arith.constant 0 : i32
      %dma_start3A_449 = tpu.memref_slice %arg4[%squeeze3A_437, %dma_start3A_448] : memref<1000000x64xf32, #tpu.memory_space<hbm>> -> memref<1x64xf32, #tpu.memory_space<hbm>>
      %dma_start3A_450 = tpu.memref_squeeze %dma_start3A_449 : memref<1x64xf32, #tpu.memory_space<hbm>> -> memref<64xf32, #tpu.memory_space<hbm>>
      tpu.enqueue_dma source(%dma_start3A_450 : memref<64xf32, #tpu.memory_space<hbm>>) target(%dma_start3A_447 : memref<64xf32, #tpu.memory_space<vmem>>) target_semaphore(%arg13 : memref<!tpu.dma_semaphore, #tpu.memory_space<semaphore_mem>>)
      %slice3A_451 = vector.extract_strided_slice %get3A_196 {offsets = [7], sizes = [1], strides = [1]} : vector<16xi32> to vector<1xi32>
      %squeeze3A_452 = vector.extract %slice3A_451[0] : i32 from vector<1xi32>
      %dma_start3A_453 = arith.constant 0 : i32
      %dma_start3A_454 = arith.constant 0 : i32
      %dma_start3A_455 = tpu.memref_slice %arg10[%dma_start3A_453, %add3A_435, %dma_start3A_454] : memref<2x128x64xf32, #tpu.memory_space<vmem>> -> memref<1x1x64xf32, #tpu.memory_space<vmem>>
      %dma_start3A_456 = tpu.memref_squeeze %dma_start3A_455 : memref<1x1x64xf32, #tpu.memory_space<vmem>> -> memref<64xf32, #tpu.memory_space<vmem>>
      %dma_start3A_457 = arith.constant 0 : i32
      %dma_start3A_458 = tpu.memref_slice %arg4[%squeeze3A_452, %dma_start3A_457] : memref<1000000x64xf32, #tpu.memory_space<hbm>> -> memref<1x64xf32, #tpu.memory_space<hbm>>
      %dma_start3A_459 = tpu.memref_squeeze %dma_start3A_458 : memref<1x64xf32, #tpu.memory_space<hbm>> -> memref<64xf32, #tpu.memory_space<hbm>>
      %dma_start3A_460 = arith.constant 0 : i32
      %dma_start3A_461 = tpu.memref_slice %arg10[%dma_start3A_453, %add3A_435, %dma_start3A_460] : memref<2x128x64xf32, #tpu.memory_space<vmem>> -> memref<1x1x64xf32, #tpu.memory_space<vmem>>
      %dma_start3A_462 = tpu.memref_squeeze %dma_start3A_461 : memref<1x1x64xf32, #tpu.memory_space<vmem>> -> memref<64xf32, #tpu.memory_space<vmem>>
      %dma_start3A_463 = arith.constant 0 : i32
      %dma_start3A_464 = tpu.memref_slice %arg4[%squeeze3A_452, %dma_start3A_463] : memref<1000000x64xf32, #tpu.memory_space<hbm>> -> memref<1x64xf32, #tpu.memory_space<hbm>>
      %dma_start3A_465 = tpu.memref_squeeze %dma_start3A_464 : memref<1x64xf32, #tpu.memory_space<hbm>> -> memref<64xf32, #tpu.memory_space<hbm>>
      tpu.enqueue_dma source(%dma_start3A_465 : memref<64xf32, #tpu.memory_space<hbm>>) target(%dma_start3A_462 : memref<64xf32, #tpu.memory_space<vmem>>) target_semaphore(%arg13 : memref<!tpu.dma_semaphore, #tpu.memory_space<semaphore_mem>>)
      %mul3A_466 = arith.constant 16 : i32
      %mul3A_467 = arith.muli %scan3A_184, %mul3A_466 : i32
      %add3A_468 = arith.constant 8 : i32
      %add3A_469 = arith.addi %mul3A_467, %add3A_468 : i32
      %slice3A_470 = vector.extract_strided_slice %get3A_190 {offsets = [8], sizes = [1], strides = [1]} : vector<16xi32> to vector<1xi32>
      %squeeze3A_471 = vector.extract %slice3A_470[0] : i32 from vector<1xi32>
      %dma_start3A_472 = arith.constant 0 : i32
      %dma_start3A_473 = arith.constant 0 : i32
      %dma_start3A_474 = tpu.memref_slice %arg9[%dma_start3A_472, %add3A_469, %dma_start3A_473] : memref<2x128x64xf32, #tpu.memory_space<vmem>> -> memref<1x1x64xf32, #tpu.memory_space<vmem>>
      %dma_start3A_475 = tpu.memref_squeeze %dma_start3A_474 : memref<1x1x64xf32, #tpu.memory_space<vmem>> -> memref<64xf32, #tpu.memory_space<vmem>>
      %dma_start3A_476 = arith.constant 0 : i32
      %dma_start3A_477 = tpu.memref_slice %arg4[%squeeze3A_471, %dma_start3A_476] : memref<1000000x64xf32, #tpu.memory_space<hbm>> -> memref<1x64xf32, #tpu.memory_space<hbm>>
      %dma_start3A_478 = tpu.memref_squeeze %dma_start3A_477 : memref<1x64xf32, #tpu.memory_space<hbm>> -> memref<64xf32, #tpu.memory_space<hbm>>
      %dma_start3A_479 = arith.constant 0 : i32
      %dma_start3A_480 = tpu.memref_slice %arg9[%dma_start3A_472, %add3A_469, %dma_start3A_479] : memref<2x128x64xf32, #tpu.memory_space<vmem>> -> memref<1x1x64xf32, #tpu.memory_space<vmem>>
      %dma_start3A_481 = tpu.memref_squeeze %dma_start3A_480 : memref<1x1x64xf32, #tpu.memory_space<vmem>> -> memref<64xf32, #tpu.memory_space<vmem>>
      %dma_start3A_482 = arith.constant 0 : i32
      %dma_start3A_483 = tpu.memref_slice %arg4[%squeeze3A_471, %dma_start3A_482] : memref<1000000x64xf32, #tpu.memory_space<hbm>> -> memref<1x64xf32, #tpu.memory_space<hbm>>
      %dma_start3A_484 = tpu.memref_squeeze %dma_start3A_483 : memref<1x64xf32, #tpu.memory_space<hbm>> -> memref<64xf32, #tpu.memory_space<hbm>>
      tpu.enqueue_dma source(%dma_start3A_484 : memref<64xf32, #tpu.memory_space<hbm>>) target(%dma_start3A_481 : memref<64xf32, #tpu.memory_space<vmem>>) target_semaphore(%arg13 : memref<!tpu.dma_semaphore, #tpu.memory_space<semaphore_mem>>)
      %slice3A_485 = vector.extract_strided_slice %get3A_196 {offsets = [8], sizes = [1], strides = [1]} : vector<16xi32> to vector<1xi32>
      %squeeze3A_486 = vector.extract %slice3A_485[0] : i32 from vector<1xi32>
      %dma_start3A_487 = arith.constant 0 : i32
      %dma_start3A_488 = arith.constant 0 : i32
      %dma_start3A_489 = tpu.memref_slice %arg10[%dma_start3A_487, %add3A_469, %dma_start3A_488] : memref<2x128x64xf32, #tpu.memory_space<vmem>> -> memref<1x1x64xf32, #tpu.memory_space<vmem>>
      %dma_start3A_490 = tpu.memref_squeeze %dma_start3A_489 : memref<1x1x64xf32, #tpu.memory_space<vmem>> -> memref<64xf32, #tpu.memory_space<vmem>>
      %dma_start3A_491 = arith.constant 0 : i32
      %dma_start3A_492 = tpu.memref_slice %arg4[%squeeze3A_486, %dma_start3A_491] : memref<1000000x64xf32, #tpu.memory_space<hbm>> -> memref<1x64xf32, #tpu.memory_space<hbm>>
      %dma_start3A_493 = tpu.memref_squeeze %dma_start3A_492 : memref<1x64xf32, #tpu.memory_space<hbm>> -> memref<64xf32, #tpu.memory_space<hbm>>
      %dma_start3A_494 = arith.constant 0 : i32
      %dma_start3A_495 = tpu.memref_slice %arg10[%dma_start3A_487, %add3A_469, %dma_start3A_494] : memref<2x128x64xf32, #tpu.memory_space<vmem>> -> memref<1x1x64xf32, #tpu.memory_space<vmem>>
      %dma_start3A_496 = tpu.memref_squeeze %dma_start3A_495 : memref<1x1x64xf32, #tpu.memory_space<vmem>> -> memref<64xf32, #tpu.memory_space<vmem>>
      %dma_start3A_497 = arith.constant 0 : i32
      %dma_start3A_498 = tpu.memref_slice %arg4[%squeeze3A_486, %dma_start3A_497] : memref<1000000x64xf32, #tpu.memory_space<hbm>> -> memref<1x64xf32, #tpu.memory_space<hbm>>
      %dma_start3A_499 = tpu.memref_squeeze %dma_start3A_498 : memref<1x64xf32, #tpu.memory_space<hbm>> -> memref<64xf32, #tpu.memory_space<hbm>>
      tpu.enqueue_dma source(%dma_start3A_499 : memref<64xf32, #tpu.memory_space<hbm>>) target(%dma_start3A_496 : memref<64xf32, #tpu.memory_space<vmem>>) target_semaphore(%arg13 : memref<!tpu.dma_semaphore, #tpu.memory_space<semaphore_mem>>)
      %mul3A_500 = arith.constant 16 : i32
      %mul3A_501 = arith.muli %scan3A_184, %mul3A_500 : i32
      %add3A_502 = arith.constant 9 : i32
      %add3A_503 = arith.addi %mul3A_501, %add3A_502 : i32
      %slice3A_504 = vector.extract_strided_slice %get3A_190 {offsets = [9], sizes = [1], strides = [1]} : vector<16xi32> to vector<1xi32>
      %squeeze3A_505 = vector.extract %slice3A_504[0] : i32 from vector<1xi32>
      %dma_start3A_506 = arith.constant 0 : i32
      %dma_start3A_507 = arith.constant 0 : i32
      %dma_start3A_508 = tpu.memref_slice %arg9[%dma_start3A_506, %add3A_503, %dma_start3A_507] : memref<2x128x64xf32, #tpu.memory_space<vmem>> -> memref<1x1x64xf32, #tpu.memory_space<vmem>>
      %dma_start3A_509 = tpu.memref_squeeze %dma_start3A_508 : memref<1x1x64xf32, #tpu.memory_space<vmem>> -> memref<64xf32, #tpu.memory_space<vmem>>
      %dma_start3A_510 = arith.constant 0 : i32
      %dma_start3A_511 = tpu.memref_slice %arg4[%squeeze3A_505, %dma_start3A_510] : memref<1000000x64xf32, #tpu.memory_space<hbm>> -> memref<1x64xf32, #tpu.memory_space<hbm>>
      %dma_start3A_512 = tpu.memref_squeeze %dma_start3A_511 : memref<1x64xf32, #tpu.memory_space<hbm>> -> memref<64xf32, #tpu.memory_space<hbm>>
      %dma_start3A_513 = arith.constant 0 : i32
      %dma_start3A_514 = tpu.memref_slice %arg9[%dma_start3A_506, %add3A_503, %dma_start3A_513] : memref<2x128x64xf32, #tpu.memory_space<vmem>> -> memref<1x1x64xf32, #tpu.memory_space<vmem>>
      %dma_start3A_515 = tpu.memref_squeeze %dma_start3A_514 : memref<1x1x64xf32, #tpu.memory_space<vmem>> -> memref<64xf32, #tpu.memory_space<vmem>>
      %dma_start3A_516 = arith.constant 0 : i32
      %dma_start3A_517 = tpu.memref_slice %arg4[%squeeze3A_505, %dma_start3A_516] : memref<1000000x64xf32, #tpu.memory_space<hbm>> -> memref<1x64xf32, #tpu.memory_space<hbm>>
      %dma_start3A_518 = tpu.memref_squeeze %dma_start3A_517 : memref<1x64xf32, #tpu.memory_space<hbm>> -> memref<64xf32, #tpu.memory_space<hbm>>
      tpu.enqueue_dma source(%dma_start3A_518 : memref<64xf32, #tpu.memory_space<hbm>>) target(%dma_start3A_515 : memref<64xf32, #tpu.memory_space<vmem>>) target_semaphore(%arg13 : memref<!tpu.dma_semaphore, #tpu.memory_space<semaphore_mem>>)
      %slice3A_519 = vector.extract_strided_slice %get3A_196 {offsets = [9], sizes = [1], strides = [1]} : vector<16xi32> to vector<1xi32>
      %squeeze3A_520 = vector.extract %slice3A_519[0] : i32 from vector<1xi32>
      %dma_start3A_521 = arith.constant 0 : i32
      %dma_start3A_522 = arith.constant 0 : i32
      %dma_start3A_523 = tpu.memref_slice %arg10[%dma_start3A_521, %add3A_503, %dma_start3A_522] : memref<2x128x64xf32, #tpu.memory_space<vmem>> -> memref<1x1x64xf32, #tpu.memory_space<vmem>>
      %dma_start3A_524 = tpu.memref_squeeze %dma_start3A_523 : memref<1x1x64xf32, #tpu.memory_space<vmem>> -> memref<64xf32, #tpu.memory_space<vmem>>
      %dma_start3A_525 = arith.constant 0 : i32
      %dma_start3A_526 = tpu.memref_slice %arg4[%squeeze3A_520, %dma_start3A_525] : memref<1000000x64xf32, #tpu.memory_space<hbm>> -> memref<1x64xf32, #tpu.memory_space<hbm>>
      %dma_start3A_527 = tpu.memref_squeeze %dma_start3A_526 : memref<1x64xf32, #tpu.memory_space<hbm>> -> memref<64xf32, #tpu.memory_space<hbm>>
      %dma_start3A_528 = arith.constant 0 : i32
      %dma_start3A_529 = tpu.memref_slice %arg10[%dma_start3A_521, %add3A_503, %dma_start3A_528] : memref<2x128x64xf32, #tpu.memory_space<vmem>> -> memref<1x1x64xf32, #tpu.memory_space<vmem>>
      %dma_start3A_530 = tpu.memref_squeeze %dma_start3A_529 : memref<1x1x64xf32, #tpu.memory_space<vmem>> -> memref<64xf32, #tpu.memory_space<vmem>>
      %dma_start3A_531 = arith.constant 0 : i32
      %dma_start3A_532 = tpu.memref_slice %arg4[%squeeze3A_520, %dma_start3A_531] : memref<1000000x64xf32, #tpu.memory_space<hbm>> -> memref<1x64xf32, #tpu.memory_space<hbm>>
      %dma_start3A_533 = tpu.memref_squeeze %dma_start3A_532 : memref<1x64xf32, #tpu.memory_space<hbm>> -> memref<64xf32, #tpu.memory_space<hbm>>
      tpu.enqueue_dma source(%dma_start3A_533 : memref<64xf32, #tpu.memory_space<hbm>>) target(%dma_start3A_530 : memref<64xf32, #tpu.memory_space<vmem>>) target_semaphore(%arg13 : memref<!tpu.dma_semaphore, #tpu.memory_space<semaphore_mem>>)
      %mul3A_534 = arith.constant 16 : i32
      %mul3A_535 = arith.muli %scan3A_184, %mul3A_534 : i32
      %add3A_536 = arith.constant 10 : i32
      %add3A_537 = arith.addi %mul3A_535, %add3A_536 : i32
      %slice3A_538 = vector.extract_strided_slice %get3A_190 {offsets = [10], sizes = [1], strides = [1]} : vector<16xi32> to vector<1xi32>
      %squeeze3A_539 = vector.extract %slice3A_538[0] : i32 from vector<1xi32>
      %dma_start3A_540 = arith.constant 0 : i32
      %dma_start3A_541 = arith.constant 0 : i32
      %dma_start3A_542 = tpu.memref_slice %arg9[%dma_start3A_540, %add3A_537, %dma_start3A_541] : memref<2x128x64xf32, #tpu.memory_space<vmem>> -> memref<1x1x64xf32, #tpu.memory_space<vmem>>
      %dma_start3A_543 = tpu.memref_squeeze %dma_start3A_542 : memref<1x1x64xf32, #tpu.memory_space<vmem>> -> memref<64xf32, #tpu.memory_space<vmem>>
      %dma_start3A_544 = arith.constant 0 : i32
      %dma_start3A_545 = tpu.memref_slice %arg4[%squeeze3A_539, %dma_start3A_544] : memref<1000000x64xf32, #tpu.memory_space<hbm>> -> memref<1x64xf32, #tpu.memory_space<hbm>>
      %dma_start3A_546 = tpu.memref_squeeze %dma_start3A_545 : memref<1x64xf32, #tpu.memory_space<hbm>> -> memref<64xf32, #tpu.memory_space<hbm>>
      %dma_start3A_547 = arith.constant 0 : i32
      %dma_start3A_548 = tpu.memref_slice %arg9[%dma_start3A_540, %add3A_537, %dma_start3A_547] : memref<2x128x64xf32, #tpu.memory_space<vmem>> -> memref<1x1x64xf32, #tpu.memory_space<vmem>>
      %dma_start3A_549 = tpu.memref_squeeze %dma_start3A_548 : memref<1x1x64xf32, #tpu.memory_space<vmem>> -> memref<64xf32, #tpu.memory_space<vmem>>
      %dma_start3A_550 = arith.constant 0 : i32
      %dma_start3A_551 = tpu.memref_slice %arg4[%squeeze3A_539, %dma_start3A_550] : memref<1000000x64xf32, #tpu.memory_space<hbm>> -> memref<1x64xf32, #tpu.memory_space<hbm>>
      %dma_start3A_552 = tpu.memref_squeeze %dma_start3A_551 : memref<1x64xf32, #tpu.memory_space<hbm>> -> memref<64xf32, #tpu.memory_space<hbm>>
      tpu.enqueue_dma source(%dma_start3A_552 : memref<64xf32, #tpu.memory_space<hbm>>) target(%dma_start3A_549 : memref<64xf32, #tpu.memory_space<vmem>>) target_semaphore(%arg13 : memref<!tpu.dma_semaphore, #tpu.memory_space<semaphore_mem>>)
      %slice3A_553 = vector.extract_strided_slice %get3A_196 {offsets = [10], sizes = [1], strides = [1]} : vector<16xi32> to vector<1xi32>
      %squeeze3A_554 = vector.extract %slice3A_553[0] : i32 from vector<1xi32>
      %dma_start3A_555 = arith.constant 0 : i32
      %dma_start3A_556 = arith.constant 0 : i32
      %dma_start3A_557 = tpu.memref_slice %arg10[%dma_start3A_555, %add3A_537, %dma_start3A_556] : memref<2x128x64xf32, #tpu.memory_space<vmem>> -> memref<1x1x64xf32, #tpu.memory_space<vmem>>
      %dma_start3A_558 = tpu.memref_squeeze %dma_start3A_557 : memref<1x1x64xf32, #tpu.memory_space<vmem>> -> memref<64xf32, #tpu.memory_space<vmem>>
      %dma_start3A_559 = arith.constant 0 : i32
      %dma_start3A_560 = tpu.memref_slice %arg4[%squeeze3A_554, %dma_start3A_559] : memref<1000000x64xf32, #tpu.memory_space<hbm>> -> memref<1x64xf32, #tpu.memory_space<hbm>>
      %dma_start3A_561 = tpu.memref_squeeze %dma_start3A_560 : memref<1x64xf32, #tpu.memory_space<hbm>> -> memref<64xf32, #tpu.memory_space<hbm>>
      %dma_start3A_562 = arith.constant 0 : i32
      %dma_start3A_563 = tpu.memref_slice %arg10[%dma_start3A_555, %add3A_537, %dma_start3A_562] : memref<2x128x64xf32, #tpu.memory_space<vmem>> -> memref<1x1x64xf32, #tpu.memory_space<vmem>>
      %dma_start3A_564 = tpu.memref_squeeze %dma_start3A_563 : memref<1x1x64xf32, #tpu.memory_space<vmem>> -> memref<64xf32, #tpu.memory_space<vmem>>
      %dma_start3A_565 = arith.constant 0 : i32
      %dma_start3A_566 = tpu.memref_slice %arg4[%squeeze3A_554, %dma_start3A_565] : memref<1000000x64xf32, #tpu.memory_space<hbm>> -> memref<1x64xf32, #tpu.memory_space<hbm>>
      %dma_start3A_567 = tpu.memref_squeeze %dma_start3A_566 : memref<1x64xf32, #tpu.memory_space<hbm>> -> memref<64xf32, #tpu.memory_space<hbm>>
      tpu.enqueue_dma source(%dma_start3A_567 : memref<64xf32, #tpu.memory_space<hbm>>) target(%dma_start3A_564 : memref<64xf32, #tpu.memory_space<vmem>>) target_semaphore(%arg13 : memref<!tpu.dma_semaphore, #tpu.memory_space<semaphore_mem>>)
      %mul3A_568 = arith.constant 16 : i32
      %mul3A_569 = arith.muli %scan3A_184, %mul3A_568 : i32
      %add3A_570 = arith.constant 11 : i32
      %add3A_571 = arith.addi %mul3A_569, %add3A_570 : i32
      %slice3A_572 = vector.extract_strided_slice %get3A_190 {offsets = [11], sizes = [1], strides = [1]} : vector<16xi32> to vector<1xi32>
      %squeeze3A_573 = vector.extract %slice3A_572[0] : i32 from vector<1xi32>
      %dma_start3A_574 = arith.constant 0 : i32
      %dma_start3A_575 = arith.constant 0 : i32
      %dma_start3A_576 = tpu.memref_slice %arg9[%dma_start3A_574, %add3A_571, %dma_start3A_575] : memref<2x128x64xf32, #tpu.memory_space<vmem>> -> memref<1x1x64xf32, #tpu.memory_space<vmem>>
      %dma_start3A_577 = tpu.memref_squeeze %dma_start3A_576 : memref<1x1x64xf32, #tpu.memory_space<vmem>> -> memref<64xf32, #tpu.memory_space<vmem>>
      %dma_start3A_578 = arith.constant 0 : i32
      %dma_start3A_579 = tpu.memref_slice %arg4[%squeeze3A_573, %dma_start3A_578] : memref<1000000x64xf32, #tpu.memory_space<hbm>> -> memref<1x64xf32, #tpu.memory_space<hbm>>
      %dma_start3A_580 = tpu.memref_squeeze %dma_start3A_579 : memref<1x64xf32, #tpu.memory_space<hbm>> -> memref<64xf32, #tpu.memory_space<hbm>>
      %dma_start3A_581 = arith.constant 0 : i32
      %dma_start3A_582 = tpu.memref_slice %arg9[%dma_start3A_574, %add3A_571, %dma_start3A_581] : memref<2x128x64xf32, #tpu.memory_space<vmem>> -> memref<1x1x64xf32, #tpu.memory_space<vmem>>
      %dma_start3A_583 = tpu.memref_squeeze %dma_start3A_582 : memref<1x1x64xf32, #tpu.memory_space<vmem>> -> memref<64xf32, #tpu.memory_space<vmem>>
      %dma_start3A_584 = arith.constant 0 : i32
      %dma_start3A_585 = tpu.memref_slice %arg4[%squeeze3A_573, %dma_start3A_584] : memref<1000000x64xf32, #tpu.memory_space<hbm>> -> memref<1x64xf32, #tpu.memory_space<hbm>>
      %dma_start3A_586 = tpu.memref_squeeze %dma_start3A_585 : memref<1x64xf32, #tpu.memory_space<hbm>> -> memref<64xf32, #tpu.memory_space<hbm>>
      tpu.enqueue_dma source(%dma_start3A_586 : memref<64xf32, #tpu.memory_space<hbm>>) target(%dma_start3A_583 : memref<64xf32, #tpu.memory_space<vmem>>) target_semaphore(%arg13 : memref<!tpu.dma_semaphore, #tpu.memory_space<semaphore_mem>>)
      %slice3A_587 = vector.extract_strided_slice %get3A_196 {offsets = [11], sizes = [1], strides = [1]} : vector<16xi32> to vector<1xi32>
      %squeeze3A_588 = vector.extract %slice3A_587[0] : i32 from vector<1xi32>
      %dma_start3A_589 = arith.constant 0 : i32
      %dma_start3A_590 = arith.constant 0 : i32
      %dma_start3A_591 = tpu.memref_slice %arg10[%dma_start3A_589, %add3A_571, %dma_start3A_590] : memref<2x128x64xf32, #tpu.memory_space<vmem>> -> memref<1x1x64xf32, #tpu.memory_space<vmem>>
      %dma_start3A_592 = tpu.memref_squeeze %dma_start3A_591 : memref<1x1x64xf32, #tpu.memory_space<vmem>> -> memref<64xf32, #tpu.memory_space<vmem>>
      %dma_start3A_593 = arith.constant 0 : i32
      %dma_start3A_594 = tpu.memref_slice %arg4[%squeeze3A_588, %dma_start3A_593] : memref<1000000x64xf32, #tpu.memory_space<hbm>> -> memref<1x64xf32, #tpu.memory_space<hbm>>
      %dma_start3A_595 = tpu.memref_squeeze %dma_start3A_594 : memref<1x64xf32, #tpu.memory_space<hbm>> -> memref<64xf32, #tpu.memory_space<hbm>>
      %dma_start3A_596 = arith.constant 0 : i32
      %dma_start3A_597 = tpu.memref_slice %arg10[%dma_start3A_589, %add3A_571, %dma_start3A_596] : memref<2x128x64xf32, #tpu.memory_space<vmem>> -> memref<1x1x64xf32, #tpu.memory_space<vmem>>
      %dma_start3A_598 = tpu.memref_squeeze %dma_start3A_597 : memref<1x1x64xf32, #tpu.memory_space<vmem>> -> memref<64xf32, #tpu.memory_space<vmem>>
      %dma_start3A_599 = arith.constant 0 : i32
      %dma_start3A_600 = tpu.memref_slice %arg4[%squeeze3A_588, %dma_start3A_599] : memref<1000000x64xf32, #tpu.memory_space<hbm>> -> memref<1x64xf32, #tpu.memory_space<hbm>>
      %dma_start3A_601 = tpu.memref_squeeze %dma_start3A_600 : memref<1x64xf32, #tpu.memory_space<hbm>> -> memref<64xf32, #tpu.memory_space<hbm>>
      tpu.enqueue_dma source(%dma_start3A_601 : memref<64xf32, #tpu.memory_space<hbm>>) target(%dma_start3A_598 : memref<64xf32, #tpu.memory_space<vmem>>) target_semaphore(%arg13 : memref<!tpu.dma_semaphore, #tpu.memory_space<semaphore_mem>>)
      %mul3A_602 = arith.constant 16 : i32
      %mul3A_603 = arith.muli %scan3A_184, %mul3A_602 : i32
      %add3A_604 = arith.constant 12 : i32
      %add3A_605 = arith.addi %mul3A_603, %add3A_604 : i32
      %slice3A_606 = vector.extract_strided_slice %get3A_190 {offsets = [12], sizes = [1], strides = [1]} : vector<16xi32> to vector<1xi32>
      %squeeze3A_607 = vector.extract %slice3A_606[0] : i32 from vector<1xi32>
      %dma_start3A_608 = arith.constant 0 : i32
      %dma_start3A_609 = arith.constant 0 : i32
      %dma_start3A_610 = tpu.memref_slice %arg9[%dma_start3A_608, %add3A_605, %dma_start3A_609] : memref<2x128x64xf32, #tpu.memory_space<vmem>> -> memref<1x1x64xf32, #tpu.memory_space<vmem>>
      %dma_start3A_611 = tpu.memref_squeeze %dma_start3A_610 : memref<1x1x64xf32, #tpu.memory_space<vmem>> -> memref<64xf32, #tpu.memory_space<vmem>>
      %dma_start3A_612 = arith.constant 0 : i32
      %dma_start3A_613 = tpu.memref_slice %arg4[%squeeze3A_607, %dma_start3A_612] : memref<1000000x64xf32, #tpu.memory_space<hbm>> -> memref<1x64xf32, #tpu.memory_space<hbm>>
      %dma_start3A_614 = tpu.memref_squeeze %dma_start3A_613 : memref<1x64xf32, #tpu.memory_space<hbm>> -> memref<64xf32, #tpu.memory_space<hbm>>
      %dma_start3A_615 = arith.constant 0 : i32
      %dma_start3A_616 = tpu.memref_slice %arg9[%dma_start3A_608, %add3A_605, %dma_start3A_615] : memref<2x128x64xf32, #tpu.memory_space<vmem>> -> memref<1x1x64xf32, #tpu.memory_space<vmem>>
      %dma_start3A_617 = tpu.memref_squeeze %dma_start3A_616 : memref<1x1x64xf32, #tpu.memory_space<vmem>> -> memref<64xf32, #tpu.memory_space<vmem>>
      %dma_start3A_618 = arith.constant 0 : i32
      %dma_start3A_619 = tpu.memref_slice %arg4[%squeeze3A_607, %dma_start3A_618] : memref<1000000x64xf32, #tpu.memory_space<hbm>> -> memref<1x64xf32, #tpu.memory_space<hbm>>
      %dma_start3A_620 = tpu.memref_squeeze %dma_start3A_619 : memref<1x64xf32, #tpu.memory_space<hbm>> -> memref<64xf32, #tpu.memory_space<hbm>>
      tpu.enqueue_dma source(%dma_start3A_620 : memref<64xf32, #tpu.memory_space<hbm>>) target(%dma_start3A_617 : memref<64xf32, #tpu.memory_space<vmem>>) target_semaphore(%arg13 : memref<!tpu.dma_semaphore, #tpu.memory_space<semaphore_mem>>)
      %slice3A_621 = vector.extract_strided_slice %get3A_196 {offsets = [12], sizes = [1], strides = [1]} : vector<16xi32> to vector<1xi32>
      %squeeze3A_622 = vector.extract %slice3A_621[0] : i32 from vector<1xi32>
      %dma_start3A_623 = arith.constant 0 : i32
      %dma_start3A_624 = arith.constant 0 : i32
      %dma_start3A_625 = tpu.memref_slice %arg10[%dma_start3A_623, %add3A_605, %dma_start3A_624] : memref<2x128x64xf32, #tpu.memory_space<vmem>> -> memref<1x1x64xf32, #tpu.memory_space<vmem>>
      %dma_start3A_626 = tpu.memref_squeeze %dma_start3A_625 : memref<1x1x64xf32, #tpu.memory_space<vmem>> -> memref<64xf32, #tpu.memory_space<vmem>>
      %dma_start3A_627 = arith.constant 0 : i32
      %dma_start3A_628 = tpu.memref_slice %arg4[%squeeze3A_622, %dma_start3A_627] : memref<1000000x64xf32, #tpu.memory_space<hbm>> -> memref<1x64xf32, #tpu.memory_space<hbm>>
      %dma_start3A_629 = tpu.memref_squeeze %dma_start3A_628 : memref<1x64xf32, #tpu.memory_space<hbm>> -> memref<64xf32, #tpu.memory_space<hbm>>
      %dma_start3A_630 = arith.constant 0 : i32
      %dma_start3A_631 = tpu.memref_slice %arg10[%dma_start3A_623, %add3A_605, %dma_start3A_630] : memref<2x128x64xf32, #tpu.memory_space<vmem>> -> memref<1x1x64xf32, #tpu.memory_space<vmem>>
      %dma_start3A_632 = tpu.memref_squeeze %dma_start3A_631 : memref<1x1x64xf32, #tpu.memory_space<vmem>> -> memref<64xf32, #tpu.memory_space<vmem>>
      %dma_start3A_633 = arith.constant 0 : i32
      %dma_start3A_634 = tpu.memref_slice %arg4[%squeeze3A_622, %dma_start3A_633] : memref<1000000x64xf32, #tpu.memory_space<hbm>> -> memref<1x64xf32, #tpu.memory_space<hbm>>
      %dma_start3A_635 = tpu.memref_squeeze %dma_start3A_634 : memref<1x64xf32, #tpu.memory_space<hbm>> -> memref<64xf32, #tpu.memory_space<hbm>>
      tpu.enqueue_dma source(%dma_start3A_635 : memref<64xf32, #tpu.memory_space<hbm>>) target(%dma_start3A_632 : memref<64xf32, #tpu.memory_space<vmem>>) target_semaphore(%arg13 : memref<!tpu.dma_semaphore, #tpu.memory_space<semaphore_mem>>)
      %mul3A_636 = arith.constant 16 : i32
      %mul3A_637 = arith.muli %scan3A_184, %mul3A_636 : i32
      %add3A_638 = arith.constant 13 : i32
      %add3A_639 = arith.addi %mul3A_637, %add3A_638 : i32
      %slice3A_640 = vector.extract_strided_slice %get3A_190 {offsets = [13], sizes = [1], strides = [1]} : vector<16xi32> to vector<1xi32>
      %squeeze3A_641 = vector.extract %slice3A_640[0] : i32 from vector<1xi32>
      %dma_start3A_642 = arith.constant 0 : i32
      %dma_start3A_643 = arith.constant 0 : i32
      %dma_start3A_644 = tpu.memref_slice %arg9[%dma_start3A_642, %add3A_639, %dma_start3A_643] : memref<2x128x64xf32, #tpu.memory_space<vmem>> -> memref<1x1x64xf32, #tpu.memory_space<vmem>>
      %dma_start3A_645 = tpu.memref_squeeze %dma_start3A_644 : memref<1x1x64xf32, #tpu.memory_space<vmem>> -> memref<64xf32, #tpu.memory_space<vmem>>
      %dma_start3A_646 = arith.constant 0 : i32
      %dma_start3A_647 = tpu.memref_slice %arg4[%squeeze3A_641, %dma_start3A_646] : memref<1000000x64xf32, #tpu.memory_space<hbm>> -> memref<1x64xf32, #tpu.memory_space<hbm>>
      %dma_start3A_648 = tpu.memref_squeeze %dma_start3A_647 : memref<1x64xf32, #tpu.memory_space<hbm>> -> memref<64xf32, #tpu.memory_space<hbm>>
      %dma_start3A_649 = arith.constant 0 : i32
      %dma_start3A_650 = tpu.memref_slice %arg9[%dma_start3A_642, %add3A_639, %dma_start3A_649] : memref<2x128x64xf32, #tpu.memory_space<vmem>> -> memref<1x1x64xf32, #tpu.memory_space<vmem>>
      %dma_start3A_651 = tpu.memref_squeeze %dma_start3A_650 : memref<1x1x64xf32, #tpu.memory_space<vmem>> -> memref<64xf32, #tpu.memory_space<vmem>>
      %dma_start3A_652 = arith.constant 0 : i32
      %dma_start3A_653 = tpu.memref_slice %arg4[%squeeze3A_641, %dma_start3A_652] : memref<1000000x64xf32, #tpu.memory_space<hbm>> -> memref<1x64xf32, #tpu.memory_space<hbm>>
      %dma_start3A_654 = tpu.memref_squeeze %dma_start3A_653 : memref<1x64xf32, #tpu.memory_space<hbm>> -> memref<64xf32, #tpu.memory_space<hbm>>
      tpu.enqueue_dma source(%dma_start3A_654 : memref<64xf32, #tpu.memory_space<hbm>>) target(%dma_start3A_651 : memref<64xf32, #tpu.memory_space<vmem>>) target_semaphore(%arg13 : memref<!tpu.dma_semaphore, #tpu.memory_space<semaphore_mem>>)
      %slice3A_655 = vector.extract_strided_slice %get3A_196 {offsets = [13], sizes = [1], strides = [1]} : vector<16xi32> to vector<1xi32>
      %squeeze3A_656 = vector.extract %slice3A_655[0] : i32 from vector<1xi32>
      %dma_start3A_657 = arith.constant 0 : i32
      %dma_start3A_658 = arith.constant 0 : i32
      %dma_start3A_659 = tpu.memref_slice %arg10[%dma_start3A_657, %add3A_639, %dma_start3A_658] : memref<2x128x64xf32, #tpu.memory_space<vmem>> -> memref<1x1x64xf32, #tpu.memory_space<vmem>>
      %dma_start3A_660 = tpu.memref_squeeze %dma_start3A_659 : memref<1x1x64xf32, #tpu.memory_space<vmem>> -> memref<64xf32, #tpu.memory_space<vmem>>
      %dma_start3A_661 = arith.constant 0 : i32
      %dma_start3A_662 = tpu.memref_slice %arg4[%squeeze3A_656, %dma_start3A_661] : memref<1000000x64xf32, #tpu.memory_space<hbm>> -> memref<1x64xf32, #tpu.memory_space<hbm>>
      %dma_start3A_663 = tpu.memref_squeeze %dma_start3A_662 : memref<1x64xf32, #tpu.memory_space<hbm>> -> memref<64xf32, #tpu.memory_space<hbm>>
      %dma_start3A_664 = arith.constant 0 : i32
      %dma_start3A_665 = tpu.memref_slice %arg10[%dma_start3A_657, %add3A_639, %dma_start3A_664] : memref<2x128x64xf32, #tpu.memory_space<vmem>> -> memref<1x1x64xf32, #tpu.memory_space<vmem>>
      %dma_start3A_666 = tpu.memref_squeeze %dma_start3A_665 : memref<1x1x64xf32, #tpu.memory_space<vmem>> -> memref<64xf32, #tpu.memory_space<vmem>>
      %dma_start3A_667 = arith.constant 0 : i32
      %dma_start3A_668 = tpu.memref_slice %arg4[%squeeze3A_656, %dma_start3A_667] : memref<1000000x64xf32, #tpu.memory_space<hbm>> -> memref<1x64xf32, #tpu.memory_space<hbm>>
      %dma_start3A_669 = tpu.memref_squeeze %dma_start3A_668 : memref<1x64xf32, #tpu.memory_space<hbm>> -> memref<64xf32, #tpu.memory_space<hbm>>
      tpu.enqueue_dma source(%dma_start3A_669 : memref<64xf32, #tpu.memory_space<hbm>>) target(%dma_start3A_666 : memref<64xf32, #tpu.memory_space<vmem>>) target_semaphore(%arg13 : memref<!tpu.dma_semaphore, #tpu.memory_space<semaphore_mem>>)
      %mul3A_670 = arith.constant 16 : i32
      %mul3A_671 = arith.muli %scan3A_184, %mul3A_670 : i32
      %add3A_672 = arith.constant 14 : i32
      %add3A_673 = arith.addi %mul3A_671, %add3A_672 : i32
      %slice3A_674 = vector.extract_strided_slice %get3A_190 {offsets = [14], sizes = [1], strides = [1]} : vector<16xi32> to vector<1xi32>
      %squeeze3A_675 = vector.extract %slice3A_674[0] : i32 from vector<1xi32>
      %dma_start3A_676 = arith.constant 0 : i32
      %dma_start3A_677 = arith.constant 0 : i32
      %dma_start3A_678 = tpu.memref_slice %arg9[%dma_start3A_676, %add3A_673, %dma_start3A_677] : memref<2x128x64xf32, #tpu.memory_space<vmem>> -> memref<1x1x64xf32, #tpu.memory_space<vmem>>
      %dma_start3A_679 = tpu.memref_squeeze %dma_start3A_678 : memref<1x1x64xf32, #tpu.memory_space<vmem>> -> memref<64xf32, #tpu.memory_space<vmem>>
      %dma_start3A_680 = arith.constant 0 : i32
      %dma_start3A_681 = tpu.memref_slice %arg4[%squeeze3A_675, %dma_start3A_680] : memref<1000000x64xf32, #tpu.memory_space<hbm>> -> memref<1x64xf32, #tpu.memory_space<hbm>>
      %dma_start3A_682 = tpu.memref_squeeze %dma_start3A_681 : memref<1x64xf32, #tpu.memory_space<hbm>> -> memref<64xf32, #tpu.memory_space<hbm>>
      %dma_start3A_683 = arith.constant 0 : i32
      %dma_start3A_684 = tpu.memref_slice %arg9[%dma_start3A_676, %add3A_673, %dma_start3A_683] : memref<2x128x64xf32, #tpu.memory_space<vmem>> -> memref<1x1x64xf32, #tpu.memory_space<vmem>>
      %dma_start3A_685 = tpu.memref_squeeze %dma_start3A_684 : memref<1x1x64xf32, #tpu.memory_space<vmem>> -> memref<64xf32, #tpu.memory_space<vmem>>
      %dma_start3A_686 = arith.constant 0 : i32
      %dma_start3A_687 = tpu.memref_slice %arg4[%squeeze3A_675, %dma_start3A_686] : memref<1000000x64xf32, #tpu.memory_space<hbm>> -> memref<1x64xf32, #tpu.memory_space<hbm>>
      %dma_start3A_688 = tpu.memref_squeeze %dma_start3A_687 : memref<1x64xf32, #tpu.memory_space<hbm>> -> memref<64xf32, #tpu.memory_space<hbm>>
      tpu.enqueue_dma source(%dma_start3A_688 : memref<64xf32, #tpu.memory_space<hbm>>) target(%dma_start3A_685 : memref<64xf32, #tpu.memory_space<vmem>>) target_semaphore(%arg13 : memref<!tpu.dma_semaphore, #tpu.memory_space<semaphore_mem>>)
      %slice3A_689 = vector.extract_strided_slice %get3A_196 {offsets = [14], sizes = [1], strides = [1]} : vector<16xi32> to vector<1xi32>
      %squeeze3A_690 = vector.extract %slice3A_689[0] : i32 from vector<1xi32>
      %dma_start3A_691 = arith.constant 0 : i32
      %dma_start3A_692 = arith.constant 0 : i32
      %dma_start3A_693 = tpu.memref_slice %arg10[%dma_start3A_691, %add3A_673, %dma_start3A_692] : memref<2x128x64xf32, #tpu.memory_space<vmem>> -> memref<1x1x64xf32, #tpu.memory_space<vmem>>
      %dma_start3A_694 = tpu.memref_squeeze %dma_start3A_693 : memref<1x1x64xf32, #tpu.memory_space<vmem>> -> memref<64xf32, #tpu.memory_space<vmem>>
      %dma_start3A_695 = arith.constant 0 : i32
      %dma_start3A_696 = tpu.memref_slice %arg4[%squeeze3A_690, %dma_start3A_695] : memref<1000000x64xf32, #tpu.memory_space<hbm>> -> memref<1x64xf32, #tpu.memory_space<hbm>>
      %dma_start3A_697 = tpu.memref_squeeze %dma_start3A_696 : memref<1x64xf32, #tpu.memory_space<hbm>> -> memref<64xf32, #tpu.memory_space<hbm>>
      %dma_start3A_698 = arith.constant 0 : i32
      %dma_start3A_699 = tpu.memref_slice %arg10[%dma_start3A_691, %add3A_673, %dma_start3A_698] : memref<2x128x64xf32, #tpu.memory_space<vmem>> -> memref<1x1x64xf32, #tpu.memory_space<vmem>>
      %dma_start3A_700 = tpu.memref_squeeze %dma_start3A_699 : memref<1x1x64xf32, #tpu.memory_space<vmem>> -> memref<64xf32, #tpu.memory_space<vmem>>
      %dma_start3A_701 = arith.constant 0 : i32
      %dma_start3A_702 = tpu.memref_slice %arg4[%squeeze3A_690, %dma_start3A_701] : memref<1000000x64xf32, #tpu.memory_space<hbm>> -> memref<1x64xf32, #tpu.memory_space<hbm>>
      %dma_start3A_703 = tpu.memref_squeeze %dma_start3A_702 : memref<1x64xf32, #tpu.memory_space<hbm>> -> memref<64xf32, #tpu.memory_space<hbm>>
      tpu.enqueue_dma source(%dma_start3A_703 : memref<64xf32, #tpu.memory_space<hbm>>) target(%dma_start3A_700 : memref<64xf32, #tpu.memory_space<vmem>>) target_semaphore(%arg13 : memref<!tpu.dma_semaphore, #tpu.memory_space<semaphore_mem>>)
      %mul3A_704 = arith.constant 16 : i32
      %mul3A_705 = arith.muli %scan3A_184, %mul3A_704 : i32
      %add3A_706 = arith.constant 15 : i32
      %add3A_707 = arith.addi %mul3A_705, %add3A_706 : i32
      %slice3A_708 = vector.extract_strided_slice %get3A_190 {offsets = [15], sizes = [1], strides = [1]} : vector<16xi32> to vector<1xi32>
      %squeeze3A_709 = vector.extract %slice3A_708[0] : i32 from vector<1xi32>
      %dma_start3A_710 = arith.constant 0 : i32
      %dma_start3A_711 = arith.constant 0 : i32
      %dma_start3A_712 = tpu.memref_slice %arg9[%dma_start3A_710, %add3A_707, %dma_start3A_711] : memref<2x128x64xf32, #tpu.memory_space<vmem>> -> memref<1x1x64xf32, #tpu.memory_space<vmem>>
      %dma_start3A_713 = tpu.memref_squeeze %dma_start3A_712 : memref<1x1x64xf32, #tpu.memory_space<vmem>> -> memref<64xf32, #tpu.memory_space<vmem>>
      %dma_start3A_714 = arith.constant 0 : i32
      %dma_start3A_715 = tpu.memref_slice %arg4[%squeeze3A_709, %dma_start3A_714] : memref<1000000x64xf32, #tpu.memory_space<hbm>> -> memref<1x64xf32, #tpu.memory_space<hbm>>
      %dma_start3A_716 = tpu.memref_squeeze %dma_start3A_715 : memref<1x64xf32, #tpu.memory_space<hbm>> -> memref<64xf32, #tpu.memory_space<hbm>>
      %dma_start3A_717 = arith.constant 0 : i32
      %dma_start3A_718 = tpu.memref_slice %arg9[%dma_start3A_710, %add3A_707, %dma_start3A_717] : memref<2x128x64xf32, #tpu.memory_space<vmem>> -> memref<1x1x64xf32, #tpu.memory_space<vmem>>
      %dma_start3A_719 = tpu.memref_squeeze %dma_start3A_718 : memref<1x1x64xf32, #tpu.memory_space<vmem>> -> memref<64xf32, #tpu.memory_space<vmem>>
      %dma_start3A_720 = arith.constant 0 : i32
      %dma_start3A_721 = tpu.memref_slice %arg4[%squeeze3A_709, %dma_start3A_720] : memref<1000000x64xf32, #tpu.memory_space<hbm>> -> memref<1x64xf32, #tpu.memory_space<hbm>>
      %dma_start3A_722 = tpu.memref_squeeze %dma_start3A_721 : memref<1x64xf32, #tpu.memory_space<hbm>> -> memref<64xf32, #tpu.memory_space<hbm>>
      tpu.enqueue_dma source(%dma_start3A_722 : memref<64xf32, #tpu.memory_space<hbm>>) target(%dma_start3A_719 : memref<64xf32, #tpu.memory_space<vmem>>) target_semaphore(%arg13 : memref<!tpu.dma_semaphore, #tpu.memory_space<semaphore_mem>>)
      %slice3A_723 = vector.extract_strided_slice %get3A_196 {offsets = [15], sizes = [1], strides = [1]} : vector<16xi32> to vector<1xi32>
      %squeeze3A_724 = vector.extract %slice3A_723[0] : i32 from vector<1xi32>
      %dma_start3A_725 = arith.constant 0 : i32
      %dma_start3A_726 = arith.constant 0 : i32
      %dma_start3A_727 = tpu.memref_slice %arg10[%dma_start3A_725, %add3A_707, %dma_start3A_726] : memref<2x128x64xf32, #tpu.memory_space<vmem>> -> memref<1x1x64xf32, #tpu.memory_space<vmem>>
      %dma_start3A_728 = tpu.memref_squeeze %dma_start3A_727 : memref<1x1x64xf32, #tpu.memory_space<vmem>> -> memref<64xf32, #tpu.memory_space<vmem>>
      %dma_start3A_729 = arith.constant 0 : i32
      %dma_start3A_730 = tpu.memref_slice %arg4[%squeeze3A_724, %dma_start3A_729] : memref<1000000x64xf32, #tpu.memory_space<hbm>> -> memref<1x64xf32, #tpu.memory_space<hbm>>
      %dma_start3A_731 = tpu.memref_squeeze %dma_start3A_730 : memref<1x64xf32, #tpu.memory_space<hbm>> -> memref<64xf32, #tpu.memory_space<hbm>>
      %dma_start3A_732 = arith.constant 0 : i32
      %dma_start3A_733 = tpu.memref_slice %arg10[%dma_start3A_725, %add3A_707, %dma_start3A_732] : memref<2x128x64xf32, #tpu.memory_space<vmem>> -> memref<1x1x64xf32, #tpu.memory_space<vmem>>
      %dma_start3A_734 = tpu.memref_squeeze %dma_start3A_733 : memref<1x1x64xf32, #tpu.memory_space<vmem>> -> memref<64xf32, #tpu.memory_space<vmem>>
      %dma_start3A_735 = arith.constant 0 : i32
      %dma_start3A_736 = tpu.memref_slice %arg4[%squeeze3A_724, %dma_start3A_735] : memref<1000000x64xf32, #tpu.memory_space<hbm>> -> memref<1x64xf32, #tpu.memory_space<hbm>>
      %dma_start3A_737 = tpu.memref_squeeze %dma_start3A_736 : memref<1x64xf32, #tpu.memory_space<hbm>> -> memref<64xf32, #tpu.memory_space<hbm>>
      tpu.enqueue_dma source(%dma_start3A_737 : memref<64xf32, #tpu.memory_space<hbm>>) target(%dma_start3A_734 : memref<64xf32, #tpu.memory_space<vmem>>) target_semaphore(%arg13 : memref<!tpu.dma_semaphore, #tpu.memory_space<semaphore_mem>>)
      %scan3A_738 = arith.constant 0 : i32
      scf.yield %scan3A_738 : i32
    }
    %scan3A_59 = arith.constant 8 : i32
    %dma_wait3A_60 = arith.constant 1 : i32
    %dma_wait3A_61 = arith.constant 0 : i32
    %dma_wait3A_62 = arith.constant 0 : i32
    %dma_wait3A_63 = tpu.memref_slice %arg9[%dma_wait3A_60, %dma_wait3A_61, %dma_wait3A_62] : memref<2x128x64xf32, #tpu.memory_space<vmem>> -> memref<1x128x64xf32, #tpu.memory_space<vmem>>
    %dma_wait3A_64 = tpu.memref_squeeze %dma_wait3A_63 : memref<1x128x64xf32, #tpu.memory_space<vmem>> -> memref<128x64xf32, #tpu.memory_space<vmem>>
    %dma_wait3A_65 = arith.constant 0 : i32
    %dma_wait3A_66 = arith.constant 0 : i32
    %dma_wait3A_67 = tpu.memref_slice %arg4[%dma_wait3A_65, %dma_wait3A_66] : memref<1000000x64xf32, #tpu.memory_space<hbm>> -> memref<128x64xf32, #tpu.memory_space<hbm>>
    %dma_wait3A_68 = arith.constant 0 : i32
    %dma_wait3A_69 = arith.constant 0 : i32
    %dma_wait3A_70 = tpu.memref_slice %arg9[%dma_wait3A_60, %dma_wait3A_68, %dma_wait3A_69] : memref<2x128x64xf32, #tpu.memory_space<vmem>> -> memref<1x128x64xf32, #tpu.memory_space<vmem>>
    %dma_wait3A_71 = tpu.memref_squeeze %dma_wait3A_70 : memref<1x128x64xf32, #tpu.memory_space<vmem>> -> memref<128x64xf32, #tpu.memory_space<vmem>>
    %dma_wait3A_72 = arith.constant 0 : i32
    %dma_wait3A_73 = arith.constant 0 : i32
    %dma_wait3A_74 = tpu.memref_slice %arg4[%dma_wait3A_72, %dma_wait3A_73] : memref<1000000x64xf32, #tpu.memory_space<hbm>> -> memref<128x64xf32, #tpu.memory_space<hbm>>
    tpu.wait_dma2 semaphore(%arg13 : memref<!tpu.dma_semaphore, #tpu.memory_space<semaphore_mem>>) src(%dma_wait3A_74 : memref<128x64xf32, #tpu.memory_space<hbm>>) dst(%dma_wait3A_71 : memref<128x64xf32, #tpu.memory_space<vmem>>)
    %dma_wait3A_75 = arith.constant 1 : i32
    %dma_wait3A_76 = arith.constant 0 : i32
    %dma_wait3A_77 = arith.constant 0 : i32
    %dma_wait3A_78 = tpu.memref_slice %arg10[%dma_wait3A_75, %dma_wait3A_76, %dma_wait3A_77] : memref<2x128x64xf32, #tpu.memory_space<vmem>> -> memref<1x128x64xf32, #tpu.memory_space<vmem>>
    %dma_wait3A_79 = tpu.memref_squeeze %dma_wait3A_78 : memref<1x128x64xf32, #tpu.memory_space<vmem>> -> memref<128x64xf32, #tpu.memory_space<vmem>>
    %dma_wait3A_80 = arith.constant 0 : i32
    %dma_wait3A_81 = arith.constant 0 : i32
    %dma_wait3A_82 = tpu.memref_slice %arg4[%dma_wait3A_80, %dma_wait3A_81] : memref<1000000x64xf32, #tpu.memory_space<hbm>> -> memref<128x64xf32, #tpu.memory_space<hbm>>
    %dma_wait3A_83 = arith.constant 0 : i32
    %dma_wait3A_84 = arith.constant 0 : i32
    %dma_wait3A_85 = tpu.memref_slice %arg10[%dma_wait3A_75, %dma_wait3A_83, %dma_wait3A_84] : memref<2x128x64xf32, #tpu.memory_space<vmem>> -> memref<1x128x64xf32, #tpu.memory_space<vmem>>
    %dma_wait3A_86 = tpu.memref_squeeze %dma_wait3A_85 : memref<1x128x64xf32, #tpu.memory_space<vmem>> -> memref<128x64xf32, #tpu.memory_space<vmem>>
    %dma_wait3A_87 = arith.constant 0 : i32
    %dma_wait3A_88 = arith.constant 0 : i32
    %dma_wait3A_89 = tpu.memref_slice %arg4[%dma_wait3A_87, %dma_wait3A_88] : memref<1000000x64xf32, #tpu.memory_space<hbm>> -> memref<128x64xf32, #tpu.memory_space<hbm>>
    tpu.wait_dma2 semaphore(%arg13 : memref<!tpu.dma_semaphore, #tpu.memory_space<semaphore_mem>>) src(%dma_wait3A_89 : memref<128x64xf32, #tpu.memory_space<hbm>>) dst(%dma_wait3A_86 : memref<128x64xf32, #tpu.memory_space<vmem>>)
    %broadcast_in_dim3A_90 = arith.constant 1 : i32
    %broadcast_in_dim3A_91 = vector.broadcast %broadcast_in_dim3A_90 : i32 to vector<16xi32>
    %scan3A_92 = arith.constant 0 : i32
    %scan3A_93 = arith.constant 0 : i32
    %scan3A_94 = arith.constant 8 : i32
    %scan3A_95 = arith.addi %scan3A_93, %scan3A_94 : i32
    %scan3A_96 = arith.constant 1 : i32
    %scan3A_97 = scf.for %scan3A_184 = %scan3A_93 to %scan3A_95 step %scan3A_96 iter_args(%scan3A_185 = %scan3A_92) -> (i32)  : i32 {
      %mul3A_186 = arith.constant 16 : i32
      %mul3A_187 = arith.muli %scan3A_184, %mul3A_186 : i32
      %add3A_188 = arith.constant 128 : i32
      %add3A_189 = arith.addi %add3A_188, %mul3A_187 : i32
      %mul3A_190 = arith.constant 16 : i32
      %mul3A_191 = arith.muli %scan3A_184, %mul3A_190 : i32
      %add3A_192 = vector.broadcast %mul3A_191 : i32 to vector<16xi32>
      %add3A_193 = arith.addi %iota3A, %add3A_192 : vector<16xi32>
      %broadcast_in_dim3A_194 = arith.constant 0.000000e+00 : f32
      %broadcast_in_dim3A_195 = vector.broadcast %broadcast_in_dim3A_194 : f32 to vector<16xf32>
      %scan3A_196 = arith.constant 0 : i32
      %scan3A_197 = arith.constant 64 : i32
      %scan3A_198 = arith.addi %scan3A_196, %scan3A_197 : i32
      %scan3A_199 = arith.constant 1 : i32
      %scan3A_200 = scf.for %scan3A_230 = %scan3A_196 to %scan3A_198 step %scan3A_199 iter_args(%scan3A_231 = %broadcast_in_dim3A_195) -> (vector<16xf32>)  : i32 {
        %broadcast_in_dim3A_232 = vector.broadcast %scan3A_230 : i32 to vector<16xi32>
        %gather3A = tpu.vector_load_idx %arg9[%broadcast_in_dim3A_91, %add3A_193, %broadcast_in_dim3A_232] : memref<2x128x64xf32, #tpu.memory_space<vmem>>[vector<16xi32>, vector<16xi32>, vector<16xi32>], vector<16xf32>,
        %gather3A_233 = tpu.vector_load_idx %arg10[%broadcast_in_dim3A_91, %add3A_193, %broadcast_in_dim3A_232] : memref<2x128x64xf32, #tpu.memory_space<vmem>>[vector<16xi32>, vector<16xi32>, vector<16xi32>], vector<16xf32>,
        %gather3A_234 = tpu.vector_load_idx %arg11[%broadcast_in_dim3A_232] : memref<64xf32, #tpu.memory_space<vmem>>[vector<16xi32>], vector<16xf32>,
        %sub3A = arith.subf %gather3A, %gather3A_233 : vector<16xf32>
        %add3A_235 = arith.addf %sub3A, %gather3A_234 : vector<16xf32>
        %mul3A_236 = arith.mulf %add3A_235, %add3A_235 : vector<16xf32>
        %add3A_237 = arith.addf %scan3A_231, %mul3A_236 : vector<16xf32>
        scf.yield %add3A_237 : vector<16xf32>
      }
      %scan3A_201 = arith.constant 64 : i32
      %bitcast3A = vector.bitcast %scan3A_200 : vector<16xf32> to vector<16xi32>
      %shift_right_arithmetic3A = arith.constant 1 : i32
      %shift_right_arithmetic3A_202 = vector.broadcast %shift_right_arithmetic3A : i32 to vector<16xi32>
      %shift_right_arithmetic3A_203 = arith.shrsi %bitcast3A, %shift_right_arithmetic3A_202 : vector<16xi32>
      %add3A_204 = arith.constant 532487669 : i32
      %add3A_205 = vector.broadcast %add3A_204 : i32 to vector<16xi32>
      %add3A_206 = arith.addi %shift_right_arithmetic3A_203, %add3A_205 : vector<16xi32>
      %bitcast3A_207 = vector.bitcast %add3A_206 : vector<16xi32> to vector<16xf32>
      %div3A = arith.divf %scan3A_200, %bitcast3A_207 : vector<16xf32>
      %add3A_208 = arith.addf %bitcast3A_207, %div3A : vector<16xf32>
      %mul3A_209 = arith.constant 5.000000e-01 : f32
      %mul3A_210 = vector.broadcast %mul3A_209 : f32 to vector<16xf32>
      %mul3A_211 = arith.mulf %mul3A_210, %add3A_208 : vector<16xf32>
      %div3A_212 = arith.divf %scan3A_200, %mul3A_211 : vector<16xf32>
      %add3A_213 = arith.addf %mul3A_211, %div3A_212 : vector<16xf32>
      %mul3A_214 = arith.constant 5.000000e-01 : f32
      %mul3A_215 = vector.broadcast %mul3A_214 : f32 to vector<16xf32>
      %mul3A_216 = arith.mulf %mul3A_215, %add3A_213 : vector<16xf32>
      %div3A_217 = arith.divf %scan3A_200, %mul3A_216 : vector<16xf32>
      %add3A_218 = arith.addf %mul3A_216, %div3A_217 : vector<16xf32>
      %mul3A_219 = arith.constant 5.000000e-01 : f32
      %mul3A_220 = vector.broadcast %mul3A_219 : f32 to vector<16xf32>
      %mul3A_221 = arith.mulf %mul3A_220, %add3A_218 : vector<16xf32>
      %exp3A = math.exp %mul3A_221 : vector<16xf32>
      %add3A_222 = arith.constant 1.000000e+00 : f32
      %add3A_223 = vector.broadcast %add3A_222 : f32 to vector<16xf32>
      %add3A_224 = arith.addf %add3A_223, %exp3A : vector<16xf32>
      %div3A_225 = arith.constant 1.000000e+00 : f32
      %div3A_226 = vector.broadcast %div3A_225 : f32 to vector<16xf32>
      %div3A_227 = arith.divf %div3A_226, %add3A_224 : vector<16xf32>
      %swap3A = arith.index_cast %add3A_189 : i32 to index
      %swap3A_228 = tpu.vector_load %arg12[%swap3A] {strides = array<i32>} : memref<512xf32, #tpu.memory_space<vmem>>, vector<16xf32>,
      tpu.vector_store %arg12[%swap3A], %div3A_227 {strides = array<i32>} : memref<512xf32, #tpu.memory_space<vmem>>, vector<16xf32>,
      %scan3A_229 = arith.constant 0 : i32
      scf.yield %scan3A_229 : i32
    }
    %scan3A_98 = arith.constant 8 : i32
    %scan3A_99 = arith.constant 0 : i32
    %scan3A_100 = arith.constant 0 : i32
    %scan3A_101 = arith.constant 8 : i32
    %scan3A_102 = arith.addi %scan3A_100, %scan3A_101 : i32
    %scan3A_103 = arith.constant 1 : i32
    %scan3A_104 = scf.for %scan3A_184 = %scan3A_100 to %scan3A_102 step %scan3A_103 iter_args(%scan3A_185 = %scan3A_99) -> (i32)  : i32 {
      %mul3A_186 = arith.constant 16 : i32
      %mul3A_187 = arith.muli %scan3A_184, %mul3A_186 : i32
      %add3A_188 = arith.constant 384 : i32
      %add3A_189 = arith.addi %add3A_188, %mul3A_187 : i32
      %get3A = arith.index_cast %add3A_189 : i32 to index
      %get3A_190 = tpu.vector_load %arg7[%get3A] {strides = array<i32>} : memref<512xi32, #tpu.memory_space<vmem>>, vector<16xi32>,
      %mul3A_191 = arith.constant 16 : i32
      %mul3A_192 = arith.muli %scan3A_184, %mul3A_191 : i32
      %add3A_193 = arith.constant 384 : i32
      %add3A_194 = arith.addi %add3A_193, %mul3A_192 : i32
      %get3A_195 = arith.index_cast %add3A_194 : i32 to index
      %get3A_196 = tpu.vector_load %arg8[%get3A_195] {strides = array<i32>} : memref<512xi32, #tpu.memory_space<vmem>>, vector<16xi32>,
      %mul3A_197 = arith.constant 16 : i32
      %mul3A_198 = arith.muli %scan3A_184, %mul3A_197 : i32
      %add3A_199 = arith.constant 0 : i32
      %add3A_200 = arith.addi %mul3A_198, %add3A_199 : i32
      %slice3A = vector.extract_strided_slice %get3A_190 {offsets = [0], sizes = [1], strides = [1]} : vector<16xi32> to vector<1xi32>
      %squeeze3A = vector.extract %slice3A[0] : i32 from vector<1xi32>
      %dma_start3A = arith.constant 1 : i32
      %dma_start3A_201 = arith.constant 0 : i32
      %dma_start3A_202 = tpu.memref_slice %arg9[%dma_start3A, %add3A_200, %dma_start3A_201] : memref<2x128x64xf32, #tpu.memory_space<vmem>> -> memref<1x1x64xf32, #tpu.memory_space<vmem>>
      %dma_start3A_203 = tpu.memref_squeeze %dma_start3A_202 : memref<1x1x64xf32, #tpu.memory_space<vmem>> -> memref<64xf32, #tpu.memory_space<vmem>>
      %dma_start3A_204 = arith.constant 0 : i32
      %dma_start3A_205 = tpu.memref_slice %arg4[%squeeze3A, %dma_start3A_204] : memref<1000000x64xf32, #tpu.memory_space<hbm>> -> memref<1x64xf32, #tpu.memory_space<hbm>>
      %dma_start3A_206 = tpu.memref_squeeze %dma_start3A_205 : memref<1x64xf32, #tpu.memory_space<hbm>> -> memref<64xf32, #tpu.memory_space<hbm>>
      %dma_start3A_207 = arith.constant 0 : i32
      %dma_start3A_208 = tpu.memref_slice %arg9[%dma_start3A, %add3A_200, %dma_start3A_207] : memref<2x128x64xf32, #tpu.memory_space<vmem>> -> memref<1x1x64xf32, #tpu.memory_space<vmem>>
      %dma_start3A_209 = tpu.memref_squeeze %dma_start3A_208 : memref<1x1x64xf32, #tpu.memory_space<vmem>> -> memref<64xf32, #tpu.memory_space<vmem>>
      %dma_start3A_210 = arith.constant 0 : i32
      %dma_start3A_211 = tpu.memref_slice %arg4[%squeeze3A, %dma_start3A_210] : memref<1000000x64xf32, #tpu.memory_space<hbm>> -> memref<1x64xf32, #tpu.memory_space<hbm>>
      %dma_start3A_212 = tpu.memref_squeeze %dma_start3A_211 : memref<1x64xf32, #tpu.memory_space<hbm>> -> memref<64xf32, #tpu.memory_space<hbm>>
      tpu.enqueue_dma source(%dma_start3A_212 : memref<64xf32, #tpu.memory_space<hbm>>) target(%dma_start3A_209 : memref<64xf32, #tpu.memory_space<vmem>>) target_semaphore(%arg13 : memref<!tpu.dma_semaphore, #tpu.memory_space<semaphore_mem>>)
      %slice3A_213 = vector.extract_strided_slice %get3A_196 {offsets = [0], sizes = [1], strides = [1]} : vector<16xi32> to vector<1xi32>
      %squeeze3A_214 = vector.extract %slice3A_213[0] : i32 from vector<1xi32>
      %dma_start3A_215 = arith.constant 1 : i32
      %dma_start3A_216 = arith.constant 0 : i32
      %dma_start3A_217 = tpu.memref_slice %arg10[%dma_start3A_215, %add3A_200, %dma_start3A_216] : memref<2x128x64xf32, #tpu.memory_space<vmem>> -> memref<1x1x64xf32, #tpu.memory_space<vmem>>
      %dma_start3A_218 = tpu.memref_squeeze %dma_start3A_217 : memref<1x1x64xf32, #tpu.memory_space<vmem>> -> memref<64xf32, #tpu.memory_space<vmem>>
      %dma_start3A_219 = arith.constant 0 : i32
      %dma_start3A_220 = tpu.memref_slice %arg4[%squeeze3A_214, %dma_start3A_219] : memref<1000000x64xf32, #tpu.memory_space<hbm>> -> memref<1x64xf32, #tpu.memory_space<hbm>>
      %dma_start3A_221 = tpu.memref_squeeze %dma_start3A_220 : memref<1x64xf32, #tpu.memory_space<hbm>> -> memref<64xf32, #tpu.memory_space<hbm>>
      %dma_start3A_222 = arith.constant 0 : i32
      %dma_start3A_223 = tpu.memref_slice %arg10[%dma_start3A_215, %add3A_200, %dma_start3A_222] : memref<2x128x64xf32, #tpu.memory_space<vmem>> -> memref<1x1x64xf32, #tpu.memory_space<vmem>>
      %dma_start3A_224 = tpu.memref_squeeze %dma_start3A_223 : memref<1x1x64xf32, #tpu.memory_space<vmem>> -> memref<64xf32, #tpu.memory_space<vmem>>
      %dma_start3A_225 = arith.constant 0 : i32
      %dma_start3A_226 = tpu.memref_slice %arg4[%squeeze3A_214, %dma_start3A_225] : memref<1000000x64xf32, #tpu.memory_space<hbm>> -> memref<1x64xf32, #tpu.memory_space<hbm>>
      %dma_start3A_227 = tpu.memref_squeeze %dma_start3A_226 : memref<1x64xf32, #tpu.memory_space<hbm>> -> memref<64xf32, #tpu.memory_space<hbm>>
      tpu.enqueue_dma source(%dma_start3A_227 : memref<64xf32, #tpu.memory_space<hbm>>) target(%dma_start3A_224 : memref<64xf32, #tpu.memory_space<vmem>>) target_semaphore(%arg13 : memref<!tpu.dma_semaphore, #tpu.memory_space<semaphore_mem>>)
      %mul3A_228 = arith.constant 16 : i32
      %mul3A_229 = arith.muli %scan3A_184, %mul3A_228 : i32
      %add3A_230 = arith.constant 1 : i32
      %add3A_231 = arith.addi %mul3A_229, %add3A_230 : i32
      %slice3A_232 = vector.extract_strided_slice %get3A_190 {offsets = [1], sizes = [1], strides = [1]} : vector<16xi32> to vector<1xi32>
      %squeeze3A_233 = vector.extract %slice3A_232[0] : i32 from vector<1xi32>
      %dma_start3A_234 = arith.constant 1 : i32
      %dma_start3A_235 = arith.constant 0 : i32
      %dma_start3A_236 = tpu.memref_slice %arg9[%dma_start3A_234, %add3A_231, %dma_start3A_235] : memref<2x128x64xf32, #tpu.memory_space<vmem>> -> memref<1x1x64xf32, #tpu.memory_space<vmem>>
      %dma_start3A_237 = tpu.memref_squeeze %dma_start3A_236 : memref<1x1x64xf32, #tpu.memory_space<vmem>> -> memref<64xf32, #tpu.memory_space<vmem>>
      %dma_start3A_238 = arith.constant 0 : i32
      %dma_start3A_239 = tpu.memref_slice %arg4[%squeeze3A_233, %dma_start3A_238] : memref<1000000x64xf32, #tpu.memory_space<hbm>> -> memref<1x64xf32, #tpu.memory_space<hbm>>
      %dma_start3A_240 = tpu.memref_squeeze %dma_start3A_239 : memref<1x64xf32, #tpu.memory_space<hbm>> -> memref<64xf32, #tpu.memory_space<hbm>>
      %dma_start3A_241 = arith.constant 0 : i32
      %dma_start3A_242 = tpu.memref_slice %arg9[%dma_start3A_234, %add3A_231, %dma_start3A_241] : memref<2x128x64xf32, #tpu.memory_space<vmem>> -> memref<1x1x64xf32, #tpu.memory_space<vmem>>
      %dma_start3A_243 = tpu.memref_squeeze %dma_start3A_242 : memref<1x1x64xf32, #tpu.memory_space<vmem>> -> memref<64xf32, #tpu.memory_space<vmem>>
      %dma_start3A_244 = arith.constant 0 : i32
      %dma_start3A_245 = tpu.memref_slice %arg4[%squeeze3A_233, %dma_start3A_244] : memref<1000000x64xf32, #tpu.memory_space<hbm>> -> memref<1x64xf32, #tpu.memory_space<hbm>>
      %dma_start3A_246 = tpu.memref_squeeze %dma_start3A_245 : memref<1x64xf32, #tpu.memory_space<hbm>> -> memref<64xf32, #tpu.memory_space<hbm>>
      tpu.enqueue_dma source(%dma_start3A_246 : memref<64xf32, #tpu.memory_space<hbm>>) target(%dma_start3A_243 : memref<64xf32, #tpu.memory_space<vmem>>) target_semaphore(%arg13 : memref<!tpu.dma_semaphore, #tpu.memory_space<semaphore_mem>>)
      %slice3A_247 = vector.extract_strided_slice %get3A_196 {offsets = [1], sizes = [1], strides = [1]} : vector<16xi32> to vector<1xi32>
      %squeeze3A_248 = vector.extract %slice3A_247[0] : i32 from vector<1xi32>
      %dma_start3A_249 = arith.constant 1 : i32
      %dma_start3A_250 = arith.constant 0 : i32
      %dma_start3A_251 = tpu.memref_slice %arg10[%dma_start3A_249, %add3A_231, %dma_start3A_250] : memref<2x128x64xf32, #tpu.memory_space<vmem>> -> memref<1x1x64xf32, #tpu.memory_space<vmem>>
      %dma_start3A_252 = tpu.memref_squeeze %dma_start3A_251 : memref<1x1x64xf32, #tpu.memory_space<vmem>> -> memref<64xf32, #tpu.memory_space<vmem>>
      %dma_start3A_253 = arith.constant 0 : i32
      %dma_start3A_254 = tpu.memref_slice %arg4[%squeeze3A_248, %dma_start3A_253] : memref<1000000x64xf32, #tpu.memory_space<hbm>> -> memref<1x64xf32, #tpu.memory_space<hbm>>
      %dma_start3A_255 = tpu.memref_squeeze %dma_start3A_254 : memref<1x64xf32, #tpu.memory_space<hbm>> -> memref<64xf32, #tpu.memory_space<hbm>>
      %dma_start3A_256 = arith.constant 0 : i32
      %dma_start3A_257 = tpu.memref_slice %arg10[%dma_start3A_249, %add3A_231, %dma_start3A_256] : memref<2x128x64xf32, #tpu.memory_space<vmem>> -> memref<1x1x64xf32, #tpu.memory_space<vmem>>
      %dma_start3A_258 = tpu.memref_squeeze %dma_start3A_257 : memref<1x1x64xf32, #tpu.memory_space<vmem>> -> memref<64xf32, #tpu.memory_space<vmem>>
      %dma_start3A_259 = arith.constant 0 : i32
      %dma_start3A_260 = tpu.memref_slice %arg4[%squeeze3A_248, %dma_start3A_259] : memref<1000000x64xf32, #tpu.memory_space<hbm>> -> memref<1x64xf32, #tpu.memory_space<hbm>>
      %dma_start3A_261 = tpu.memref_squeeze %dma_start3A_260 : memref<1x64xf32, #tpu.memory_space<hbm>> -> memref<64xf32, #tpu.memory_space<hbm>>
      tpu.enqueue_dma source(%dma_start3A_261 : memref<64xf32, #tpu.memory_space<hbm>>) target(%dma_start3A_258 : memref<64xf32, #tpu.memory_space<vmem>>) target_semaphore(%arg13 : memref<!tpu.dma_semaphore, #tpu.memory_space<semaphore_mem>>)
      %mul3A_262 = arith.constant 16 : i32
      %mul3A_263 = arith.muli %scan3A_184, %mul3A_262 : i32
      %add3A_264 = arith.constant 2 : i32
      %add3A_265 = arith.addi %mul3A_263, %add3A_264 : i32
      %slice3A_266 = vector.extract_strided_slice %get3A_190 {offsets = [2], sizes = [1], strides = [1]} : vector<16xi32> to vector<1xi32>
      %squeeze3A_267 = vector.extract %slice3A_266[0] : i32 from vector<1xi32>
      %dma_start3A_268 = arith.constant 1 : i32
      %dma_start3A_269 = arith.constant 0 : i32
      %dma_start3A_270 = tpu.memref_slice %arg9[%dma_start3A_268, %add3A_265, %dma_start3A_269] : memref<2x128x64xf32, #tpu.memory_space<vmem>> -> memref<1x1x64xf32, #tpu.memory_space<vmem>>
      %dma_start3A_271 = tpu.memref_squeeze %dma_start3A_270 : memref<1x1x64xf32, #tpu.memory_space<vmem>> -> memref<64xf32, #tpu.memory_space<vmem>>
      %dma_start3A_272 = arith.constant 0 : i32
      %dma_start3A_273 = tpu.memref_slice %arg4[%squeeze3A_267, %dma_start3A_272] : memref<1000000x64xf32, #tpu.memory_space<hbm>> -> memref<1x64xf32, #tpu.memory_space<hbm>>
      %dma_start3A_274 = tpu.memref_squeeze %dma_start3A_273 : memref<1x64xf32, #tpu.memory_space<hbm>> -> memref<64xf32, #tpu.memory_space<hbm>>
      %dma_start3A_275 = arith.constant 0 : i32
      %dma_start3A_276 = tpu.memref_slice %arg9[%dma_start3A_268, %add3A_265, %dma_start3A_275] : memref<2x128x64xf32, #tpu.memory_space<vmem>> -> memref<1x1x64xf32, #tpu.memory_space<vmem>>
      %dma_start3A_277 = tpu.memref_squeeze %dma_start3A_276 : memref<1x1x64xf32, #tpu.memory_space<vmem>> -> memref<64xf32, #tpu.memory_space<vmem>>
      %dma_start3A_278 = arith.constant 0 : i32
      %dma_start3A_279 = tpu.memref_slice %arg4[%squeeze3A_267, %dma_start3A_278] : memref<1000000x64xf32, #tpu.memory_space<hbm>> -> memref<1x64xf32, #tpu.memory_space<hbm>>
      %dma_start3A_280 = tpu.memref_squeeze %dma_start3A_279 : memref<1x64xf32, #tpu.memory_space<hbm>> -> memref<64xf32, #tpu.memory_space<hbm>>
      tpu.enqueue_dma source(%dma_start3A_280 : memref<64xf32, #tpu.memory_space<hbm>>) target(%dma_start3A_277 : memref<64xf32, #tpu.memory_space<vmem>>) target_semaphore(%arg13 : memref<!tpu.dma_semaphore, #tpu.memory_space<semaphore_mem>>)
      %slice3A_281 = vector.extract_strided_slice %get3A_196 {offsets = [2], sizes = [1], strides = [1]} : vector<16xi32> to vector<1xi32>
      %squeeze3A_282 = vector.extract %slice3A_281[0] : i32 from vector<1xi32>
      %dma_start3A_283 = arith.constant 1 : i32
      %dma_start3A_284 = arith.constant 0 : i32
      %dma_start3A_285 = tpu.memref_slice %arg10[%dma_start3A_283, %add3A_265, %dma_start3A_284] : memref<2x128x64xf32, #tpu.memory_space<vmem>> -> memref<1x1x64xf32, #tpu.memory_space<vmem>>
      %dma_start3A_286 = tpu.memref_squeeze %dma_start3A_285 : memref<1x1x64xf32, #tpu.memory_space<vmem>> -> memref<64xf32, #tpu.memory_space<vmem>>
      %dma_start3A_287 = arith.constant 0 : i32
      %dma_start3A_288 = tpu.memref_slice %arg4[%squeeze3A_282, %dma_start3A_287] : memref<1000000x64xf32, #tpu.memory_space<hbm>> -> memref<1x64xf32, #tpu.memory_space<hbm>>
      %dma_start3A_289 = tpu.memref_squeeze %dma_start3A_288 : memref<1x64xf32, #tpu.memory_space<hbm>> -> memref<64xf32, #tpu.memory_space<hbm>>
      %dma_start3A_290 = arith.constant 0 : i32
      %dma_start3A_291 = tpu.memref_slice %arg10[%dma_start3A_283, %add3A_265, %dma_start3A_290] : memref<2x128x64xf32, #tpu.memory_space<vmem>> -> memref<1x1x64xf32, #tpu.memory_space<vmem>>
      %dma_start3A_292 = tpu.memref_squeeze %dma_start3A_291 : memref<1x1x64xf32, #tpu.memory_space<vmem>> -> memref<64xf32, #tpu.memory_space<vmem>>
      %dma_start3A_293 = arith.constant 0 : i32
      %dma_start3A_294 = tpu.memref_slice %arg4[%squeeze3A_282, %dma_start3A_293] : memref<1000000x64xf32, #tpu.memory_space<hbm>> -> memref<1x64xf32, #tpu.memory_space<hbm>>
      %dma_start3A_295 = tpu.memref_squeeze %dma_start3A_294 : memref<1x64xf32, #tpu.memory_space<hbm>> -> memref<64xf32, #tpu.memory_space<hbm>>
      tpu.enqueue_dma source(%dma_start3A_295 : memref<64xf32, #tpu.memory_space<hbm>>) target(%dma_start3A_292 : memref<64xf32, #tpu.memory_space<vmem>>) target_semaphore(%arg13 : memref<!tpu.dma_semaphore, #tpu.memory_space<semaphore_mem>>)
      %mul3A_296 = arith.constant 16 : i32
      %mul3A_297 = arith.muli %scan3A_184, %mul3A_296 : i32
      %add3A_298 = arith.constant 3 : i32
      %add3A_299 = arith.addi %mul3A_297, %add3A_298 : i32
      %slice3A_300 = vector.extract_strided_slice %get3A_190 {offsets = [3], sizes = [1], strides = [1]} : vector<16xi32> to vector<1xi32>
      %squeeze3A_301 = vector.extract %slice3A_300[0] : i32 from vector<1xi32>
      %dma_start3A_302 = arith.constant 1 : i32
      %dma_start3A_303 = arith.constant 0 : i32
      %dma_start3A_304 = tpu.memref_slice %arg9[%dma_start3A_302, %add3A_299, %dma_start3A_303] : memref<2x128x64xf32, #tpu.memory_space<vmem>> -> memref<1x1x64xf32, #tpu.memory_space<vmem>>
      %dma_start3A_305 = tpu.memref_squeeze %dma_start3A_304 : memref<1x1x64xf32, #tpu.memory_space<vmem>> -> memref<64xf32, #tpu.memory_space<vmem>>
      %dma_start3A_306 = arith.constant 0 : i32
      %dma_start3A_307 = tpu.memref_slice %arg4[%squeeze3A_301, %dma_start3A_306] : memref<1000000x64xf32, #tpu.memory_space<hbm>> -> memref<1x64xf32, #tpu.memory_space<hbm>>
      %dma_start3A_308 = tpu.memref_squeeze %dma_start3A_307 : memref<1x64xf32, #tpu.memory_space<hbm>> -> memref<64xf32, #tpu.memory_space<hbm>>
      %dma_start3A_309 = arith.constant 0 : i32
      %dma_start3A_310 = tpu.memref_slice %arg9[%dma_start3A_302, %add3A_299, %dma_start3A_309] : memref<2x128x64xf32, #tpu.memory_space<vmem>> -> memref<1x1x64xf32, #tpu.memory_space<vmem>>
      %dma_start3A_311 = tpu.memref_squeeze %dma_start3A_310 : memref<1x1x64xf32, #tpu.memory_space<vmem>> -> memref<64xf32, #tpu.memory_space<vmem>>
      %dma_start3A_312 = arith.constant 0 : i32
      %dma_start3A_313 = tpu.memref_slice %arg4[%squeeze3A_301, %dma_start3A_312] : memref<1000000x64xf32, #tpu.memory_space<hbm>> -> memref<1x64xf32, #tpu.memory_space<hbm>>
      %dma_start3A_314 = tpu.memref_squeeze %dma_start3A_313 : memref<1x64xf32, #tpu.memory_space<hbm>> -> memref<64xf32, #tpu.memory_space<hbm>>
      tpu.enqueue_dma source(%dma_start3A_314 : memref<64xf32, #tpu.memory_space<hbm>>) target(%dma_start3A_311 : memref<64xf32, #tpu.memory_space<vmem>>) target_semaphore(%arg13 : memref<!tpu.dma_semaphore, #tpu.memory_space<semaphore_mem>>)
      %slice3A_315 = vector.extract_strided_slice %get3A_196 {offsets = [3], sizes = [1], strides = [1]} : vector<16xi32> to vector<1xi32>
      %squeeze3A_316 = vector.extract %slice3A_315[0] : i32 from vector<1xi32>
      %dma_start3A_317 = arith.constant 1 : i32
      %dma_start3A_318 = arith.constant 0 : i32
      %dma_start3A_319 = tpu.memref_slice %arg10[%dma_start3A_317, %add3A_299, %dma_start3A_318] : memref<2x128x64xf32, #tpu.memory_space<vmem>> -> memref<1x1x64xf32, #tpu.memory_space<vmem>>
      %dma_start3A_320 = tpu.memref_squeeze %dma_start3A_319 : memref<1x1x64xf32, #tpu.memory_space<vmem>> -> memref<64xf32, #tpu.memory_space<vmem>>
      %dma_start3A_321 = arith.constant 0 : i32
      %dma_start3A_322 = tpu.memref_slice %arg4[%squeeze3A_316, %dma_start3A_321] : memref<1000000x64xf32, #tpu.memory_space<hbm>> -> memref<1x64xf32, #tpu.memory_space<hbm>>
      %dma_start3A_323 = tpu.memref_squeeze %dma_start3A_322 : memref<1x64xf32, #tpu.memory_space<hbm>> -> memref<64xf32, #tpu.memory_space<hbm>>
      %dma_start3A_324 = arith.constant 0 : i32
      %dma_start3A_325 = tpu.memref_slice %arg10[%dma_start3A_317, %add3A_299, %dma_start3A_324] : memref<2x128x64xf32, #tpu.memory_space<vmem>> -> memref<1x1x64xf32, #tpu.memory_space<vmem>>
      %dma_start3A_326 = tpu.memref_squeeze %dma_start3A_325 : memref<1x1x64xf32, #tpu.memory_space<vmem>> -> memref<64xf32, #tpu.memory_space<vmem>>
      %dma_start3A_327 = arith.constant 0 : i32
      %dma_start3A_328 = tpu.memref_slice %arg4[%squeeze3A_316, %dma_start3A_327] : memref<1000000x64xf32, #tpu.memory_space<hbm>> -> memref<1x64xf32, #tpu.memory_space<hbm>>
      %dma_start3A_329 = tpu.memref_squeeze %dma_start3A_328 : memref<1x64xf32, #tpu.memory_space<hbm>> -> memref<64xf32, #tpu.memory_space<hbm>>
      tpu.enqueue_dma source(%dma_start3A_329 : memref<64xf32, #tpu.memory_space<hbm>>) target(%dma_start3A_326 : memref<64xf32, #tpu.memory_space<vmem>>) target_semaphore(%arg13 : memref<!tpu.dma_semaphore, #tpu.memory_space<semaphore_mem>>)
      %mul3A_330 = arith.constant 16 : i32
      %mul3A_331 = arith.muli %scan3A_184, %mul3A_330 : i32
      %add3A_332 = arith.constant 4 : i32
      %add3A_333 = arith.addi %mul3A_331, %add3A_332 : i32
      %slice3A_334 = vector.extract_strided_slice %get3A_190 {offsets = [4], sizes = [1], strides = [1]} : vector<16xi32> to vector<1xi32>
      %squeeze3A_335 = vector.extract %slice3A_334[0] : i32 from vector<1xi32>
      %dma_start3A_336 = arith.constant 1 : i32
      %dma_start3A_337 = arith.constant 0 : i32
      %dma_start3A_338 = tpu.memref_slice %arg9[%dma_start3A_336, %add3A_333, %dma_start3A_337] : memref<2x128x64xf32, #tpu.memory_space<vmem>> -> memref<1x1x64xf32, #tpu.memory_space<vmem>>
      %dma_start3A_339 = tpu.memref_squeeze %dma_start3A_338 : memref<1x1x64xf32, #tpu.memory_space<vmem>> -> memref<64xf32, #tpu.memory_space<vmem>>
      %dma_start3A_340 = arith.constant 0 : i32
      %dma_start3A_341 = tpu.memref_slice %arg4[%squeeze3A_335, %dma_start3A_340] : memref<1000000x64xf32, #tpu.memory_space<hbm>> -> memref<1x64xf32, #tpu.memory_space<hbm>>
      %dma_start3A_342 = tpu.memref_squeeze %dma_start3A_341 : memref<1x64xf32, #tpu.memory_space<hbm>> -> memref<64xf32, #tpu.memory_space<hbm>>
      %dma_start3A_343 = arith.constant 0 : i32
      %dma_start3A_344 = tpu.memref_slice %arg9[%dma_start3A_336, %add3A_333, %dma_start3A_343] : memref<2x128x64xf32, #tpu.memory_space<vmem>> -> memref<1x1x64xf32, #tpu.memory_space<vmem>>
      %dma_start3A_345 = tpu.memref_squeeze %dma_start3A_344 : memref<1x1x64xf32, #tpu.memory_space<vmem>> -> memref<64xf32, #tpu.memory_space<vmem>>
      %dma_start3A_346 = arith.constant 0 : i32
      %dma_start3A_347 = tpu.memref_slice %arg4[%squeeze3A_335, %dma_start3A_346] : memref<1000000x64xf32, #tpu.memory_space<hbm>> -> memref<1x64xf32, #tpu.memory_space<hbm>>
      %dma_start3A_348 = tpu.memref_squeeze %dma_start3A_347 : memref<1x64xf32, #tpu.memory_space<hbm>> -> memref<64xf32, #tpu.memory_space<hbm>>
      tpu.enqueue_dma source(%dma_start3A_348 : memref<64xf32, #tpu.memory_space<hbm>>) target(%dma_start3A_345 : memref<64xf32, #tpu.memory_space<vmem>>) target_semaphore(%arg13 : memref<!tpu.dma_semaphore, #tpu.memory_space<semaphore_mem>>)
      %slice3A_349 = vector.extract_strided_slice %get3A_196 {offsets = [4], sizes = [1], strides = [1]} : vector<16xi32> to vector<1xi32>
      %squeeze3A_350 = vector.extract %slice3A_349[0] : i32 from vector<1xi32>
      %dma_start3A_351 = arith.constant 1 : i32
      %dma_start3A_352 = arith.constant 0 : i32
      %dma_start3A_353 = tpu.memref_slice %arg10[%dma_start3A_351, %add3A_333, %dma_start3A_352] : memref<2x128x64xf32, #tpu.memory_space<vmem>> -> memref<1x1x64xf32, #tpu.memory_space<vmem>>
      %dma_start3A_354 = tpu.memref_squeeze %dma_start3A_353 : memref<1x1x64xf32, #tpu.memory_space<vmem>> -> memref<64xf32, #tpu.memory_space<vmem>>
      %dma_start3A_355 = arith.constant 0 : i32
      %dma_start3A_356 = tpu.memref_slice %arg4[%squeeze3A_350, %dma_start3A_355] : memref<1000000x64xf32, #tpu.memory_space<hbm>> -> memref<1x64xf32, #tpu.memory_space<hbm>>
      %dma_start3A_357 = tpu.memref_squeeze %dma_start3A_356 : memref<1x64xf32, #tpu.memory_space<hbm>> -> memref<64xf32, #tpu.memory_space<hbm>>
      %dma_start3A_358 = arith.constant 0 : i32
      %dma_start3A_359 = tpu.memref_slice %arg10[%dma_start3A_351, %add3A_333, %dma_start3A_358] : memref<2x128x64xf32, #tpu.memory_space<vmem>> -> memref<1x1x64xf32, #tpu.memory_space<vmem>>
      %dma_start3A_360 = tpu.memref_squeeze %dma_start3A_359 : memref<1x1x64xf32, #tpu.memory_space<vmem>> -> memref<64xf32, #tpu.memory_space<vmem>>
      %dma_start3A_361 = arith.constant 0 : i32
      %dma_start3A_362 = tpu.memref_slice %arg4[%squeeze3A_350, %dma_start3A_361] : memref<1000000x64xf32, #tpu.memory_space<hbm>> -> memref<1x64xf32, #tpu.memory_space<hbm>>
      %dma_start3A_363 = tpu.memref_squeeze %dma_start3A_362 : memref<1x64xf32, #tpu.memory_space<hbm>> -> memref<64xf32, #tpu.memory_space<hbm>>
      tpu.enqueue_dma source(%dma_start3A_363 : memref<64xf32, #tpu.memory_space<hbm>>) target(%dma_start3A_360 : memref<64xf32, #tpu.memory_space<vmem>>) target_semaphore(%arg13 : memref<!tpu.dma_semaphore, #tpu.memory_space<semaphore_mem>>)
      %mul3A_364 = arith.constant 16 : i32
      %mul3A_365 = arith.muli %scan3A_184, %mul3A_364 : i32
      %add3A_366 = arith.constant 5 : i32
      %add3A_367 = arith.addi %mul3A_365, %add3A_366 : i32
      %slice3A_368 = vector.extract_strided_slice %get3A_190 {offsets = [5], sizes = [1], strides = [1]} : vector<16xi32> to vector<1xi32>
      %squeeze3A_369 = vector.extract %slice3A_368[0] : i32 from vector<1xi32>
      %dma_start3A_370 = arith.constant 1 : i32
      %dma_start3A_371 = arith.constant 0 : i32
      %dma_start3A_372 = tpu.memref_slice %arg9[%dma_start3A_370, %add3A_367, %dma_start3A_371] : memref<2x128x64xf32, #tpu.memory_space<vmem>> -> memref<1x1x64xf32, #tpu.memory_space<vmem>>
      %dma_start3A_373 = tpu.memref_squeeze %dma_start3A_372 : memref<1x1x64xf32, #tpu.memory_space<vmem>> -> memref<64xf32, #tpu.memory_space<vmem>>
      %dma_start3A_374 = arith.constant 0 : i32
      %dma_start3A_375 = tpu.memref_slice %arg4[%squeeze3A_369, %dma_start3A_374] : memref<1000000x64xf32, #tpu.memory_space<hbm>> -> memref<1x64xf32, #tpu.memory_space<hbm>>
      %dma_start3A_376 = tpu.memref_squeeze %dma_start3A_375 : memref<1x64xf32, #tpu.memory_space<hbm>> -> memref<64xf32, #tpu.memory_space<hbm>>
      %dma_start3A_377 = arith.constant 0 : i32
      %dma_start3A_378 = tpu.memref_slice %arg9[%dma_start3A_370, %add3A_367, %dma_start3A_377] : memref<2x128x64xf32, #tpu.memory_space<vmem>> -> memref<1x1x64xf32, #tpu.memory_space<vmem>>
      %dma_start3A_379 = tpu.memref_squeeze %dma_start3A_378 : memref<1x1x64xf32, #tpu.memory_space<vmem>> -> memref<64xf32, #tpu.memory_space<vmem>>
      %dma_start3A_380 = arith.constant 0 : i32
      %dma_start3A_381 = tpu.memref_slice %arg4[%squeeze3A_369, %dma_start3A_380] : memref<1000000x64xf32, #tpu.memory_space<hbm>> -> memref<1x64xf32, #tpu.memory_space<hbm>>
      %dma_start3A_382 = tpu.memref_squeeze %dma_start3A_381 : memref<1x64xf32, #tpu.memory_space<hbm>> -> memref<64xf32, #tpu.memory_space<hbm>>
      tpu.enqueue_dma source(%dma_start3A_382 : memref<64xf32, #tpu.memory_space<hbm>>) target(%dma_start3A_379 : memref<64xf32, #tpu.memory_space<vmem>>) target_semaphore(%arg13 : memref<!tpu.dma_semaphore, #tpu.memory_space<semaphore_mem>>)
      %slice3A_383 = vector.extract_strided_slice %get3A_196 {offsets = [5], sizes = [1], strides = [1]} : vector<16xi32> to vector<1xi32>
      %squeeze3A_384 = vector.extract %slice3A_383[0] : i32 from vector<1xi32>
      %dma_start3A_385 = arith.constant 1 : i32
      %dma_start3A_386 = arith.constant 0 : i32
      %dma_start3A_387 = tpu.memref_slice %arg10[%dma_start3A_385, %add3A_367, %dma_start3A_386] : memref<2x128x64xf32, #tpu.memory_space<vmem>> -> memref<1x1x64xf32, #tpu.memory_space<vmem>>
      %dma_start3A_388 = tpu.memref_squeeze %dma_start3A_387 : memref<1x1x64xf32, #tpu.memory_space<vmem>> -> memref<64xf32, #tpu.memory_space<vmem>>
      %dma_start3A_389 = arith.constant 0 : i32
      %dma_start3A_390 = tpu.memref_slice %arg4[%squeeze3A_384, %dma_start3A_389] : memref<1000000x64xf32, #tpu.memory_space<hbm>> -> memref<1x64xf32, #tpu.memory_space<hbm>>
      %dma_start3A_391 = tpu.memref_squeeze %dma_start3A_390 : memref<1x64xf32, #tpu.memory_space<hbm>> -> memref<64xf32, #tpu.memory_space<hbm>>
      %dma_start3A_392 = arith.constant 0 : i32
      %dma_start3A_393 = tpu.memref_slice %arg10[%dma_start3A_385, %add3A_367, %dma_start3A_392] : memref<2x128x64xf32, #tpu.memory_space<vmem>> -> memref<1x1x64xf32, #tpu.memory_space<vmem>>
      %dma_start3A_394 = tpu.memref_squeeze %dma_start3A_393 : memref<1x1x64xf32, #tpu.memory_space<vmem>> -> memref<64xf32, #tpu.memory_space<vmem>>
      %dma_start3A_395 = arith.constant 0 : i32
      %dma_start3A_396 = tpu.memref_slice %arg4[%squeeze3A_384, %dma_start3A_395] : memref<1000000x64xf32, #tpu.memory_space<hbm>> -> memref<1x64xf32, #tpu.memory_space<hbm>>
      %dma_start3A_397 = tpu.memref_squeeze %dma_start3A_396 : memref<1x64xf32, #tpu.memory_space<hbm>> -> memref<64xf32, #tpu.memory_space<hbm>>
      tpu.enqueue_dma source(%dma_start3A_397 : memref<64xf32, #tpu.memory_space<hbm>>) target(%dma_start3A_394 : memref<64xf32, #tpu.memory_space<vmem>>) target_semaphore(%arg13 : memref<!tpu.dma_semaphore, #tpu.memory_space<semaphore_mem>>)
      %mul3A_398 = arith.constant 16 : i32
      %mul3A_399 = arith.muli %scan3A_184, %mul3A_398 : i32
      %add3A_400 = arith.constant 6 : i32
      %add3A_401 = arith.addi %mul3A_399, %add3A_400 : i32
      %slice3A_402 = vector.extract_strided_slice %get3A_190 {offsets = [6], sizes = [1], strides = [1]} : vector<16xi32> to vector<1xi32>
      %squeeze3A_403 = vector.extract %slice3A_402[0] : i32 from vector<1xi32>
      %dma_start3A_404 = arith.constant 1 : i32
      %dma_start3A_405 = arith.constant 0 : i32
      %dma_start3A_406 = tpu.memref_slice %arg9[%dma_start3A_404, %add3A_401, %dma_start3A_405] : memref<2x128x64xf32, #tpu.memory_space<vmem>> -> memref<1x1x64xf32, #tpu.memory_space<vmem>>
      %dma_start3A_407 = tpu.memref_squeeze %dma_start3A_406 : memref<1x1x64xf32, #tpu.memory_space<vmem>> -> memref<64xf32, #tpu.memory_space<vmem>>
      %dma_start3A_408 = arith.constant 0 : i32
      %dma_start3A_409 = tpu.memref_slice %arg4[%squeeze3A_403, %dma_start3A_408] : memref<1000000x64xf32, #tpu.memory_space<hbm>> -> memref<1x64xf32, #tpu.memory_space<hbm>>
      %dma_start3A_410 = tpu.memref_squeeze %dma_start3A_409 : memref<1x64xf32, #tpu.memory_space<hbm>> -> memref<64xf32, #tpu.memory_space<hbm>>
      %dma_start3A_411 = arith.constant 0 : i32
      %dma_start3A_412 = tpu.memref_slice %arg9[%dma_start3A_404, %add3A_401, %dma_start3A_411] : memref<2x128x64xf32, #tpu.memory_space<vmem>> -> memref<1x1x64xf32, #tpu.memory_space<vmem>>
      %dma_start3A_413 = tpu.memref_squeeze %dma_start3A_412 : memref<1x1x64xf32, #tpu.memory_space<vmem>> -> memref<64xf32, #tpu.memory_space<vmem>>
      %dma_start3A_414 = arith.constant 0 : i32
      %dma_start3A_415 = tpu.memref_slice %arg4[%squeeze3A_403, %dma_start3A_414] : memref<1000000x64xf32, #tpu.memory_space<hbm>> -> memref<1x64xf32, #tpu.memory_space<hbm>>
      %dma_start3A_416 = tpu.memref_squeeze %dma_start3A_415 : memref<1x64xf32, #tpu.memory_space<hbm>> -> memref<64xf32, #tpu.memory_space<hbm>>
      tpu.enqueue_dma source(%dma_start3A_416 : memref<64xf32, #tpu.memory_space<hbm>>) target(%dma_start3A_413 : memref<64xf32, #tpu.memory_space<vmem>>) target_semaphore(%arg13 : memref<!tpu.dma_semaphore, #tpu.memory_space<semaphore_mem>>)
      %slice3A_417 = vector.extract_strided_slice %get3A_196 {offsets = [6], sizes = [1], strides = [1]} : vector<16xi32> to vector<1xi32>
      %squeeze3A_418 = vector.extract %slice3A_417[0] : i32 from vector<1xi32>
      %dma_start3A_419 = arith.constant 1 : i32
      %dma_start3A_420 = arith.constant 0 : i32
      %dma_start3A_421 = tpu.memref_slice %arg10[%dma_start3A_419, %add3A_401, %dma_start3A_420] : memref<2x128x64xf32, #tpu.memory_space<vmem>> -> memref<1x1x64xf32, #tpu.memory_space<vmem>>
      %dma_start3A_422 = tpu.memref_squeeze %dma_start3A_421 : memref<1x1x64xf32, #tpu.memory_space<vmem>> -> memref<64xf32, #tpu.memory_space<vmem>>
      %dma_start3A_423 = arith.constant 0 : i32
      %dma_start3A_424 = tpu.memref_slice %arg4[%squeeze3A_418, %dma_start3A_423] : memref<1000000x64xf32, #tpu.memory_space<hbm>> -> memref<1x64xf32, #tpu.memory_space<hbm>>
      %dma_start3A_425 = tpu.memref_squeeze %dma_start3A_424 : memref<1x64xf32, #tpu.memory_space<hbm>> -> memref<64xf32, #tpu.memory_space<hbm>>
      %dma_start3A_426 = arith.constant 0 : i32
      %dma_start3A_427 = tpu.memref_slice %arg10[%dma_start3A_419, %add3A_401, %dma_start3A_426] : memref<2x128x64xf32, #tpu.memory_space<vmem>> -> memref<1x1x64xf32, #tpu.memory_space<vmem>>
      %dma_start3A_428 = tpu.memref_squeeze %dma_start3A_427 : memref<1x1x64xf32, #tpu.memory_space<vmem>> -> memref<64xf32, #tpu.memory_space<vmem>>
      %dma_start3A_429 = arith.constant 0 : i32
      %dma_start3A_430 = tpu.memref_slice %arg4[%squeeze3A_418, %dma_start3A_429] : memref<1000000x64xf32, #tpu.memory_space<hbm>> -> memref<1x64xf32, #tpu.memory_space<hbm>>
      %dma_start3A_431 = tpu.memref_squeeze %dma_start3A_430 : memref<1x64xf32, #tpu.memory_space<hbm>> -> memref<64xf32, #tpu.memory_space<hbm>>
      tpu.enqueue_dma source(%dma_start3A_431 : memref<64xf32, #tpu.memory_space<hbm>>) target(%dma_start3A_428 : memref<64xf32, #tpu.memory_space<vmem>>) target_semaphore(%arg13 : memref<!tpu.dma_semaphore, #tpu.memory_space<semaphore_mem>>)
      %mul3A_432 = arith.constant 16 : i32
      %mul3A_433 = arith.muli %scan3A_184, %mul3A_432 : i32
      %add3A_434 = arith.constant 7 : i32
      %add3A_435 = arith.addi %mul3A_433, %add3A_434 : i32
      %slice3A_436 = vector.extract_strided_slice %get3A_190 {offsets = [7], sizes = [1], strides = [1]} : vector<16xi32> to vector<1xi32>
      %squeeze3A_437 = vector.extract %slice3A_436[0] : i32 from vector<1xi32>
      %dma_start3A_438 = arith.constant 1 : i32
      %dma_start3A_439 = arith.constant 0 : i32
      %dma_start3A_440 = tpu.memref_slice %arg9[%dma_start3A_438, %add3A_435, %dma_start3A_439] : memref<2x128x64xf32, #tpu.memory_space<vmem>> -> memref<1x1x64xf32, #tpu.memory_space<vmem>>
      %dma_start3A_441 = tpu.memref_squeeze %dma_start3A_440 : memref<1x1x64xf32, #tpu.memory_space<vmem>> -> memref<64xf32, #tpu.memory_space<vmem>>
      %dma_start3A_442 = arith.constant 0 : i32
      %dma_start3A_443 = tpu.memref_slice %arg4[%squeeze3A_437, %dma_start3A_442] : memref<1000000x64xf32, #tpu.memory_space<hbm>> -> memref<1x64xf32, #tpu.memory_space<hbm>>
      %dma_start3A_444 = tpu.memref_squeeze %dma_start3A_443 : memref<1x64xf32, #tpu.memory_space<hbm>> -> memref<64xf32, #tpu.memory_space<hbm>>
      %dma_start3A_445 = arith.constant 0 : i32
      %dma_start3A_446 = tpu.memref_slice %arg9[%dma_start3A_438, %add3A_435, %dma_start3A_445] : memref<2x128x64xf32, #tpu.memory_space<vmem>> -> memref<1x1x64xf32, #tpu.memory_space<vmem>>
      %dma_start3A_447 = tpu.memref_squeeze %dma_start3A_446 : memref<1x1x64xf32, #tpu.memory_space<vmem>> -> memref<64xf32, #tpu.memory_space<vmem>>
      %dma_start3A_448 = arith.constant 0 : i32
      %dma_start3A_449 = tpu.memref_slice %arg4[%squeeze3A_437, %dma_start3A_448] : memref<1000000x64xf32, #tpu.memory_space<hbm>> -> memref<1x64xf32, #tpu.memory_space<hbm>>
      %dma_start3A_450 = tpu.memref_squeeze %dma_start3A_449 : memref<1x64xf32, #tpu.memory_space<hbm>> -> memref<64xf32, #tpu.memory_space<hbm>>
      tpu.enqueue_dma source(%dma_start3A_450 : memref<64xf32, #tpu.memory_space<hbm>>) target(%dma_start3A_447 : memref<64xf32, #tpu.memory_space<vmem>>) target_semaphore(%arg13 : memref<!tpu.dma_semaphore, #tpu.memory_space<semaphore_mem>>)
      %slice3A_451 = vector.extract_strided_slice %get3A_196 {offsets = [7], sizes = [1], strides = [1]} : vector<16xi32> to vector<1xi32>
      %squeeze3A_452 = vector.extract %slice3A_451[0] : i32 from vector<1xi32>
      %dma_start3A_453 = arith.constant 1 : i32
      %dma_start3A_454 = arith.constant 0 : i32
      %dma_start3A_455 = tpu.memref_slice %arg10[%dma_start3A_453, %add3A_435, %dma_start3A_454] : memref<2x128x64xf32, #tpu.memory_space<vmem>> -> memref<1x1x64xf32, #tpu.memory_space<vmem>>
      %dma_start3A_456 = tpu.memref_squeeze %dma_start3A_455 : memref<1x1x64xf32, #tpu.memory_space<vmem>> -> memref<64xf32, #tpu.memory_space<vmem>>
      %dma_start3A_457 = arith.constant 0 : i32
      %dma_start3A_458 = tpu.memref_slice %arg4[%squeeze3A_452, %dma_start3A_457] : memref<1000000x64xf32, #tpu.memory_space<hbm>> -> memref<1x64xf32, #tpu.memory_space<hbm>>
      %dma_start3A_459 = tpu.memref_squeeze %dma_start3A_458 : memref<1x64xf32, #tpu.memory_space<hbm>> -> memref<64xf32, #tpu.memory_space<hbm>>
      %dma_start3A_460 = arith.constant 0 : i32
      %dma_start3A_461 = tpu.memref_slice %arg10[%dma_start3A_453, %add3A_435, %dma_start3A_460] : memref<2x128x64xf32, #tpu.memory_space<vmem>> -> memref<1x1x64xf32, #tpu.memory_space<vmem>>
      %dma_start3A_462 = tpu.memref_squeeze %dma_start3A_461 : memref<1x1x64xf32, #tpu.memory_space<vmem>> -> memref<64xf32, #tpu.memory_space<vmem>>
      %dma_start3A_463 = arith.constant 0 : i32
      %dma_start3A_464 = tpu.memref_slice %arg4[%squeeze3A_452, %dma_start3A_463] : memref<1000000x64xf32, #tpu.memory_space<hbm>> -> memref<1x64xf32, #tpu.memory_space<hbm>>
      %dma_start3A_465 = tpu.memref_squeeze %dma_start3A_464 : memref<1x64xf32, #tpu.memory_space<hbm>> -> memref<64xf32, #tpu.memory_space<hbm>>
      tpu.enqueue_dma source(%dma_start3A_465 : memref<64xf32, #tpu.memory_space<hbm>>) target(%dma_start3A_462 : memref<64xf32, #tpu.memory_space<vmem>>) target_semaphore(%arg13 : memref<!tpu.dma_semaphore, #tpu.memory_space<semaphore_mem>>)
      %mul3A_466 = arith.constant 16 : i32
      %mul3A_467 = arith.muli %scan3A_184, %mul3A_466 : i32
      %add3A_468 = arith.constant 8 : i32
      %add3A_469 = arith.addi %mul3A_467, %add3A_468 : i32
      %slice3A_470 = vector.extract_strided_slice %get3A_190 {offsets = [8], sizes = [1], strides = [1]} : vector<16xi32> to vector<1xi32>
      %squeeze3A_471 = vector.extract %slice3A_470[0] : i32 from vector<1xi32>
      %dma_start3A_472 = arith.constant 1 : i32
      %dma_start3A_473 = arith.constant 0 : i32
      %dma_start3A_474 = tpu.memref_slice %arg9[%dma_start3A_472, %add3A_469, %dma_start3A_473] : memref<2x128x64xf32, #tpu.memory_space<vmem>> -> memref<1x1x64xf32, #tpu.memory_space<vmem>>
      %dma_start3A_475 = tpu.memref_squeeze %dma_start3A_474 : memref<1x1x64xf32, #tpu.memory_space<vmem>> -> memref<64xf32, #tpu.memory_space<vmem>>
      %dma_start3A_476 = arith.constant 0 : i32
      %dma_start3A_477 = tpu.memref_slice %arg4[%squeeze3A_471, %dma_start3A_476] : memref<1000000x64xf32, #tpu.memory_space<hbm>> -> memref<1x64xf32, #tpu.memory_space<hbm>>
      %dma_start3A_478 = tpu.memref_squeeze %dma_start3A_477 : memref<1x64xf32, #tpu.memory_space<hbm>> -> memref<64xf32, #tpu.memory_space<hbm>>
      %dma_start3A_479 = arith.constant 0 : i32
      %dma_start3A_480 = tpu.memref_slice %arg9[%dma_start3A_472, %add3A_469, %dma_start3A_479] : memref<2x128x64xf32, #tpu.memory_space<vmem>> -> memref<1x1x64xf32, #tpu.memory_space<vmem>>
      %dma_start3A_481 = tpu.memref_squeeze %dma_start3A_480 : memref<1x1x64xf32, #tpu.memory_space<vmem>> -> memref<64xf32, #tpu.memory_space<vmem>>
      %dma_start3A_482 = arith.constant 0 : i32
      %dma_start3A_483 = tpu.memref_slice %arg4[%squeeze3A_471, %dma_start3A_482] : memref<1000000x64xf32, #tpu.memory_space<hbm>> -> memref<1x64xf32, #tpu.memory_space<hbm>>
      %dma_start3A_484 = tpu.memref_squeeze %dma_start3A_483 : memref<1x64xf32, #tpu.memory_space<hbm>> -> memref<64xf32, #tpu.memory_space<hbm>>
      tpu.enqueue_dma source(%dma_start3A_484 : memref<64xf32, #tpu.memory_space<hbm>>) target(%dma_start3A_481 : memref<64xf32, #tpu.memory_space<vmem>>) target_semaphore(%arg13 : memref<!tpu.dma_semaphore, #tpu.memory_space<semaphore_mem>>)
      %slice3A_485 = vector.extract_strided_slice %get3A_196 {offsets = [8], sizes = [1], strides = [1]} : vector<16xi32> to vector<1xi32>
      %squeeze3A_486 = vector.extract %slice3A_485[0] : i32 from vector<1xi32>
      %dma_start3A_487 = arith.constant 1 : i32
      %dma_start3A_488 = arith.constant 0 : i32
      %dma_start3A_489 = tpu.memref_slice %arg10[%dma_start3A_487, %add3A_469, %dma_start3A_488] : memref<2x128x64xf32, #tpu.memory_space<vmem>> -> memref<1x1x64xf32, #tpu.memory_space<vmem>>
      %dma_start3A_490 = tpu.memref_squeeze %dma_start3A_489 : memref<1x1x64xf32, #tpu.memory_space<vmem>> -> memref<64xf32, #tpu.memory_space<vmem>>
      %dma_start3A_491 = arith.constant 0 : i32
      %dma_start3A_492 = tpu.memref_slice %arg4[%squeeze3A_486, %dma_start3A_491] : memref<1000000x64xf32, #tpu.memory_space<hbm>> -> memref<1x64xf32, #tpu.memory_space<hbm>>
      %dma_start3A_493 = tpu.memref_squeeze %dma_start3A_492 : memref<1x64xf32, #tpu.memory_space<hbm>> -> memref<64xf32, #tpu.memory_space<hbm>>
      %dma_start3A_494 = arith.constant 0 : i32
      %dma_start3A_495 = tpu.memref_slice %arg10[%dma_start3A_487, %add3A_469, %dma_start3A_494] : memref<2x128x64xf32, #tpu.memory_space<vmem>> -> memref<1x1x64xf32, #tpu.memory_space<vmem>>
      %dma_start3A_496 = tpu.memref_squeeze %dma_start3A_495 : memref<1x1x64xf32, #tpu.memory_space<vmem>> -> memref<64xf32, #tpu.memory_space<vmem>>
      %dma_start3A_497 = arith.constant 0 : i32
      %dma_start3A_498 = tpu.memref_slice %arg4[%squeeze3A_486, %dma_start3A_497] : memref<1000000x64xf32, #tpu.memory_space<hbm>> -> memref<1x64xf32, #tpu.memory_space<hbm>>
      %dma_start3A_499 = tpu.memref_squeeze %dma_start3A_498 : memref<1x64xf32, #tpu.memory_space<hbm>> -> memref<64xf32, #tpu.memory_space<hbm>>
      tpu.enqueue_dma source(%dma_start3A_499 : memref<64xf32, #tpu.memory_space<hbm>>) target(%dma_start3A_496 : memref<64xf32, #tpu.memory_space<vmem>>) target_semaphore(%arg13 : memref<!tpu.dma_semaphore, #tpu.memory_space<semaphore_mem>>)
      %mul3A_500 = arith.constant 16 : i32
      %mul3A_501 = arith.muli %scan3A_184, %mul3A_500 : i32
      %add3A_502 = arith.constant 9 : i32
      %add3A_503 = arith.addi %mul3A_501, %add3A_502 : i32
      %slice3A_504 = vector.extract_strided_slice %get3A_190 {offsets = [9], sizes = [1], strides = [1]} : vector<16xi32> to vector<1xi32>
      %squeeze3A_505 = vector.extract %slice3A_504[0] : i32 from vector<1xi32>
      %dma_start3A_506 = arith.constant 1 : i32
      %dma_start3A_507 = arith.constant 0 : i32
      %dma_start3A_508 = tpu.memref_slice %arg9[%dma_start3A_506, %add3A_503, %dma_start3A_507] : memref<2x128x64xf32, #tpu.memory_space<vmem>> -> memref<1x1x64xf32, #tpu.memory_space<vmem>>
      %dma_start3A_509 = tpu.memref_squeeze %dma_start3A_508 : memref<1x1x64xf32, #tpu.memory_space<vmem>> -> memref<64xf32, #tpu.memory_space<vmem>>
      %dma_start3A_510 = arith.constant 0 : i32
      %dma_start3A_511 = tpu.memref_slice %arg4[%squeeze3A_505, %dma_start3A_510] : memref<1000000x64xf32, #tpu.memory_space<hbm>> -> memref<1x64xf32, #tpu.memory_space<hbm>>
      %dma_start3A_512 = tpu.memref_squeeze %dma_start3A_511 : memref<1x64xf32, #tpu.memory_space<hbm>> -> memref<64xf32, #tpu.memory_space<hbm>>
      %dma_start3A_513 = arith.constant 0 : i32
      %dma_start3A_514 = tpu.memref_slice %arg9[%dma_start3A_506, %add3A_503, %dma_start3A_513] : memref<2x128x64xf32, #tpu.memory_space<vmem>> -> memref<1x1x64xf32, #tpu.memory_space<vmem>>
      %dma_start3A_515 = tpu.memref_squeeze %dma_start3A_514 : memref<1x1x64xf32, #tpu.memory_space<vmem>> -> memref<64xf32, #tpu.memory_space<vmem>>
      %dma_start3A_516 = arith.constant 0 : i32
      %dma_start3A_517 = tpu.memref_slice %arg4[%squeeze3A_505, %dma_start3A_516] : memref<1000000x64xf32, #tpu.memory_space<hbm>> -> memref<1x64xf32, #tpu.memory_space<hbm>>
      %dma_start3A_518 = tpu.memref_squeeze %dma_start3A_517 : memref<1x64xf32, #tpu.memory_space<hbm>> -> memref<64xf32, #tpu.memory_space<hbm>>
      tpu.enqueue_dma source(%dma_start3A_518 : memref<64xf32, #tpu.memory_space<hbm>>) target(%dma_start3A_515 : memref<64xf32, #tpu.memory_space<vmem>>) target_semaphore(%arg13 : memref<!tpu.dma_semaphore, #tpu.memory_space<semaphore_mem>>)
      %slice3A_519 = vector.extract_strided_slice %get3A_196 {offsets = [9], sizes = [1], strides = [1]} : vector<16xi32> to vector<1xi32>
      %squeeze3A_520 = vector.extract %slice3A_519[0] : i32 from vector<1xi32>
      %dma_start3A_521 = arith.constant 1 : i32
      %dma_start3A_522 = arith.constant 0 : i32
      %dma_start3A_523 = tpu.memref_slice %arg10[%dma_start3A_521, %add3A_503, %dma_start3A_522] : memref<2x128x64xf32, #tpu.memory_space<vmem>> -> memref<1x1x64xf32, #tpu.memory_space<vmem>>
      %dma_start3A_524 = tpu.memref_squeeze %dma_start3A_523 : memref<1x1x64xf32, #tpu.memory_space<vmem>> -> memref<64xf32, #tpu.memory_space<vmem>>
      %dma_start3A_525 = arith.constant 0 : i32
      %dma_start3A_526 = tpu.memref_slice %arg4[%squeeze3A_520, %dma_start3A_525] : memref<1000000x64xf32, #tpu.memory_space<hbm>> -> memref<1x64xf32, #tpu.memory_space<hbm>>
      %dma_start3A_527 = tpu.memref_squeeze %dma_start3A_526 : memref<1x64xf32, #tpu.memory_space<hbm>> -> memref<64xf32, #tpu.memory_space<hbm>>
      %dma_start3A_528 = arith.constant 0 : i32
      %dma_start3A_529 = tpu.memref_slice %arg10[%dma_start3A_521, %add3A_503, %dma_start3A_528] : memref<2x128x64xf32, #tpu.memory_space<vmem>> -> memref<1x1x64xf32, #tpu.memory_space<vmem>>
      %dma_start3A_530 = tpu.memref_squeeze %dma_start3A_529 : memref<1x1x64xf32, #tpu.memory_space<vmem>> -> memref<64xf32, #tpu.memory_space<vmem>>
      %dma_start3A_531 = arith.constant 0 : i32
      %dma_start3A_532 = tpu.memref_slice %arg4[%squeeze3A_520, %dma_start3A_531] : memref<1000000x64xf32, #tpu.memory_space<hbm>> -> memref<1x64xf32, #tpu.memory_space<hbm>>
      %dma_start3A_533 = tpu.memref_squeeze %dma_start3A_532 : memref<1x64xf32, #tpu.memory_space<hbm>> -> memref<64xf32, #tpu.memory_space<hbm>>
      tpu.enqueue_dma source(%dma_start3A_533 : memref<64xf32, #tpu.memory_space<hbm>>) target(%dma_start3A_530 : memref<64xf32, #tpu.memory_space<vmem>>) target_semaphore(%arg13 : memref<!tpu.dma_semaphore, #tpu.memory_space<semaphore_mem>>)
      %mul3A_534 = arith.constant 16 : i32
      %mul3A_535 = arith.muli %scan3A_184, %mul3A_534 : i32
      %add3A_536 = arith.constant 10 : i32
      %add3A_537 = arith.addi %mul3A_535, %add3A_536 : i32
      %slice3A_538 = vector.extract_strided_slice %get3A_190 {offsets = [10], sizes = [1], strides = [1]} : vector<16xi32> to vector<1xi32>
      %squeeze3A_539 = vector.extract %slice3A_538[0] : i32 from vector<1xi32>
      %dma_start3A_540 = arith.constant 1 : i32
      %dma_start3A_541 = arith.constant 0 : i32
      %dma_start3A_542 = tpu.memref_slice %arg9[%dma_start3A_540, %add3A_537, %dma_start3A_541] : memref<2x128x64xf32, #tpu.memory_space<vmem>> -> memref<1x1x64xf32, #tpu.memory_space<vmem>>
      %dma_start3A_543 = tpu.memref_squeeze %dma_start3A_542 : memref<1x1x64xf32, #tpu.memory_space<vmem>> -> memref<64xf32, #tpu.memory_space<vmem>>
      %dma_start3A_544 = arith.constant 0 : i32
      %dma_start3A_545 = tpu.memref_slice %arg4[%squeeze3A_539, %dma_start3A_544] : memref<1000000x64xf32, #tpu.memory_space<hbm>> -> memref<1x64xf32, #tpu.memory_space<hbm>>
      %dma_start3A_546 = tpu.memref_squeeze %dma_start3A_545 : memref<1x64xf32, #tpu.memory_space<hbm>> -> memref<64xf32, #tpu.memory_space<hbm>>
      %dma_start3A_547 = arith.constant 0 : i32
      %dma_start3A_548 = tpu.memref_slice %arg9[%dma_start3A_540, %add3A_537, %dma_start3A_547] : memref<2x128x64xf32, #tpu.memory_space<vmem>> -> memref<1x1x64xf32, #tpu.memory_space<vmem>>
      %dma_start3A_549 = tpu.memref_squeeze %dma_start3A_548 : memref<1x1x64xf32, #tpu.memory_space<vmem>> -> memref<64xf32, #tpu.memory_space<vmem>>
      %dma_start3A_550 = arith.constant 0 : i32
      %dma_start3A_551 = tpu.memref_slice %arg4[%squeeze3A_539, %dma_start3A_550] : memref<1000000x64xf32, #tpu.memory_space<hbm>> -> memref<1x64xf32, #tpu.memory_space<hbm>>
      %dma_start3A_552 = tpu.memref_squeeze %dma_start3A_551 : memref<1x64xf32, #tpu.memory_space<hbm>> -> memref<64xf32, #tpu.memory_space<hbm>>
      tpu.enqueue_dma source(%dma_start3A_552 : memref<64xf32, #tpu.memory_space<hbm>>) target(%dma_start3A_549 : memref<64xf32, #tpu.memory_space<vmem>>) target_semaphore(%arg13 : memref<!tpu.dma_semaphore, #tpu.memory_space<semaphore_mem>>)
      %slice3A_553 = vector.extract_strided_slice %get3A_196 {offsets = [10], sizes = [1], strides = [1]} : vector<16xi32> to vector<1xi32>
      %squeeze3A_554 = vector.extract %slice3A_553[0] : i32 from vector<1xi32>
      %dma_start3A_555 = arith.constant 1 : i32
      %dma_start3A_556 = arith.constant 0 : i32
      %dma_start3A_557 = tpu.memref_slice %arg10[%dma_start3A_555, %add3A_537, %dma_start3A_556] : memref<2x128x64xf32, #tpu.memory_space<vmem>> -> memref<1x1x64xf32, #tpu.memory_space<vmem>>
      %dma_start3A_558 = tpu.memref_squeeze %dma_start3A_557 : memref<1x1x64xf32, #tpu.memory_space<vmem>> -> memref<64xf32, #tpu.memory_space<vmem>>
      %dma_start3A_559 = arith.constant 0 : i32
      %dma_start3A_560 = tpu.memref_slice %arg4[%squeeze3A_554, %dma_start3A_559] : memref<1000000x64xf32, #tpu.memory_space<hbm>> -> memref<1x64xf32, #tpu.memory_space<hbm>>
      %dma_start3A_561 = tpu.memref_squeeze %dma_start3A_560 : memref<1x64xf32, #tpu.memory_space<hbm>> -> memref<64xf32, #tpu.memory_space<hbm>>
      %dma_start3A_562 = arith.constant 0 : i32
      %dma_start3A_563 = tpu.memref_slice %arg10[%dma_start3A_555, %add3A_537, %dma_start3A_562] : memref<2x128x64xf32, #tpu.memory_space<vmem>> -> memref<1x1x64xf32, #tpu.memory_space<vmem>>
      %dma_start3A_564 = tpu.memref_squeeze %dma_start3A_563 : memref<1x1x64xf32, #tpu.memory_space<vmem>> -> memref<64xf32, #tpu.memory_space<vmem>>
      %dma_start3A_565 = arith.constant 0 : i32
      %dma_start3A_566 = tpu.memref_slice %arg4[%squeeze3A_554, %dma_start3A_565] : memref<1000000x64xf32, #tpu.memory_space<hbm>> -> memref<1x64xf32, #tpu.memory_space<hbm>>
      %dma_start3A_567 = tpu.memref_squeeze %dma_start3A_566 : memref<1x64xf32, #tpu.memory_space<hbm>> -> memref<64xf32, #tpu.memory_space<hbm>>
      tpu.enqueue_dma source(%dma_start3A_567 : memref<64xf32, #tpu.memory_space<hbm>>) target(%dma_start3A_564 : memref<64xf32, #tpu.memory_space<vmem>>) target_semaphore(%arg13 : memref<!tpu.dma_semaphore, #tpu.memory_space<semaphore_mem>>)
      %mul3A_568 = arith.constant 16 : i32
      %mul3A_569 = arith.muli %scan3A_184, %mul3A_568 : i32
      %add3A_570 = arith.constant 11 : i32
      %add3A_571 = arith.addi %mul3A_569, %add3A_570 : i32
      %slice3A_572 = vector.extract_strided_slice %get3A_190 {offsets = [11], sizes = [1], strides = [1]} : vector<16xi32> to vector<1xi32>
      %squeeze3A_573 = vector.extract %slice3A_572[0] : i32 from vector<1xi32>
      %dma_start3A_574 = arith.constant 1 : i32
      %dma_start3A_575 = arith.constant 0 : i32
      %dma_start3A_576 = tpu.memref_slice %arg9[%dma_start3A_574, %add3A_571, %dma_start3A_575] : memref<2x128x64xf32, #tpu.memory_space<vmem>> -> memref<1x1x64xf32, #tpu.memory_space<vmem>>
      %dma_start3A_577 = tpu.memref_squeeze %dma_start3A_576 : memref<1x1x64xf32, #tpu.memory_space<vmem>> -> memref<64xf32, #tpu.memory_space<vmem>>
      %dma_start3A_578 = arith.constant 0 : i32
      %dma_start3A_579 = tpu.memref_slice %arg4[%squeeze3A_573, %dma_start3A_578] : memref<1000000x64xf32, #tpu.memory_space<hbm>> -> memref<1x64xf32, #tpu.memory_space<hbm>>
      %dma_start3A_580 = tpu.memref_squeeze %dma_start3A_579 : memref<1x64xf32, #tpu.memory_space<hbm>> -> memref<64xf32, #tpu.memory_space<hbm>>
      %dma_start3A_581 = arith.constant 0 : i32
      %dma_start3A_582 = tpu.memref_slice %arg9[%dma_start3A_574, %add3A_571, %dma_start3A_581] : memref<2x128x64xf32, #tpu.memory_space<vmem>> -> memref<1x1x64xf32, #tpu.memory_space<vmem>>
      %dma_start3A_583 = tpu.memref_squeeze %dma_start3A_582 : memref<1x1x64xf32, #tpu.memory_space<vmem>> -> memref<64xf32, #tpu.memory_space<vmem>>
      %dma_start3A_584 = arith.constant 0 : i32
      %dma_start3A_585 = tpu.memref_slice %arg4[%squeeze3A_573, %dma_start3A_584] : memref<1000000x64xf32, #tpu.memory_space<hbm>> -> memref<1x64xf32, #tpu.memory_space<hbm>>
      %dma_start3A_586 = tpu.memref_squeeze %dma_start3A_585 : memref<1x64xf32, #tpu.memory_space<hbm>> -> memref<64xf32, #tpu.memory_space<hbm>>
      tpu.enqueue_dma source(%dma_start3A_586 : memref<64xf32, #tpu.memory_space<hbm>>) target(%dma_start3A_583 : memref<64xf32, #tpu.memory_space<vmem>>) target_semaphore(%arg13 : memref<!tpu.dma_semaphore, #tpu.memory_space<semaphore_mem>>)
      %slice3A_587 = vector.extract_strided_slice %get3A_196 {offsets = [11], sizes = [1], strides = [1]} : vector<16xi32> to vector<1xi32>
      %squeeze3A_588 = vector.extract %slice3A_587[0] : i32 from vector<1xi32>
      %dma_start3A_589 = arith.constant 1 : i32
      %dma_start3A_590 = arith.constant 0 : i32
      %dma_start3A_591 = tpu.memref_slice %arg10[%dma_start3A_589, %add3A_571, %dma_start3A_590] : memref<2x128x64xf32, #tpu.memory_space<vmem>> -> memref<1x1x64xf32, #tpu.memory_space<vmem>>
      %dma_start3A_592 = tpu.memref_squeeze %dma_start3A_591 : memref<1x1x64xf32, #tpu.memory_space<vmem>> -> memref<64xf32, #tpu.memory_space<vmem>>
      %dma_start3A_593 = arith.constant 0 : i32
      %dma_start3A_594 = tpu.memref_slice %arg4[%squeeze3A_588, %dma_start3A_593] : memref<1000000x64xf32, #tpu.memory_space<hbm>> -> memref<1x64xf32, #tpu.memory_space<hbm>>
      %dma_start3A_595 = tpu.memref_squeeze %dma_start3A_594 : memref<1x64xf32, #tpu.memory_space<hbm>> -> memref<64xf32, #tpu.memory_space<hbm>>
      %dma_start3A_596 = arith.constant 0 : i32
      %dma_start3A_597 = tpu.memref_slice %arg10[%dma_start3A_589, %add3A_571, %dma_start3A_596] : memref<2x128x64xf32, #tpu.memory_space<vmem>> -> memref<1x1x64xf32, #tpu.memory_space<vmem>>
      %dma_start3A_598 = tpu.memref_squeeze %dma_start3A_597 : memref<1x1x64xf32, #tpu.memory_space<vmem>> -> memref<64xf32, #tpu.memory_space<vmem>>
      %dma_start3A_599 = arith.constant 0 : i32
      %dma_start3A_600 = tpu.memref_slice %arg4[%squeeze3A_588, %dma_start3A_599] : memref<1000000x64xf32, #tpu.memory_space<hbm>> -> memref<1x64xf32, #tpu.memory_space<hbm>>
      %dma_start3A_601 = tpu.memref_squeeze %dma_start3A_600 : memref<1x64xf32, #tpu.memory_space<hbm>> -> memref<64xf32, #tpu.memory_space<hbm>>
      tpu.enqueue_dma source(%dma_start3A_601 : memref<64xf32, #tpu.memory_space<hbm>>) target(%dma_start3A_598 : memref<64xf32, #tpu.memory_space<vmem>>) target_semaphore(%arg13 : memref<!tpu.dma_semaphore, #tpu.memory_space<semaphore_mem>>)
      %mul3A_602 = arith.constant 16 : i32
      %mul3A_603 = arith.muli %scan3A_184, %mul3A_602 : i32
      %add3A_604 = arith.constant 12 : i32
      %add3A_605 = arith.addi %mul3A_603, %add3A_604 : i32
      %slice3A_606 = vector.extract_strided_slice %get3A_190 {offsets = [12], sizes = [1], strides = [1]} : vector<16xi32> to vector<1xi32>
      %squeeze3A_607 = vector.extract %slice3A_606[0] : i32 from vector<1xi32>
      %dma_start3A_608 = arith.constant 1 : i32
      %dma_start3A_609 = arith.constant 0 : i32
      %dma_start3A_610 = tpu.memref_slice %arg9[%dma_start3A_608, %add3A_605, %dma_start3A_609] : memref<2x128x64xf32, #tpu.memory_space<vmem>> -> memref<1x1x64xf32, #tpu.memory_space<vmem>>
      %dma_start3A_611 = tpu.memref_squeeze %dma_start3A_610 : memref<1x1x64xf32, #tpu.memory_space<vmem>> -> memref<64xf32, #tpu.memory_space<vmem>>
      %dma_start3A_612 = arith.constant 0 : i32
      %dma_start3A_613 = tpu.memref_slice %arg4[%squeeze3A_607, %dma_start3A_612] : memref<1000000x64xf32, #tpu.memory_space<hbm>> -> memref<1x64xf32, #tpu.memory_space<hbm>>
      %dma_start3A_614 = tpu.memref_squeeze %dma_start3A_613 : memref<1x64xf32, #tpu.memory_space<hbm>> -> memref<64xf32, #tpu.memory_space<hbm>>
      %dma_start3A_615 = arith.constant 0 : i32
      %dma_start3A_616 = tpu.memref_slice %arg9[%dma_start3A_608, %add3A_605, %dma_start3A_615] : memref<2x128x64xf32, #tpu.memory_space<vmem>> -> memref<1x1x64xf32, #tpu.memory_space<vmem>>
      %dma_start3A_617 = tpu.memref_squeeze %dma_start3A_616 : memref<1x1x64xf32, #tpu.memory_space<vmem>> -> memref<64xf32, #tpu.memory_space<vmem>>
      %dma_start3A_618 = arith.constant 0 : i32
      %dma_start3A_619 = tpu.memref_slice %arg4[%squeeze3A_607, %dma_start3A_618] : memref<1000000x64xf32, #tpu.memory_space<hbm>> -> memref<1x64xf32, #tpu.memory_space<hbm>>
      %dma_start3A_620 = tpu.memref_squeeze %dma_start3A_619 : memref<1x64xf32, #tpu.memory_space<hbm>> -> memref<64xf32, #tpu.memory_space<hbm>>
      tpu.enqueue_dma source(%dma_start3A_620 : memref<64xf32, #tpu.memory_space<hbm>>) target(%dma_start3A_617 : memref<64xf32, #tpu.memory_space<vmem>>) target_semaphore(%arg13 : memref<!tpu.dma_semaphore, #tpu.memory_space<semaphore_mem>>)
      %slice3A_621 = vector.extract_strided_slice %get3A_196 {offsets = [12], sizes = [1], strides = [1]} : vector<16xi32> to vector<1xi32>
      %squeeze3A_622 = vector.extract %slice3A_621[0] : i32 from vector<1xi32>
      %dma_start3A_623 = arith.constant 1 : i32
      %dma_start3A_624 = arith.constant 0 : i32
      %dma_start3A_625 = tpu.memref_slice %arg10[%dma_start3A_623, %add3A_605, %dma_start3A_624] : memref<2x128x64xf32, #tpu.memory_space<vmem>> -> memref<1x1x64xf32, #tpu.memory_space<vmem>>
      %dma_start3A_626 = tpu.memref_squeeze %dma_start3A_625 : memref<1x1x64xf32, #tpu.memory_space<vmem>> -> memref<64xf32, #tpu.memory_space<vmem>>
      %dma_start3A_627 = arith.constant 0 : i32
      %dma_start3A_628 = tpu.memref_slice %arg4[%squeeze3A_622, %dma_start3A_627] : memref<1000000x64xf32, #tpu.memory_space<hbm>> -> memref<1x64xf32, #tpu.memory_space<hbm>>
      %dma_start3A_629 = tpu.memref_squeeze %dma_start3A_628 : memref<1x64xf32, #tpu.memory_space<hbm>> -> memref<64xf32, #tpu.memory_space<hbm>>
      %dma_start3A_630 = arith.constant 0 : i32
      %dma_start3A_631 = tpu.memref_slice %arg10[%dma_start3A_623, %add3A_605, %dma_start3A_630] : memref<2x128x64xf32, #tpu.memory_space<vmem>> -> memref<1x1x64xf32, #tpu.memory_space<vmem>>
      %dma_start3A_632 = tpu.memref_squeeze %dma_start3A_631 : memref<1x1x64xf32, #tpu.memory_space<vmem>> -> memref<64xf32, #tpu.memory_space<vmem>>
      %dma_start3A_633 = arith.constant 0 : i32
      %dma_start3A_634 = tpu.memref_slice %arg4[%squeeze3A_622, %dma_start3A_633] : memref<1000000x64xf32, #tpu.memory_space<hbm>> -> memref<1x64xf32, #tpu.memory_space<hbm>>
      %dma_start3A_635 = tpu.memref_squeeze %dma_start3A_634 : memref<1x64xf32, #tpu.memory_space<hbm>> -> memref<64xf32, #tpu.memory_space<hbm>>
      tpu.enqueue_dma source(%dma_start3A_635 : memref<64xf32, #tpu.memory_space<hbm>>) target(%dma_start3A_632 : memref<64xf32, #tpu.memory_space<vmem>>) target_semaphore(%arg13 : memref<!tpu.dma_semaphore, #tpu.memory_space<semaphore_mem>>)
      %mul3A_636 = arith.constant 16 : i32
      %mul3A_637 = arith.muli %scan3A_184, %mul3A_636 : i32
      %add3A_638 = arith.constant 13 : i32
      %add3A_639 = arith.addi %mul3A_637, %add3A_638 : i32
      %slice3A_640 = vector.extract_strided_slice %get3A_190 {offsets = [13], sizes = [1], strides = [1]} : vector<16xi32> to vector<1xi32>
      %squeeze3A_641 = vector.extract %slice3A_640[0] : i32 from vector<1xi32>
      %dma_start3A_642 = arith.constant 1 : i32
      %dma_start3A_643 = arith.constant 0 : i32
      %dma_start3A_644 = tpu.memref_slice %arg9[%dma_start3A_642, %add3A_639, %dma_start3A_643] : memref<2x128x64xf32, #tpu.memory_space<vmem>> -> memref<1x1x64xf32, #tpu.memory_space<vmem>>
      %dma_start3A_645 = tpu.memref_squeeze %dma_start3A_644 : memref<1x1x64xf32, #tpu.memory_space<vmem>> -> memref<64xf32, #tpu.memory_space<vmem>>
      %dma_start3A_646 = arith.constant 0 : i32
      %dma_start3A_647 = tpu.memref_slice %arg4[%squeeze3A_641, %dma_start3A_646] : memref<1000000x64xf32, #tpu.memory_space<hbm>> -> memref<1x64xf32, #tpu.memory_space<hbm>>
      %dma_start3A_648 = tpu.memref_squeeze %dma_start3A_647 : memref<1x64xf32, #tpu.memory_space<hbm>> -> memref<64xf32, #tpu.memory_space<hbm>>
      %dma_start3A_649 = arith.constant 0 : i32
      %dma_start3A_650 = tpu.memref_slice %arg9[%dma_start3A_642, %add3A_639, %dma_start3A_649] : memref<2x128x64xf32, #tpu.memory_space<vmem>> -> memref<1x1x64xf32, #tpu.memory_space<vmem>>
      %dma_start3A_651 = tpu.memref_squeeze %dma_start3A_650 : memref<1x1x64xf32, #tpu.memory_space<vmem>> -> memref<64xf32, #tpu.memory_space<vmem>>
      %dma_start3A_652 = arith.constant 0 : i32
      %dma_start3A_653 = tpu.memref_slice %arg4[%squeeze3A_641, %dma_start3A_652] : memref<1000000x64xf32, #tpu.memory_space<hbm>> -> memref<1x64xf32, #tpu.memory_space<hbm>>
      %dma_start3A_654 = tpu.memref_squeeze %dma_start3A_653 : memref<1x64xf32, #tpu.memory_space<hbm>> -> memref<64xf32, #tpu.memory_space<hbm>>
      tpu.enqueue_dma source(%dma_start3A_654 : memref<64xf32, #tpu.memory_space<hbm>>) target(%dma_start3A_651 : memref<64xf32, #tpu.memory_space<vmem>>) target_semaphore(%arg13 : memref<!tpu.dma_semaphore, #tpu.memory_space<semaphore_mem>>)
      %slice3A_655 = vector.extract_strided_slice %get3A_196 {offsets = [13], sizes = [1], strides = [1]} : vector<16xi32> to vector<1xi32>
      %squeeze3A_656 = vector.extract %slice3A_655[0] : i32 from vector<1xi32>
      %dma_start3A_657 = arith.constant 1 : i32
      %dma_start3A_658 = arith.constant 0 : i32
      %dma_start3A_659 = tpu.memref_slice %arg10[%dma_start3A_657, %add3A_639, %dma_start3A_658] : memref<2x128x64xf32, #tpu.memory_space<vmem>> -> memref<1x1x64xf32, #tpu.memory_space<vmem>>
      %dma_start3A_660 = tpu.memref_squeeze %dma_start3A_659 : memref<1x1x64xf32, #tpu.memory_space<vmem>> -> memref<64xf32, #tpu.memory_space<vmem>>
      %dma_start3A_661 = arith.constant 0 : i32
      %dma_start3A_662 = tpu.memref_slice %arg4[%squeeze3A_656, %dma_start3A_661] : memref<1000000x64xf32, #tpu.memory_space<hbm>> -> memref<1x64xf32, #tpu.memory_space<hbm>>
      %dma_start3A_663 = tpu.memref_squeeze %dma_start3A_662 : memref<1x64xf32, #tpu.memory_space<hbm>> -> memref<64xf32, #tpu.memory_space<hbm>>
      %dma_start3A_664 = arith.constant 0 : i32
      %dma_start3A_665 = tpu.memref_slice %arg10[%dma_start3A_657, %add3A_639, %dma_start3A_664] : memref<2x128x64xf32, #tpu.memory_space<vmem>> -> memref<1x1x64xf32, #tpu.memory_space<vmem>>
      %dma_start3A_666 = tpu.memref_squeeze %dma_start3A_665 : memref<1x1x64xf32, #tpu.memory_space<vmem>> -> memref<64xf32, #tpu.memory_space<vmem>>
      %dma_start3A_667 = arith.constant 0 : i32
      %dma_start3A_668 = tpu.memref_slice %arg4[%squeeze3A_656, %dma_start3A_667] : memref<1000000x64xf32, #tpu.memory_space<hbm>> -> memref<1x64xf32, #tpu.memory_space<hbm>>
      %dma_start3A_669 = tpu.memref_squeeze %dma_start3A_668 : memref<1x64xf32, #tpu.memory_space<hbm>> -> memref<64xf32, #tpu.memory_space<hbm>>
      tpu.enqueue_dma source(%dma_start3A_669 : memref<64xf32, #tpu.memory_space<hbm>>) target(%dma_start3A_666 : memref<64xf32, #tpu.memory_space<vmem>>) target_semaphore(%arg13 : memref<!tpu.dma_semaphore, #tpu.memory_space<semaphore_mem>>)
      %mul3A_670 = arith.constant 16 : i32
      %mul3A_671 = arith.muli %scan3A_184, %mul3A_670 : i32
      %add3A_672 = arith.constant 14 : i32
      %add3A_673 = arith.addi %mul3A_671, %add3A_672 : i32
      %slice3A_674 = vector.extract_strided_slice %get3A_190 {offsets = [14], sizes = [1], strides = [1]} : vector<16xi32> to vector<1xi32>
      %squeeze3A_675 = vector.extract %slice3A_674[0] : i32 from vector<1xi32>
      %dma_start3A_676 = arith.constant 1 : i32
      %dma_start3A_677 = arith.constant 0 : i32
      %dma_start3A_678 = tpu.memref_slice %arg9[%dma_start3A_676, %add3A_673, %dma_start3A_677] : memref<2x128x64xf32, #tpu.memory_space<vmem>> -> memref<1x1x64xf32, #tpu.memory_space<vmem>>
      %dma_start3A_679 = tpu.memref_squeeze %dma_start3A_678 : memref<1x1x64xf32, #tpu.memory_space<vmem>> -> memref<64xf32, #tpu.memory_space<vmem>>
      %dma_start3A_680 = arith.constant 0 : i32
      %dma_start3A_681 = tpu.memref_slice %arg4[%squeeze3A_675, %dma_start3A_680] : memref<1000000x64xf32, #tpu.memory_space<hbm>> -> memref<1x64xf32, #tpu.memory_space<hbm>>
      %dma_start3A_682 = tpu.memref_squeeze %dma_start3A_681 : memref<1x64xf32, #tpu.memory_space<hbm>> -> memref<64xf32, #tpu.memory_space<hbm>>
      %dma_start3A_683 = arith.constant 0 : i32
      %dma_start3A_684 = tpu.memref_slice %arg9[%dma_start3A_676, %add3A_673, %dma_start3A_683] : memref<2x128x64xf32, #tpu.memory_space<vmem>> -> memref<1x1x64xf32, #tpu.memory_space<vmem>>
      %dma_start3A_685 = tpu.memref_squeeze %dma_start3A_684 : memref<1x1x64xf32, #tpu.memory_space<vmem>> -> memref<64xf32, #tpu.memory_space<vmem>>
      %dma_start3A_686 = arith.constant 0 : i32
      %dma_start3A_687 = tpu.memref_slice %arg4[%squeeze3A_675, %dma_start3A_686] : memref<1000000x64xf32, #tpu.memory_space<hbm>> -> memref<1x64xf32, #tpu.memory_space<hbm>>
      %dma_start3A_688 = tpu.memref_squeeze %dma_start3A_687 : memref<1x64xf32, #tpu.memory_space<hbm>> -> memref<64xf32, #tpu.memory_space<hbm>>
      tpu.enqueue_dma source(%dma_start3A_688 : memref<64xf32, #tpu.memory_space<hbm>>) target(%dma_start3A_685 : memref<64xf32, #tpu.memory_space<vmem>>) target_semaphore(%arg13 : memref<!tpu.dma_semaphore, #tpu.memory_space<semaphore_mem>>)
      %slice3A_689 = vector.extract_strided_slice %get3A_196 {offsets = [14], sizes = [1], strides = [1]} : vector<16xi32> to vector<1xi32>
      %squeeze3A_690 = vector.extract %slice3A_689[0] : i32 from vector<1xi32>
      %dma_start3A_691 = arith.constant 1 : i32
      %dma_start3A_692 = arith.constant 0 : i32
      %dma_start3A_693 = tpu.memref_slice %arg10[%dma_start3A_691, %add3A_673, %dma_start3A_692] : memref<2x128x64xf32, #tpu.memory_space<vmem>> -> memref<1x1x64xf32, #tpu.memory_space<vmem>>
      %dma_start3A_694 = tpu.memref_squeeze %dma_start3A_693 : memref<1x1x64xf32, #tpu.memory_space<vmem>> -> memref<64xf32, #tpu.memory_space<vmem>>
      %dma_start3A_695 = arith.constant 0 : i32
      %dma_start3A_696 = tpu.memref_slice %arg4[%squeeze3A_690, %dma_start3A_695] : memref<1000000x64xf32, #tpu.memory_space<hbm>> -> memref<1x64xf32, #tpu.memory_space<hbm>>
      %dma_start3A_697 = tpu.memref_squeeze %dma_start3A_696 : memref<1x64xf32, #tpu.memory_space<hbm>> -> memref<64xf32, #tpu.memory_space<hbm>>
      %dma_start3A_698 = arith.constant 0 : i32
      %dma_start3A_699 = tpu.memref_slice %arg10[%dma_start3A_691, %add3A_673, %dma_start3A_698] : memref<2x128x64xf32, #tpu.memory_space<vmem>> -> memref<1x1x64xf32, #tpu.memory_space<vmem>>
      %dma_start3A_700 = tpu.memref_squeeze %dma_start3A_699 : memref<1x1x64xf32, #tpu.memory_space<vmem>> -> memref<64xf32, #tpu.memory_space<vmem>>
      %dma_start3A_701 = arith.constant 0 : i32
      %dma_start3A_702 = tpu.memref_slice %arg4[%squeeze3A_690, %dma_start3A_701] : memref<1000000x64xf32, #tpu.memory_space<hbm>> -> memref<1x64xf32, #tpu.memory_space<hbm>>
      %dma_start3A_703 = tpu.memref_squeeze %dma_start3A_702 : memref<1x64xf32, #tpu.memory_space<hbm>> -> memref<64xf32, #tpu.memory_space<hbm>>
      tpu.enqueue_dma source(%dma_start3A_703 : memref<64xf32, #tpu.memory_space<hbm>>) target(%dma_start3A_700 : memref<64xf32, #tpu.memory_space<vmem>>) target_semaphore(%arg13 : memref<!tpu.dma_semaphore, #tpu.memory_space<semaphore_mem>>)
      %mul3A_704 = arith.constant 16 : i32
      %mul3A_705 = arith.muli %scan3A_184, %mul3A_704 : i32
      %add3A_706 = arith.constant 15 : i32
      %add3A_707 = arith.addi %mul3A_705, %add3A_706 : i32
      %slice3A_708 = vector.extract_strided_slice %get3A_190 {offsets = [15], sizes = [1], strides = [1]} : vector<16xi32> to vector<1xi32>
      %squeeze3A_709 = vector.extract %slice3A_708[0] : i32 from vector<1xi32>
      %dma_start3A_710 = arith.constant 1 : i32
      %dma_start3A_711 = arith.constant 0 : i32
      %dma_start3A_712 = tpu.memref_slice %arg9[%dma_start3A_710, %add3A_707, %dma_start3A_711] : memref<2x128x64xf32, #tpu.memory_space<vmem>> -> memref<1x1x64xf32, #tpu.memory_space<vmem>>
      %dma_start3A_713 = tpu.memref_squeeze %dma_start3A_712 : memref<1x1x64xf32, #tpu.memory_space<vmem>> -> memref<64xf32, #tpu.memory_space<vmem>>
      %dma_start3A_714 = arith.constant 0 : i32
      %dma_start3A_715 = tpu.memref_slice %arg4[%squeeze3A_709, %dma_start3A_714] : memref<1000000x64xf32, #tpu.memory_space<hbm>> -> memref<1x64xf32, #tpu.memory_space<hbm>>
      %dma_start3A_716 = tpu.memref_squeeze %dma_start3A_715 : memref<1x64xf32, #tpu.memory_space<hbm>> -> memref<64xf32, #tpu.memory_space<hbm>>
      %dma_start3A_717 = arith.constant 0 : i32
      %dma_start3A_718 = tpu.memref_slice %arg9[%dma_start3A_710, %add3A_707, %dma_start3A_717] : memref<2x128x64xf32, #tpu.memory_space<vmem>> -> memref<1x1x64xf32, #tpu.memory_space<vmem>>
      %dma_start3A_719 = tpu.memref_squeeze %dma_start3A_718 : memref<1x1x64xf32, #tpu.memory_space<vmem>> -> memref<64xf32, #tpu.memory_space<vmem>>
      %dma_start3A_720 = arith.constant 0 : i32
      %dma_start3A_721 = tpu.memref_slice %arg4[%squeeze3A_709, %dma_start3A_720] : memref<1000000x64xf32, #tpu.memory_space<hbm>> -> memref<1x64xf32, #tpu.memory_space<hbm>>
      %dma_start3A_722 = tpu.memref_squeeze %dma_start3A_721 : memref<1x64xf32, #tpu.memory_space<hbm>> -> memref<64xf32, #tpu.memory_space<hbm>>
      tpu.enqueue_dma source(%dma_start3A_722 : memref<64xf32, #tpu.memory_space<hbm>>) target(%dma_start3A_719 : memref<64xf32, #tpu.memory_space<vmem>>) target_semaphore(%arg13 : memref<!tpu.dma_semaphore, #tpu.memory_space<semaphore_mem>>)
      %slice3A_723 = vector.extract_strided_slice %get3A_196 {offsets = [15], sizes = [1], strides = [1]} : vector<16xi32> to vector<1xi32>
      %squeeze3A_724 = vector.extract %slice3A_723[0] : i32 from vector<1xi32>
      %dma_start3A_725 = arith.constant 1 : i32
      %dma_start3A_726 = arith.constant 0 : i32
      %dma_start3A_727 = tpu.memref_slice %arg10[%dma_start3A_725, %add3A_707, %dma_start3A_726] : memref<2x128x64xf32, #tpu.memory_space<vmem>> -> memref<1x1x64xf32, #tpu.memory_space<vmem>>
      %dma_start3A_728 = tpu.memref_squeeze %dma_start3A_727 : memref<1x1x64xf32, #tpu.memory_space<vmem>> -> memref<64xf32, #tpu.memory_space<vmem>>
      %dma_start3A_729 = arith.constant 0 : i32
      %dma_start3A_730 = tpu.memref_slice %arg4[%squeeze3A_724, %dma_start3A_729] : memref<1000000x64xf32, #tpu.memory_space<hbm>> -> memref<1x64xf32, #tpu.memory_space<hbm>>
      %dma_start3A_731 = tpu.memref_squeeze %dma_start3A_730 : memref<1x64xf32, #tpu.memory_space<hbm>> -> memref<64xf32, #tpu.memory_space<hbm>>
      %dma_start3A_732 = arith.constant 0 : i32
      %dma_start3A_733 = tpu.memref_slice %arg10[%dma_start3A_725, %add3A_707, %dma_start3A_732] : memref<2x128x64xf32, #tpu.memory_space<vmem>> -> memref<1x1x64xf32, #tpu.memory_space<vmem>>
      %dma_start3A_734 = tpu.memref_squeeze %dma_start3A_733 : memref<1x1x64xf32, #tpu.memory_space<vmem>> -> memref<64xf32, #tpu.memory_space<vmem>>
      %dma_start3A_735 = arith.constant 0 : i32
      %dma_start3A_736 = tpu.memref_slice %arg4[%squeeze3A_724, %dma_start3A_735] : memref<1000000x64xf32, #tpu.memory_space<hbm>> -> memref<1x64xf32, #tpu.memory_space<hbm>>
      %dma_start3A_737 = tpu.memref_squeeze %dma_start3A_736 : memref<1x64xf32, #tpu.memory_space<hbm>> -> memref<64xf32, #tpu.memory_space<hbm>>
      tpu.enqueue_dma source(%dma_start3A_737 : memref<64xf32, #tpu.memory_space<hbm>>) target(%dma_start3A_734 : memref<64xf32, #tpu.memory_space<vmem>>) target_semaphore(%arg13 : memref<!tpu.dma_semaphore, #tpu.memory_space<semaphore_mem>>)
      %scan3A_738 = arith.constant 0 : i32
      scf.yield %scan3A_738 : i32
    }
    %scan3A_105 = arith.constant 8 : i32
    %dma_wait3A_106 = arith.constant 0 : i32
    %dma_wait3A_107 = arith.constant 0 : i32
    %dma_wait3A_108 = arith.constant 0 : i32
    %dma_wait3A_109 = tpu.memref_slice %arg9[%dma_wait3A_106, %dma_wait3A_107, %dma_wait3A_108] : memref<2x128x64xf32, #tpu.memory_space<vmem>> -> memref<1x128x64xf32, #tpu.memory_space<vmem>>
    %dma_wait3A_110 = tpu.memref_squeeze %dma_wait3A_109 : memref<1x128x64xf32, #tpu.memory_space<vmem>> -> memref<128x64xf32, #tpu.memory_space<vmem>>
    %dma_wait3A_111 = arith.constant 0 : i32
    %dma_wait3A_112 = arith.constant 0 : i32
    %dma_wait3A_113 = tpu.memref_slice %arg4[%dma_wait3A_111, %dma_wait3A_112] : memref<1000000x64xf32, #tpu.memory_space<hbm>> -> memref<128x64xf32, #tpu.memory_space<hbm>>
    %dma_wait3A_114 = arith.constant 0 : i32
    %dma_wait3A_115 = arith.constant 0 : i32
    %dma_wait3A_116 = tpu.memref_slice %arg9[%dma_wait3A_106, %dma_wait3A_114, %dma_wait3A_115] : memref<2x128x64xf32, #tpu.memory_space<vmem>> -> memref<1x128x64xf32, #tpu.memory_space<vmem>>
    %dma_wait3A_117 = tpu.memref_squeeze %dma_wait3A_116 : memref<1x128x64xf32, #tpu.memory_space<vmem>> -> memref<128x64xf32, #tpu.memory_space<vmem>>
    %dma_wait3A_118 = arith.constant 0 : i32
    %dma_wait3A_119 = arith.constant 0 : i32
    %dma_wait3A_120 = tpu.memref_slice %arg4[%dma_wait3A_118, %dma_wait3A_119] : memref<1000000x64xf32, #tpu.memory_space<hbm>> -> memref<128x64xf32, #tpu.memory_space<hbm>>
    tpu.wait_dma2 semaphore(%arg13 : memref<!tpu.dma_semaphore, #tpu.memory_space<semaphore_mem>>) src(%dma_wait3A_120 : memref<128x64xf32, #tpu.memory_space<hbm>>) dst(%dma_wait3A_117 : memref<128x64xf32, #tpu.memory_space<vmem>>)
    %dma_wait3A_121 = arith.constant 0 : i32
    %dma_wait3A_122 = arith.constant 0 : i32
    %dma_wait3A_123 = arith.constant 0 : i32
    %dma_wait3A_124 = tpu.memref_slice %arg10[%dma_wait3A_121, %dma_wait3A_122, %dma_wait3A_123] : memref<2x128x64xf32, #tpu.memory_space<vmem>> -> memref<1x128x64xf32, #tpu.memory_space<vmem>>
    %dma_wait3A_125 = tpu.memref_squeeze %dma_wait3A_124 : memref<1x128x64xf32, #tpu.memory_space<vmem>> -> memref<128x64xf32, #tpu.memory_space<vmem>>
    %dma_wait3A_126 = arith.constant 0 : i32
    %dma_wait3A_127 = arith.constant 0 : i32
    %dma_wait3A_128 = tpu.memref_slice %arg4[%dma_wait3A_126, %dma_wait3A_127] : memref<1000000x64xf32, #tpu.memory_space<hbm>> -> memref<128x64xf32, #tpu.memory_space<hbm>>
    %dma_wait3A_129 = arith.constant 0 : i32
    %dma_wait3A_130 = arith.constant 0 : i32
    %dma_wait3A_131 = tpu.memref_slice %arg10[%dma_wait3A_121, %dma_wait3A_129, %dma_wait3A_130] : memref<2x128x64xf32, #tpu.memory_space<vmem>> -> memref<1x128x64xf32, #tpu.memory_space<vmem>>
    %dma_wait3A_132 = tpu.memref_squeeze %dma_wait3A_131 : memref<1x128x64xf32, #tpu.memory_space<vmem>> -> memref<128x64xf32, #tpu.memory_space<vmem>>
    %dma_wait3A_133 = arith.constant 0 : i32
    %dma_wait3A_134 = arith.constant 0 : i32
    %dma_wait3A_135 = tpu.memref_slice %arg4[%dma_wait3A_133, %dma_wait3A_134] : memref<1000000x64xf32, #tpu.memory_space<hbm>> -> memref<128x64xf32, #tpu.memory_space<hbm>>
    tpu.wait_dma2 semaphore(%arg13 : memref<!tpu.dma_semaphore, #tpu.memory_space<semaphore_mem>>) src(%dma_wait3A_135 : memref<128x64xf32, #tpu.memory_space<hbm>>) dst(%dma_wait3A_132 : memref<128x64xf32, #tpu.memory_space<vmem>>)
    %broadcast_in_dim3A_136 = arith.constant 0 : i32
    %broadcast_in_dim3A_137 = vector.broadcast %broadcast_in_dim3A_136 : i32 to vector<16xi32>
    %scan3A_138 = arith.constant 0 : i32
    %scan3A_139 = arith.constant 0 : i32
    %scan3A_140 = arith.constant 8 : i32
    %scan3A_141 = arith.addi %scan3A_139, %scan3A_140 : i32
    %scan3A_142 = arith.constant 1 : i32
    %scan3A_143 = scf.for %scan3A_184 = %scan3A_139 to %scan3A_141 step %scan3A_142 iter_args(%scan3A_185 = %scan3A_138) -> (i32)  : i32 {
      %mul3A_186 = arith.constant 16 : i32
      %mul3A_187 = arith.muli %scan3A_184, %mul3A_186 : i32
      %add3A_188 = arith.constant 256 : i32
      %add3A_189 = arith.addi %add3A_188, %mul3A_187 : i32
      %mul3A_190 = arith.constant 16 : i32
      %mul3A_191 = arith.muli %scan3A_184, %mul3A_190 : i32
      %add3A_192 = vector.broadcast %mul3A_191 : i32 to vector<16xi32>
      %add3A_193 = arith.addi %iota3A, %add3A_192 : vector<16xi32>
      %broadcast_in_dim3A_194 = arith.constant 0.000000e+00 : f32
      %broadcast_in_dim3A_195 = vector.broadcast %broadcast_in_dim3A_194 : f32 to vector<16xf32>
      %scan3A_196 = arith.constant 0 : i32
      %scan3A_197 = arith.constant 64 : i32
      %scan3A_198 = arith.addi %scan3A_196, %scan3A_197 : i32
      %scan3A_199 = arith.constant 1 : i32
      %scan3A_200 = scf.for %scan3A_230 = %scan3A_196 to %scan3A_198 step %scan3A_199 iter_args(%scan3A_231 = %broadcast_in_dim3A_195) -> (vector<16xf32>)  : i32 {
        %broadcast_in_dim3A_232 = vector.broadcast %scan3A_230 : i32 to vector<16xi32>
        %gather3A = tpu.vector_load_idx %arg9[%broadcast_in_dim3A_137, %add3A_193, %broadcast_in_dim3A_232] : memref<2x128x64xf32, #tpu.memory_space<vmem>>[vector<16xi32>, vector<16xi32>, vector<16xi32>], vector<16xf32>,
        %gather3A_233 = tpu.vector_load_idx %arg10[%broadcast_in_dim3A_137, %add3A_193, %broadcast_in_dim3A_232] : memref<2x128x64xf32, #tpu.memory_space<vmem>>[vector<16xi32>, vector<16xi32>, vector<16xi32>], vector<16xf32>,
        %gather3A_234 = tpu.vector_load_idx %arg11[%broadcast_in_dim3A_232] : memref<64xf32, #tpu.memory_space<vmem>>[vector<16xi32>], vector<16xf32>,
        %sub3A = arith.subf %gather3A, %gather3A_233 : vector<16xf32>
        %add3A_235 = arith.addf %sub3A, %gather3A_234 : vector<16xf32>
        %mul3A_236 = arith.mulf %add3A_235, %add3A_235 : vector<16xf32>
        %add3A_237 = arith.addf %scan3A_231, %mul3A_236 : vector<16xf32>
        scf.yield %add3A_237 : vector<16xf32>
      }
      %scan3A_201 = arith.constant 64 : i32
      %bitcast3A = vector.bitcast %scan3A_200 : vector<16xf32> to vector<16xi32>
      %shift_right_arithmetic3A = arith.constant 1 : i32
      %shift_right_arithmetic3A_202 = vector.broadcast %shift_right_arithmetic3A : i32 to vector<16xi32>
      %shift_right_arithmetic3A_203 = arith.shrsi %bitcast3A, %shift_right_arithmetic3A_202 : vector<16xi32>
      %add3A_204 = arith.constant 532487669 : i32
      %add3A_205 = vector.broadcast %add3A_204 : i32 to vector<16xi32>
      %add3A_206 = arith.addi %shift_right_arithmetic3A_203, %add3A_205 : vector<16xi32>
      %bitcast3A_207 = vector.bitcast %add3A_206 : vector<16xi32> to vector<16xf32>
      %div3A = arith.divf %scan3A_200, %bitcast3A_207 : vector<16xf32>
      %add3A_208 = arith.addf %bitcast3A_207, %div3A : vector<16xf32>
      %mul3A_209 = arith.constant 5.000000e-01 : f32
      %mul3A_210 = vector.broadcast %mul3A_209 : f32 to vector<16xf32>
      %mul3A_211 = arith.mulf %mul3A_210, %add3A_208 : vector<16xf32>
      %div3A_212 = arith.divf %scan3A_200, %mul3A_211 : vector<16xf32>
      %add3A_213 = arith.addf %mul3A_211, %div3A_212 : vector<16xf32>
      %mul3A_214 = arith.constant 5.000000e-01 : f32
      %mul3A_215 = vector.broadcast %mul3A_214 : f32 to vector<16xf32>
      %mul3A_216 = arith.mulf %mul3A_215, %add3A_213 : vector<16xf32>
      %div3A_217 = arith.divf %scan3A_200, %mul3A_216 : vector<16xf32>
      %add3A_218 = arith.addf %mul3A_216, %div3A_217 : vector<16xf32>
      %mul3A_219 = arith.constant 5.000000e-01 : f32
      %mul3A_220 = vector.broadcast %mul3A_219 : f32 to vector<16xf32>
      %mul3A_221 = arith.mulf %mul3A_220, %add3A_218 : vector<16xf32>
      %exp3A = math.exp %mul3A_221 : vector<16xf32>
      %add3A_222 = arith.constant 1.000000e+00 : f32
      %add3A_223 = vector.broadcast %add3A_222 : f32 to vector<16xf32>
      %add3A_224 = arith.addf %add3A_223, %exp3A : vector<16xf32>
      %div3A_225 = arith.constant 1.000000e+00 : f32
      %div3A_226 = vector.broadcast %div3A_225 : f32 to vector<16xf32>
      %div3A_227 = arith.divf %div3A_226, %add3A_224 : vector<16xf32>
      %swap3A = arith.index_cast %add3A_189 : i32 to index
      %swap3A_228 = tpu.vector_load %arg12[%swap3A] {strides = array<i32>} : memref<512xf32, #tpu.memory_space<vmem>>, vector<16xf32>,
      tpu.vector_store %arg12[%swap3A], %div3A_227 {strides = array<i32>} : memref<512xf32, #tpu.memory_space<vmem>>, vector<16xf32>,
      %scan3A_229 = arith.constant 0 : i32
      scf.yield %scan3A_229 : i32
    }
    %scan3A_144 = arith.constant 8 : i32
    %dma_wait3A_145 = arith.constant 1 : i32
    %dma_wait3A_146 = arith.constant 0 : i32
    %dma_wait3A_147 = arith.constant 0 : i32
    %dma_wait3A_148 = tpu.memref_slice %arg9[%dma_wait3A_145, %dma_wait3A_146, %dma_wait3A_147] : memref<2x128x64xf32, #tpu.memory_space<vmem>> -> memref<1x128x64xf32, #tpu.memory_space<vmem>>
    %dma_wait3A_149 = tpu.memref_squeeze %dma_wait3A_148 : memref<1x128x64xf32, #tpu.memory_space<vmem>> -> memref<128x64xf32, #tpu.memory_space<vmem>>
    %dma_wait3A_150 = arith.constant 0 : i32
    %dma_wait3A_151 = arith.constant 0 : i32
    %dma_wait3A_152 = tpu.memref_slice %arg4[%dma_wait3A_150, %dma_wait3A_151] : memref<1000000x64xf32, #tpu.memory_space<hbm>> -> memref<128x64xf32, #tpu.memory_space<hbm>>
    %dma_wait3A_153 = arith.constant 0 : i32
    %dma_wait3A_154 = arith.constant 0 : i32
    %dma_wait3A_155 = tpu.memref_slice %arg9[%dma_wait3A_145, %dma_wait3A_153, %dma_wait3A_154] : memref<2x128x64xf32, #tpu.memory_space<vmem>> -> memref<1x128x64xf32, #tpu.memory_space<vmem>>
    %dma_wait3A_156 = tpu.memref_squeeze %dma_wait3A_155 : memref<1x128x64xf32, #tpu.memory_space<vmem>> -> memref<128x64xf32, #tpu.memory_space<vmem>>
    %dma_wait3A_157 = arith.constant 0 : i32
    %dma_wait3A_158 = arith.constant 0 : i32
    %dma_wait3A_159 = tpu.memref_slice %arg4[%dma_wait3A_157, %dma_wait3A_158] : memref<1000000x64xf32, #tpu.memory_space<hbm>> -> memref<128x64xf32, #tpu.memory_space<hbm>>
    tpu.wait_dma2 semaphore(%arg13 : memref<!tpu.dma_semaphore, #tpu.memory_space<semaphore_mem>>) src(%dma_wait3A_159 : memref<128x64xf32, #tpu.memory_space<hbm>>) dst(%dma_wait3A_156 : memref<128x64xf32, #tpu.memory_space<vmem>>)
    %dma_wait3A_160 = arith.constant 1 : i32
    %dma_wait3A_161 = arith.constant 0 : i32
    %dma_wait3A_162 = arith.constant 0 : i32
    %dma_wait3A_163 = tpu.memref_slice %arg10[%dma_wait3A_160, %dma_wait3A_161, %dma_wait3A_162] : memref<2x128x64xf32, #tpu.memory_space<vmem>> -> memref<1x128x64xf32, #tpu.memory_space<vmem>>
    %dma_wait3A_164 = tpu.memref_squeeze %dma_wait3A_163 : memref<1x128x64xf32, #tpu.memory_space<vmem>> -> memref<128x64xf32, #tpu.memory_space<vmem>>
    %dma_wait3A_165 = arith.constant 0 : i32
    %dma_wait3A_166 = arith.constant 0 : i32
    %dma_wait3A_167 = tpu.memref_slice %arg4[%dma_wait3A_165, %dma_wait3A_166] : memref<1000000x64xf32, #tpu.memory_space<hbm>> -> memref<128x64xf32, #tpu.memory_space<hbm>>
    %dma_wait3A_168 = arith.constant 0 : i32
    %dma_wait3A_169 = arith.constant 0 : i32
    %dma_wait3A_170 = tpu.memref_slice %arg10[%dma_wait3A_160, %dma_wait3A_168, %dma_wait3A_169] : memref<2x128x64xf32, #tpu.memory_space<vmem>> -> memref<1x128x64xf32, #tpu.memory_space<vmem>>
    %dma_wait3A_171 = tpu.memref_squeeze %dma_wait3A_170 : memref<1x128x64xf32, #tpu.memory_space<vmem>> -> memref<128x64xf32, #tpu.memory_space<vmem>>
    %dma_wait3A_172 = arith.constant 0 : i32
    %dma_wait3A_173 = arith.constant 0 : i32
    %dma_wait3A_174 = tpu.memref_slice %arg4[%dma_wait3A_172, %dma_wait3A_173] : memref<1000000x64xf32, #tpu.memory_space<hbm>> -> memref<128x64xf32, #tpu.memory_space<hbm>>
    tpu.wait_dma2 semaphore(%arg13 : memref<!tpu.dma_semaphore, #tpu.memory_space<semaphore_mem>>) src(%dma_wait3A_174 : memref<128x64xf32, #tpu.memory_space<hbm>>) dst(%dma_wait3A_171 : memref<128x64xf32, #tpu.memory_space<vmem>>)
    %broadcast_in_dim3A_175 = arith.constant 1 : i32
    %broadcast_in_dim3A_176 = vector.broadcast %broadcast_in_dim3A_175 : i32 to vector<16xi32>
    %scan3A_177 = arith.constant 0 : i32
    %scan3A_178 = arith.constant 0 : i32
    %scan3A_179 = arith.constant 8 : i32
    %scan3A_180 = arith.addi %scan3A_178, %scan3A_179 : i32
    %scan3A_181 = arith.constant 1 : i32
    %scan3A_182 = scf.for %scan3A_184 = %scan3A_178 to %scan3A_180 step %scan3A_181 iter_args(%scan3A_185 = %scan3A_177) -> (i32)  : i32 {
      %mul3A_186 = arith.constant 16 : i32
      %mul3A_187 = arith.muli %scan3A_184, %mul3A_186 : i32
      %add3A_188 = arith.constant 384 : i32
      %add3A_189 = arith.addi %add3A_188, %mul3A_187 : i32
      %mul3A_190 = arith.constant 16 : i32
      %mul3A_191 = arith.muli %scan3A_184, %mul3A_190 : i32
      %add3A_192 = vector.broadcast %mul3A_191 : i32 to vector<16xi32>
      %add3A_193 = arith.addi %iota3A, %add3A_192 : vector<16xi32>
      %broadcast_in_dim3A_194 = arith.constant 0.000000e+00 : f32
      %broadcast_in_dim3A_195 = vector.broadcast %broadcast_in_dim3A_194 : f32 to vector<16xf32>
      %scan3A_196 = arith.constant 0 : i32
      %scan3A_197 = arith.constant 64 : i32
      %scan3A_198 = arith.addi %scan3A_196, %scan3A_197 : i32
      %scan3A_199 = arith.constant 1 : i32
      %scan3A_200 = scf.for %scan3A_230 = %scan3A_196 to %scan3A_198 step %scan3A_199 iter_args(%scan3A_231 = %broadcast_in_dim3A_195) -> (vector<16xf32>)  : i32 {
        %broadcast_in_dim3A_232 = vector.broadcast %scan3A_230 : i32 to vector<16xi32>
        %gather3A = tpu.vector_load_idx %arg9[%broadcast_in_dim3A_176, %add3A_193, %broadcast_in_dim3A_232] : memref<2x128x64xf32, #tpu.memory_space<vmem>>[vector<16xi32>, vector<16xi32>, vector<16xi32>], vector<16xf32>,
        %gather3A_233 = tpu.vector_load_idx %arg10[%broadcast_in_dim3A_176, %add3A_193, %broadcast_in_dim3A_232] : memref<2x128x64xf32, #tpu.memory_space<vmem>>[vector<16xi32>, vector<16xi32>, vector<16xi32>], vector<16xf32>,
        %gather3A_234 = tpu.vector_load_idx %arg11[%broadcast_in_dim3A_232] : memref<64xf32, #tpu.memory_space<vmem>>[vector<16xi32>], vector<16xf32>,
        %sub3A = arith.subf %gather3A, %gather3A_233 : vector<16xf32>
        %add3A_235 = arith.addf %sub3A, %gather3A_234 : vector<16xf32>
        %mul3A_236 = arith.mulf %add3A_235, %add3A_235 : vector<16xf32>
        %add3A_237 = arith.addf %scan3A_231, %mul3A_236 : vector<16xf32>
        scf.yield %add3A_237 : vector<16xf32>
      }
      %scan3A_201 = arith.constant 64 : i32
      %bitcast3A = vector.bitcast %scan3A_200 : vector<16xf32> to vector<16xi32>
      %shift_right_arithmetic3A = arith.constant 1 : i32
      %shift_right_arithmetic3A_202 = vector.broadcast %shift_right_arithmetic3A : i32 to vector<16xi32>
      %shift_right_arithmetic3A_203 = arith.shrsi %bitcast3A, %shift_right_arithmetic3A_202 : vector<16xi32>
      %add3A_204 = arith.constant 532487669 : i32
      %add3A_205 = vector.broadcast %add3A_204 : i32 to vector<16xi32>
      %add3A_206 = arith.addi %shift_right_arithmetic3A_203, %add3A_205 : vector<16xi32>
      %bitcast3A_207 = vector.bitcast %add3A_206 : vector<16xi32> to vector<16xf32>
      %div3A = arith.divf %scan3A_200, %bitcast3A_207 : vector<16xf32>
      %add3A_208 = arith.addf %bitcast3A_207, %div3A : vector<16xf32>
      %mul3A_209 = arith.constant 5.000000e-01 : f32
      %mul3A_210 = vector.broadcast %mul3A_209 : f32 to vector<16xf32>
      %mul3A_211 = arith.mulf %mul3A_210, %add3A_208 : vector<16xf32>
      %div3A_212 = arith.divf %scan3A_200, %mul3A_211 : vector<16xf32>
      %add3A_213 = arith.addf %mul3A_211, %div3A_212 : vector<16xf32>
      %mul3A_214 = arith.constant 5.000000e-01 : f32
      %mul3A_215 = vector.broadcast %mul3A_214 : f32 to vector<16xf32>
      %mul3A_216 = arith.mulf %mul3A_215, %add3A_213 : vector<16xf32>
      %div3A_217 = arith.divf %scan3A_200, %mul3A_216 : vector<16xf32>
      %add3A_218 = arith.addf %mul3A_216, %div3A_217 : vector<16xf32>
      %mul3A_219 = arith.constant 5.000000e-01 : f32
      %mul3A_220 = vector.broadcast %mul3A_219 : f32 to vector<16xf32>
      %mul3A_221 = arith.mulf %mul3A_220, %add3A_218 : vector<16xf32>
      %exp3A = math.exp %mul3A_221 : vector<16xf32>
      %add3A_222 = arith.constant 1.000000e+00 : f32
      %add3A_223 = vector.broadcast %add3A_222 : f32 to vector<16xf32>
      %add3A_224 = arith.addf %add3A_223, %exp3A : vector<16xf32>
      %div3A_225 = arith.constant 1.000000e+00 : f32
      %div3A_226 = vector.broadcast %div3A_225 : f32 to vector<16xf32>
      %div3A_227 = arith.divf %div3A_226, %add3A_224 : vector<16xf32>
      %swap3A = arith.index_cast %add3A_189 : i32 to index
      %swap3A_228 = tpu.vector_load %arg12[%swap3A] {strides = array<i32>} : memref<512xf32, #tpu.memory_space<vmem>>, vector<16xf32>,
      tpu.vector_store %arg12[%swap3A], %div3A_227 {strides = array<i32>} : memref<512xf32, #tpu.memory_space<vmem>>, vector<16xf32>,
      %scan3A_229 = arith.constant 0 : i32
      scf.yield %scan3A_229 : i32
    }
    %scan3A_183 = arith.constant 8 : i32
    "tpu.region"() ({
      %run_scoped3A = tpu.sem_alloc : memref<!tpu.dma_semaphore, #tpu.memory_space<semaphore_mem>>
      %dma_start3A = tpu.memref_slice %arg6[%mul3A_2] : memref<16384xf32, #tpu.memory_space<hbm>> -> memref<512xf32, #tpu.memory_space<hbm>>
      %dma_start3A_184 = tpu.memref_slice %arg6[%mul3A_2] : memref<16384xf32, #tpu.memory_space<hbm>> -> memref<512xf32, #tpu.memory_space<hbm>>
      tpu.enqueue_dma source(%arg12 : memref<512xf32, #tpu.memory_space<vmem>>) target(%dma_start3A_184 : memref<512xf32, #tpu.memory_space<hbm>>) target_semaphore(%run_scoped3A : memref<!tpu.dma_semaphore, #tpu.memory_space<semaphore_mem>>)
      %dma_wait3A_185 = tpu.memref_slice %arg6[%mul3A_2] : memref<16384xf32, #tpu.memory_space<hbm>> -> memref<512xf32, #tpu.memory_space<hbm>>
      %dma_wait3A_186 = tpu.memref_slice %arg6[%mul3A_2] : memref<16384xf32, #tpu.memory_space<hbm>> -> memref<512xf32, #tpu.memory_space<hbm>>
      tpu.wait_dma2 semaphore(%run_scoped3A : memref<!tpu.dma_semaphore, #tpu.memory_space<semaphore_mem>>) src(%arg12 : memref<512xf32, #tpu.memory_space<vmem>>) dst(%dma_wait3A_186 : memref<512xf32, #tpu.memory_space<hbm>>)
      tpu.yield
    }) : () -> ()
    return
  }
}

</mosaic_0001>

<sc_bundles>
// kernel: kernel.3.cloned.1.call-start
scs
__scs_entry_jumppad:
0x0: {  	(pc) =	sbr.rel $0x88, $3  }
0x1: {  	(tag) =	ssettag $0x0;
	lr =	simm.s32 $0x1  }
0x2: {  	[smem:$0x3F9E] =	sst lr;
	_ =	strace $0xD0000000  }
0x3: {  	_ = 	snop  }
0x4: {  	_ = 	snop  }
0x5: {  	_ = 	snop  }
0x6: {  	_ = 	snop  }
0x7: {  	_ = 	snop  }
__scs_overlays_trampoline_lowered:
0x8: {  	[smem:$0x3FAD] =	sst s0  }
0x9: {  	[smem:$0x3FAE] =	sst s1  }
0xa: {  	[smem:$0x3FAF] =	sst s2  }
0xb: {  	[smem:$0x3FB0] =	sst s3  }
0xc: {  	[smem:$0x3FB1] =	sst s4  }
0xd: {  	[smem:$0x3FB2] =	sst s5  }
0xe: {  	[smem:$0x3FB3] =	sst s6  }
0xf: {  	[smem:$0x3FB4] =	sst s7  }
0x10: {  	[smem:$0x3FB5] =	sst s8  }
0x11: {  	[smem:$0x3FB6] =	sst s9;
	s0 =	simm.s32 @!p0 $0x0  }
0x12: {  	s1 =	sld [smem:$0x3F9C];
	s0 =	simm.s32 @p0 $0x1  }
0x13: {  	[smem:$0x3FB7] =	sst s0;
	s0 =	simm.s32 @!p1 $0x0  }
0x14: {  	s2 =	sld [smem:$0x3F9B];
	s0 =	simm.s32 @p1 $0x1  }
0x15: {  	[smem:$0x3FB8] =	sst s0;
	s0 =	simm.s32 @!p2 $0x0  }
0x16: {  	s3 =	sld [smem:$0x3FDB];
	s0 =	simm.s32 @p2 $0x1  }
0x17: {  	s4 =	simm.s32 $0x1BF5;
	[smem:$0x3FBA] =	sst s0  }
0x18: {  	s0 =	sld [smem:$0x3F9D];
	_ =	swait.ge [sflag:s4], $0x0  }
0x19: {  	s7 =	sld [smem:$0x3F9E]  }
0x1a: {  	s8 =	sadd.s32 $0xFFFFE003, lr  }
0x1b: {  	s9 =	sadd.s32 $0xFFFFFEF7, lr;
	s5 =	simm.s32 $0xFFFFFFFF;
	p2 =	slt.u32 s8, $0xFFFFF086  }
0x1c: {  	p1 =	slt.u32 s9, $0xF7A;
	s5 =	simm.s32 @!p2 $0x0  }
0x1d: {  	s5 =	simm.s32 @p1 $0x1;
	p0 =	seq.s32 s7, s2  }
0x1e: {  	s7 =	smul.u32 @!p0 $0xF7A, s2;
	p2 =	seq.s32 @!p0 s5, $0x0  }
0x1f: {  	s9 =	smul.u32 $0xF7A, s1;
	s8 =	simm.s32 @!p0 $0x1BF5;
	p2 =	por !p2, p0  }
0x20: {  	[sflag:s8] =	ssyncset.s32 @!p0 $0xFFFFF086;
	s6 =	sadd.s32 @!p0 s3, s7;
	s7 =	simm.s32 @!p0 $0x108  }
0x21: {  	s3 =	sadd.s32 s3, s9;
	s6 =	sadd.s32 @!p0 $0x88, s6;
	s7 =	simm.s32 @p2 $0x1082  }
0x22: {  	[simem:s7], [sflag:s8] =	dma.local @!p0 [hbm:s6], $0xF7A  }
0x23: {  	s9 =	sor.u32 $0xD0000000, s2;
	s6 =	simm.s32 $0x108;
	_ =	swait.ge @!p0 [sflag:s8], $0x0  }
0x24: {  	s3 =	sadd.s32 $0x88, s3;
	s6 =	simm.s32 @!p1 $0x1082;
	[sflag:s4] =	ssyncset.s32 $0xFFFFF086  }
0x25: {  	[simem:s6], [sflag:s4] =	dma.local [hbm:s3], $0xF7A  }
0x26: {  	[smem:$0x3F9E] =	sst s1;
	(tag) =	ssettag s2;
	_ =	strace s9  }
0x27: {  	s1 =	sld [smem:$0x3FAE]  }
0x28: {  	s2 =	sld [smem:$0x3FAF]  }
0x29: {  	s4 =	sld [smem:$0x3FB1]  }
0x2a: {  	p0 =	seq.s32 s5, $0x0;
	s5 =	sld [smem:$0x3FB2]  }
0x2b: {  	s6 =	sld [smem:$0x3FB3]  }
0x2c: {  	s7 =	sld [smem:$0x3FB4]  }
0x2d: {  	s3 =	simm.s32 $0x108;
	s8 =	sld [smem:$0x3FB5]  }
0x2e: {  	s3 =	simm.s32 @!p0 $0x1082;
	s9 =	sld [smem:$0x3FB6]  }
0x2f: {  	lr =	sadd.s32 s0, s3;
	s0 =	sld [smem:$0x3FAD]  }
0x30: {  	s3 =	sld [smem:$0x3FB0]  }
0x31: {  	[smem:$0x3FB9] =	sst s10  }
0x32: {  	s10 =	sld [smem:$0x3FB7];
	_ =	sdelay $0x3  }
0x33: {  	p0 =	seq.s32 s10, $0x1;
	s10 =	sld [smem:$0x3FB9];
	_ =	sdelay $0x3  }
0x34: {  	[smem:$0x3FB9] =	sst s10  }
0x35: {  	s10 =	sld [smem:$0x3FB8];
	_ =	sdelay $0x3  }
0x36: {  	p1 =	seq.s32 s10, $0x1;
	s10 =	sld [smem:$0x3FB9];
	_ =	sdelay $0x3  }
0x37: {  	[smem:$0x3FB9] =	sst s10  }
0x38: {  	s10 =	sld [smem:$0x3FBA]  }
0x39: {  	_ = 	snop;
	(pc) =	sbr.ind lr, $3  }
0x3a: {  	_ = 	snop  }
0x3b: {  	_ = 	snop  }
0x3c: {  	p2 =	seq.s32 s10, $0x1;
	s10 =	sld [smem:$0x3FB9]  }
0x3d: {  	_ =	shalt  }
0x3e: {  	_ =	shalt  }
0x3f: {  	_ =	shalt  }
0x40: {  	_ =	shalt  }
0x41: {  	_ =	shalt  }
0x42: {  	_ =	shalt  }
0x43: {  	_ =	shalt  }
0x44: {  	_ =	shalt  }
0x45: {  	_ =	shalt  }
0x46: {  	_ =	shalt  }
0x47: {  	_ =	shalt  }
0x48: {  	_ =	shalt  }
0x49: {  	_ =	shalt  }
0x4a: {  	_ =	shalt  }
0x4b: {  	_ =	shalt  }
0x4c: {  	_ =	shalt  }
0x4d: {  	_ =	shalt  }
0x4e: {  	_ =	shalt  }
0x4f: {  	_ =	shalt  }
0x50: {  	_ =	shalt  }
0x51: {  	_ =	shalt  }
0x52: {  	_ =	shalt  }
0x53: {  	_ =	shalt  }
0x54: {  	_ =	shalt  }
0x55: {  	_ =	shalt  }
0x56: {  	_ =	shalt  }
0x57: {  	_ =	shalt  }
0x58: {  	_ =	shalt  }
0x59: {  	_ =	shalt  }
0x5a: {  	_ =	shalt  }
0x5b: {  	_ =	shalt  }
0x5c: {  	_ =	shalt  }
0x5d: {  	_ =	shalt  }
0x5e: {  	_ =	shalt  }
0x5f: {  	_ =	shalt  }
0x60: {  	_ =	shalt  }
0x61: {  	_ =	shalt  }
0x62: {  	_ =	shalt  }
0x63: {  	_ =	shalt  }
0x64: {  	_ =	shalt  }
0x65: {  	_ =	shalt  }
0x66: {  	_ =	shalt  }
0x67: {  	_ =	shalt  }
0x68: {  	_ =	shalt  }
0x69: {  	_ =	shalt  }
0x6a: {  	_ =	shalt  }
0x6b: {  	_ =	shalt  }
0x6c: {  	_ =	shalt  }
0x6d: {  	_ =	shalt  }
0x6e: {  	_ =	shalt  }
0x6f: {  	_ =	shalt  }
0x70: {  	_ =	shalt  }
0x71: {  	_ =	shalt  }
0x72: {  	_ =	shalt  }
0x73: {  	_ =	shalt  }
0x74: {  	_ =	shalt  }
0x75: {  	_ =	shalt  }
0x76: {  	_ =	shalt  }
0x77: {  	_ =	shalt  }
0x78: {  	_ =	shalt  }
0x79: {  	_ =	shalt  }
0x7a: {  	_ =	shalt  }
0x7b: {  	_ =	shalt  }
0x7c: {  	_ =	shalt  }
0x7d: {  	_ =	shalt  }
0x7e: {  	_ =	shalt  }
0x7f: {  	_ =	shalt  }
0x80: {  	_ =	shalt  }
0x81: {  	_ =	shalt  }
0x82: {  	_ =	shalt  }
0x83: {  	_ =	shalt  }
0x84: {  	_ =	shalt  }
0x85: {  	_ =	shalt  }
0x86: {  	_ =	shalt  }
0x87: {  	_ =	shalt  }
.Lfunc_end0:
.L_simem_size_0:
called_computation_lowered:
.L_overlay_start_0:
0x88: {  	s2 =	sld [smem:$0x3FD9]  }
0x89: {  	s3 =	sld [smem:$0x3FFE];
	_ =	sdelay $0x1  }
0x8a: {  	s1 =	srdreg.scid  }
0x8b: {  	s0 =	sand.u32 $0x1, s1  }
0x8c: {  	s17 =	sshll.u32 s0, $0xA;
	s2 =	sadd.s32 s3, s2  }
0x8d: {  	s2 =	sadd.s32 s2, s17  }
0x8e: {  	[smem:$0x3FC5] =	sst s2  }
0x8f: {  	_ = 	snop  }
0x90: {  	s2 =	sld [smem:$0x3FC7]  }
0x91: {  	s18 =	sld [smem:$0x3FD0];
	(tm) =	ssettm $0x1  }
0x92: {  	s4 =	sld [smem:$0x3FFB];
	_ =	sdelay $0x3  }
0x93: {  	_ =	strace s4  }
0x94: {  	s4 =	sld [smem:$0x3FFC];
	_ =	sdelay $0x3  }
0x95: {  	_ =	strace s4  }
0x96: {  	s4 =	sld [smem:$0x3FFD];
	_ =	sdelay $0x3  }
0x97: {  	_ =	strace s4  }
0x98: {  	_ =	strace $0x8FFFFFFF  }
0x99: {  	s19 =	sld [smem:$0x3FDB];
	_ =	sdelay $0x1  }
0x9a: {  	s5 =	simm.s32 $_scs_section_size  }
0x9b: {  	s6 =	simm.s32 $_size__tile_overlayer_lowered;
	s7 =	simm.s32 $_tile_overlayer_lowered  }
0x9c: {  	s22 =	simm.s32 $0x1BFF;
	s21 =	sshll.u32 s7, $0x1;
	s4 =	sadd.s32 s5, s19  }
0x9d: {  	s8 =	simm.s32 $0x0;
	s20 =	sshll.u32 s6, $0x1;
	s6 =	sadd.s32 s21, s4  }
0x9e: {  	[timem:s8], [sflag:s22] =	dma.local [hbm:s6], s20  }
0x9f: {  	_ =	swait.ge [sflag:s22], s20  }
0xa0: {  	s5 =	ssub.s32 $0x0, s20;
	[sflag:s22] =	ssyncset.done $0x0  }
0xa1: {  	[sflag:s22] =	ssyncadd.s32 s5;
	_ =	sdelay $0x1  }
0xa2: {  	s23 =	simm.s32 $0x1B8B  }
0xa3: {  	_ =	swait.ge [sflag:s23], $0x1  }
0xa4: {  	[sflag:s23] =	ssyncset.done $0x0  }
0xa5: {  	s25 =	simm.s32 $0x1B8E;
	s24 =	sld [smem:$0x3FFE];
	[sflag:s23] =	ssyncadd.s32 $0xFFFFFFFF  }
0xa6: {  	s26 =	simm.s32 $execute0_lowered;
	[smem:$0x3FD2] =	sst s25  }
0xa7: {  	s6 =	sshll.u32 s26, $0x1;
	_ =	strace $0x80000046;
	[dreg:$0x1] =	wrdreg $0xFFFFFFFF  }
0xa8: {  	s28 =	simm.s32 $_size_execute0_lowered;
	s4 =	sadd.s32 s4, s6;
	[dreg:$0x0] =	wrdreg $0x0  }
0xa9: {  	s6 =	sshll.u32 s28, $0x1;
	[dreg:$0x2] =	wrdreg s4  }
0xaa: {  	[dreg:$0x3] =	wrdreg s6  }
0xab: {  	[dreg:$0x4] =	wrdreg $0xC0  }
0xac: {  	_ =	task [dreg:s8], $0x5FFFF  }
0xad: {  	[dreg:$0x1] =	wrdreg $0xFFFFFFFF  }
0xae: {  	[dreg:$0x0] =	wrdreg $0x60  }
0xaf: {  	[dreg:$0x2] =	wrdreg s24  }
0xb0: {  	[dreg:$0x3] =	wrdreg s2  }
0xb1: {  	[dreg:$0x4] =	wrdreg s18  }
0xb2: {  	[dreg:$0x5] =	wrdreg $0x9  }
0xb3: {  	_ =	task.clear_ibuf [dreg:s8], $0x6FFFF;
	_ =	strace $0x90000046  }
0xb4: {  	s29 =	simm.s32 $0x9;
	_ =	strace $0x80000048  }
0xb5: {  	_ =	swait.ge [sflag:s29], $0x1  }
0xb6: {  	[sflag:s29] =	ssyncadd.s32 $0xFFFFFFFF  }
0xb7: {  	_ =	strace $0x90000048  }
0xb8: {  	_ =	sfence  }
0xb9: {  	s30 =	sld [smem:$0x0];
	_ =	sdelay $0x2  }
0xba: {  	s31 =	sshll.u32 s1, $0xD;
	s1 =	sshrl.u32 s1, $0x2  }
0xbb: {  	s3 =	sand.u32 $0x4000, s31;
	s1 =	sadd.s32 s1, s30  }
0xbc: {  	s0 =	sor.u32 s3, s0;
	s1 =	sshll.u32 s1, $0x11  }
0xbd: {  	s0 =	sor.u32 s1, s0  }
0xbe: {  	s0 =	sadd.s32 $0x8F2B, s0  }
0xbf: {  	[sflag:s0] =	ssyncadd.remote.s32 $0x1  }
0xc0: {  	_ =	sfence.sel $0xFFFF  }
0xc1: {  	[dreg:$0x0] =	wrdreg $0xFFFFFFFF;
	(pc) =	sbr.abs _section_cstart, $3  }
0xc2: {  	[dreg:$0x1] =	wrdreg $0xFFFFFFFF  }
0xc3: {  	_ =	task.clear_ibuf [dreg:s8], $0x2FFFF;
	_ =	strace $0x9FFFFFFF  }
0xc4: {  	(tm) =	ssettm $0x7FFFFFFF  }
0xc5: {  	_ =	shalt  }
tec
execute0_lowered:
.L_overlay_start_1:
0x0: {  	(tag) =	ssettag $0x1  }
0x1: {  	s0 =	rddreg [dreg:$0x0]  }
0x2: {  	s1 =	rddreg [dreg:$0x2]  }
0x3: {  	s2 =	srdreg.scid;
	s3 =	simm.s32 $0x0;
	s4 =	stileid.u32  }
0x4: {  	s10 =	simm.s32 $0x10400;
	s12 =	simm.s32 $0x400;
	s2 =	sand.u32 $0x1, s2  }
0x5: {  	[smem:$0x7FF] =	sst s3;
	s4 =	sshll.u32 s4, $0x7;
	s5 =	sshll.u32 s2, $0x6  }
0x6: {  	_ =	strace $0x80000047;
	s2 =	ssub.s32 $0x2, s2;
	s5 =	sor.u32 s5, s4  }
0x7: {  	s4 =	sadd.s32 $0x1600, s0;
	s6 =	sadd.s32 s5, s0;
	s1 =	sadd.s32 s1, s5  }
0x8: {  	s29 =	sshrl.u32 s2, $0x1;
	s30 =	sadd.s32 $0xE00, s6;
	[smem:$0x7FC] =	sst s1  }
0x9: {  	s0 =	ssub.s32 s2, s29;
	s31 =	sadd.s32 $0x600, s6;
	[smem:$0x7FA] =	sst s30  }
0xa: {  	v0 =	vlaneseq.u32;
	s13 =	simm.s32 $0x8400;
	s0 =	smax.u32 s0, $0x1;
	[smem:$0x7FB] =	sst s31  }
0xb: {  	v0 =	vmul.u32 $0x80, v0;
	s2 =	simm.s32 $0x2;
	s1 =	simm.s32 $0x0;
	[smem:$0x7FD] =	sst s0  }
.LBB2_1:
0xc: {  	s0 =	sld [smem:$0x7FA];
	_ =	sdelay $0x1  }
0xd: {  	[smem:$0x7F9] =	sst s1  }
0xe: {  	[tilespmem:s3], [sflag:$0x2] =	stream.linear.gather [hbm4b:s0+s3], $0x200, $0x38;
	[tilespmem:$0x10680] =	vst v63  }
0xf: {  	_ =	swait.ge [sflag:s2], $0x200  }
0x10: {  	s25 =	sld [smem:$0x7FB]  }
0x11: {  	[sflag:s2] =	ssyncset.done $0x0  }
0x12: {  	s24 =	simm.s32 $0x200;
	[sflag:s2] =	ssyncadd.s32 $0xFFFFFE00  }
0x13: {  	[tilespmem:s24], [sflag:$0x2] =	stream.linear.gather [hbm4b:s25+s3], $0x200, $0x38;
	[tilespmem:$0x10680] =	vst v63  }
0x14: {  	_ =	swait.ge [sflag:s2], $0x200  }
0x15: {  	[sflag:s2] =	ssyncset.done $0x0  }
0x16: {  	[sflag:s2] =	ssyncadd.s32 $0xFFFFFE00  }
0x17: {  	s26 =	rddreg [dreg:$0x1]  }
0x18: {  	[tilespmem:s10], [sflag:$0x2] =	stream.linear.gather [hbm4b:s26+s3], $0x80, $0x38;
	[tilespmem:$0x10680] =	vst v63  }
0x19: {  	_ =	swait.ge [sflag:s2], $0x80  }
0x1a: {  	[sflag:s2] =	ssyncset.done $0x0  }
0x1b: {  	[sflag:s2] =	ssyncadd.s32 $0xFFFFFF80  }
0x1c: {  	v1 =	vld [tilespmem:s3+$0x0]  }
0x1d: {  	v2 =	vld [tilespmem:s24+$0x0];
	_ =	sdelay $0x3  }
0x1e: {  	v1 =	vshll.u32 v1, $0x4  }
0x1f: {  	v2 =	vshll.u32 v2, $0x4;
	(v2sf) =	vpush v1, $0x0  }
0x20: {  	(v2sf) =	vpush v2, $0x0  }
0x21: {  	(v2sf) =	vpush v1, $0x1;
	_ =	sdelay $0x1  }
0x22: {  	(v2sf) =	vpush v2, $0x1;
	_ =	sdelay $0x2  }
0x23: {  	(v2sf) =	vpush v1, $0x2;
	_ =	sdelay $0x1  }
0x24: {  	(v2sf) =	vpush v2, $0x2;
	_ =	sdelay $0x1  }
0x25: {  	s17 =	simm.s32 $0x2000;
	s16 =	simm.s32 $0x0;
	(v2sf) =	vpush v1, $0x3  }
0x26: {  	s28 =	simm.s32 $0x8400;
	s5 =	simm.s32 $0x680;
	s1 =	simm.s32 $0x880  }
0x27: {  	s6 =	simm.s32 $0x400;
	s7 =	simm.s32 $0x600;
	s9 =	simm.s32 $0x580  }
0x28: {  	s11 =	simm.s32 $0x8580;
	s15 =	simm.s32 $0x8A00;
	s18 =	simm.s32 $0x480  }
0x29: {  	s21 =	simm.s32 $0x8480;
	s23 =	simm.s32 $0x500;
	s8 =	spop (v2sf);
	(v2sf) =	vpush v2, $0x3  }
0x2a: {  	s0 =	simm.s32 $0x8900;
	s8 =	sand.u32 $0x1FFFFFF0, s8;
	s14 =	spop (v2sf)  }
0x2b: {  	(v2sf) =	vpush v1, $0x4;
	s8 =	sadd.s32 s4, s8;
	s29 =	sand.u32 $0x1FFFFFF0, s14;
	s30 =	spop (v2sf)  }
0x2c: {  	[tilespmem:s6], [sflag:$0x1] =	stream.linear.gather [hbm4b:s8+s3], $0x80, $0x38;
	[tilespmem:$0x10680] =	vst v63  }
0x2d: {  	s26 =	simm.s32 $0x8500;
	s6 =	sadd.s32 s4, s29;
	s31 =	spop (v2sf)  }
0x2e: {  	(v2sf) =	vpush v2, $0x4;
	s8 =	sand.u32 $0x1FFFFFF0, s30;
	s30 =	simm.s32 $0x8600;
	s20 =	sand.u32 $0x1FFFFFF0, s31  }
0x2f: {  	(v2sf) =	vpush v1, $0x5;
	[tilespmem:s28], [sflag:$0x1] =	stream.linear.gather [hbm4b:s6+s3], $0x80, $0x38;
	[tilespmem:$0x10680] =	vst v63  }
0x30: {  	s19 =	sadd.s32 s4, s8;
	s22 =	spop (v2sf);
	s8 =	sadd.s32 s4, s20  }
0x31: {  	(v2sf) =	vpush v2, $0x5;
	[tilespmem:s18], [sflag:$0x1] =	stream.linear.gather [hbm4b:s19+s3], $0x80, $0x38;
	[tilespmem:$0x10680] =	vst v63  }
0x32: {  	s6 =	sand.u32 $0x1FFFFFF0, s22;
	s24 =	spop (v2sf);
	s20 =	simm.s32 $0x8680  }
0x33: {  	(v2sf) =	vpush v1, $0x6;
	[tilespmem:s21], [sflag:$0x1] =	stream.linear.gather [hbm4b:s8+s3], $0x80, $0x38;
	[tilespmem:$0x10680] =	vst v63  }
0x34: {  	s6 =	sadd.s32 s4, s6;
	s25 =	spop (v2sf);
	s8 =	sand.u32 $0x1FFFFFF0, s24  }
0x35: {  	(v2sf) =	vpush v2, $0x6;
	[tilespmem:s23], [sflag:$0x1] =	stream.linear.gather [hbm4b:s6+s3], $0x80, $0x38;
	[tilespmem:$0x10680] =	vst v63  }
0x36: {  	s22 =	simm.s32 $0x700;
	s29 =	sand.u32 $0x1FFFFFF0, s25;
	s28 =	sadd.s32 s4, s8  }
0x37: {  	[tilespmem:s26], [sflag:$0x1] =	stream.linear.gather [hbm4b:s28+s3], $0x80, $0x38;
	[tilespmem:$0x10680] =	vst v63  }
0x38: {  	s18 =	simm.s32 $0xA80;
	s8 =	sadd.s32 s4, s29;
	s31 =	spop (v2sf)  }
0x39: {  	(v2sf) =	vpush v1, $0x7;
	[tilespmem:s9], [sflag:$0x1] =	stream.linear.gather [hbm4b:s8+s3], $0x80, $0x38;
	[tilespmem:$0x10680] =	vst v63  }
0x3a: {  	s29 =	simm.s32 $0x8700;
	s9 =	sand.u32 $0x1FFFFFF0, s31;
	s14 =	spop (v2sf)  }
0x3b: {  	s6 =	simm.s32 $0x8980;
	(v2sf) =	vpush v2, $0x7;
	s8 =	sadd.s32 s4, s9;
	s9 =	sand.u32 $0x1FFFFFF0, s14  }
0x3c: {  	(v2sf) =	vpush v1, $0x8;
	[tilespmem:s11], [sflag:$0x1] =	stream.linear.gather [hbm4b:s8+s3], $0x80, $0x38;
	[tilespmem:$0x10680] =	vst v63  }
0x3d: {  	s19 =	spop (v2sf);
	s14 =	simm.s32 $0x780;
	s9 =	sadd.s32 s4, s9  }
0x3e: {  	s21 =	sand.u32 $0x1FFFFFF0, s19;
	s23 =	spop (v2sf);
	(v2sf) =	vpush v2, $0x8;
	s19 =	simm.s32 $0x8A80  }
0x3f: {  	[tilespmem:s7], [sflag:$0x1] =	stream.linear.gather [hbm4b:s9+s3], $0x80, $0x38;
	[tilespmem:$0x10680] =	vst v63  }
0x40: {  	s11 =	sadd.s32 s4, s21;
	(v2sf) =	vpush v1, $0x9;
	s24 =	spop (v2sf);
	s9 =	sand.u32 $0x1FFFFFF0, s23  }
0x41: {  	[tilespmem:s30], [sflag:$0x1] =	stream.linear.gather [hbm4b:s11+s3], $0x80, $0x38;
	[tilespmem:$0x10680] =	vst v63  }
0x42: {  	s25 =	spop (v2sf);
	s9 =	sadd.s32 s4, s9;
	s11 =	sand.u32 $0x1FFFFFF0, s24  }
0x43: {  	[tilespmem:s5], [sflag:$0x1] =	stream.linear.gather [hbm4b:s9+s3], $0x80, $0x38;
	[tilespmem:$0x10680] =	vst v63  }
0x44: {  	(v2sf) =	vpush v2, $0x9;
	s28 =	sand.u32 $0x1FFFFFF0, s25;
	s30 =	spop (v2sf);
	s26 =	sadd.s32 s4, s11  }
0x45: {  	[tilespmem:s20], [sflag:$0x1] =	stream.linear.gather [hbm4b:s26+s3], $0x80, $0x38;
	[tilespmem:$0x10680] =	vst v63  }
0x46: {  	s7 =	simm.s32 $0x8880;
	(v2sf) =	vpush v1, $0xA;
	s8 =	sand.u32 $0x1FFFFFF0, s30;
	s9 =	sadd.s32 s4, s28  }
0x47: {  	(v2sf) =	vpush v2, $0xA;
	[tilespmem:s22], [sflag:$0x1] =	stream.linear.gather [hbm4b:s9+s3], $0x80, $0x38;
	[tilespmem:$0x10680] =	vst v63  }
0x48: {  	s24 =	simm.s32 $0x800;
	s8 =	sadd.s32 s4, s8;
	s31 =	spop (v2sf)  }
0x49: {  	[tilespmem:s29], [sflag:$0x1] =	stream.linear.gather [hbm4b:s8+s3], $0x80, $0x38;
	[tilespmem:$0x10680] =	vst v63  }
0x4a: {  	s22 =	simm.s32 $0x8780;
	(v2sf) =	vpush v1, $0xB;
	s9 =	sand.u32 $0x1FFFFFF0, s31;
	s2 =	spop (v2sf)  }
0x4b: {  	s20 =	sadd.s32 s4, s9;
	s21 =	sand.u32 $0x1FFFFFF0, s2;
	s23 =	spop (v2sf)  }
0x4c: {  	(v2sf) =	vpush v2, $0xB;
	[tilespmem:s14], [sflag:$0x1] =	stream.linear.gather [hbm4b:s20+s3], $0x80, $0x38;
	[tilespmem:$0x10680] =	vst v63  }
0x4d: {  	s9 =	sadd.s32 s4, s21;
	s8 =	sand.u32 $0x1FFFFFF0, s23;
	s25 =	spop (v2sf)  }
0x4e: {  	[tilespmem:s22], [sflag:$0x1] =	stream.linear.gather [hbm4b:s9+s3], $0x80, $0x38;
	[tilespmem:$0x10680] =	vst v63  }
0x4f: {  	(v2sf) =	vpush v1, $0xC;
	s8 =	sadd.s32 s4, s8;
	s26 =	spop (v2sf);
	s9 =	sand.u32 $0x1FFFFFF0, s25  }
0x50: {  	[tilespmem:s24], [sflag:$0x1] =	stream.linear.gather [hbm4b:s8+s3], $0x80, $0x38;
	[tilespmem:$0x10680] =	vst v63  }
0x51: {  	s28 =	simm.s32 $0x8800;
	(v2sf) =	vpush v2, $0xC;
	s30 =	sand.u32 $0x1FFFFFF0, s26;
	s29 =	sadd.s32 s4, s9  }
0x52: {  	[tilespmem:s28], [sflag:$0x1] =	stream.linear.gather [hbm4b:s29+s3], $0x80, $0x38;
	[tilespmem:$0x10680] =	vst v63  }
0x53: {  	s31 =	simm.s32 $0x900;
	s2 =	spop (v2sf);
	s9 =	sadd.s32 s4, s30  }
0x54: {  	[tilespmem:s1], [sflag:$0x1] =	stream.linear.gather [hbm4b:s9+s3], $0x80, $0x38;
	[tilespmem:$0x10680] =	vst v63  }
0x55: {  	s25 =	simm.s32 $0xA00;
	s8 =	sand.u32 $0x1FFFFFF0, s2;
	s9 =	spop (v2sf)  }
0x56: {  	s1 =	sadd.s32 s4, s8;
	s8 =	sand.u32 $0x1FFFFFF0, s9;
	s11 =	spop (v2sf)  }
0x57: {  	[tilespmem:s7], [sflag:$0x1] =	stream.linear.gather [hbm4b:s1+s3], $0x80, $0x38;
	[tilespmem:$0x10680] =	vst v63  }
0x58: {  	s26 =	simm.s32 $0x980;
	s14 =	sadd.s32 s4, s8;
	s20 =	sand.u32 $0x1FFFFFF0, s11  }
0x59: {  	s8 =	simm.s32 $0x8B00;
	s22 =	sadd.s32 s4, s20;
	s21 =	spop (v2sf)  }
0x5a: {  	[tilespmem:s31], [sflag:$0x1] =	stream.linear.gather [hbm4b:s14+s3], $0x80, $0x38;
	[tilespmem:$0x10680] =	vst v63  }
0x5b: {  	s23 =	sand.u32 $0x1FFFFFF0, s21;
	s24 =	spop (v2sf);
	s21 =	simm.s32 $0x0  }
0x5c: {  	(v2sf) =	vpush v1, $0xD;
	[tilespmem:s0], [sflag:$0x1] =	stream.linear.gather [hbm4b:s22+s3], $0x80, $0x38;
	[tilespmem:$0x10680] =	vst v63  }
0x5d: {  	(v2sf) =	vpush v2, $0xD;
	s28 =	sadd.s32 s4, s23;
	s29 =	sand.u32 $0x1FFFFFF0, s24;
	s22 =	simm.s32 $0x10  }
0x5e: {  	s23 =	simm.s32 $0x210;
	(v2sf) =	vpush v1, $0xE;
	s30 =	sadd.s32 s4, s29;
	s31 =	spop (v2sf)  }
0x5f: {  	(v2sf) =	vpush v2, $0xE;
	[tilespmem:s26], [sflag:$0x1] =	stream.linear.gather [hbm4b:s28+s3], $0x80, $0x38;
	[tilespmem:$0x10680] =	vst v63  }
0x60: {  	s26 =	simm.s32 $0xB00;
	(v2sf) =	vpush v1, $0xF;
	s0 =	sand.u32 $0x1FFFFFF0, s31;
	s1 =	spop (v2sf)  }
0x61: {  	(v2sf) =	vpush v2, $0xF;
	[tilespmem:s6], [sflag:$0x1] =	stream.linear.gather [hbm4b:s30+s3], $0x80, $0x38;
	[tilespmem:$0x10680] =	vst v63  }
.LBB2_2:
0x62: {  	_ =	sdelay $0x4  }
0x63: {  	s0 =	sadd.s32 s4, s0;
	s1 =	sand.u32 $0x1FFFFFF0, s1  }
0x64: {  	[tilespmem:s25], [sflag:$0x1] =	stream.linear.gather [hbm4b:s0+s21], $0x80, $0x38;
	[tilespmem:$0x10680] =	vst v63  }
0x65: {  	s9 =	sadd.s32 s4, s1  }
0x66: {  	[tilespmem:s15], [sflag:$0x1] =	stream.linear.gather [hbm4b:s9+s21], $0x80, $0x38;
	[tilespmem:$0x10680] =	vst v63  }
0x67: {  	s5 =	spop (v2sf)  }
0x68: {  	s11 =	sand.u32 $0x1FFFFFF0, s5;
	s14 =	spop (v2sf)  }
0x69: {  	s15 =	sadd.s32 s4, s11;
	s20 =	sand.u32 $0x1FFFFFF0, s14;
	s24 =	spop (v2sf)  }
0x6a: {  	[tilespmem:s18], [sflag:$0x1] =	stream.linear.gather [hbm4b:s15+s21], $0x80, $0x38;
	[tilespmem:$0x10680] =	vst v63  }
0x6b: {  	s25 =	sadd.s32 s4, s20;
	s28 =	sand.u32 $0x1FFFFFF0, s24;
	s2 =	spop (v2sf)  }
0x6c: {  	[tilespmem:s19], [sflag:$0x1] =	stream.linear.gather [hbm4b:s25+s21], $0x80, $0x38;
	[tilespmem:$0x10680] =	vst v63  }
0x6d: {  	s29 =	sadd.s32 s4, s28;
	s30 =	sand.u32 $0x1FFFFFF0, s2;
	s31 =	spop (v2sf)  }
0x6e: {  	[tilespmem:s26], [sflag:$0x1] =	stream.linear.gather [hbm4b:s29+s21], $0x80, $0x38;
	[tilespmem:$0x10680] =	vst v63  }
0x6f: {  	s1 =	sadd.s32 s4, s30;
	s5 =	sand.u32 $0x1FFFFFF0, s31;
	s6 =	spop (v2sf)  }
0x70: {  	[tilespmem:s8], [sflag:$0x1] =	stream.linear.gather [hbm4b:s1+s21], $0x80, $0x38;
	[tilespmem:$0x10680] =	vst v63  }
0x71: {  	s7 =	sadd.s32 $0xB80, s16;
	s2 =	sand.u32 $0x1FFFFFF0, s6;
	s1 =	sadd.s32 s4, s5  }
0x72: {  	[tilespmem:s7], [sflag:$0x1] =	stream.linear.gather [hbm4b:s1+s21], $0x80, $0x38;
	[tilespmem:$0x10680] =	vst v63  }
0x73: {  	s9 =	sadd.s32 s4, s2;
	s8 =	sadd.s32 $0x8B80, s16  }
0x74: {  	[tilespmem:s8], [sflag:$0x1] =	stream.linear.gather [hbm4b:s9+s21], $0x80, $0x38;
	[tilespmem:$0x10680] =	vst v63  }
0x75: {  	v1 =	vld [tilespmem:s22+$0x0]  }
0x76: {  	v3 =	vld [tilespmem:s23+$0x0];
	_ =	sdelay $0x3  }
0x77: {  	s11 =	smov.u32 s17;
	v2 =	vshll.u32 v1, $0x4  }
0x78: {  	s16 =	sshra.s32 s11, $0x2;
	v1 =	vshll.u32 v3, $0x4;
	(v2sf) =	vpush v2, $0x0  }
0x79: {  	p0 =	sne.s32 s17, $0xE000;
	s17 =	sadd.s32 $0x2000, s17;
	s0 =	sadd.s32 $0x680, s16;
	(v2sf) =	vpush v1, $0x0  }
0x7a: {  	s14 =	sadd.s32 $0x880, s16;
	s2 =	sadd.s32 $0x400, s16;
	s11 =	sadd.s32 $0x600, s16;
	(v2sf) =	vpush v2, $0x1  }
0x7b: {  	s15 =	sadd.s32 $0x8900, s16;
	s29 =	sadd.s32 $0x580, s16;
	s28 =	sadd.s32 $0x8580, s16  }
0x7c: {  	s18 =	sadd.s32 $0x8A00, s16;
	s31 =	sadd.s32 $0x8480, s16;
	[smem:$0x7F4] =	sst s0;
	(v2sf) =	vpush v1, $0x1  }
0x7d: {  	s30 =	sadd.s32 $0x8500, s16;
	s19 =	sadd.s32 $0x8980, s16;
	[dreg:$0xc] =	wrdreg s14  }
0x7e: {  	s5 =	sadd.s32 $0x8700, s16;
	s6 =	sadd.s32 $0x8880, s16;
	[dreg:$0x4] =	wrdreg s15;
	(v2sf) =	vpush v2, $0x2  }
0x7f: {  	s20 =	sadd.s32 $0x900, s16;
	s24 =	sadd.s32 $0x780, s16;
	[smem:$0x7F5] =	sst s18  }
0x80: {  	s25 =	sadd.s32 $0x8800, s16;
	s26 =	sadd.s32 $0x8780, s16;
	[dreg:$0x8] =	wrdreg s19;
	(v2sf) =	vpush v1, $0x2  }
0x81: {  	s7 =	sadd.s32 $0x8400, s16;
	s0 =	sadd.s32 $0x500, s16;
	[dreg:$0x14] =	wrdreg s6  }
0x82: {  	s1 =	sadd.s32 $0x8600, s16;
	s18 =	sadd.s32 $0xA80, s16;
	[dreg:$0x10] =	wrdreg s20;
	(v2sf) =	vpush v2, $0x3  }
0x83: {  	s15 =	sadd.s32 $0x8680, s16;
	s19 =	sadd.s32 $0x8A80, s16;
	[smem:$0x7F6] =	sst s24  }
0x84: {  	[dreg:$0x1c] =	wrdreg s25;
	s25 =	sadd.s32 $0xA00, s16;
	s20 =	sadd.s32 $0x480, s16;
	(v2sf) =	vpush v1, $0x3  }
0x85: {  	[smem:$0x7F7] =	sst s26;
	s26 =	sadd.s32 $0xB00, s16;
	s14 =	sadd.s32 $0x980, s16  }
0x86: {  	[dreg:$0x18] =	wrdreg s14;
	s21 =	simm.s32 $0x0;
	s8 =	sadd.s32 $0x800, s16;
	(v2sf) =	vpush v2, $0x4  }
0x87: {  	s9 =	sadd.s32 $0x700, s16;
	[smem:$0x7F8] =	sst s8;
	s24 =	spop (v2sf)  }
0x88: {  	s22 =	sadd.s32 $0x10, s22;
	s24 =	sand.u32 $0x1FFFFFF0, s24;
	s14 =	spop (v2sf);
	(v2sf) =	vpush v1, $0x4  }
0x89: {  	s24 =	sadd.s32 s4, s24;
	s14 =	sand.u32 $0x1FFFFFF0, s14;
	s6 =	spop (v2sf)  }
0x8a: {  	(v2sf) =	vpush v2, $0x5;
	[tilespmem:s2], [sflag:$0x1] =	stream.linear.gather [hbm4b:s24+s21], $0x80, $0x38;
	[tilespmem:$0x10680] =	vst v63  }
0x8b: {  	s14 =	sadd.s32 s4, s14;
	s6 =	sand.u32 $0x1FFFFFF0, s6;
	s24 =	spop (v2sf);
	(v2sf) =	vpush v1, $0x5  }
0x8c: {  	[tilespmem:s7], [sflag:$0x1] =	stream.linear.gather [hbm4b:s14+s21], $0x80, $0x38;
	[tilespmem:$0x10680] =	vst v63  }
0x8d: {  	s7 =	sadd.s32 s4, s6;
	s14 =	sand.u32 $0x1FFFFFF0, s24;
	s24 =	spop (v2sf)  }
0x8e: {  	(v2sf) =	vpush v2, $0x6;
	[tilespmem:s20], [sflag:$0x1] =	stream.linear.gather [hbm4b:s7+s21], $0x80, $0x38;
	[tilespmem:$0x10680] =	vst v63  }
0x8f: {  	s7 =	sadd.s32 s4, s14;
	s14 =	sand.u32 $0x1FFFFFF0, s24;
	s20 =	spop (v2sf)  }
0x90: {  	(v2sf) =	vpush v1, $0x6;
	[tilespmem:s31], [sflag:$0x1] =	stream.linear.gather [hbm4b:s7+s21], $0x80, $0x38;
	[tilespmem:$0x10680] =	vst v63  }
0x91: {  	s24 =	sadd.s32 s4, s14;
	s31 =	sand.u32 $0x1FFFFFF0, s20;
	s7 =	spop (v2sf)  }
0x92: {  	(v2sf) =	vpush v2, $0x7;
	[tilespmem:s0], [sflag:$0x1] =	stream.linear.gather [hbm4b:s24+s21], $0x80, $0x38;
	[tilespmem:$0x10680] =	vst v63  }
0x93: {  	s20 =	sadd.s32 s4, s31;
	s31 =	spop (v2sf);
	s24 =	sand.u32 $0x1FFFFFF0, s7  }
0x94: {  	[tilespmem:s30], [sflag:$0x1] =	stream.linear.gather [hbm4b:s20+s21], $0x80, $0x38;
	[tilespmem:$0x10680] =	vst v63  }
0x95: {  	s6 =	sand.u32 $0x1FFFFFF0, s31;
	s7 =	spop (v2sf);
	s2 =	sadd.s32 s4, s24  }
0x96: {  	(v2sf) =	vpush v1, $0x7;
	[tilespmem:s29], [sflag:$0x1] =	stream.linear.gather [hbm4b:s2+s21], $0x80, $0x38;
	[tilespmem:$0x10680] =	vst v63  }
0x97: {  	s23 =	sadd.s32 $0x10, s23;
	s14 =	sadd.s32 s4, s6;
	s24 =	spop (v2sf)  }
0x98: {  	(v2sf) =	vpush v2, $0x8;
	[tilespmem:s28], [sflag:$0x1] =	stream.linear.gather [hbm4b:s14+s21], $0x80, $0x38;
	[tilespmem:$0x10680] =	vst v63  }
0x99: {  	s8 =	sadd.s32 $0x8B00, s16;
	s20 =	sand.u32 $0x1FFFFFF0, s7;
	s31 =	spop (v2sf)  }
0x9a: {  	s29 =	sadd.s32 s4, s20;
	(v2sf) =	vpush v1, $0x8;
	s30 =	sand.u32 $0x1FFFFFF0, s24;
	s14 =	spop (v2sf)  }
0x9b: {  	(v2sf) =	vpush v2, $0x9;
	[tilespmem:s11], [sflag:$0x1] =	stream.linear.gather [hbm4b:s29+s21], $0x80, $0x38;
	[tilespmem:$0x10680] =	vst v63  }
0x9c: {  	s7 =	sadd.s32 s4, s30;
	s11 =	sand.u32 $0x1FFFFFF0, s31;
	s24 =	sand.u32 $0x1FFFFFF0, s14  }
0x9d: {  	s29 =	sld [smem:$0x7F4];
	s20 =	sadd.s32 s4, s11;
	s28 =	spop (v2sf)  }
0x9e: {  	(v2sf) =	vpush v1, $0x9;
	[tilespmem:s1], [sflag:$0x1] =	stream.linear.gather [hbm4b:s7+s21], $0x80, $0x38;
	[tilespmem:$0x10680] =	vst v63  }
0x9f: {  	s30 =	sadd.s32 s4, s24;
	s31 =	sand.u32 $0x1FFFFFF0, s28;
	s1 =	spop (v2sf)  }
0xa0: {  	(v2sf) =	vpush v2, $0xA;
	[tilespmem:s29], [sflag:$0x1] =	stream.linear.gather [hbm4b:s20+s21], $0x80, $0x38;
	[tilespmem:$0x10680] =	vst v63  }
0xa1: {  	s2 =	sadd.s32 s4, s31;
	s7 =	sand.u32 $0x1FFFFFF0, s1;
	s11 =	spop (v2sf)  }
0xa2: {  	(v2sf) =	vpush v1, $0xA;
	[tilespmem:s15], [sflag:$0x1] =	stream.linear.gather [hbm4b:s30+s21], $0x80, $0x38;
	[tilespmem:$0x10680] =	vst v63  }
0xa3: {  	s31 =	sld [smem:$0x7F6];
	s14 =	sadd.s32 s4, s7;
	s20 =	sand.u32 $0x1FFFFFF0, s11  }
0xa4: {  	[tilespmem:s9], [sflag:$0x1] =	stream.linear.gather [hbm4b:s2+s21], $0x80, $0x38;
	[tilespmem:$0x10680] =	vst v63  }
0xa5: {  	s15 =	sld [smem:$0x7F5];
	s24 =	spop (v2sf);
	s28 =	sadd.s32 s4, s20  }
0xa6: {  	(v2sf) =	vpush v2, $0xB;
	[tilespmem:s5], [sflag:$0x1] =	stream.linear.gather [hbm4b:s14+s21], $0x80, $0x38;
	[tilespmem:$0x10680] =	vst v63  }
0xa7: {  	s29 =	sand.u32 $0x1FFFFFF0, s24;
	s30 =	spop (v2sf);
	s9 =	sld [smem:$0x7F7]  }
0xa8: {  	(v2sf) =	vpush v1, $0xB;
	[tilespmem:s31], [sflag:$0x1] =	stream.linear.gather [hbm4b:s28+s21], $0x80, $0x38;
	[tilespmem:$0x10680] =	vst v63  }
0xa9: {  	s24 =	sld [smem:$0x7F8];
	s6 =	sand.u32 $0x1FFFFFF0, s30;
	s7 =	spop (v2sf)  }
0xaa: {  	s11 =	sadd.s32 s4, s6;
	s5 =	sadd.s32 s4, s29;
	s20 =	spop (v2sf)  }
0xab: {  	(v2sf) =	vpush v2, $0xC;
	[tilespmem:s9], [sflag:$0x1] =	stream.linear.gather [hbm4b:s5+s21], $0x80, $0x38;
	[tilespmem:$0x10680] =	vst v63  }
0xac: {  	s31 =	rddreg [dreg:$0x1c];
	s14 =	sand.u32 $0x1FFFFFF0, s7;
	s29 =	sand.u32 $0x1FFFFFF0, s20  }
0xad: {  	(v2sf) =	vpush v1, $0xC;
	s28 =	sadd.s32 s4, s14;
	s30 =	spop (v2sf);
	s6 =	sadd.s32 s4, s29  }
0xae: {  	[tilespmem:s24], [sflag:$0x1] =	stream.linear.gather [hbm4b:s11+s21], $0x80, $0x38;
	[tilespmem:$0x10680] =	vst v63  }
0xaf: {  	s7 =	sand.u32 $0x1FFFFFF0, s30;
	s9 =	spop (v2sf);
	s11 =	rddreg [dreg:$0xc]  }
0xb0: {  	[tilespmem:s31], [sflag:$0x1] =	stream.linear.gather [hbm4b:s28+s21], $0x80, $0x38;
	[tilespmem:$0x10680] =	vst v63  }
0xb1: {  	s14 =	sadd.s32 s4, s7;
	s20 =	sand.u32 $0x1FFFFFF0, s9;
	s24 =	spop (v2sf)  }
0xb2: {  	[tilespmem:s11], [sflag:$0x1] =	stream.linear.gather [hbm4b:s6+s21], $0x80, $0x38;
	[tilespmem:$0x10680] =	vst v63  }
0xb3: {  	s28 =	rddreg [dreg:$0x14];
	s29 =	sadd.s32 s4, s20;
	s30 =	sand.u32 $0x1FFFFFF0, s24  }
0xb4: {  	[tilespmem:s28], [sflag:$0x1] =	stream.linear.gather [hbm4b:s14+s21], $0x80, $0x38;
	[tilespmem:$0x10680] =	vst v63  }
0xb5: {  	s31 =	spop (v2sf);
	s6 =	rddreg [dreg:$0x10];
	s7 =	sadd.s32 s4, s30  }
0xb6: {  	[tilespmem:s6], [sflag:$0x1] =	stream.linear.gather [hbm4b:s29+s21], $0x80, $0x38;
	[tilespmem:$0x10680] =	vst v63  }
0xb7: {  	s9 =	sand.u32 $0x1FFFFFF0, s31;
	s11 =	spop (v2sf);
	s14 =	rddreg [dreg:$0x4]  }
0xb8: {  	(v2sf) =	vpush v2, $0xD;
	[tilespmem:s14], [sflag:$0x1] =	stream.linear.gather [hbm4b:s7+s21], $0x80, $0x38;
	[tilespmem:$0x10680] =	vst v63  }
.Ltmp0:
0xb9: {  	(v2sf) =	vpush v1, $0xD;
	s31 =	rddreg [dreg:$0x8];
	s20 =	sadd.s32 s4, s9;
	(pc) =	sbr.rel @p0 .LBB2_2-.Ltmp0, $4  }
0xba: {  	(v2sf) =	vpush v2, $0xE;
	s24 =	sand.u32 $0x1FFFFFF0, s11;
	s28 =	spop (v2sf);
	s29 =	rddreg [dreg:$0x18]  }
0xbb: {  	(v2sf) =	vpush v1, $0xE;
	[tilespmem:s29], [sflag:$0x1] =	stream.linear.gather [hbm4b:s20+s21], $0x80, $0x38;
	[tilespmem:$0x10680] =	vst v63  }
0xbc: {  	(v2sf) =	vpush v2, $0xF;
	s30 =	sadd.s32 s4, s24;
	s0 =	sand.u32 $0x1FFFFFF0, s28;
	s1 =	spop (v2sf)  }
0xbd: {  	(v2sf) =	vpush v1, $0xF;
	[tilespmem:s31], [sflag:$0x1] =	stream.linear.gather [hbm4b:s30+s21], $0x80, $0x38;
	[tilespmem:$0x10680] =	vst v63  }
0xbe: {  	_ =	sdelay $0x4  }
0xbf: {  	s0 =	sadd.s32 s4, s0;
	s1 =	sand.u32 $0x1FFFFFF0, s1  }
0xc0: {  	[tilespmem:s25], [sflag:$0x1] =	stream.linear.gather [hbm4b:s0+s21], $0x80, $0x38;
	[tilespmem:$0x10680] =	vst v63  }
0xc1: {  	s1 =	sadd.s32 s4, s1  }
0xc2: {  	[tilespmem:s15], [sflag:$0x1] =	stream.linear.gather [hbm4b:s1+s21], $0x80, $0x38;
	[tilespmem:$0x10680] =	vst v63  }
0xc3: {  	s2 =	spop (v2sf)  }
0xc4: {  	s5 =	sand.u32 $0x1FFFFFF0, s2;
	s6 =	spop (v2sf)  }
0xc5: {  	s7 =	sadd.s32 s4, s5;
	s9 =	sand.u32 $0x1FFFFFF0, s6;
	s11 =	spop (v2sf)  }
0xc6: {  	[tilespmem:s18], [sflag:$0x1] =	stream.linear.gather [hbm4b:s7+s21], $0x80, $0x38;
	[tilespmem:$0x10680] =	vst v63  }
0xc7: {  	s14 =	sadd.s32 s4, s9;
	s15 =	sand.u32 $0x1FFFFFF0, s11;
	s17 =	spop (v2sf)  }
0xc8: {  	[tilespmem:s19], [sflag:$0x1] =	stream.linear.gather [hbm4b:s14+s21], $0x80, $0x38;
	[tilespmem:$0x10680] =	vst v63  }
0xc9: {  	s18 =	sadd.s32 s4, s15;
	s20 =	spop (v2sf);
	s19 =	sand.u32 $0x1FFFFFF0, s17  }
0xca: {  	[tilespmem:s26], [sflag:$0x1] =	stream.linear.gather [hbm4b:s18+s21], $0x80, $0x38;
	[tilespmem:$0x10680] =	vst v63  }
0xcb: {  	s23 =	sand.u32 $0x1FFFFFF0, s20;
	s24 =	spop (v2sf);
	s22 =	sadd.s32 s4, s19  }
0xcc: {  	[tilespmem:s8], [sflag:$0x1] =	stream.linear.gather [hbm4b:s22+s21], $0x80, $0x38;
	[tilespmem:$0x10680] =	vst v63  }
0xcd: {  	s25 =	sadd.s32 $0xB80, s16;
	s1 =	sadd.s32 s4, s23;
	s2 =	sand.u32 $0x1FFFFFF0, s24  }
0xce: {  	[tilespmem:s25], [sflag:$0x1] =	stream.linear.gather [hbm4b:s1+s21], $0x80, $0x38;
	[tilespmem:$0x10680] =	vst v63  }
0xcf: {  	s29 =	simm.s32 $0x80;
	s26 =	sadd.s32 $0x8B80, s16;
	s28 =	sadd.s32 s4, s2  }
0xd0: {  	[tilespmem:s26], [sflag:$0x1] =	stream.linear.gather [hbm4b:s28+s21], $0x80, $0x38;
	[tilespmem:$0x10680] =	vst v63  }
0xd1: {  	s30 =	simm.s32 $0x280;
	v1 =	vld [tilespmem:s29+$0x0]  }
0xd2: {  	v3 =	vld [tilespmem:s30+$0x0];
	_ =	sdelay $0x3  }
0xd3: {  	v2 =	vshll.u32 v1, $0x4  }
0xd4: {  	v1 =	vshll.u32 v3, $0x4;
	(v2sf) =	vpush v2, $0x0  }
0xd5: {  	(v2sf) =	vpush v1, $0x0  }
0xd6: {  	(v2sf) =	vpush v2, $0x1;
	_ =	sdelay $0x2  }
0xd7: {  	(v2sf) =	vpush v1, $0x1;
	_ =	sdelay $0x1  }
0xd8: {  	(v2sf) =	vpush v2, $0x2;
	_ =	sdelay $0x1  }
0xd9: {  	(v2sf) =	vpush v1, $0x2;
	_ =	sdelay $0x1  }
0xda: {  	s31 =	simm.s32 $0xC400;
	(v2sf) =	vpush v2, $0x3  }
0xdb: {  	s0 =	simm.s32 $0xC900;
	s5 =	simm.s32 $0x4680;
	s6 =	simm.s32 $0x4400  }
0xdc: {  	s9 =	simm.s32 $0x4580;
	s15 =	simm.s32 $0x4480;
	s17 =	simm.s32 $0x2000;
	(v2sf) =	vpush v1, $0x3  }
0xdd: {  	s20 =	simm.s32 $0xC480;
	s16 =	simm.s32 $0x0;
	s8 =	simm.s32 $0x4600  }
0xde: {  	s22 =	simm.s32 $0x4500;
	s1 =	simm.s32 $0x4880;
	s7 =	spop (v2sf)  }
0xdf: {  	s25 =	simm.s32 $0xC500;
	s7 =	sand.u32 $0x1FFFFFF0, s7;
	s11 =	spop (v2sf)  }
0xe0: {  	(v2sf) =	vpush v2, $0x4;
	s7 =	sadd.s32 s4, s7;
	s11 =	sand.u32 $0x1FFFFFF0, s11;
	s14 =	spop (v2sf)  }
0xe1: {  	(v2sf) =	vpush v1, $0x4;
	[tilespmem:s6], [sflag:$0x1] =	stream.linear.gather [hbm4b:s7+s3], $0x80, $0x38;
	[tilespmem:$0x10680] =	vst v63  }
0xe2: {  	s30 =	simm.s32 $0xC600;
	s7 =	sadd.s32 s4, s11;
	s11 =	sand.u32 $0x1FFFFFF0, s14  }
0xe3: {  	s6 =	simm.s32 $0xC580;
	s14 =	spop (v2sf);
	(v2sf) =	vpush v2, $0x5;
	s18 =	sadd.s32 s4, s11  }
0xe4: {  	[tilespmem:s31], [sflag:$0x1] =	stream.linear.gather [hbm4b:s7+s3], $0x80, $0x38;
	[tilespmem:$0x10680] =	vst v63  }
0xe5: {  	s19 =	sand.u32 $0x1FFFFFF0, s14;
	s21 =	spop (v2sf);
	s14 =	simm.s32 $0x4780  }
0xe6: {  	(v2sf) =	vpush v1, $0x5;
	[tilespmem:s15], [sflag:$0x1] =	stream.linear.gather [hbm4b:s18+s3], $0x80, $0x38;
	[tilespmem:$0x10680] =	vst v63  }
0xe7: {  	s11 =	sadd.s32 s4, s19;
	(v2sf) =	vpush v2, $0x6;
	s7 =	sand.u32 $0x1FFFFFF0, s21;
	s23 =	spop (v2sf)  }
0xe8: {  	[tilespmem:s20], [sflag:$0x1] =	stream.linear.gather [hbm4b:s11+s3], $0x80, $0x38;
	[tilespmem:$0x10680] =	vst v63  }
0xe9: {  	s7 =	sadd.s32 s4, s7;
	s24 =	spop (v2sf);
	s11 =	sand.u32 $0x1FFFFFF0, s23  }
0xea: {  	(v2sf) =	vpush v1, $0x6;
	[tilespmem:s22], [sflag:$0x1] =	stream.linear.gather [hbm4b:s7+s3], $0x80, $0x38;
	[tilespmem:$0x10680] =	vst v63  }
0xeb: {  	s28 =	sand.u32 $0x1FFFFFF0, s24;
	s29 =	spop (v2sf);
	s26 =	sadd.s32 s4, s11  }
0xec: {  	(v2sf) =	vpush v2, $0x7;
	[tilespmem:s25], [sflag:$0x1] =	stream.linear.gather [hbm4b:s26+s3], $0x80, $0x38;
	[tilespmem:$0x10680] =	vst v63  }
0xed: {  	s15 =	simm.s32 $0xCA00;
	s18 =	simm.s32 $0x4A80;
	s11 =	sadd.s32 s4, s28  }
0xee: {  	(v2sf) =	vpush v1, $0x7;
	[tilespmem:s9], [sflag:$0x1] =	stream.linear.gather [hbm4b:s11+s3], $0x80, $0x38;
	[tilespmem:$0x10680] =	vst v63  }
0xef: {  	s20 =	simm.s32 $0xC680;
	s7 =	sand.u32 $0x1FFFFFF0, s29;
	s31 =	spop (v2sf)  }
0xf0: {  	s7 =	sadd.s32 s4, s7;
	s11 =	sand.u32 $0x1FFFFFF0, s31;
	s2 =	spop (v2sf)  }
0xf1: {  	[tilespmem:s6], [sflag:$0x1] =	stream.linear.gather [hbm4b:s7+s3], $0x80, $0x38;
	[tilespmem:$0x10680] =	vst v63  }
0xf2: {  	(v2sf) =	vpush v2, $0x8;
	s11 =	sadd.s32 s4, s11;
	s19 =	sand.u32 $0x1FFFFFF0, s2;
	s21 =	spop (v2sf)  }
0xf3: {  	[tilespmem:s8], [sflag:$0x1] =	stream.linear.gather [hbm4b:s11+s3], $0x80, $0x38;
	[tilespmem:$0x10680] =	vst v63  }
0xf4: {  	s22 =	simm.s32 $0x4700;
	(v2sf) =	vpush v1, $0x8;
	s7 =	sadd.s32 s4, s19;
	s8 =	sand.u32 $0x1FFFFFF0, s21  }
0xf5: {  	s23 =	spop (v2sf);
	s11 =	simm.s32 $0xCA80;
	s21 =	simm.s32 $0xC780  }
0xf6: {  	(v2sf) =	vpush v2, $0x9;
	s8 =	sadd.s32 s4, s8;
	s9 =	sand.u32 $0x1FFFFFF0, s23;
	s24 =	spop (v2sf)  }
0xf7: {  	(v2sf) =	vpush v1, $0x9;
	[tilespmem:s30], [sflag:$0x1] =	stream.linear.gather [hbm4b:s7+s3], $0x80, $0x38;
	[tilespmem:$0x10680] =	vst v63  }
0xf8: {  	s23 =	simm.s32 $0x4800;
	s25 =	sadd.s32 s4, s9;
	s26 =	sand.u32 $0x1FFFFFF0, s24  }
0xf9: {  	(v2sf) =	vpush v2, $0xA;
	s28 =	spop (v2sf);
	s30 =	simm.s32 $0xC700;
	s29 =	sadd.s32 s4, s26  }
0xfa: {  	(v2sf) =	vpush v1, $0xA;
	[tilespmem:s5], [sflag:$0x1] =	stream.linear.gather [hbm4b:s8+s3], $0x80, $0x38;
	[tilespmem:$0x10680] =	vst v63  }
0xfb: {  	s6 =	sand.u32 $0x1FFFFFF0, s28;
	s31 =	spop (v2sf);
	s26 =	simm.s32 $0xC800  }
0xfc: {  	(v2sf) =	vpush v2, $0xB;
	[tilespmem:s20], [sflag:$0x1] =	stream.linear.gather [hbm4b:s25+s3], $0x80, $0x38;
	[tilespmem:$0x10680] =	vst v63  }
0xfd: {  	s5 =	simm.s32 $0xC980;
	s8 =	sand.u32 $0x1FFFFFF0, s31;
	s2 =	spop (v2sf)  }
0xfe: {  	[tilespmem:s22], [sflag:$0x1] =	stream.linear.gather [hbm4b:s29+s3], $0x80, $0x38;
	[tilespmem:$0x10680] =	vst v63  }
0xff: {  	s6 =	sadd.s32 s4, s6;
	s19 =	sadd.s32 s4, s8;
	s20 =	sand.u32 $0x1FFFFFF0, s2  }
0x100: {  	(v2sf) =	vpush v1, $0xB;
	[tilespmem:s30], [sflag:$0x1] =	stream.linear.gather [hbm4b:s6+s3], $0x80, $0x38;
	[tilespmem:$0x10680] =	vst v63  }
0x101: {  	s2 =	simm.s32 $0x4900;
	s8 =	sadd.s32 s4, s20;
	s22 =	spop (v2sf)  }
0x102: {  	[tilespmem:s14], [sflag:$0x1] =	stream.linear.gather [hbm4b:s19+s3], $0x80, $0x38;
	[tilespmem:$0x10680] =	vst v63  }
0x103: {  	s30 =	simm.s32 $0xC880;
	s6 =	simm.s32 $0xCB00;
	s24 =	spop (v2sf)  }
0x104: {  	(v2sf) =	vpush v2, $0xC;
	[tilespmem:s21], [sflag:$0x1] =	stream.linear.gather [hbm4b:s8+s3], $0x80, $0x38;
	[tilespmem:$0x10680] =	vst v63  }
0x105: {  	s7 =	sand.u32 $0x1FFFFFF0, s22;
	s8 =	sand.u32 $0x1FFFFFF0, s24;
	s25 =	spop (v2sf)  }
0x106: {  	s7 =	sadd.s32 s4, s7;
	(v2sf) =	vpush v1, $0xC;
	s28 =	sadd.s32 s4, s8;
	s31 =	spop (v2sf)  }
0x107: {  	[tilespmem:s23], [sflag:$0x1] =	stream.linear.gather [hbm4b:s7+s3], $0x80, $0x38;
	[tilespmem:$0x10680] =	vst v63  }
0x108: {  	s29 =	sand.u32 $0x1FFFFFF0, s25;
	s7 =	sand.u32 $0x1FFFFFF0, s31;
	s14 =	spop (v2sf)  }
0x109: {  	s8 =	sadd.s32 s4, s29;
	s7 =	sadd.s32 s4, s7;
	s19 =	spop (v2sf)  }
0x10a: {  	[tilespmem:s26], [sflag:$0x1] =	stream.linear.gather [hbm4b:s28+s3], $0x80, $0x38;
	[tilespmem:$0x10680] =	vst v63  }
0x10b: {  	s21 =	sand.u32 $0x1FFFFFF0, s19;
	s22 =	spop (v2sf);
	s26 =	simm.s32 $0x4980  }
0x10c: {  	[tilespmem:s1], [sflag:$0x1] =	stream.linear.gather [hbm4b:s8+s3], $0x80, $0x38;
	[tilespmem:$0x10680] =	vst v63  }
0x10d: {  	s23 =	sadd.s32 s4, s21;
	s24 =	sand.u32 $0x1FFFFFF0, s22;
	s8 =	sand.u32 $0x1FFFFFF0, s14  }
0x10e: {  	[tilespmem:s30], [sflag:$0x1] =	stream.linear.gather [hbm4b:s7+s3], $0x80, $0x38;
	[tilespmem:$0x10680] =	vst v63  }
0x10f: {  	s25 =	spop (v2sf);
	s21 =	simm.s32 $0x290;
	s20 =	sadd.s32 s4, s8  }
0x110: {  	[tilespmem:s2], [sflag:$0x1] =	stream.linear.gather [hbm4b:s20+s3], $0x80, $0x38;
	[tilespmem:$0x10680] =	vst v63  }
0x111: {  	(v2sf) =	vpush v2, $0xD;
	s22 =	simm.s32 $0x90;
	s28 =	sadd.s32 s4, s24;
	s29 =	sand.u32 $0x1FFFFFF0, s25  }
0x112: {  	(v2sf) =	vpush v1, $0xD;
	[tilespmem:s0], [sflag:$0x1] =	stream.linear.gather [hbm4b:s23+s3], $0x80, $0x38;
	[tilespmem:$0x10680] =	vst v63  }
0x113: {  	s25 =	simm.s32 $0x4A00;
	(v2sf) =	vpush v2, $0xE;
	s24 =	simm.s32 $0x4B00;
	s31 =	spop (v2sf)  }
0x114: {  	(v2sf) =	vpush v1, $0xE;
	[tilespmem:s26], [sflag:$0x1] =	stream.linear.gather [hbm4b:s28+s3], $0x80, $0x38;
	[tilespmem:$0x10680] =	vst v63  }
0x115: {  	s30 =	sadd.s32 s4, s29;
	(v2sf) =	vpush v2, $0xF;
	s0 =	sand.u32 $0x1FFFFFF0, s31;
	s1 =	spop (v2sf)  }
0x116: {  	(v2sf) =	vpush v1, $0xF;
	[tilespmem:s5], [sflag:$0x1] =	stream.linear.gather [hbm4b:s30+s3], $0x80, $0x38;
	[tilespmem:$0x10680] =	vst v63  }
.LBB2_4:
0x117: {  	_ =	sdelay $0x4  }
0x118: {  	s0 =	sadd.s32 s4, s0;
	s1 =	sand.u32 $0x1FFFFFF0, s1  }
0x119: {  	[tilespmem:s25], [sflag:$0x1] =	stream.linear.gather [hbm4b:s0+s3], $0x80, $0x38;
	[tilespmem:$0x10680] =	vst v63  }
0x11a: {  	s7 =	sadd.s32 s4, s1  }
0x11b: {  	[tilespmem:s15], [sflag:$0x1] =	stream.linear.gather [hbm4b:s7+s3], $0x80, $0x38;
	[tilespmem:$0x10680] =	vst v63  }
0x11c: {  	s5 =	spop (v2sf)  }
0x11d: {  	s8 =	sand.u32 $0x1FFFFFF0, s5;
	s9 =	spop (v2sf)  }
0x11e: {  	s14 =	sadd.s32 s4, s8;
	s15 =	sand.u32 $0x1FFFFFF0, s9;
	s2 =	spop (v2sf)  }
0x11f: {  	[tilespmem:s18], [sflag:$0x1] =	stream.linear.gather [hbm4b:s14+s3], $0x80, $0x38;
	[tilespmem:$0x10680] =	vst v63  }
0x120: {  	s18 =	sadd.s32 s4, s15;
	s19 =	sand.u32 $0x1FFFFFF0, s2;
	s20 =	spop (v2sf)  }
0x121: {  	[tilespmem:s11], [sflag:$0x1] =	stream.linear.gather [hbm4b:s18+s3], $0x80, $0x38;
	[tilespmem:$0x10680] =	vst v63  }
0x122: {  	s23 =	sadd.s32 s4, s19;
	s25 =	sand.u32 $0x1FFFFFF0, s20;
	s26 =	spop (v2sf)  }
0x123: {  	[tilespmem:s24], [sflag:$0x1] =	stream.linear.gather [hbm4b:s23+s3], $0x80, $0x38;
	[tilespmem:$0x10680] =	vst v63  }
0x124: {  	s28 =	sadd.s32 s4, s25;
	s29 =	sand.u32 $0x1FFFFFF0, s26;
	s30 =	spop (v2sf)  }
0x125: {  	[tilespmem:s6], [sflag:$0x1] =	stream.linear.gather [hbm4b:s28+s3], $0x80, $0x38;
	[tilespmem:$0x10680] =	vst v63  }
0x126: {  	s31 =	sadd.s32 $0x4B80, s16;
	s1 =	sadd.s32 s4, s29;
	s2 =	sand.u32 $0x1FFFFFF0, s30  }
0x127: {  	[tilespmem:s31], [sflag:$0x1] =	stream.linear.gather [hbm4b:s1+s3], $0x80, $0x38;
	[tilespmem:$0x10680] =	vst v63  }
0x128: {  	s2 =	sadd.s32 s4, s2;
	s1 =	sadd.s32 $0xCB80, s16  }
0x129: {  	[tilespmem:s1], [sflag:$0x1] =	stream.linear.gather [hbm4b:s2+s3], $0x80, $0x38;
	[tilespmem:$0x10680] =	vst v63  }
0x12a: {  	v1 =	vld [tilespmem:s22+$0x0]  }
0x12b: {  	v3 =	vld [tilespmem:s21+$0x0];
	_ =	sdelay $0x3  }
0x12c: {  	s5 =	smov.u32 s17;
	v2 =	vshll.u32 v1, $0x4  }
0x12d: {  	s16 =	sshra.s32 s5, $0x2;
	v1 =	vshll.u32 v3, $0x4;
	(v2sf) =	vpush v2, $0x0  }
0x12e: {  	p0 =	sne.s32 s17, $0xE000;
	s17 =	sadd.s32 $0x2000, s17;
	s30 =	sadd.s32 $0xC400, s16;
	(v2sf) =	vpush v1, $0x0  }
0x12f: {  	s0 =	sadd.s32 $0x4680, s16;
	s6 =	sadd.s32 $0x4880, s16;
	s11 =	sadd.s32 $0x4600, s16;
	(v2sf) =	vpush v2, $0x1  }
0x130: {  	s7 =	sadd.s32 $0xC900, s16;
	s18 =	sadd.s32 $0x4580, s16;
	s29 =	sadd.s32 $0x4500, s16  }
0x131: {  	s31 =	sadd.s32 $0xC600, s16;
	s26 =	sadd.s32 $0xC480, s16;
	s28 =	sadd.s32 $0xC500, s16;
	(v2sf) =	vpush v1, $0x1  }
0x132: {  	s15 =	sadd.s32 $0xC680, s16;
	s9 =	sadd.s32 $0x4700, s16;
	[smem:$0x7F0] =	sst s0  }
0x133: {  	s8 =	sadd.s32 $0xC980, s16;
	s5 =	sadd.s32 $0xCA80, s16;
	[dreg:$0xd] =	wrdreg s6;
	(v2sf) =	vpush v2, $0x2  }
0x134: {  	s14 =	sadd.s32 $0xC880, s16;
	s19 =	sadd.s32 $0x4900, s16;
	[dreg:$0x5] =	wrdreg s7  }
0x135: {  	s20 =	sadd.s32 $0x4780, s16;
	s23 =	sadd.s32 $0xC800, s16;
	[dreg:$0x9] =	wrdreg s8;
	(v2sf) =	vpush v1, $0x2  }
0x136: {  	s25 =	sadd.s32 $0x4A00, s16;
	s24 =	sadd.s32 $0xC780, s16;
	[dreg:$0x15] =	wrdreg s14  }
0x137: {  	s2 =	sadd.s32 $0x4400, s16;
	s0 =	sadd.s32 $0xC580, s16;
	[dreg:$0x11] =	wrdreg s19;
	(v2sf) =	vpush v2, $0x3  }
0x138: {  	s7 =	sadd.s32 $0xCA00, s16;
	s1 =	sadd.s32 $0x4A80, s16;
	[smem:$0x7F1] =	sst s20  }
0x139: {  	s8 =	sadd.s32 $0xC700, s16;
	[dreg:$0x1d] =	wrdreg s23;
	s19 =	sadd.s32 $0x4480, s16;
	(v2sf) =	vpush v1, $0x3  }
0x13a: {  	[smem:$0x7F2] =	sst s24;
	s14 =	sadd.s32 $0x4800, s16;
	s24 =	sadd.s32 $0x4B00, s16  }
0x13b: {  	s6 =	sadd.s32 $0xCB00, s16;
	[smem:$0x7F3] =	sst s14;
	s21 =	sadd.s32 $0x10, s21;
	(v2sf) =	vpush v2, $0x4  }
0x13c: {  	s22 =	sadd.s32 $0x10, s22;
	s14 =	sadd.s32 $0x4980, s16;
	s20 =	spop (v2sf)  }
0x13d: {  	[dreg:$0x19] =	wrdreg s14;
	s20 =	sand.u32 $0x1FFFFFF0, s20;
	s23 =	spop (v2sf);
	(v2sf) =	vpush v1, $0x4  }
0x13e: {  	s20 =	sadd.s32 s4, s20;
	s23 =	sand.u32 $0x1FFFFFF0, s23;
	s14 =	spop (v2sf)  }
0x13f: {  	(v2sf) =	vpush v2, $0x5;
	[tilespmem:s2], [sflag:$0x1] =	stream.linear.gather [hbm4b:s20+s3], $0x80, $0x38;
	[tilespmem:$0x10680] =	vst v63  }
0x140: {  	s20 =	sadd.s32 s4, s23;
	s14 =	sand.u32 $0x1FFFFFF0, s14;
	s23 =	spop (v2sf)  }
0x141: {  	(v2sf) =	vpush v1, $0x5;
	[tilespmem:s30], [sflag:$0x1] =	stream.linear.gather [hbm4b:s20+s3], $0x80, $0x38;
	[tilespmem:$0x10680] =	vst v63  }
0x142: {  	s14 =	sadd.s32 s4, s14;
	s23 =	sand.u32 $0x1FFFFFF0, s23;
	s30 =	spop (v2sf)  }
0x143: {  	(v2sf) =	vpush v2, $0x6;
	[tilespmem:s19], [sflag:$0x1] =	stream.linear.gather [hbm4b:s14+s3], $0x80, $0x38;
	[tilespmem:$0x10680] =	vst v63  }
0x144: {  	s19 =	sadd.s32 s4, s23;
	s23 =	sand.u32 $0x1FFFFFF0, s30;
	s30 =	spop (v2sf)  }
0x145: {  	[tilespmem:s26], [sflag:$0x1] =	stream.linear.gather [hbm4b:s19+s3], $0x80, $0x38;
	[tilespmem:$0x10680] =	vst v63  }
0x146: {  	(v2sf) =	vpush v1, $0x6;
	s14 =	sadd.s32 s4, s23;
	s20 =	sand.u32 $0x1FFFFFF0, s30;
	s23 =	spop (v2sf)  }
0x147: {  	(v2sf) =	vpush v2, $0x7;
	[tilespmem:s29], [sflag:$0x1] =	stream.linear.gather [hbm4b:s14+s3], $0x80, $0x38;
	[tilespmem:$0x10680] =	vst v63  }
0x148: {  	s26 =	sadd.s32 s4, s20;
	s30 =	spop (v2sf);
	s29 =	sand.u32 $0x1FFFFFF0, s23  }
0x149: {  	(v2sf) =	vpush v1, $0x7;
	[tilespmem:s28], [sflag:$0x1] =	stream.linear.gather [hbm4b:s26+s3], $0x80, $0x38;
	[tilespmem:$0x10680] =	vst v63  }
0x14a: {  	s23 =	sand.u32 $0x1FFFFFF0, s30;
	s20 =	sadd.s32 s4, s29;
	s26 =	spop (v2sf)  }
0x14b: {  	[tilespmem:s18], [sflag:$0x1] =	stream.linear.gather [hbm4b:s20+s3], $0x80, $0x38;
	[tilespmem:$0x10680] =	vst v63  }
0x14c: {  	s28 =	sadd.s32 s4, s23;
	s29 =	sand.u32 $0x1FFFFFF0, s26;
	s30 =	spop (v2sf)  }
0x14d: {  	(v2sf) =	vpush v2, $0x8;
	[tilespmem:s0], [sflag:$0x1] =	stream.linear.gather [hbm4b:s28+s3], $0x80, $0x38;
	[tilespmem:$0x10680] =	vst v63  }
0x14e: {  	s14 =	sadd.s32 s4, s29;
	s19 =	sand.u32 $0x1FFFFFF0, s30;
	s20 =	spop (v2sf)  }
0x14f: {  	(v2sf) =	vpush v1, $0x8;
	[tilespmem:s11], [sflag:$0x1] =	stream.linear.gather [hbm4b:s14+s3], $0x80, $0x38;
	[tilespmem:$0x10680] =	vst v63  }
0x150: {  	s23 =	sadd.s32 s4, s19;
	s28 =	spop (v2sf);
	s14 =	sld [smem:$0x7F0]  }
0x151: {  	[tilespmem:s31], [sflag:$0x1] =	stream.linear.gather [hbm4b:s23+s3], $0x80, $0x38;
	[tilespmem:$0x10680] =	vst v63  }
0x152: {  	s18 =	smov.u32 s1;
	(v2sf) =	vpush v2, $0x9;
	s26 =	sand.u32 $0x1FFFFFF0, s20;
	s31 =	spop (v2sf)  }
0x153: {  	(v2sf) =	vpush v1, $0x9;
	s29 =	sadd.s32 s4, s26;
	s30 =	sand.u32 $0x1FFFFFF0, s28;
	s20 =	sand.u32 $0x1FFFFFF0, s31  }
0x154: {  	[tilespmem:s14], [sflag:$0x1] =	stream.linear.gather [hbm4b:s29+s3], $0x80, $0x38;
	[tilespmem:$0x10680] =	vst v63  }
0x155: {  	s19 =	sadd.s32 s4, s30;
	s23 =	spop (v2sf);
	s26 =	sadd.s32 s4, s20  }
0x156: {  	s28 =	sand.u32 $0x1FFFFFF0, s23;
	s29 =	spop (v2sf);
	s14 =	sld [smem:$0x7F1]  }
0x157: {  	(v2sf) =	vpush v2, $0xA;
	[tilespmem:s15], [sflag:$0x1] =	stream.linear.gather [hbm4b:s19+s3], $0x80, $0x38;
	[tilespmem:$0x10680] =	vst v63  }
0x158: {  	s30 =	sadd.s32 s4, s28;
	s31 =	sand.u32 $0x1FFFFFF0, s29;
	s1 =	spop (v2sf)  }
0x159: {  	(v2sf) =	vpush v1, $0xA;
	[tilespmem:s9], [sflag:$0x1] =	stream.linear.gather [hbm4b:s26+s3], $0x80, $0x38;
	[tilespmem:$0x10680] =	vst v63  }
0x15a: {  	s15 =	smov.u32 s7;
	s7 =	sadd.s32 s4, s31;
	s31 =	sld [smem:$0x7F3]  }
0x15b: {  	(v2sf) =	vpush v2, $0xB;
	[tilespmem:s8], [sflag:$0x1] =	stream.linear.gather [hbm4b:s30+s3], $0x80, $0x38;
	[tilespmem:$0x10680] =	vst v63  }
0x15c: {  	s11 =	smov.u32 s5;
	s26 =	sld [smem:$0x7F2];
	s9 =	spop (v2sf)  }
0x15d: {  	(v2sf) =	vpush v1, $0xB;
	[tilespmem:s14], [sflag:$0x1] =	stream.linear.gather [hbm4b:s7+s3], $0x80, $0x38;
	[tilespmem:$0x10680] =	vst v63  }
0x15e: {  	s8 =	sand.u32 $0x1FFFFFF0, s1;
	s20 =	sand.u32 $0x1FFFFFF0, s9;
	s23 =	spop (v2sf)  }
0x15f: {  	s19 =	sadd.s32 s4, s8;
	s28 =	sadd.s32 s4, s20;
	s29 =	sand.u32 $0x1FFFFFF0, s23  }
0x160: {  	(v2sf) =	vpush v2, $0xC;
	[tilespmem:s26], [sflag:$0x1] =	stream.linear.gather [hbm4b:s19+s3], $0x80, $0x38;
	[tilespmem:$0x10680] =	vst v63  }
0x161: {  	s14 =	rddreg [dreg:$0x1d];
	s30 =	spop (v2sf);
	s7 =	sadd.s32 s4, s29  }
0x162: {  	(v2sf) =	vpush v1, $0xC;
	s8 =	sand.u32 $0x1FFFFFF0, s30;
	s9 =	spop (v2sf);
	s26 =	rddreg [dreg:$0xd]  }
0x163: {  	[tilespmem:s31], [sflag:$0x1] =	stream.linear.gather [hbm4b:s28+s3], $0x80, $0x38;
	[tilespmem:$0x10680] =	vst v63  }
0x164: {  	s19 =	sadd.s32 s4, s8;
	s20 =	sand.u32 $0x1FFFFFF0, s9;
	s8 =	rddreg [dreg:$0x11]  }
0x165: {  	[tilespmem:s14], [sflag:$0x1] =	stream.linear.gather [hbm4b:s7+s3], $0x80, $0x38;
	[tilespmem:$0x10680] =	vst v63  }
0x166: {  	s28 =	sadd.s32 s4, s20;
	s31 =	rddreg [dreg:$0x15];
	s23 =	spop (v2sf)  }
0x167: {  	[tilespmem:s26], [sflag:$0x1] =	stream.linear.gather [hbm4b:s19+s3], $0x80, $0x38;
	[tilespmem:$0x10680] =	vst v63  }
0x168: {  	s20 =	rddreg [dreg:$0x5];
	s29 =	sand.u32 $0x1FFFFFF0, s23;
	s30 =	spop (v2sf)  }
0x169: {  	[tilespmem:s31], [sflag:$0x1] =	stream.linear.gather [hbm4b:s28+s3], $0x80, $0x38;
	[tilespmem:$0x10680] =	vst v63  }
0x16a: {  	s1 =	sadd.s32 s4, s29;
	s2 =	sand.u32 $0x1FFFFFF0, s30;
	s7 =	spop (v2sf)  }
0x16b: {  	[tilespmem:s8], [sflag:$0x1] =	stream.linear.gather [hbm4b:s1+s3], $0x80, $0x38;
	[tilespmem:$0x10680] =	vst v63  }
0x16c: {  	s29 =	rddreg [dreg:$0x19];
	s9 =	sadd.s32 s4, s2;
	s19 =	spop (v2sf)  }
0x16d: {  	(v2sf) =	vpush v2, $0xD;
	[tilespmem:s20], [sflag:$0x1] =	stream.linear.gather [hbm4b:s9+s3], $0x80, $0x38;
	[tilespmem:$0x10680] =	vst v63  }
.Ltmp1:
0x16e: {  	(v2sf) =	vpush v1, $0xD;
	s14 =	sand.u32 $0x1FFFFFF0, s7;
	s26 =	sand.u32 $0x1FFFFFF0, s19;
	(pc) =	sbr.rel @p0 .LBB2_4-.Ltmp1, $4  }
0x16f: {  	(v2sf) =	vpush v2, $0xE;
	s23 =	sadd.s32 s4, s14;
	s30 =	sadd.s32 s4, s26;
	s28 =	spop (v2sf)  }
0x170: {  	(v2sf) =	vpush v1, $0xE;
	[tilespmem:s29], [sflag:$0x1] =	stream.linear.gather [hbm4b:s23+s3], $0x80, $0x38;
	[tilespmem:$0x10680] =	vst v63  }
0x171: {  	(v2sf) =	vpush v2, $0xF;
	s31 =	rddreg [dreg:$0x9];
	s0 =	sand.u32 $0x1FFFFFF0, s28;
	s1 =	spop (v2sf)  }
0x172: {  	(v2sf) =	vpush v1, $0xF;
	[tilespmem:s31], [sflag:$0x1] =	stream.linear.gather [hbm4b:s30+s3], $0x80, $0x38;
	[tilespmem:$0x10680] =	vst v63  }
0x173: {  	_ =	sdelay $0x4  }
0x174: {  	s0 =	sadd.s32 s4, s0;
	s1 =	sand.u32 $0x1FFFFFF0, s1  }
0x175: {  	[tilespmem:s25], [sflag:$0x1] =	stream.linear.gather [hbm4b:s0+s3], $0x80, $0x38;
	[tilespmem:$0x10680] =	vst v63  }
0x176: {  	s7 =	sadd.s32 s4, s1  }
0x177: {  	[tilespmem:s15], [sflag:$0x1] =	stream.linear.gather [hbm4b:s7+s3], $0x80, $0x38;
	[tilespmem:$0x10680] =	vst v63  }
0x178: {  	s2 =	spop (v2sf)  }
0x179: {  	s8 =	sand.u32 $0x1FFFFFF0, s2;
	s9 =	spop (v2sf)  }
0x17a: {  	s14 =	sadd.s32 s4, s8;
	s15 =	sand.u32 $0x1FFFFFF0, s9;
	s17 =	spop (v2sf)  }
0x17b: {  	[tilespmem:s18], [sflag:$0x1] =	stream.linear.gather [hbm4b:s14+s3], $0x80, $0x38;
	[tilespmem:$0x10680] =	vst v63  }
0x17c: {  	s18 =	sadd.s32 s4, s15;
	s19 =	sand.u32 $0x1FFFFFF0, s17;
	s20 =	spop (v2sf)  }
0x17d: {  	[tilespmem:s11], [sflag:$0x1] =	stream.linear.gather [hbm4b:s18+s3], $0x80, $0x38;
	[tilespmem:$0x10680] =	vst v63  }
0x17e: {  	s21 =	sadd.s32 s4, s19;
	s22 =	sand.u32 $0x1FFFFFF0, s20;
	s23 =	spop (v2sf)  }
0x17f: {  	[tilespmem:s24], [sflag:$0x1] =	stream.linear.gather [hbm4b:s21+s3], $0x80, $0x38;
	[tilespmem:$0x10680] =	vst v63  }
0x180: {  	s25 =	sand.u32 $0x1FFFFFF0, s23;
	s26 =	spop (v2sf);
	s24 =	sadd.s32 s4, s22  }
0x181: {  	[tilespmem:s6], [sflag:$0x1] =	stream.linear.gather [hbm4b:s24+s3], $0x80, $0x38;
	[tilespmem:$0x10680] =	vst v63  }
0x182: {  	s28 =	sadd.s32 $0x4B80, s16;
	s1 =	sadd.s32 s4, s25;
	s2 =	sand.u32 $0x1FFFFFF0, s26  }
0x183: {  	[tilespmem:s28], [sflag:$0x1] =	stream.linear.gather [hbm4b:s1+s3], $0x80, $0x38;
	[tilespmem:$0x10680] =	vst v63  }
0x184: {  	s29 =	sadd.s32 $0xCB80, s16;
	s31 =	simm.s32 $0x1;
	s30 =	sadd.s32 s4, s2  }
0x185: {  	[tilespmem:s29], [sflag:$0x1] =	stream.linear.gather [hbm4b:s30+s3], $0x80, $0x38;
	[tilespmem:$0x10680] =	vst v63  }
0x186: {  	_ =	swait.ge [sflag:s31], $0x4000  }
0x187: {  	[sflag:s31] =	ssyncset.done $0x0  }
0x188: {  	[sflag:s31] =	ssyncadd.s32 $0xFFFFC000  }
0x189: {  	_ =	swait.ge [sflag:s31], $0x4000  }
0x18a: {  	[sflag:s31] =	ssyncset.done $0x0  }
0x18b: {  	s0 =	simm.s32 $0x0;
	s1 =	simm.s32 $0x0;
	[sflag:s31] =	ssyncadd.s32 $0xFFFFC000  }
.LBB2_6:
0x18c: {  	s2 =	sshll.u32 s1, $0x4  }
0x18d: {  	v1 =	vmov s2  }
0x18e: {  	v1 =	vshll.u32 v1, $0x7  }
0x18f: {  	v1 =	vor.u32 v0, v1  }
0x190: {  	v2 =	vadd.s32 s0, v1;
	_ =	sdelay $0x2  }
0x191: {  	v3 =	vmov s0;
	_ =	sdelay $0x1  }
0x192: {  	s5 =	simm.s32 $0x1;
	v4 =	vld.idx.msk [tilespmem:v2+s12+$0x0], $0xffff  }
0x193: {  	v6 =	vadd.s32 s5, v1;
	v5 =	vld.idx.msk [tilespmem:v2+s13+$0x0], $0xffff;
	_ =	sdelay $0x1  }
0x194: {  	v3 =	vld.idx.msk [tilespmem:v3+s10+$0x0], $0xffff  }
0x195: {  	v7 =	vmov s5  }
0x196: {  	s6 =	simm.s32 $0x2  }
0x197: {  	v2 =	vadd.s32 s6, v1;
	v9 =	vld.idx.msk [tilespmem:v6+s12+$0x0], $0xffff;
	v5 =	vsub.f32 v4, v5  }
0x198: {  	v4 =	vld.idx.msk [tilespmem:v6+s13+$0x0], $0xffff  }
0x199: {  	v6 =	vadd.f32 v3, v5  }
0x19a: {  	v5 =	vld.idx.msk [tilespmem:v7+s10+$0x0], $0xffff;
	v7 =	vmov s6  }
0x19b: {  	v8 =	vmul.f32 v6, v6  }
0x19c: {  	s5 =	simm.s32 $0x3;
	v3 =	vimm.f32 $0.0e+00;
	v6 =	vld.idx.msk [tilespmem:v2+s12+$0x0], $0xffff  }
.LBB2_7:
0x19d: {  	v9 =	vsub.f32 v9, v4;
	v4 =	vld.idx.msk [tilespmem:v2+s13+$0x0], $0xffff;
	v2 =	vadd.s32 s5, v1;
	v3 =	vadd.f32 v8, v3;
	s6 =	smov.u32 s5;
	p0 =	sne.s32 s5, $0x3F  }
.Ltmp2:
0x19e: {  	s5 =	sadd.s32 $0x1, s5;
	(pc) =	sbr.rel @p0 .LBB2_7-.Ltmp2, $4  }
0x19f: {  	v8 =	vadd.f32 v5, v9;
	v5 =	vld.idx.msk [tilespmem:v7+s10+$0x0], $0xffff  }
0x1a0: {  	v7 =	vmov s6  }
0x1a1: {  	v8 =	vmul.f32 v8, v8  }
0x1a2: {  	v9 =	vmov v6;
	v6 =	vld.idx.msk [tilespmem:v2+s12+$0x0], $0xffff  }
0x1a3: {  	_ =	sdelay $0x3  }
0x1a4: {  	v1 =	vld.idx.msk [tilespmem:v2+s13+$0x0], $0xffff;
	_ =	sdelay $0x1  }
0x1a5: {  	v2 =	vld.idx.msk [tilespmem:v7+s10+$0x0], $0xffff  }
0x1a6: {  	v4 =	vsub.f32 v9, v4;
	_ =	sdelay $0x1  }
0x1a7: {  	v4 =	vadd.f32 v5, v4;
	v1 =	vsub.f32 v6, v1;
	_ =	sdelay $0x1  }
0x1a8: {  	v3 =	vadd.f32 v8, v3;
	v4 =	vmul.f32 v4, v4;
	v1 =	vadd.f32 v2, v1;
	_ =	sdelay $0x1  }
0x1a9: {  	v2 =	vadd.f32 v4, v3;
	v1 =	vmul.f32 v1, v1;
	_ =	sdelay $0x1  }
0x1aa: {  	v1 =	vadd.f32 v1, v2;
	_ =	sdelay $0x1  }
0x1ab: {  	v2 =	vshra.s32 v1, $0x1  }
0x1ac: {  	v2 =	vadd.s32 $0x1FBD1DF5, v2  }
0x1ad: {  	(erf) = vrcp.f32 v2;
	_ =	sdelay $0x8  }
0x1ae: {  	v3 =	vpop (erf)  }
0x1af: {  	v3 =	vmul.f32 v3, v1;
	_ =	sdelay $0x1  }
0x1b0: {  	v2 =	vadd.f32 v2, v3;
	_ =	sdelay $0x1  }
0x1b1: {  	v2 =	vmul.f32 $5.000000000e-01, v2;
	_ =	sdelay $0x1  }
0x1b2: {  	(erf) = vrcp.f32 v2;
	_ =	sdelay $0x8  }
0x1b3: {  	v3 =	vpop (erf)  }
0x1b4: {  	v3 =	vmul.f32 v3, v1;
	_ =	sdelay $0x1  }
0x1b5: {  	v2 =	vadd.f32 v3, v2;
	_ =	sdelay $0x1  }
0x1b6: {  	v2 =	vmul.f32 $5.000000000e-01, v2;
	_ =	sdelay $0x1  }
0x1b7: {  	(erf) = vrcp.f32 v2;
	_ =	sdelay $0x8  }
0x1b8: {  	v3 =	vpop (erf)  }
0x1b9: {  	v1 =	vmul.f32 v3, v1;
	_ =	sdelay $0x1  }
0x1ba: {  	v1 =	vadd.f32 v1, v2;
	_ =	sdelay $0x1  }
0x1bb: {  	v1 =	vmul.f32 $5.000000000e-01, v1;
	_ =	sdelay $0x1  }
0x1bc: {  	v1 =	vmul.f32 $1.442695020e+00, v1;
	_ =	sdelay $0x1  }
0x1bd: {  	(erf) = vpow2.f32 v1;
	_ =	sdelay $0x8  }
0x1be: {  	v1 =	vpop (erf)  }
0x1bf: {  	v1 =	vadd.f32 $1.000000000e+00, v1;
	_ =	sdelay $0x1  }
0x1c0: {  	(erf) = vrcp.f32 v1;
	_ =	sdelay $0x3  }
0x1c1: {  	s1 =	sadd.s32 $0x1, s1  }
0x1c2: {  	p0 =	sne.s32 s1, $0x8  }
.Ltmp3:
0x1c3: {  	_ = 	snop;
	(pc) =	sbr.rel @p0 .LBB2_6-.Ltmp3, $3  }
0x1c4: {  	_ =	sdelay $0x1  }
0x1c5: {  	v1 =	vpop (erf)  }
0x1c6: {  	[tilespmem:s2+$0x10480] =	vst v1  }
0x1c7: {  	s0 =	simm.s32 $0x100  }
0x1c8: {  	s9 =	simm.s32 $0x300;
	v1 =	vld [tilespmem:s0+$0x0]  }
0x1c9: {  	v3 =	vld [tilespmem:s9+$0x0];
	_ =	sdelay $0x3  }
0x1ca: {  	v2 =	vshll.u32 v1, $0x4  }
0x1cb: {  	v1 =	vshll.u32 v3, $0x4;
	(v2sf) =	vpush v2, $0x0  }
0x1cc: {  	(v2sf) =	vpush v1, $0x0  }
0x1cd: {  	(v2sf) =	vpush v2, $0x1;
	_ =	sdelay $0x2  }
0x1ce: {  	(v2sf) =	vpush v1, $0x1;
	_ =	sdelay $0x1  }
0x1cf: {  	(v2sf) =	vpush v2, $0x2;
	_ =	sdelay $0x1  }
0x1d0: {  	(v2sf) =	vpush v1, $0x2;
	_ =	sdelay $0x1  }
0x1d1: {  	s17 =	simm.s32 $0x2000;
	(v2sf) =	vpush v2, $0x3  }
0x1d2: {  	s16 =	simm.s32 $0x0;
	s2 =	simm.s32 $0x8400;
	s5 =	simm.s32 $0x680  }
0x1d3: {  	s1 =	simm.s32 $0x880;
	s6 =	simm.s32 $0x400;
	s8 =	simm.s32 $0x600  }
0x1d4: {  	s15 =	simm.s32 $0x480;
	s20 =	simm.s32 $0x8480;
	s22 =	simm.s32 $0x500  }
0x1d5: {  	s25 =	simm.s32 $0x8500;
	s30 =	simm.s32 $0x8600;
	s7 =	spop (v2sf);
	(v2sf) =	vpush v1, $0x3  }
0x1d6: {  	s0 =	simm.s32 $0x8900;
	s7 =	sand.u32 $0x1FFFFFF0, s7;
	s11 =	spop (v2sf)  }
0x1d7: {  	(v2sf) =	vpush v2, $0x4;
	s7 =	sadd.s32 s4, s7;
	s11 =	sand.u32 $0x1FFFFFF0, s11;
	s14 =	spop (v2sf)  }
0x1d8: {  	(v2sf) =	vpush v1, $0x4;
	[tilespmem:s6], [sflag:$0x1] =	stream.linear.gather [hbm4b:s7+s3], $0x80, $0x38;
	[tilespmem:$0x10680] =	vst v63  }
0x1d9: {  	s9 =	simm.s32 $0x580;
	s7 =	sadd.s32 s4, s11;
	s11 =	sand.u32 $0x1FFFFFF0, s14  }
0x1da: {  	s6 =	simm.s32 $0x8580;
	s14 =	spop (v2sf);
	(v2sf) =	vpush v2, $0x5;
	s18 =	sadd.s32 s4, s11  }
0x1db: {  	(v2sf) =	vpush v1, $0x5;
	[tilespmem:s2], [sflag:$0x1] =	stream.linear.gather [hbm4b:s7+s3], $0x80, $0x38;
	[tilespmem:$0x10680] =	vst v63  }
0x1dc: {  	s19 =	sand.u32 $0x1FFFFFF0, s14;
	s21 =	spop (v2sf);
	s14 =	simm.s32 $0x780  }
0x1dd: {  	(v2sf) =	vpush v2, $0x6;
	[tilespmem:s15], [sflag:$0x1] =	stream.linear.gather [hbm4b:s18+s3], $0x80, $0x38;
	[tilespmem:$0x10680] =	vst v63  }
0x1de: {  	s11 =	sadd.s32 s4, s19;
	s7 =	sand.u32 $0x1FFFFFF0, s21;
	s23 =	spop (v2sf)  }
0x1df: {  	[tilespmem:s20], [sflag:$0x1] =	stream.linear.gather [hbm4b:s11+s3], $0x80, $0x38;
	[tilespmem:$0x10680] =	vst v63  }
0x1e0: {  	s7 =	sadd.s32 s4, s7;
	s24 =	spop (v2sf);
	s11 =	sand.u32 $0x1FFFFFF0, s23  }
0x1e1: {  	(v2sf) =	vpush v1, $0x6;
	[tilespmem:s22], [sflag:$0x1] =	stream.linear.gather [hbm4b:s7+s3], $0x80, $0x38;
	[tilespmem:$0x10680] =	vst v63  }
0x1e2: {  	s28 =	sand.u32 $0x1FFFFFF0, s24;
	s15 =	simm.s32 $0x8A00;
	s26 =	sadd.s32 s4, s11  }
0x1e3: {  	[tilespmem:s25], [sflag:$0x1] =	stream.linear.gather [hbm4b:s26+s3], $0x80, $0x38;
	[tilespmem:$0x10680] =	vst v63  }
0x1e4: {  	s18 =	simm.s32 $0xA80;
	s11 =	sadd.s32 s4, s28;
	s29 =	spop (v2sf)  }
0x1e5: {  	(v2sf) =	vpush v2, $0x7;
	[tilespmem:s9], [sflag:$0x1] =	stream.linear.gather [hbm4b:s11+s3], $0x80, $0x38;
	[tilespmem:$0x10680] =	vst v63  }
0x1e6: {  	s20 =	simm.s32 $0x8680;
	s7 =	sand.u32 $0x1FFFFFF0, s29;
	s31 =	spop (v2sf)  }
0x1e7: {  	s22 =	simm.s32 $0x700;
	(v2sf) =	vpush v1, $0x7;
	s7 =	sadd.s32 s4, s7;
	s2 =	spop (v2sf)  }
0x1e8: {  	(v2sf) =	vpush v2, $0x8;
	[tilespmem:s6], [sflag:$0x1] =	stream.linear.gather [hbm4b:s7+s3], $0x80, $0x38;
	[tilespmem:$0x10680] =	vst v63  }
0x1e9: {  	s11 =	sand.u32 $0x1FFFFFF0, s31;
	s19 =	sand.u32 $0x1FFFFFF0, s2;
	s21 =	spop (v2sf)  }
0x1ea: {  	s11 =	sadd.s32 s4, s11;
	(v2sf) =	vpush v1, $0x8;
	s7 =	sadd.s32 s4, s19;
	s23 =	spop (v2sf)  }
0x1eb: {  	(v2sf) =	vpush v2, $0x9;
	[tilespmem:s8], [sflag:$0x1] =	stream.linear.gather [hbm4b:s11+s3], $0x80, $0x38;
	[tilespmem:$0x10680] =	vst v63  }
0x1ec: {  	s8 =	sand.u32 $0x1FFFFFF0, s21;
	s9 =	sand.u32 $0x1FFFFFF0, s23;
	s24 =	spop (v2sf)  }
0x1ed: {  	(v2sf) =	vpush v1, $0x9;
	[tilespmem:s30], [sflag:$0x1] =	stream.linear.gather [hbm4b:s7+s3], $0x80, $0x38;
	[tilespmem:$0x10680] =	vst v63  }
0x1ee: {  	s11 =	simm.s32 $0x8A80;
	s21 =	simm.s32 $0x8780;
	s8 =	sadd.s32 s4, s8;
	(v2sf) =	vpush v2, $0xA  }
0x1ef: {  	[tilespmem:s5], [sflag:$0x1] =	stream.linear.gather [hbm4b:s8+s3], $0x80, $0x38;
	[tilespmem:$0x10680] =	vst v63  }
0x1f0: {  	s25 =	sadd.s32 s4, s9;
	s26 =	sand.u32 $0x1FFFFFF0, s24;
	s28 =	spop (v2sf);
	(v2sf) =	vpush v1, $0xA  }
0x1f1: {  	[tilespmem:s20], [sflag:$0x1] =	stream.linear.gather [hbm4b:s25+s3], $0x80, $0x38;
	[tilespmem:$0x10680] =	vst v63  }
0x1f2: {  	s23 =	simm.s32 $0x800;
	s29 =	sadd.s32 s4, s26;
	s6 =	sand.u32 $0x1FFFFFF0, s28  }
0x1f3: {  	[tilespmem:s22], [sflag:$0x1] =	stream.linear.gather [hbm4b:s29+s3], $0x80, $0x38;
	[tilespmem:$0x10680] =	vst v63  }
0x1f4: {  	s30 =	simm.s32 $0x8700;
	s6 =	sadd.s32 s4, s6;
	s31 =	spop (v2sf)  }
0x1f5: {  	[tilespmem:s30], [sflag:$0x1] =	stream.linear.gather [hbm4b:s6+s3], $0x80, $0x38;
	[tilespmem:$0x10680] =	vst v63  }
0x1f6: {  	s26 =	simm.s32 $0x8800;
	(v2sf) =	vpush v2, $0xB;
	s8 =	sand.u32 $0x1FFFFFF0, s31;
	s2 =	spop (v2sf)  }
0x1f7: {  	s5 =	simm.s32 $0x8980;
	s19 =	sadd.s32 s4, s8;
	s22 =	spop (v2sf)  }
0x1f8: {  	(v2sf) =	vpush v1, $0xB;
	[tilespmem:s14], [sflag:$0x1] =	stream.linear.gather [hbm4b:s19+s3], $0x80, $0x38;
	[tilespmem:$0x10680] =	vst v63  }
0x1f9: {  	s30 =	simm.s32 $0x8880;
	s20 =	sand.u32 $0x1FFFFFF0, s2;
	s24 =	spop (v2sf)  }
0x1fa: {  	s6 =	simm.s32 $0x8B00;
	s8 =	sadd.s32 s4, s20;
	s25 =	spop (v2sf)  }
0x1fb: {  	(v2sf) =	vpush v2, $0xC;
	[tilespmem:s21], [sflag:$0x1] =	stream.linear.gather [hbm4b:s8+s3], $0x80, $0x38;
	[tilespmem:$0x10680] =	vst v63  }
0x1fc: {  	s2 =	simm.s32 $0x900;
	s7 =	sand.u32 $0x1FFFFFF0, s22;
	s31 =	spop (v2sf)  }
0x1fd: {  	s7 =	sadd.s32 s4, s7;
	(v2sf) =	vpush v1, $0xC;
	s8 =	sand.u32 $0x1FFFFFF0, s24;
	s14 =	spop (v2sf)  }
0x1fe: {  	[tilespmem:s23], [sflag:$0x1] =	stream.linear.gather [hbm4b:s7+s3], $0x80, $0x38;
	[tilespmem:$0x10680] =	vst v63  }
0x1ff: {  	s29 =	sand.u32 $0x1FFFFFF0, s25;
	s28 =	sadd.s32 s4, s8;
	s19 =	spop (v2sf)  }
0x200: {  	[tilespmem:s26], [sflag:$0x1] =	stream.linear.gather [hbm4b:s28+s3], $0x80, $0x38;
	[tilespmem:$0x10680] =	vst v63  }
0x201: {  	s8 =	sadd.s32 s4, s29;
	s7 =	sand.u32 $0x1FFFFFF0, s31;
	s21 =	sand.u32 $0x1FFFFFF0, s19  }
0x202: {  	[tilespmem:s1], [sflag:$0x1] =	stream.linear.gather [hbm4b:s8+s3], $0x80, $0x38;
	[tilespmem:$0x10680] =	vst v63  }
0x203: {  	s7 =	sadd.s32 s4, s7;
	s23 =	sadd.s32 s4, s21;
	s8 =	sand.u32 $0x1FFFFFF0, s14  }
0x204: {  	[tilespmem:s30], [sflag:$0x1] =	stream.linear.gather [hbm4b:s7+s3], $0x80, $0x38;
	[tilespmem:$0x10680] =	vst v63  }
0x205: {  	s26 =	simm.s32 $0x980;
	s20 =	sadd.s32 s4, s8;
	s22 =	spop (v2sf)  }
0x206: {  	[tilespmem:s2], [sflag:$0x1] =	stream.linear.gather [hbm4b:s20+s3], $0x80, $0x38;
	[tilespmem:$0x10680] =	vst v63  }
0x207: {  	s21 =	simm.s32 $0x310;
	s24 =	sand.u32 $0x1FFFFFF0, s22;
	s25 =	spop (v2sf)  }
0x208: {  	(v2sf) =	vpush v2, $0xD;
	[tilespmem:s0], [sflag:$0x1] =	stream.linear.gather [hbm4b:s23+s3], $0x80, $0x38;
	[tilespmem:$0x10680] =	vst v63  }
0x209: {  	(v2sf) =	vpush v1, $0xD;
	s22 =	simm.s32 $0x110;
	s28 =	sadd.s32 s4, s24;
	s29 =	sand.u32 $0x1FFFFFF0, s25  }
0x20a: {  	s25 =	simm.s32 $0xA00;
	(v2sf) =	vpush v2, $0xE;
	s24 =	simm.s32 $0xB00;
	s31 =	spop (v2sf)  }
0x20b: {  	(v2sf) =	vpush v1, $0xE;
	[tilespmem:s26], [sflag:$0x1] =	stream.linear.gather [hbm4b:s28+s3], $0x80, $0x38;
	[tilespmem:$0x10680] =	vst v63  }
0x20c: {  	s30 =	sadd.s32 s4, s29;
	(v2sf) =	vpush v2, $0xF;
	s0 =	sand.u32 $0x1FFFFFF0, s31;
	s1 =	spop (v2sf)  }
0x20d: {  	(v2sf) =	vpush v1, $0xF;
	[tilespmem:s5], [sflag:$0x1] =	stream.linear.gather [hbm4b:s30+s3], $0x80, $0x38;
	[tilespmem:$0x10680] =	vst v63  }
.LBB2_10:
0x20e: {  	_ =	sdelay $0x4  }
0x20f: {  	s0 =	sadd.s32 s4, s0;
	s1 =	sand.u32 $0x1FFFFFF0, s1  }
0x210: {  	[tilespmem:s25], [sflag:$0x1] =	stream.linear.gather [hbm4b:s0+s3], $0x80, $0x38;
	[tilespmem:$0x10680] =	vst v63  }
0x211: {  	s7 =	sadd.s32 s4, s1  }
0x212: {  	[tilespmem:s15], [sflag:$0x1] =	stream.linear.gather [hbm4b:s7+s3], $0x80, $0x38;
	[tilespmem:$0x10680] =	vst v63  }
0x213: {  	s5 =	spop (v2sf)  }
0x214: {  	s8 =	sand.u32 $0x1FFFFFF0, s5;
	s9 =	spop (v2sf)  }
0x215: {  	s14 =	sadd.s32 s4, s8;
	s15 =	sand.u32 $0x1FFFFFF0, s9;
	s2 =	spop (v2sf)  }
0x216: {  	[tilespmem:s18], [sflag:$0x1] =	stream.linear.gather [hbm4b:s14+s3], $0x80, $0x38;
	[tilespmem:$0x10680] =	vst v63  }
0x217: {  	s18 =	sadd.s32 s4, s15;
	s19 =	sand.u32 $0x1FFFFFF0, s2;
	s20 =	spop (v2sf)  }
0x218: {  	[tilespmem:s11], [sflag:$0x1] =	stream.linear.gather [hbm4b:s18+s3], $0x80, $0x38;
	[tilespmem:$0x10680] =	vst v63  }
0x219: {  	s23 =	sadd.s32 s4, s19;
	s25 =	sand.u32 $0x1FFFFFF0, s20;
	s26 =	spop (v2sf)  }
0x21a: {  	[tilespmem:s24], [sflag:$0x1] =	stream.linear.gather [hbm4b:s23+s3], $0x80, $0x38;
	[tilespmem:$0x10680] =	vst v63  }
0x21b: {  	s28 =	sadd.s32 s4, s25;
	s29 =	sand.u32 $0x1FFFFFF0, s26;
	s30 =	spop (v2sf)  }
0x21c: {  	[tilespmem:s6], [sflag:$0x1] =	stream.linear.gather [hbm4b:s28+s3], $0x80, $0x38;
	[tilespmem:$0x10680] =	vst v63  }
0x21d: {  	s31 =	sadd.s32 $0xB80, s16;
	s1 =	sadd.s32 s4, s29;
	s2 =	sand.u32 $0x1FFFFFF0, s30  }
0x21e: {  	[tilespmem:s31], [sflag:$0x1] =	stream.linear.gather [hbm4b:s1+s3], $0x80, $0x38;
	[tilespmem:$0x10680] =	vst v63  }
0x21f: {  	s2 =	sadd.s32 s4, s2;
	s1 =	sadd.s32 $0x8B80, s16  }
0x220: {  	[tilespmem:s1], [sflag:$0x1] =	stream.linear.gather [hbm4b:s2+s3], $0x80, $0x38;
	[tilespmem:$0x10680] =	vst v63  }
0x221: {  	v1 =	vld [tilespmem:s22+$0x0]  }
0x222: {  	v3 =	vld [tilespmem:s21+$0x0];
	_ =	sdelay $0x3  }
0x223: {  	s5 =	smov.u32 s17;
	v2 =	vshll.u32 v1, $0x4  }
0x224: {  	s16 =	sshra.s32 s5, $0x2;
	v1 =	vshll.u32 v3, $0x4;
	(v2sf) =	vpush v2, $0x0  }
0x225: {  	p0 =	sne.s32 s17, $0xE000;
	s17 =	sadd.s32 $0x2000, s17;
	s30 =	sadd.s32 $0x8400, s16;
	(v2sf) =	vpush v1, $0x0  }
0x226: {  	s0 =	sadd.s32 $0x680, s16;
	s6 =	sadd.s32 $0x880, s16;
	s11 =	sadd.s32 $0x600, s16;
	(v2sf) =	vpush v2, $0x1  }
0x227: {  	s7 =	sadd.s32 $0x8900, s16;
	s18 =	sadd.s32 $0x580, s16;
	s29 =	sadd.s32 $0x500, s16  }
0x228: {  	s31 =	sadd.s32 $0x8600, s16;
	s26 =	sadd.s32 $0x8480, s16;
	s28 =	sadd.s32 $0x8500, s16;
	(v2sf) =	vpush v1, $0x1  }
0x229: {  	s15 =	sadd.s32 $0x8680, s16;
	s9 =	sadd.s32 $0x700, s16;
	[smem:$0x7EC] =	sst s0  }
0x22a: {  	s8 =	sadd.s32 $0x8980, s16;
	s5 =	sadd.s32 $0x8A80, s16;
	[dreg:$0xe] =	wrdreg s6;
	(v2sf) =	vpush v2, $0x2  }
0x22b: {  	s14 =	sadd.s32 $0x8880, s16;
	s19 =	sadd.s32 $0x900, s16;
	[dreg:$0x6] =	wrdreg s7  }
0x22c: {  	s20 =	sadd.s32 $0x780, s16;
	s23 =	sadd.s32 $0x8800, s16;
	[dreg:$0xa] =	wrdreg s8;
	(v2sf) =	vpush v1, $0x2  }
0x22d: {  	s25 =	sadd.s32 $0xA00, s16;
	s24 =	sadd.s32 $0x8780, s16;
	[dreg:$0x16] =	wrdreg s14  }
0x22e: {  	s2 =	sadd.s32 $0x400, s16;
	s0 =	sadd.s32 $0x8580, s16;
	[dreg:$0x12] =	wrdreg s19;
	(v2sf) =	vpush v2, $0x3  }
0x22f: {  	s7 =	sadd.s32 $0x8A00, s16;
	s1 =	sadd.s32 $0xA80, s16;
	[smem:$0x7ED] =	sst s20  }
0x230: {  	s8 =	sadd.s32 $0x8700, s16;
	[dreg:$0x1e] =	wrdreg s23;
	s19 =	sadd.s32 $0x480, s16;
	(v2sf) =	vpush v1, $0x3  }
0x231: {  	[smem:$0x7EE] =	sst s24;
	s14 =	sadd.s32 $0x800, s16;
	s24 =	sadd.s32 $0xB00, s16  }
0x232: {  	s6 =	sadd.s32 $0x8B00, s16;
	[smem:$0x7EF] =	sst s14;
	s21 =	sadd.s32 $0x10, s21;
	(v2sf) =	vpush v2, $0x4  }
0x233: {  	s22 =	sadd.s32 $0x10, s22;
	s14 =	sadd.s32 $0x980, s16;
	s20 =	spop (v2sf)  }
0x234: {  	[dreg:$0x1a] =	wrdreg s14;
	s20 =	sand.u32 $0x1FFFFFF0, s20;
	s23 =	spop (v2sf);
	(v2sf) =	vpush v1, $0x4  }
0x235: {  	s20 =	sadd.s32 s4, s20;
	s23 =	sand.u32 $0x1FFFFFF0, s23;
	s14 =	spop (v2sf)  }
0x236: {  	(v2sf) =	vpush v2, $0x5;
	[tilespmem:s2], [sflag:$0x1] =	stream.linear.gather [hbm4b:s20+s3], $0x80, $0x38;
	[tilespmem:$0x10680] =	vst v63  }
0x237: {  	s20 =	sadd.s32 s4, s23;
	s14 =	sand.u32 $0x1FFFFFF0, s14;
	s23 =	spop (v2sf)  }
0x238: {  	(v2sf) =	vpush v1, $0x5;
	[tilespmem:s30], [sflag:$0x1] =	stream.linear.gather [hbm4b:s20+s3], $0x80, $0x38;
	[tilespmem:$0x10680] =	vst v63  }
0x239: {  	s14 =	sadd.s32 s4, s14;
	s23 =	sand.u32 $0x1FFFFFF0, s23;
	s30 =	spop (v2sf)  }
0x23a: {  	(v2sf) =	vpush v2, $0x6;
	[tilespmem:s19], [sflag:$0x1] =	stream.linear.gather [hbm4b:s14+s3], $0x80, $0x38;
	[tilespmem:$0x10680] =	vst v63  }
0x23b: {  	s19 =	sadd.s32 s4, s23;
	s23 =	sand.u32 $0x1FFFFFF0, s30;
	s30 =	spop (v2sf)  }
0x23c: {  	[tilespmem:s26], [sflag:$0x1] =	stream.linear.gather [hbm4b:s19+s3], $0x80, $0x38;
	[tilespmem:$0x10680] =	vst v63  }
0x23d: {  	(v2sf) =	vpush v1, $0x6;
	s14 =	sadd.s32 s4, s23;
	s20 =	sand.u32 $0x1FFFFFF0, s30;
	s23 =	spop (v2sf)  }
0x23e: {  	(v2sf) =	vpush v2, $0x7;
	[tilespmem:s29], [sflag:$0x1] =	stream.linear.gather [hbm4b:s14+s3], $0x80, $0x38;
	[tilespmem:$0x10680] =	vst v63  }
0x23f: {  	s26 =	sadd.s32 s4, s20;
	s30 =	spop (v2sf);
	s29 =	sand.u32 $0x1FFFFFF0, s23  }
0x240: {  	(v2sf) =	vpush v1, $0x7;
	[tilespmem:s28], [sflag:$0x1] =	stream.linear.gather [hbm4b:s26+s3], $0x80, $0x38;
	[tilespmem:$0x10680] =	vst v63  }
0x241: {  	s23 =	sand.u32 $0x1FFFFFF0, s30;
	s20 =	sadd.s32 s4, s29;
	s26 =	spop (v2sf)  }
0x242: {  	[tilespmem:s18], [sflag:$0x1] =	stream.linear.gather [hbm4b:s20+s3], $0x80, $0x38;
	[tilespmem:$0x10680] =	vst v63  }
0x243: {  	s28 =	sadd.s32 s4, s23;
	s29 =	sand.u32 $0x1FFFFFF0, s26;
	s30 =	spop (v2sf)  }
0x244: {  	(v2sf) =	vpush v2, $0x8;
	[tilespmem:s0], [sflag:$0x1] =	stream.linear.gather [hbm4b:s28+s3], $0x80, $0x38;
	[tilespmem:$0x10680] =	vst v63  }
0x245: {  	s14 =	sadd.s32 s4, s29;
	s19 =	sand.u32 $0x1FFFFFF0, s30;
	s20 =	spop (v2sf)  }
0x246: {  	(v2sf) =	vpush v1, $0x8;
	[tilespmem:s11], [sflag:$0x1] =	stream.linear.gather [hbm4b:s14+s3], $0x80, $0x38;
	[tilespmem:$0x10680] =	vst v63  }
0x247: {  	s23 =	sadd.s32 s4, s19;
	s28 =	spop (v2sf);
	s14 =	sld [smem:$0x7EC]  }
0x248: {  	[tilespmem:s31], [sflag:$0x1] =	stream.linear.gather [hbm4b:s23+s3], $0x80, $0x38;
	[tilespmem:$0x10680] =	vst v63  }
0x249: {  	s18 =	smov.u32 s1;
	(v2sf) =	vpush v2, $0x9;
	s26 =	sand.u32 $0x1FFFFFF0, s20;
	s31 =	spop (v2sf)  }
0x24a: {  	(v2sf) =	vpush v1, $0x9;
	s29 =	sadd.s32 s4, s26;
	s30 =	sand.u32 $0x1FFFFFF0, s28;
	s20 =	sand.u32 $0x1FFFFFF0, s31  }
0x24b: {  	[tilespmem:s14], [sflag:$0x1] =	stream.linear.gather [hbm4b:s29+s3], $0x80, $0x38;
	[tilespmem:$0x10680] =	vst v63  }
0x24c: {  	s19 =	sadd.s32 s4, s30;
	s23 =	spop (v2sf);
	s26 =	sadd.s32 s4, s20  }
0x24d: {  	s28 =	sand.u32 $0x1FFFFFF0, s23;
	s29 =	spop (v2sf);
	s14 =	sld [smem:$0x7ED]  }
0x24e: {  	(v2sf) =	vpush v2, $0xA;
	[tilespmem:s15], [sflag:$0x1] =	stream.linear.gather [hbm4b:s19+s3], $0x80, $0x38;
	[tilespmem:$0x10680] =	vst v63  }
0x24f: {  	s30 =	sadd.s32 s4, s28;
	s31 =	sand.u32 $0x1FFFFFF0, s29;
	s1 =	spop (v2sf)  }
0x250: {  	(v2sf) =	vpush v1, $0xA;
	[tilespmem:s9], [sflag:$0x1] =	stream.linear.gather [hbm4b:s26+s3], $0x80, $0x38;
	[tilespmem:$0x10680] =	vst v63  }
0x251: {  	s15 =	smov.u32 s7;
	s7 =	sadd.s32 s4, s31;
	s31 =	sld [smem:$0x7EF]  }
0x252: {  	(v2sf) =	vpush v2, $0xB;
	[tilespmem:s8], [sflag:$0x1] =	stream.linear.gather [hbm4b:s30+s3], $0x80, $0x38;
	[tilespmem:$0x10680] =	vst v63  }
0x253: {  	s11 =	smov.u32 s5;
	s26 =	sld [smem:$0x7EE];
	s9 =	spop (v2sf)  }
0x254: {  	(v2sf) =	vpush v1, $0xB;
	[tilespmem:s14], [sflag:$0x1] =	stream.linear.gather [hbm4b:s7+s3], $0x80, $0x38;
	[tilespmem:$0x10680] =	vst v63  }
0x255: {  	s8 =	sand.u32 $0x1FFFFFF0, s1;
	s20 =	sand.u32 $0x1FFFFFF0, s9;
	s23 =	spop (v2sf)  }
0x256: {  	s19 =	sadd.s32 s4, s8;
	s28 =	sadd.s32 s4, s20;
	s29 =	sand.u32 $0x1FFFFFF0, s23  }
0x257: {  	(v2sf) =	vpush v2, $0xC;
	[tilespmem:s26], [sflag:$0x1] =	stream.linear.gather [hbm4b:s19+s3], $0x80, $0x38;
	[tilespmem:$0x10680] =	vst v63  }
0x258: {  	s14 =	rddreg [dreg:$0x1e];
	s30 =	spop (v2sf);
	s7 =	sadd.s32 s4, s29  }
0x259: {  	(v2sf) =	vpush v1, $0xC;
	s8 =	sand.u32 $0x1FFFFFF0, s30;
	s9 =	spop (v2sf);
	s26 =	rddreg [dreg:$0xe]  }
0x25a: {  	[tilespmem:s31], [sflag:$0x1] =	stream.linear.gather [hbm4b:s28+s3], $0x80, $0x38;
	[tilespmem:$0x10680] =	vst v63  }
0x25b: {  	s19 =	sadd.s32 s4, s8;
	s20 =	sand.u32 $0x1FFFFFF0, s9;
	s8 =	rddreg [dreg:$0x12]  }
0x25c: {  	[tilespmem:s14], [sflag:$0x1] =	stream.linear.gather [hbm4b:s7+s3], $0x80, $0x38;
	[tilespmem:$0x10680] =	vst v63  }
0x25d: {  	s28 =	sadd.s32 s4, s20;
	s31 =	rddreg [dreg:$0x16];
	s23 =	spop (v2sf)  }
0x25e: {  	[tilespmem:s26], [sflag:$0x1] =	stream.linear.gather [hbm4b:s19+s3], $0x80, $0x38;
	[tilespmem:$0x10680] =	vst v63  }
0x25f: {  	s20 =	rddreg [dreg:$0x6];
	s29 =	sand.u32 $0x1FFFFFF0, s23;
	s30 =	spop (v2sf)  }
0x260: {  	[tilespmem:s31], [sflag:$0x1] =	stream.linear.gather [hbm4b:s28+s3], $0x80, $0x38;
	[tilespmem:$0x10680] =	vst v63  }
0x261: {  	s1 =	sadd.s32 s4, s29;
	s2 =	sand.u32 $0x1FFFFFF0, s30;
	s7 =	spop (v2sf)  }
0x262: {  	[tilespmem:s8], [sflag:$0x1] =	stream.linear.gather [hbm4b:s1+s3], $0x80, $0x38;
	[tilespmem:$0x10680] =	vst v63  }
0x263: {  	s29 =	rddreg [dreg:$0x1a];
	s9 =	sadd.s32 s4, s2;
	s19 =	spop (v2sf)  }
0x264: {  	(v2sf) =	vpush v2, $0xD;
	[tilespmem:s20], [sflag:$0x1] =	stream.linear.gather [hbm4b:s9+s3], $0x80, $0x38;
	[tilespmem:$0x10680] =	vst v63  }
.Ltmp4:
0x265: {  	(v2sf) =	vpush v1, $0xD;
	s14 =	sand.u32 $0x1FFFFFF0, s7;
	s26 =	sand.u32 $0x1FFFFFF0, s19;
	(pc) =	sbr.rel @p0 .LBB2_10-.Ltmp4, $4  }
0x266: {  	(v2sf) =	vpush v2, $0xE;
	s23 =	sadd.s32 s4, s14;
	s30 =	sadd.s32 s4, s26;
	s28 =	spop (v2sf)  }
0x267: {  	(v2sf) =	vpush v1, $0xE;
	[tilespmem:s29], [sflag:$0x1] =	stream.linear.gather [hbm4b:s23+s3], $0x80, $0x38;
	[tilespmem:$0x10680] =	vst v63  }
0x268: {  	(v2sf) =	vpush v2, $0xF;
	s31 =	rddreg [dreg:$0xa];
	s0 =	sand.u32 $0x1FFFFFF0, s28;
	s1 =	spop (v2sf)  }
0x269: {  	(v2sf) =	vpush v1, $0xF;
	[tilespmem:s31], [sflag:$0x1] =	stream.linear.gather [hbm4b:s30+s3], $0x80, $0x38;
	[tilespmem:$0x10680] =	vst v63  }
0x26a: {  	_ =	sdelay $0x4  }
0x26b: {  	s0 =	sadd.s32 s4, s0;
	s1 =	sand.u32 $0x1FFFFFF0, s1  }
0x26c: {  	[tilespmem:s25], [sflag:$0x1] =	stream.linear.gather [hbm4b:s0+s3], $0x80, $0x38;
	[tilespmem:$0x10680] =	vst v63  }
0x26d: {  	s7 =	sadd.s32 s4, s1  }
0x26e: {  	[tilespmem:s15], [sflag:$0x1] =	stream.linear.gather [hbm4b:s7+s3], $0x80, $0x38;
	[tilespmem:$0x10680] =	vst v63  }
0x26f: {  	s2 =	spop (v2sf)  }
0x270: {  	s8 =	sand.u32 $0x1FFFFFF0, s2;
	s9 =	spop (v2sf)  }
0x271: {  	s14 =	sadd.s32 s4, s8;
	s15 =	sand.u32 $0x1FFFFFF0, s9;
	s17 =	spop (v2sf)  }
0x272: {  	[tilespmem:s18], [sflag:$0x1] =	stream.linear.gather [hbm4b:s14+s3], $0x80, $0x38;
	[tilespmem:$0x10680] =	vst v63  }
0x273: {  	s18 =	sadd.s32 s4, s15;
	s19 =	sand.u32 $0x1FFFFFF0, s17;
	s20 =	spop (v2sf)  }
0x274: {  	[tilespmem:s11], [sflag:$0x1] =	stream.linear.gather [hbm4b:s18+s3], $0x80, $0x38;
	[tilespmem:$0x10680] =	vst v63  }
0x275: {  	s21 =	sadd.s32 s4, s19;
	s22 =	sand.u32 $0x1FFFFFF0, s20;
	s23 =	spop (v2sf)  }
0x276: {  	[tilespmem:s24], [sflag:$0x1] =	stream.linear.gather [hbm4b:s21+s3], $0x80, $0x38;
	[tilespmem:$0x10680] =	vst v63  }
0x277: {  	s25 =	sand.u32 $0x1FFFFFF0, s23;
	s26 =	spop (v2sf);
	s24 =	sadd.s32 s4, s22  }
0x278: {  	[tilespmem:s6], [sflag:$0x1] =	stream.linear.gather [hbm4b:s24+s3], $0x80, $0x38;
	[tilespmem:$0x10680] =	vst v63  }
0x279: {  	s28 =	sadd.s32 $0xB80, s16;
	s1 =	sadd.s32 s4, s25;
	s2 =	sand.u32 $0x1FFFFFF0, s26  }
0x27a: {  	[tilespmem:s28], [sflag:$0x1] =	stream.linear.gather [hbm4b:s1+s3], $0x80, $0x38;
	[tilespmem:$0x10680] =	vst v63  }
0x27b: {  	s29 =	sadd.s32 $0x8B80, s16;
	s31 =	simm.s32 $0x1;
	s30 =	sadd.s32 s4, s2  }
0x27c: {  	[tilespmem:s29], [sflag:$0x1] =	stream.linear.gather [hbm4b:s30+s3], $0x80, $0x38;
	[tilespmem:$0x10680] =	vst v63  }
0x27d: {  	_ =	swait.ge [sflag:s31], $0x4000  }
0x27e: {  	[sflag:s31] =	ssyncset.done $0x0  }
0x27f: {  	[sflag:s31] =	ssyncadd.s32 $0xFFFFC000  }
0x280: {  	_ =	swait.ge [sflag:s31], $0x4000  }
0x281: {  	[sflag:s31] =	ssyncset.done $0x0  }
0x282: {  	s0 =	simm.s32 $0x0;
	s1 =	simm.s32 $0x0;
	[sflag:s31] =	ssyncadd.s32 $0xFFFFC000  }
.LBB2_12:
0x283: {  	s2 =	sshll.u32 s1, $0x4  }
0x284: {  	v1 =	vmov s2  }
0x285: {  	v1 =	vshll.u32 v1, $0x7  }
0x286: {  	v1 =	vor.u32 v0, v1  }
0x287: {  	v1 =	vadd.s32 $0x4000, v1  }
0x288: {  	v2 =	vadd.s32 s0, v1;
	_ =	sdelay $0x2  }
0x289: {  	v3 =	vmov s0;
	_ =	sdelay $0x1  }
0x28a: {  	s5 =	simm.s32 $0x1;
	v4 =	vld.idx.msk [tilespmem:v2+s12+$0x0], $0xffff  }
0x28b: {  	v6 =	vadd.s32 s5, v1;
	v5 =	vld.idx.msk [tilespmem:v2+s13+$0x0], $0xffff;
	_ =	sdelay $0x1  }
0x28c: {  	v3 =	vld.idx.msk [tilespmem:v3+s10+$0x0], $0xffff  }
0x28d: {  	v7 =	vmov s5  }
0x28e: {  	s6 =	simm.s32 $0x2  }
0x28f: {  	v2 =	vadd.s32 s6, v1;
	v9 =	vld.idx.msk [tilespmem:v6+s12+$0x0], $0xffff;
	v5 =	vsub.f32 v4, v5  }
0x290: {  	v4 =	vld.idx.msk [tilespmem:v6+s13+$0x0], $0xffff  }
0x291: {  	v6 =	vadd.f32 v3, v5  }
0x292: {  	v5 =	vld.idx.msk [tilespmem:v7+s10+$0x0], $0xffff;
	v7 =	vmov s6  }
0x293: {  	v8 =	vmul.f32 v6, v6  }
0x294: {  	s5 =	simm.s32 $0x3;
	v3 =	vimm.f32 $0.0e+00;
	v6 =	vld.idx.msk [tilespmem:v2+s12+$0x0], $0xffff  }
.LBB2_13:
0x295: {  	v9 =	vsub.f32 v9, v4;
	v4 =	vld.idx.msk [tilespmem:v2+s13+$0x0], $0xffff;
	v2 =	vadd.s32 s5, v1;
	v3 =	vadd.f32 v8, v3;
	s6 =	smov.u32 s5;
	p0 =	sne.s32 s5, $0x3F  }
.Ltmp5:
0x296: {  	s5 =	sadd.s32 $0x1, s5;
	(pc) =	sbr.rel @p0 .LBB2_13-.Ltmp5, $4  }
0x297: {  	v8 =	vadd.f32 v5, v9;
	v5 =	vld.idx.msk [tilespmem:v7+s10+$0x0], $0xffff  }
0x298: {  	v7 =	vmov s6  }
0x299: {  	v8 =	vmul.f32 v8, v8  }
0x29a: {  	v9 =	vmov v6;
	v6 =	vld.idx.msk [tilespmem:v2+s12+$0x0], $0xffff  }
0x29b: {  	_ =	sdelay $0x3  }
0x29c: {  	v1 =	vld.idx.msk [tilespmem:v2+s13+$0x0], $0xffff;
	_ =	sdelay $0x1  }
0x29d: {  	v2 =	vld.idx.msk [tilespmem:v7+s10+$0x0], $0xffff  }
0x29e: {  	v4 =	vsub.f32 v9, v4;
	_ =	sdelay $0x1  }
0x29f: {  	v4 =	vadd.f32 v5, v4;
	v1 =	vsub.f32 v6, v1;
	_ =	sdelay $0x1  }
0x2a0: {  	v3 =	vadd.f32 v8, v3;
	v4 =	vmul.f32 v4, v4;
	v1 =	vadd.f32 v2, v1;
	_ =	sdelay $0x1  }
0x2a1: {  	v2 =	vadd.f32 v4, v3;
	v1 =	vmul.f32 v1, v1;
	_ =	sdelay $0x1  }
0x2a2: {  	v1 =	vadd.f32 v1, v2;
	_ =	sdelay $0x1  }
0x2a3: {  	v2 =	vshra.s32 v1, $0x1  }
0x2a4: {  	v2 =	vadd.s32 $0x1FBD1DF5, v2  }
0x2a5: {  	(erf) = vrcp.f32 v2;
	_ =	sdelay $0x8  }
0x2a6: {  	v3 =	vpop (erf)  }
0x2a7: {  	v3 =	vmul.f32 v3, v1;
	_ =	sdelay $0x1  }
0x2a8: {  	v2 =	vadd.f32 v2, v3;
	_ =	sdelay $0x1  }
0x2a9: {  	v2 =	vmul.f32 $5.000000000e-01, v2;
	_ =	sdelay $0x1  }
0x2aa: {  	(erf) = vrcp.f32 v2;
	_ =	sdelay $0x8  }
0x2ab: {  	v3 =	vpop (erf)  }
0x2ac: {  	v3 =	vmul.f32 v3, v1;
	_ =	sdelay $0x1  }
0x2ad: {  	v2 =	vadd.f32 v3, v2;
	_ =	sdelay $0x1  }
0x2ae: {  	v2 =	vmul.f32 $5.000000000e-01, v2;
	_ =	sdelay $0x1  }
0x2af: {  	(erf) = vrcp.f32 v2;
	_ =	sdelay $0x8  }
0x2b0: {  	v3 =	vpop (erf)  }
0x2b1: {  	v1 =	vmul.f32 v3, v1;
	_ =	sdelay $0x1  }
0x2b2: {  	v1 =	vadd.f32 v1, v2;
	_ =	sdelay $0x1  }
0x2b3: {  	v1 =	vmul.f32 $5.000000000e-01, v1;
	_ =	sdelay $0x1  }
0x2b4: {  	v1 =	vmul.f32 $1.442695020e+00, v1;
	_ =	sdelay $0x1  }
0x2b5: {  	(erf) = vpow2.f32 v1;
	_ =	sdelay $0x8  }
0x2b6: {  	v1 =	vpop (erf)  }
0x2b7: {  	v1 =	vadd.f32 $1.000000000e+00, v1;
	_ =	sdelay $0x1  }
0x2b8: {  	(erf) = vrcp.f32 v1;
	_ =	sdelay $0x3  }
0x2b9: {  	s1 =	sadd.s32 $0x1, s1  }
0x2ba: {  	p0 =	sne.s32 s1, $0x8  }
.Ltmp6:
0x2bb: {  	_ = 	snop;
	(pc) =	sbr.rel @p0 .LBB2_12-.Ltmp6, $3  }
0x2bc: {  	_ =	sdelay $0x1  }
0x2bd: {  	v1 =	vpop (erf)  }
0x2be: {  	[tilespmem:s2+$0x10500] =	vst v1  }
0x2bf: {  	s0 =	simm.s32 $0x180  }
0x2c0: {  	s9 =	simm.s32 $0x380;
	v1 =	vld [tilespmem:s0+$0x0]  }
0x2c1: {  	v3 =	vld [tilespmem:s9+$0x0];
	_ =	sdelay $0x3  }
0x2c2: {  	v2 =	vshll.u32 v1, $0x4  }
0x2c3: {  	v1 =	vshll.u32 v3, $0x4;
	(v2sf) =	vpush v2, $0x0  }
0x2c4: {  	(v2sf) =	vpush v1, $0x0  }
0x2c5: {  	(v2sf) =	vpush v2, $0x1;
	_ =	sdelay $0x2  }
0x2c6: {  	(v2sf) =	vpush v1, $0x1;
	_ =	sdelay $0x1  }
0x2c7: {  	(v2sf) =	vpush v2, $0x2;
	_ =	sdelay $0x1  }
0x2c8: {  	(v2sf) =	vpush v1, $0x2;
	_ =	sdelay $0x1  }
0x2c9: {  	s17 =	simm.s32 $0x2000;
	(v2sf) =	vpush v2, $0x3  }
0x2ca: {  	s16 =	simm.s32 $0x0;
	s2 =	simm.s32 $0xC400;
	s5 =	simm.s32 $0x4680  }
0x2cb: {  	s1 =	simm.s32 $0x4880;
	s6 =	simm.s32 $0x4400;
	s8 =	simm.s32 $0x4600  }
0x2cc: {  	s15 =	simm.s32 $0x4480;
	s20 =	simm.s32 $0xC480;
	s22 =	simm.s32 $0x4500  }
0x2cd: {  	s25 =	simm.s32 $0xC500;
	s30 =	simm.s32 $0xC600;
	s7 =	spop (v2sf);
	(v2sf) =	vpush v1, $0x3  }
0x2ce: {  	s0 =	simm.s32 $0xC900;
	s7 =	sand.u32 $0x1FFFFFF0, s7;
	s11 =	spop (v2sf)  }
0x2cf: {  	(v2sf) =	vpush v2, $0x4;
	s7 =	sadd.s32 s4, s7;
	s11 =	sand.u32 $0x1FFFFFF0, s11;
	s14 =	spop (v2sf)  }
0x2d0: {  	(v2sf) =	vpush v1, $0x4;
	[tilespmem:s6], [sflag:$0x1] =	stream.linear.gather [hbm4b:s7+s3], $0x80, $0x38;
	[tilespmem:$0x10680] =	vst v63  }
0x2d1: {  	s9 =	simm.s32 $0x4580;
	s7 =	sadd.s32 s4, s11;
	s11 =	sand.u32 $0x1FFFFFF0, s14  }
0x2d2: {  	s6 =	simm.s32 $0xC580;
	s14 =	spop (v2sf);
	(v2sf) =	vpush v2, $0x5;
	s18 =	sadd.s32 s4, s11  }
0x2d3: {  	(v2sf) =	vpush v1, $0x5;
	[tilespmem:s2], [sflag:$0x1] =	stream.linear.gather [hbm4b:s7+s3], $0x80, $0x38;
	[tilespmem:$0x10680] =	vst v63  }
0x2d4: {  	s19 =	sand.u32 $0x1FFFFFF0, s14;
	s21 =	spop (v2sf);
	s14 =	simm.s32 $0x4780  }
0x2d5: {  	(v2sf) =	vpush v2, $0x6;
	[tilespmem:s15], [sflag:$0x1] =	stream.linear.gather [hbm4b:s18+s3], $0x80, $0x38;
	[tilespmem:$0x10680] =	vst v63  }
0x2d6: {  	s11 =	sadd.s32 s4, s19;
	s7 =	sand.u32 $0x1FFFFFF0, s21;
	s23 =	spop (v2sf)  }
0x2d7: {  	[tilespmem:s20], [sflag:$0x1] =	stream.linear.gather [hbm4b:s11+s3], $0x80, $0x38;
	[tilespmem:$0x10680] =	vst v63  }
0x2d8: {  	s7 =	sadd.s32 s4, s7;
	s24 =	spop (v2sf);
	s11 =	sand.u32 $0x1FFFFFF0, s23  }
0x2d9: {  	(v2sf) =	vpush v1, $0x6;
	[tilespmem:s22], [sflag:$0x1] =	stream.linear.gather [hbm4b:s7+s3], $0x80, $0x38;
	[tilespmem:$0x10680] =	vst v63  }
0x2da: {  	s28 =	sand.u32 $0x1FFFFFF0, s24;
	s15 =	simm.s32 $0xCA00;
	s26 =	sadd.s32 s4, s11  }
0x2db: {  	[tilespmem:s25], [sflag:$0x1] =	stream.linear.gather [hbm4b:s26+s3], $0x80, $0x38;
	[tilespmem:$0x10680] =	vst v63  }
0x2dc: {  	s18 =	simm.s32 $0x4A80;
	s11 =	sadd.s32 s4, s28;
	s29 =	spop (v2sf)  }
0x2dd: {  	(v2sf) =	vpush v2, $0x7;
	[tilespmem:s9], [sflag:$0x1] =	stream.linear.gather [hbm4b:s11+s3], $0x80, $0x38;
	[tilespmem:$0x10680] =	vst v63  }
0x2de: {  	s20 =	simm.s32 $0xC680;
	s7 =	sand.u32 $0x1FFFFFF0, s29;
	s31 =	spop (v2sf)  }
0x2df: {  	s22 =	simm.s32 $0x4700;
	(v2sf) =	vpush v1, $0x7;
	s7 =	sadd.s32 s4, s7;
	s2 =	spop (v2sf)  }
0x2e0: {  	(v2sf) =	vpush v2, $0x8;
	[tilespmem:s6], [sflag:$0x1] =	stream.linear.gather [hbm4b:s7+s3], $0x80, $0x38;
	[tilespmem:$0x10680] =	vst v63  }
0x2e1: {  	s11 =	sand.u32 $0x1FFFFFF0, s31;
	s19 =	sand.u32 $0x1FFFFFF0, s2;
	s21 =	spop (v2sf)  }
0x2e2: {  	s11 =	sadd.s32 s4, s11;
	(v2sf) =	vpush v1, $0x8;
	s7 =	sadd.s32 s4, s19;
	s23 =	spop (v2sf)  }
0x2e3: {  	(v2sf) =	vpush v2, $0x9;
	[tilespmem:s8], [sflag:$0x1] =	stream.linear.gather [hbm4b:s11+s3], $0x80, $0x38;
	[tilespmem:$0x10680] =	vst v63  }
0x2e4: {  	s8 =	sand.u32 $0x1FFFFFF0, s21;
	s9 =	sand.u32 $0x1FFFFFF0, s23;
	s24 =	spop (v2sf)  }
0x2e5: {  	(v2sf) =	vpush v1, $0x9;
	[tilespmem:s30], [sflag:$0x1] =	stream.linear.gather [hbm4b:s7+s3], $0x80, $0x38;
	[tilespmem:$0x10680] =	vst v63  }
0x2e6: {  	s11 =	simm.s32 $0xCA80;
	s21 =	simm.s32 $0xC780;
	s8 =	sadd.s32 s4, s8;
	(v2sf) =	vpush v2, $0xA  }
0x2e7: {  	[tilespmem:s5], [sflag:$0x1] =	stream.linear.gather [hbm4b:s8+s3], $0x80, $0x38;
	[tilespmem:$0x10680] =	vst v63  }
0x2e8: {  	s25 =	sadd.s32 s4, s9;
	s26 =	sand.u32 $0x1FFFFFF0, s24;
	s28 =	spop (v2sf);
	(v2sf) =	vpush v1, $0xA  }
0x2e9: {  	[tilespmem:s20], [sflag:$0x1] =	stream.linear.gather [hbm4b:s25+s3], $0x80, $0x38;
	[tilespmem:$0x10680] =	vst v63  }
0x2ea: {  	s23 =	simm.s32 $0x4800;
	s29 =	sadd.s32 s4, s26;
	s6 =	sand.u32 $0x1FFFFFF0, s28  }
0x2eb: {  	[tilespmem:s22], [sflag:$0x1] =	stream.linear.gather [hbm4b:s29+s3], $0x80, $0x38;
	[tilespmem:$0x10680] =	vst v63  }
0x2ec: {  	s30 =	simm.s32 $0xC700;
	s6 =	sadd.s32 s4, s6;
	s31 =	spop (v2sf)  }
0x2ed: {  	[tilespmem:s30], [sflag:$0x1] =	stream.linear.gather [hbm4b:s6+s3], $0x80, $0x38;
	[tilespmem:$0x10680] =	vst v63  }
0x2ee: {  	s26 =	simm.s32 $0xC800;
	(v2sf) =	vpush v2, $0xB;
	s8 =	sand.u32 $0x1FFFFFF0, s31;
	s2 =	spop (v2sf)  }
0x2ef: {  	s5 =	simm.s32 $0xC980;
	s19 =	sadd.s32 s4, s8;
	s22 =	spop (v2sf)  }
0x2f0: {  	(v2sf) =	vpush v1, $0xB;
	[tilespmem:s14], [sflag:$0x1] =	stream.linear.gather [hbm4b:s19+s3], $0x80, $0x38;
	[tilespmem:$0x10680] =	vst v63  }
0x2f1: {  	s30 =	simm.s32 $0xC880;
	s20 =	sand.u32 $0x1FFFFFF0, s2;
	s24 =	spop (v2sf)  }
0x2f2: {  	s6 =	simm.s32 $0xCB00;
	s8 =	sadd.s32 s4, s20;
	s25 =	spop (v2sf)  }
0x2f3: {  	(v2sf) =	vpush v2, $0xC;
	[tilespmem:s21], [sflag:$0x1] =	stream.linear.gather [hbm4b:s8+s3], $0x80, $0x38;
	[tilespmem:$0x10680] =	vst v63  }
0x2f4: {  	s2 =	simm.s32 $0x4900;
	s7 =	sand.u32 $0x1FFFFFF0, s22;
	s31 =	spop (v2sf)  }
0x2f5: {  	s7 =	sadd.s32 s4, s7;
	(v2sf) =	vpush v1, $0xC;
	s8 =	sand.u32 $0x1FFFFFF0, s24;
	s14 =	spop (v2sf)  }
0x2f6: {  	[tilespmem:s23], [sflag:$0x1] =	stream.linear.gather [hbm4b:s7+s3], $0x80, $0x38;
	[tilespmem:$0x10680] =	vst v63  }
0x2f7: {  	s29 =	sand.u32 $0x1FFFFFF0, s25;
	s28 =	sadd.s32 s4, s8;
	s19 =	spop (v2sf)  }
0x2f8: {  	[tilespmem:s26], [sflag:$0x1] =	stream.linear.gather [hbm4b:s28+s3], $0x80, $0x38;
	[tilespmem:$0x10680] =	vst v63  }
0x2f9: {  	s8 =	sadd.s32 s4, s29;
	s7 =	sand.u32 $0x1FFFFFF0, s31;
	s21 =	sand.u32 $0x1FFFFFF0, s19  }
0x2fa: {  	[tilespmem:s1], [sflag:$0x1] =	stream.linear.gather [hbm4b:s8+s3], $0x80, $0x38;
	[tilespmem:$0x10680] =	vst v63  }
0x2fb: {  	s7 =	sadd.s32 s4, s7;
	s23 =	sadd.s32 s4, s21;
	s8 =	sand.u32 $0x1FFFFFF0, s14  }
0x2fc: {  	[tilespmem:s30], [sflag:$0x1] =	stream.linear.gather [hbm4b:s7+s3], $0x80, $0x38;
	[tilespmem:$0x10680] =	vst v63  }
0x2fd: {  	s26 =	simm.s32 $0x4980;
	s20 =	sadd.s32 s4, s8;
	s22 =	spop (v2sf)  }
0x2fe: {  	[tilespmem:s2], [sflag:$0x1] =	stream.linear.gather [hbm4b:s20+s3], $0x80, $0x38;
	[tilespmem:$0x10680] =	vst v63  }
0x2ff: {  	s21 =	simm.s32 $0x390;
	s24 =	sand.u32 $0x1FFFFFF0, s22;
	s25 =	spop (v2sf)  }
0x300: {  	(v2sf) =	vpush v2, $0xD;
	[tilespmem:s0], [sflag:$0x1] =	stream.linear.gather [hbm4b:s23+s3], $0x80, $0x38;
	[tilespmem:$0x10680] =	vst v63  }
0x301: {  	(v2sf) =	vpush v1, $0xD;
	s22 =	simm.s32 $0x190;
	s28 =	sadd.s32 s4, s24;
	s29 =	sand.u32 $0x1FFFFFF0, s25  }
0x302: {  	s25 =	simm.s32 $0x4A00;
	(v2sf) =	vpush v2, $0xE;
	s24 =	simm.s32 $0x4B00;
	s31 =	spop (v2sf)  }
0x303: {  	(v2sf) =	vpush v1, $0xE;
	[tilespmem:s26], [sflag:$0x1] =	stream.linear.gather [hbm4b:s28+s3], $0x80, $0x38;
	[tilespmem:$0x10680] =	vst v63  }
0x304: {  	s30 =	sadd.s32 s4, s29;
	(v2sf) =	vpush v2, $0xF;
	s0 =	sand.u32 $0x1FFFFFF0, s31;
	s1 =	spop (v2sf)  }
0x305: {  	(v2sf) =	vpush v1, $0xF;
	[tilespmem:s5], [sflag:$0x1] =	stream.linear.gather [hbm4b:s30+s3], $0x80, $0x38;
	[tilespmem:$0x10680] =	vst v63  }
.LBB2_16:
0x306: {  	_ =	sdelay $0x4  }
0x307: {  	s0 =	sadd.s32 s4, s0;
	s1 =	sand.u32 $0x1FFFFFF0, s1  }
0x308: {  	[tilespmem:s25], [sflag:$0x1] =	stream.linear.gather [hbm4b:s0+s3], $0x80, $0x38;
	[tilespmem:$0x10680] =	vst v63  }
0x309: {  	s7 =	sadd.s32 s4, s1  }
0x30a: {  	[tilespmem:s15], [sflag:$0x1] =	stream.linear.gather [hbm4b:s7+s3], $0x80, $0x38;
	[tilespmem:$0x10680] =	vst v63  }
0x30b: {  	s5 =	spop (v2sf)  }
0x30c: {  	s8 =	sand.u32 $0x1FFFFFF0, s5;
	s9 =	spop (v2sf)  }
0x30d: {  	s14 =	sadd.s32 s4, s8;
	s15 =	sand.u32 $0x1FFFFFF0, s9;
	s2 =	spop (v2sf)  }
0x30e: {  	[tilespmem:s18], [sflag:$0x1] =	stream.linear.gather [hbm4b:s14+s3], $0x80, $0x38;
	[tilespmem:$0x10680] =	vst v63  }
0x30f: {  	s18 =	sadd.s32 s4, s15;
	s19 =	sand.u32 $0x1FFFFFF0, s2;
	s20 =	spop (v2sf)  }
0x310: {  	[tilespmem:s11], [sflag:$0x1] =	stream.linear.gather [hbm4b:s18+s3], $0x80, $0x38;
	[tilespmem:$0x10680] =	vst v63  }
0x311: {  	s23 =	sadd.s32 s4, s19;
	s25 =	sand.u32 $0x1FFFFFF0, s20;
	s26 =	spop (v2sf)  }
0x312: {  	[tilespmem:s24], [sflag:$0x1] =	stream.linear.gather [hbm4b:s23+s3], $0x80, $0x38;
	[tilespmem:$0x10680] =	vst v63  }
0x313: {  	s28 =	sadd.s32 s4, s25;
	s29 =	sand.u32 $0x1FFFFFF0, s26;
	s30 =	spop (v2sf)  }
0x314: {  	[tilespmem:s6], [sflag:$0x1] =	stream.linear.gather [hbm4b:s28+s3], $0x80, $0x38;
	[tilespmem:$0x10680] =	vst v63  }
0x315: {  	s31 =	sadd.s32 $0x4B80, s16;
	s1 =	sadd.s32 s4, s29;
	s2 =	sand.u32 $0x1FFFFFF0, s30  }
0x316: {  	[tilespmem:s31], [sflag:$0x1] =	stream.linear.gather [hbm4b:s1+s3], $0x80, $0x38;
	[tilespmem:$0x10680] =	vst v63  }
0x317: {  	s2 =	sadd.s32 s4, s2;
	s1 =	sadd.s32 $0xCB80, s16  }
0x318: {  	[tilespmem:s1], [sflag:$0x1] =	stream.linear.gather [hbm4b:s2+s3], $0x80, $0x38;
	[tilespmem:$0x10680] =	vst v63  }
0x319: {  	v1 =	vld [tilespmem:s22+$0x0]  }
0x31a: {  	v3 =	vld [tilespmem:s21+$0x0];
	_ =	sdelay $0x3  }
0x31b: {  	s5 =	smov.u32 s17;
	v2 =	vshll.u32 v1, $0x4  }
0x31c: {  	s16 =	sshra.s32 s5, $0x2;
	v1 =	vshll.u32 v3, $0x4;
	(v2sf) =	vpush v2, $0x0  }
0x31d: {  	p0 =	sne.s32 s17, $0xE000;
	s17 =	sadd.s32 $0x2000, s17;
	s30 =	sadd.s32 $0xC400, s16;
	(v2sf) =	vpush v1, $0x0  }
0x31e: {  	s0 =	sadd.s32 $0x4680, s16;
	s6 =	sadd.s32 $0x4880, s16;
	s11 =	sadd.s32 $0x4600, s16;
	(v2sf) =	vpush v2, $0x1  }
0x31f: {  	s7 =	sadd.s32 $0xC900, s16;
	s18 =	sadd.s32 $0x4580, s16;
	s29 =	sadd.s32 $0x4500, s16  }
0x320: {  	s31 =	sadd.s32 $0xC600, s16;
	s26 =	sadd.s32 $0xC480, s16;
	s28 =	sadd.s32 $0xC500, s16;
	(v2sf) =	vpush v1, $0x1  }
0x321: {  	s15 =	sadd.s32 $0xC680, s16;
	s9 =	sadd.s32 $0x4700, s16;
	[smem:$0x7E8] =	sst s0  }
0x322: {  	s8 =	sadd.s32 $0xC980, s16;
	s5 =	sadd.s32 $0xCA80, s16;
	[dreg:$0xf] =	wrdreg s6;
	(v2sf) =	vpush v2, $0x2  }
0x323: {  	s14 =	sadd.s32 $0xC880, s16;
	s19 =	sadd.s32 $0x4900, s16;
	[dreg:$0x7] =	wrdreg s7  }
0x324: {  	s20 =	sadd.s32 $0x4780, s16;
	s23 =	sadd.s32 $0xC800, s16;
	[dreg:$0xb] =	wrdreg s8;
	(v2sf) =	vpush v1, $0x2  }
0x325: {  	s25 =	sadd.s32 $0x4A00, s16;
	s24 =	sadd.s32 $0xC780, s16;
	[dreg:$0x17] =	wrdreg s14  }
0x326: {  	s2 =	sadd.s32 $0x4400, s16;
	s0 =	sadd.s32 $0xC580, s16;
	[dreg:$0x13] =	wrdreg s19;
	(v2sf) =	vpush v2, $0x3  }
0x327: {  	s7 =	sadd.s32 $0xCA00, s16;
	s1 =	sadd.s32 $0x4A80, s16;
	[smem:$0x7E9] =	sst s20  }
0x328: {  	s8 =	sadd.s32 $0xC700, s16;
	[dreg:$0x1f] =	wrdreg s23;
	s19 =	sadd.s32 $0x4480, s16;
	(v2sf) =	vpush v1, $0x3  }
0x329: {  	[smem:$0x7EA] =	sst s24;
	s14 =	sadd.s32 $0x4800, s16;
	s24 =	sadd.s32 $0x4B00, s16  }
0x32a: {  	s6 =	sadd.s32 $0xCB00, s16;
	[smem:$0x7EB] =	sst s14;
	s21 =	sadd.s32 $0x10, s21;
	(v2sf) =	vpush v2, $0x4  }
0x32b: {  	s22 =	sadd.s32 $0x10, s22;
	s14 =	sadd.s32 $0x4980, s16;
	s20 =	spop (v2sf)  }
0x32c: {  	[dreg:$0x1b] =	wrdreg s14;
	s20 =	sand.u32 $0x1FFFFFF0, s20;
	s23 =	spop (v2sf);
	(v2sf) =	vpush v1, $0x4  }
0x32d: {  	s20 =	sadd.s32 s4, s20;
	s23 =	sand.u32 $0x1FFFFFF0, s23;
	s14 =	spop (v2sf)  }
0x32e: {  	(v2sf) =	vpush v2, $0x5;
	[tilespmem:s2], [sflag:$0x1] =	stream.linear.gather [hbm4b:s20+s3], $0x80, $0x38;
	[tilespmem:$0x10680] =	vst v63  }
0x32f: {  	s20 =	sadd.s32 s4, s23;
	s14 =	sand.u32 $0x1FFFFFF0, s14;
	s23 =	spop (v2sf)  }
0x330: {  	(v2sf) =	vpush v1, $0x5;
	[tilespmem:s30], [sflag:$0x1] =	stream.linear.gather [hbm4b:s20+s3], $0x80, $0x38;
	[tilespmem:$0x10680] =	vst v63  }
0x331: {  	s14 =	sadd.s32 s4, s14;
	s23 =	sand.u32 $0x1FFFFFF0, s23;
	s30 =	spop (v2sf)  }
0x332: {  	(v2sf) =	vpush v2, $0x6;
	[tilespmem:s19], [sflag:$0x1] =	stream.linear.gather [hbm4b:s14+s3], $0x80, $0x38;
	[tilespmem:$0x10680] =	vst v63  }
0x333: {  	s19 =	sadd.s32 s4, s23;
	s23 =	sand.u32 $0x1FFFFFF0, s30;
	s30 =	spop (v2sf)  }
0x334: {  	[tilespmem:s26], [sflag:$0x1] =	stream.linear.gather [hbm4b:s19+s3], $0x80, $0x38;
	[tilespmem:$0x10680] =	vst v63  }
0x335: {  	(v2sf) =	vpush v1, $0x6;
	s14 =	sadd.s32 s4, s23;
	s20 =	sand.u32 $0x1FFFFFF0, s30;
	s23 =	spop (v2sf)  }
0x336: {  	(v2sf) =	vpush v2, $0x7;
	[tilespmem:s29], [sflag:$0x1] =	stream.linear.gather [hbm4b:s14+s3], $0x80, $0x38;
	[tilespmem:$0x10680] =	vst v63  }
0x337: {  	s26 =	sadd.s32 s4, s20;
	s30 =	spop (v2sf);
	s29 =	sand.u32 $0x1FFFFFF0, s23  }
0x338: {  	(v2sf) =	vpush v1, $0x7;
	[tilespmem:s28], [sflag:$0x1] =	stream.linear.gather [hbm4b:s26+s3], $0x80, $0x38;
	[tilespmem:$0x10680] =	vst v63  }
0x339: {  	s23 =	sand.u32 $0x1FFFFFF0, s30;
	s20 =	sadd.s32 s4, s29;
	s26 =	spop (v2sf)  }
0x33a: {  	[tilespmem:s18], [sflag:$0x1] =	stream.linear.gather [hbm4b:s20+s3], $0x80, $0x38;
	[tilespmem:$0x10680] =	vst v63  }
0x33b: {  	s28 =	sadd.s32 s4, s23;
	s29 =	sand.u32 $0x1FFFFFF0, s26;
	s30 =	spop (v2sf)  }
0x33c: {  	(v2sf) =	vpush v2, $0x8;
	[tilespmem:s0], [sflag:$0x1] =	stream.linear.gather [hbm4b:s28+s3], $0x80, $0x38;
	[tilespmem:$0x10680] =	vst v63  }
0x33d: {  	s14 =	sadd.s32 s4, s29;
	s19 =	sand.u32 $0x1FFFFFF0, s30;
	s20 =	spop (v2sf)  }
0x33e: {  	(v2sf) =	vpush v1, $0x8;
	[tilespmem:s11], [sflag:$0x1] =	stream.linear.gather [hbm4b:s14+s3], $0x80, $0x38;
	[tilespmem:$0x10680] =	vst v63  }
0x33f: {  	s23 =	sadd.s32 s4, s19;
	s28 =	spop (v2sf);
	s14 =	sld [smem:$0x7E8]  }
0x340: {  	[tilespmem:s31], [sflag:$0x1] =	stream.linear.gather [hbm4b:s23+s3], $0x80, $0x38;
	[tilespmem:$0x10680] =	vst v63  }
0x341: {  	s18 =	smov.u32 s1;
	(v2sf) =	vpush v2, $0x9;
	s26 =	sand.u32 $0x1FFFFFF0, s20;
	s31 =	spop (v2sf)  }
0x342: {  	(v2sf) =	vpush v1, $0x9;
	s29 =	sadd.s32 s4, s26;
	s30 =	sand.u32 $0x1FFFFFF0, s28;
	s20 =	sand.u32 $0x1FFFFFF0, s31  }
0x343: {  	[tilespmem:s14], [sflag:$0x1] =	stream.linear.gather [hbm4b:s29+s3], $0x80, $0x38;
	[tilespmem:$0x10680] =	vst v63  }
0x344: {  	s19 =	sadd.s32 s4, s30;
	s23 =	spop (v2sf);
	s26 =	sadd.s32 s4, s20  }
0x345: {  	s28 =	sand.u32 $0x1FFFFFF0, s23;
	s29 =	spop (v2sf);
	s14 =	sld [smem:$0x7E9]  }
0x346: {  	(v2sf) =	vpush v2, $0xA;
	[tilespmem:s15], [sflag:$0x1] =	stream.linear.gather [hbm4b:s19+s3], $0x80, $0x38;
	[tilespmem:$0x10680] =	vst v63  }
0x347: {  	s30 =	sadd.s32 s4, s28;
	s31 =	sand.u32 $0x1FFFFFF0, s29;
	s1 =	spop (v2sf)  }
0x348: {  	(v2sf) =	vpush v1, $0xA;
	[tilespmem:s9], [sflag:$0x1] =	stream.linear.gather [hbm4b:s26+s3], $0x80, $0x38;
	[tilespmem:$0x10680] =	vst v63  }
0x349: {  	s15 =	smov.u32 s7;
	s7 =	sadd.s32 s4, s31;
	s31 =	sld [smem:$0x7EB]  }
0x34a: {  	(v2sf) =	vpush v2, $0xB;
	[tilespmem:s8], [sflag:$0x1] =	stream.linear.gather [hbm4b:s30+s3], $0x80, $0x38;
	[tilespmem:$0x10680] =	vst v63  }
0x34b: {  	s11 =	smov.u32 s5;
	s26 =	sld [smem:$0x7EA];
	s9 =	spop (v2sf)  }
0x34c: {  	(v2sf) =	vpush v1, $0xB;
	[tilespmem:s14], [sflag:$0x1] =	stream.linear.gather [hbm4b:s7+s3], $0x80, $0x38;
	[tilespmem:$0x10680] =	vst v63  }
0x34d: {  	s8 =	sand.u32 $0x1FFFFFF0, s1;
	s20 =	sand.u32 $0x1FFFFFF0, s9;
	s23 =	spop (v2sf)  }
0x34e: {  	s19 =	sadd.s32 s4, s8;
	s28 =	sadd.s32 s4, s20;
	s29 =	sand.u32 $0x1FFFFFF0, s23  }
0x34f: {  	(v2sf) =	vpush v2, $0xC;
	[tilespmem:s26], [sflag:$0x1] =	stream.linear.gather [hbm4b:s19+s3], $0x80, $0x38;
	[tilespmem:$0x10680] =	vst v63  }
0x350: {  	s14 =	rddreg [dreg:$0x1f];
	s30 =	spop (v2sf);
	s7 =	sadd.s32 s4, s29  }
0x351: {  	(v2sf) =	vpush v1, $0xC;
	s8 =	sand.u32 $0x1FFFFFF0, s30;
	s9 =	spop (v2sf);
	s26 =	rddreg [dreg:$0xf]  }
0x352: {  	[tilespmem:s31], [sflag:$0x1] =	stream.linear.gather [hbm4b:s28+s3], $0x80, $0x38;
	[tilespmem:$0x10680] =	vst v63  }
0x353: {  	s19 =	sadd.s32 s4, s8;
	s20 =	sand.u32 $0x1FFFFFF0, s9;
	s8 =	rddreg [dreg:$0x13]  }
0x354: {  	[tilespmem:s14], [sflag:$0x1] =	stream.linear.gather [hbm4b:s7+s3], $0x80, $0x38;
	[tilespmem:$0x10680] =	vst v63  }
0x355: {  	s28 =	sadd.s32 s4, s20;
	s31 =	rddreg [dreg:$0x17];
	s23 =	spop (v2sf)  }
0x356: {  	[tilespmem:s26], [sflag:$0x1] =	stream.linear.gather [hbm4b:s19+s3], $0x80, $0x38;
	[tilespmem:$0x10680] =	vst v63  }
0x357: {  	s20 =	rddreg [dreg:$0x7];
	s29 =	sand.u32 $0x1FFFFFF0, s23;
	s30 =	spop (v2sf)  }
0x358: {  	[tilespmem:s31], [sflag:$0x1] =	stream.linear.gather [hbm4b:s28+s3], $0x80, $0x38;
	[tilespmem:$0x10680] =	vst v63  }
0x359: {  	s1 =	sadd.s32 s4, s29;
	s2 =	sand.u32 $0x1FFFFFF0, s30;
	s7 =	spop (v2sf)  }
0x35a: {  	[tilespmem:s8], [sflag:$0x1] =	stream.linear.gather [hbm4b:s1+s3], $0x80, $0x38;
	[tilespmem:$0x10680] =	vst v63  }
0x35b: {  	s29 =	rddreg [dreg:$0x1b];
	s9 =	sadd.s32 s4, s2;
	s19 =	spop (v2sf)  }
0x35c: {  	(v2sf) =	vpush v2, $0xD;
	[tilespmem:s20], [sflag:$0x1] =	stream.linear.gather [hbm4b:s9+s3], $0x80, $0x38;
	[tilespmem:$0x10680] =	vst v63  }
.Ltmp7:
0x35d: {  	(v2sf) =	vpush v1, $0xD;
	s14 =	sand.u32 $0x1FFFFFF0, s7;
	s26 =	sand.u32 $0x1FFFFFF0, s19;
	(pc) =	sbr.rel @p0 .LBB2_16-.Ltmp7, $4  }
0x35e: {  	(v2sf) =	vpush v2, $0xE;
	s23 =	sadd.s32 s4, s14;
	s30 =	sadd.s32 s4, s26;
	s28 =	spop (v2sf)  }
0x35f: {  	(v2sf) =	vpush v1, $0xE;
	[tilespmem:s29], [sflag:$0x1] =	stream.linear.gather [hbm4b:s23+s3], $0x80, $0x38;
	[tilespmem:$0x10680] =	vst v63  }
0x360: {  	(v2sf) =	vpush v2, $0xF;
	s31 =	rddreg [dreg:$0xb];
	s0 =	sand.u32 $0x1FFFFFF0, s28;
	s1 =	spop (v2sf)  }
0x361: {  	(v2sf) =	vpush v1, $0xF;
	[tilespmem:s31], [sflag:$0x1] =	stream.linear.gather [hbm4b:s30+s3], $0x80, $0x38;
	[tilespmem:$0x10680] =	vst v63  }
0x362: {  	_ =	sdelay $0x4  }
0x363: {  	s0 =	sadd.s32 s4, s0;
	s1 =	sand.u32 $0x1FFFFFF0, s1  }
0x364: {  	[tilespmem:s25], [sflag:$0x1] =	stream.linear.gather [hbm4b:s0+s3], $0x80, $0x38;
	[tilespmem:$0x10680] =	vst v63  }
0x365: {  	s7 =	sadd.s32 s4, s1  }
0x366: {  	[tilespmem:s15], [sflag:$0x1] =	stream.linear.gather [hbm4b:s7+s3], $0x80, $0x38;
	[tilespmem:$0x10680] =	vst v63  }
0x367: {  	s2 =	spop (v2sf)  }
0x368: {  	s8 =	sand.u32 $0x1FFFFFF0, s2;
	s9 =	spop (v2sf)  }
0x369: {  	s14 =	sadd.s32 s4, s8;
	s15 =	sand.u32 $0x1FFFFFF0, s9;
	s17 =	spop (v2sf)  }
0x36a: {  	[tilespmem:s18], [sflag:$0x1] =	stream.linear.gather [hbm4b:s14+s3], $0x80, $0x38;
	[tilespmem:$0x10680] =	vst v63  }
0x36b: {  	s18 =	sadd.s32 s4, s15;
	s19 =	sand.u32 $0x1FFFFFF0, s17;
	s20 =	spop (v2sf)  }
0x36c: {  	[tilespmem:s11], [sflag:$0x1] =	stream.linear.gather [hbm4b:s18+s3], $0x80, $0x38;
	[tilespmem:$0x10680] =	vst v63  }
0x36d: {  	s21 =	sadd.s32 s4, s19;
	s22 =	sand.u32 $0x1FFFFFF0, s20;
	s23 =	spop (v2sf)  }
0x36e: {  	[tilespmem:s24], [sflag:$0x1] =	stream.linear.gather [hbm4b:s21+s3], $0x80, $0x38;
	[tilespmem:$0x10680] =	vst v63  }
0x36f: {  	s25 =	sand.u32 $0x1FFFFFF0, s23;
	s26 =	spop (v2sf);
	s24 =	sadd.s32 s4, s22  }
0x370: {  	[tilespmem:s6], [sflag:$0x1] =	stream.linear.gather [hbm4b:s24+s3], $0x80, $0x38;
	[tilespmem:$0x10680] =	vst v63  }
0x371: {  	s28 =	sadd.s32 $0x4B80, s16;
	s1 =	sadd.s32 s4, s25;
	s2 =	sand.u32 $0x1FFFFFF0, s26  }
0x372: {  	[tilespmem:s28], [sflag:$0x1] =	stream.linear.gather [hbm4b:s1+s3], $0x80, $0x38;
	[tilespmem:$0x10680] =	vst v63  }
0x373: {  	s29 =	sadd.s32 $0xCB80, s16;
	s31 =	simm.s32 $0x1;
	s30 =	sadd.s32 s4, s2  }
0x374: {  	[tilespmem:s29], [sflag:$0x1] =	stream.linear.gather [hbm4b:s30+s3], $0x80, $0x38;
	[tilespmem:$0x10680] =	vst v63  }
0x375: {  	_ =	swait.ge [sflag:s31], $0x4000  }
0x376: {  	[sflag:s31] =	ssyncset.done $0x0  }
0x377: {  	[sflag:s31] =	ssyncadd.s32 $0xFFFFC000  }
0x378: {  	_ =	swait.ge [sflag:s31], $0x4000  }
0x379: {  	[sflag:s31] =	ssyncset.done $0x0  }
0x37a: {  	s0 =	simm.s32 $0x0;
	s1 =	simm.s32 $0x0;
	[sflag:s31] =	ssyncadd.s32 $0xFFFFC000  }
.LBB2_18:
0x37b: {  	s2 =	sshll.u32 s1, $0x4  }
0x37c: {  	v1 =	vmov s2  }
0x37d: {  	v1 =	vshll.u32 v1, $0x7  }
0x37e: {  	v1 =	vor.u32 v0, v1  }
0x37f: {  	v2 =	vadd.s32 s0, v1;
	_ =	sdelay $0x2  }
0x380: {  	v3 =	vmov s0;
	_ =	sdelay $0x1  }
0x381: {  	s5 =	simm.s32 $0x1;
	v4 =	vld.idx.msk [tilespmem:v2+s12+$0x0], $0xffff  }
0x382: {  	v6 =	vadd.s32 s5, v1;
	v5 =	vld.idx.msk [tilespmem:v2+s13+$0x0], $0xffff;
	_ =	sdelay $0x1  }
0x383: {  	v3 =	vld.idx.msk [tilespmem:v3+s10+$0x0], $0xffff  }
0x384: {  	v7 =	vmov s5  }
0x385: {  	s6 =	simm.s32 $0x2  }
0x386: {  	v2 =	vadd.s32 s6, v1;
	v9 =	vld.idx.msk [tilespmem:v6+s12+$0x0], $0xffff;
	v5 =	vsub.f32 v4, v5  }
0x387: {  	v4 =	vld.idx.msk [tilespmem:v6+s13+$0x0], $0xffff  }
0x388: {  	v6 =	vadd.f32 v3, v5  }
0x389: {  	v5 =	vld.idx.msk [tilespmem:v7+s10+$0x0], $0xffff;
	v7 =	vmov s6  }
0x38a: {  	v8 =	vmul.f32 v6, v6  }
0x38b: {  	s5 =	simm.s32 $0x3;
	v3 =	vimm.f32 $0.0e+00;
	v6 =	vld.idx.msk [tilespmem:v2+s12+$0x0], $0xffff  }
.LBB2_19:
0x38c: {  	v9 =	vsub.f32 v9, v4;
	v4 =	vld.idx.msk [tilespmem:v2+s13+$0x0], $0xffff;
	v2 =	vadd.s32 s5, v1;
	v3 =	vadd.f32 v8, v3;
	s6 =	smov.u32 s5;
	p0 =	sne.s32 s5, $0x3F  }
.Ltmp8:
0x38d: {  	s5 =	sadd.s32 $0x1, s5;
	(pc) =	sbr.rel @p0 .LBB2_19-.Ltmp8, $4  }
0x38e: {  	v8 =	vadd.f32 v5, v9;
	v5 =	vld.idx.msk [tilespmem:v7+s10+$0x0], $0xffff  }
0x38f: {  	v7 =	vmov s6  }
0x390: {  	v8 =	vmul.f32 v8, v8  }
0x391: {  	v9 =	vmov v6;
	v6 =	vld.idx.msk [tilespmem:v2+s12+$0x0], $0xffff  }
0x392: {  	_ =	sdelay $0x3  }
0x393: {  	v1 =	vld.idx.msk [tilespmem:v2+s13+$0x0], $0xffff;
	_ =	sdelay $0x1  }
0x394: {  	v2 =	vld.idx.msk [tilespmem:v7+s10+$0x0], $0xffff  }
0x395: {  	v4 =	vsub.f32 v9, v4;
	_ =	sdelay $0x1  }
0x396: {  	v4 =	vadd.f32 v5, v4;
	v1 =	vsub.f32 v6, v1;
	_ =	sdelay $0x1  }
0x397: {  	v3 =	vadd.f32 v8, v3;
	v4 =	vmul.f32 v4, v4;
	v1 =	vadd.f32 v2, v1;
	_ =	sdelay $0x1  }
0x398: {  	v2 =	vadd.f32 v4, v3;
	v1 =	vmul.f32 v1, v1;
	_ =	sdelay $0x1  }
0x399: {  	v1 =	vadd.f32 v1, v2;
	_ =	sdelay $0x1  }
0x39a: {  	v2 =	vshra.s32 v1, $0x1  }
0x39b: {  	v2 =	vadd.s32 $0x1FBD1DF5, v2  }
0x39c: {  	(erf) = vrcp.f32 v2;
	_ =	sdelay $0x8  }
0x39d: {  	v3 =	vpop (erf)  }
0x39e: {  	v3 =	vmul.f32 v3, v1;
	_ =	sdelay $0x1  }
0x39f: {  	v2 =	vadd.f32 v2, v3;
	_ =	sdelay $0x1  }
0x3a0: {  	v2 =	vmul.f32 $5.000000000e-01, v2;
	_ =	sdelay $0x1  }
0x3a1: {  	(erf) = vrcp.f32 v2;
	_ =	sdelay $0x8  }
0x3a2: {  	v3 =	vpop (erf)  }
0x3a3: {  	v3 =	vmul.f32 v3, v1;
	_ =	sdelay $0x1  }
0x3a4: {  	v2 =	vadd.f32 v3, v2;
	_ =	sdelay $0x1  }
0x3a5: {  	v2 =	vmul.f32 $5.000000000e-01, v2;
	_ =	sdelay $0x1  }
0x3a6: {  	(erf) = vrcp.f32 v2;
	_ =	sdelay $0x8  }
0x3a7: {  	v3 =	vpop (erf)  }
0x3a8: {  	v1 =	vmul.f32 v3, v1;
	_ =	sdelay $0x1  }
0x3a9: {  	v1 =	vadd.f32 v1, v2;
	_ =	sdelay $0x1  }
0x3aa: {  	v1 =	vmul.f32 $5.000000000e-01, v1;
	_ =	sdelay $0x1  }
0x3ab: {  	v1 =	vmul.f32 $1.442695020e+00, v1;
	_ =	sdelay $0x1  }
0x3ac: {  	(erf) = vpow2.f32 v1;
	_ =	sdelay $0x8  }
0x3ad: {  	v1 =	vpop (erf)  }
0x3ae: {  	v1 =	vadd.f32 $1.000000000e+00, v1;
	_ =	sdelay $0x1  }
0x3af: {  	(erf) = vrcp.f32 v1;
	_ =	sdelay $0x3  }
0x3b0: {  	s1 =	sadd.s32 $0x1, s1  }
0x3b1: {  	p0 =	sne.s32 s1, $0x8  }
.Ltmp9:
0x3b2: {  	_ = 	snop;
	(pc) =	sbr.rel @p0 .LBB2_18-.Ltmp9, $3  }
0x3b3: {  	_ =	sdelay $0x1  }
0x3b4: {  	v1 =	vpop (erf)  }
0x3b5: {  	[tilespmem:s2+$0x10580] =	vst v1  }
0x3b6: {  	s0 =	simm.s32 $0x1  }
0x3b7: {  	_ =	swait.ge [sflag:s0], $0x4000  }
0x3b8: {  	[sflag:s0] =	ssyncset.done $0x0  }
0x3b9: {  	[sflag:s0] =	ssyncadd.s32 $0xFFFFC000  }
0x3ba: {  	_ =	swait.ge [sflag:s0], $0x4000  }
0x3bb: {  	[sflag:s0] =	ssyncset.done $0x0  }
0x3bc: {  	s1 =	simm.s32 $0x0;
	[sflag:s0] =	ssyncadd.s32 $0xFFFFC000;
	s0 =	simm.s32 $0x0  }
.LBB2_22:
0x3bd: {  	s2 =	sshll.u32 s1, $0x4  }
0x3be: {  	v1 =	vmov s2  }
0x3bf: {  	v1 =	vshll.u32 v1, $0x7  }
0x3c0: {  	v1 =	vor.u32 v0, v1  }
0x3c1: {  	v1 =	vadd.s32 $0x4000, v1  }
0x3c2: {  	v2 =	vadd.s32 s0, v1;
	_ =	sdelay $0x2  }
0x3c3: {  	v3 =	vmov s0;
	_ =	sdelay $0x1  }
0x3c4: {  	s5 =	simm.s32 $0x1;
	v4 =	vld.idx.msk [tilespmem:v2+s12+$0x0], $0xffff  }
0x3c5: {  	v6 =	vadd.s32 s5, v1;
	v5 =	vld.idx.msk [tilespmem:v2+s13+$0x0], $0xffff;
	_ =	sdelay $0x1  }
0x3c6: {  	v3 =	vld.idx.msk [tilespmem:v3+s10+$0x0], $0xffff  }
0x3c7: {  	v7 =	vmov s5  }
0x3c8: {  	s6 =	simm.s32 $0x2  }
0x3c9: {  	v2 =	vadd.s32 s6, v1;
	v9 =	vld.idx.msk [tilespmem:v6+s12+$0x0], $0xffff;
	v5 =	vsub.f32 v4, v5  }
0x3ca: {  	v4 =	vld.idx.msk [tilespmem:v6+s13+$0x0], $0xffff  }
0x3cb: {  	v6 =	vadd.f32 v3, v5  }
0x3cc: {  	v5 =	vld.idx.msk [tilespmem:v7+s10+$0x0], $0xffff;
	v7 =	vmov s6  }
0x3cd: {  	v8 =	vmul.f32 v6, v6  }
0x3ce: {  	s5 =	simm.s32 $0x3;
	v3 =	vimm.f32 $0.0e+00;
	v6 =	vld.idx.msk [tilespmem:v2+s12+$0x0], $0xffff  }
.LBB2_23:
0x3cf: {  	v9 =	vsub.f32 v9, v4;
	v4 =	vld.idx.msk [tilespmem:v2+s13+$0x0], $0xffff;
	v2 =	vadd.s32 s5, v1;
	v3 =	vadd.f32 v8, v3;
	s6 =	smov.u32 s5;
	p0 =	sne.s32 s5, $0x3F  }
.Ltmp10:
0x3d0: {  	s5 =	sadd.s32 $0x1, s5;
	(pc) =	sbr.rel @p0 .LBB2_23-.Ltmp10, $4  }
0x3d1: {  	v8 =	vadd.f32 v5, v9;
	v5 =	vld.idx.msk [tilespmem:v7+s10+$0x0], $0xffff  }
0x3d2: {  	v7 =	vmov s6  }
0x3d3: {  	v8 =	vmul.f32 v8, v8  }
0x3d4: {  	v9 =	vmov v6;
	v6 =	vld.idx.msk [tilespmem:v2+s12+$0x0], $0xffff  }
0x3d5: {  	_ =	sdelay $0x3  }
0x3d6: {  	v1 =	vld.idx.msk [tilespmem:v2+s13+$0x0], $0xffff;
	_ =	sdelay $0x1  }
0x3d7: {  	v2 =	vld.idx.msk [tilespmem:v7+s10+$0x0], $0xffff  }
0x3d8: {  	v4 =	vsub.f32 v9, v4;
	_ =	sdelay $0x1  }
0x3d9: {  	v4 =	vadd.f32 v5, v4;
	v1 =	vsub.f32 v6, v1;
	_ =	sdelay $0x1  }
0x3da: {  	v3 =	vadd.f32 v8, v3;
	v4 =	vmul.f32 v4, v4;
	v1 =	vadd.f32 v2, v1;
	_ =	sdelay $0x1  }
0x3db: {  	v2 =	vadd.f32 v4, v3;
	v1 =	vmul.f32 v1, v1;
	_ =	sdelay $0x1  }
0x3dc: {  	v1 =	vadd.f32 v1, v2;
	_ =	sdelay $0x1  }
0x3dd: {  	v2 =	vshra.s32 v1, $0x1  }
0x3de: {  	v2 =	vadd.s32 $0x1FBD1DF5, v2  }
0x3df: {  	(erf) = vrcp.f32 v2;
	_ =	sdelay $0x8  }
0x3e0: {  	v3 =	vpop (erf)  }
0x3e1: {  	v3 =	vmul.f32 v3, v1;
	_ =	sdelay $0x1  }
0x3e2: {  	v2 =	vadd.f32 v2, v3;
	_ =	sdelay $0x1  }
0x3e3: {  	v2 =	vmul.f32 $5.000000000e-01, v2;
	_ =	sdelay $0x1  }
0x3e4: {  	(erf) = vrcp.f32 v2;
	_ =	sdelay $0x8  }
0x3e5: {  	v3 =	vpop (erf)  }
0x3e6: {  	v3 =	vmul.f32 v3, v1;
	_ =	sdelay $0x1  }
0x3e7: {  	v2 =	vadd.f32 v3, v2;
	_ =	sdelay $0x1  }
0x3e8: {  	v2 =	vmul.f32 $5.000000000e-01, v2;
	_ =	sdelay $0x1  }
0x3e9: {  	(erf) = vrcp.f32 v2;
	_ =	sdelay $0x8  }
0x3ea: {  	v3 =	vpop (erf)  }
0x3eb: {  	v1 =	vmul.f32 v3, v1;
	_ =	sdelay $0x1  }
0x3ec: {  	v1 =	vadd.f32 v1, v2;
	_ =	sdelay $0x1  }
0x3ed: {  	v1 =	vmul.f32 $5.000000000e-01, v1;
	_ =	sdelay $0x1  }
0x3ee: {  	v1 =	vmul.f32 $1.442695020e+00, v1;
	_ =	sdelay $0x1  }
0x3ef: {  	(erf) = vpow2.f32 v1;
	_ =	sdelay $0x8  }
0x3f0: {  	v1 =	vpop (erf)  }
0x3f1: {  	v1 =	vadd.f32 $1.000000000e+00, v1;
	_ =	sdelay $0x1  }
0x3f2: {  	(erf) = vrcp.f32 v1;
	_ =	sdelay $0x3  }
0x3f3: {  	s1 =	sadd.s32 $0x1, s1  }
0x3f4: {  	p0 =	sne.s32 s1, $0x8  }
.Ltmp11:
0x3f5: {  	_ = 	snop;
	(pc) =	sbr.rel @p0 .LBB2_22-.Ltmp11, $3  }
0x3f6: {  	_ =	sdelay $0x1  }
0x3f7: {  	v1 =	vpop (erf)  }
0x3f8: {  	[tilespmem:s2+$0x10600] =	vst v1  }
0x3f9: {  	s0 =	sld [smem:$0x7FC];
	_ =	sdelay $0x1  }
0x3fa: {  	s1 =	simm.s32 $0x10480;
	s2 =	simm.s32 $0x2  }
0x3fb: {  	[hbm4b:s0+s3] =	stream.linear.scatter [tilespmem:s1], [sflag:$0x2], $0x200, $0x38;
	[tilespmem:$0x10680] =	vst v63  }
0x3fc: {  	_ =	swait.ge [sflag:s2], $0x200  }
0x3fd: {  	s30 =	sld [smem:$0x7F9]  }
0x3fe: {  	s31 =	sld [smem:$0x7FD];
	_ =	sdelay $0x1  }
0x3ff: {  	s1 =	sadd.s32 $0x1, s30  }
0x400: {  	p0 =	sne.s32 s1, s31  }
.Ltmp12:
0x401: {  	_ = 	snop;
	(pc) =	sbr.rel @p0 .LBB2_1-.Ltmp12, $3  }
0x402: {  	_ =	sdelay $0x1  }
0x403: {  	[sflag:s2] =	ssyncset.done $0x0  }
0x404: {  	[sflag:s2] =	ssyncadd.s32 $0xFFFFFE00  }
0x405: {  	_ =	sfence.sel $0x180000  }
0x406: {  	[bflag:$0x0] =	sbarrier.arrive $0xFFFF  }
0x407: {  	_ =	strace $0x90000047  }
0x408: {  	s0 =	stileid.u32;
	[bflag:$0x2] =	sbarrier.arrive $0xFFFF  }
0x409: {  	p0 =	sne.s32 s0, $0x0;
	s0 =	rddreg [dreg:$0x3]  }
0x40a: {  	s0 =	sadd.s32 @!p0 $0x100000, s0  }
0x40b: {  	[sflag:s0] =	ssyncadd.tile.s32 @!p0 $0x1;
	_ =	shalt  }
.Lfunc_end2:
_tile_overlayer_lowered:
.L_overlay_start_2:
0x40c: {  	(tag) =	ssettag $0x2  }
0x40d: {  	s0 =	rddreg [dreg:$0x0];
	s2 =	stileid.u32  }
0x40e: {  	s1 =	rddreg [dreg:$0x1];
	p0 =	sne.s32 s2, $0x0  }
0x40f: {  	s3 =	rddreg [dreg:$0x2];
	[bflag:$0x3] =	sbarrier.arrive $0xFFFF;
	s2 =	simm.s32 @!p0 $0x1C02  }
0x410: {  	[timem:s3], [sflag:s2] =	dma.local @!p0 [hbm:s0], s1  }
0x411: {  	s0 =	simm.s32 @!p0 $0x2  }
0x412: {  	_ =	swait.ge @!p0 [sflag:s0], s1  }
0x413: {  	s1 =	ssub.s32 @!p0 $0x0, s1;
	[sflag:s0] =	ssyncset.done @!p0 $0x0  }
0x414: {  	[sflag:s0] =	ssyncadd.s32 @!p0 s1  }
0x415: {  	[bflag:$0x3] =	sbarrier.arrive $0xFFFF  }
0x416: {  	_ =	shalt  }

</sc_bundles>
